<compile_context>
chip_gen: v7x
topology: tpu7x:2x2x1
jax: 0.10.2.dev20260603
libtpu: 0.0.44.dev20260713+nightly
codegen_flags: <defaults>
</compile_context>

<pallas_src>
import jax
import jax.numpy as jnp
from jax import lax
from jax.experimental import pallas as pl
from jax.experimental.pallas import tpu as pltpu
from jax.experimental.pallas import tpu_sc as plsc

_E_BLOCK_TC = 64000
_N_BLOCK = 4096

_NW = 32
_SC_CHUNK = 16000
_SC_CHUNKS = 48
_SC_ROWS = _SC_CHUNK * _SC_CHUNKS
_SC_UNROLL = 8


def _sc_colsum_body(x1t_hbm, out_hbm, buf0, buf1, outv, sem0, sem1):
    cid = lax.axis_index("c")
    sid = lax.axis_index("s")
    w = sid * 2 + cid

    bufs = (buf0, buf1)
    sems = (sem0, sem1)
    copies = [
        pltpu.async_copy(x1t_hbm.at[w, pl.ds(0, _SC_CHUNK)], buf0, sem0),
        None,
    ]

    zero = jnp.zeros((16,), jnp.float32)
    accs = tuple(zero for _ in range(_SC_UNROLL))
    n_inner = _SC_CHUNK // (16 * _SC_UNROLL)

    for t in range(_SC_CHUNKS):
        b = t % 2
        if t + 1 < _SC_CHUNKS:
            nb = (t + 1) % 2
            copies[nb] = pltpu.async_copy(
                x1t_hbm.at[w, pl.ds((t + 1) * _SC_CHUNK, _SC_CHUNK)],
                bufs[nb], sems[nb])
        copies[b].wait()
        buf = bufs[b]

        def body(k, acc, buf=buf):
            off = k * (16 * _SC_UNROLL)
            return tuple(acc[u] + buf[pl.ds(off + u * 16, 16)]
                         for u in range(_SC_UNROLL))

        accs = lax.fori_loop(0, n_inner, body, accs)

    total = accs[0]
    for u in range(1, _SC_UNROLL):
        total = total + accs[u]
    outv[...] = total
    pltpu.sync_copy(outv, out_hbm.at[pl.ds(w * 16, 16)])


def _sc_colsum(x1t):
    mesh = plsc.VectorSubcoreMesh(core_axis_name="c", subcore_axis_name="s",
                                  num_cores=2, num_subcores=16)
    return pl.kernel(
        _sc_colsum_body,
        out_type=jax.ShapeDtypeStruct((_NW * 16,), jnp.float32),
        mesh=mesh,
        compiler_params=pltpu.CompilerParams(use_tc_tiling_on_sc=True),
        scratch_types=[
            pltpu.VMEM((_SC_CHUNK,), jnp.float32),
            pltpu.VMEM((_SC_CHUNK,), jnp.float32),
            pltpu.VMEM((16,), jnp.float32),
            pltpu.SemaphoreType.DMA,
            pltpu.SemaphoreType.DMA,
        ],
    )(x1t)


def _colsum_body(x1t_ref, out_ref):
    i = pl.program_id(0)

    @pl.when(i == 0)
    def _init():
        out_ref[...] = jnp.zeros_like(out_ref)

    x = x1t_ref[...]
    xr = x.reshape(x.shape[0], x.shape[1] // 128, 128)
    out_ref[...] += jnp.sum(xr, axis=1)


def _dense_body(s_ref, ssc_ref, x0_ref, w0cat_ref, w1on_ref, w1tg_ref,
                p1w_ref, p1b_ref, a_ref, p2w_ref, p2b_ref, inv_e_ref,
                on_ref, pred_ref, tg_ref):
    def mm(a, b):
        return lax.dot_general(a, b, (((1,), (0,)), ((), ())),
                               preferred_element_type=jnp.float32)

    def mm_t(a, b):
        return lax.dot_general(a, b, (((1,), (1,)), ((), ())),
                               preferred_element_type=jnp.float32)

    col = (jnp.sum(s_ref[...], axis=1, keepdims=True)
           + jnp.sum(ssc_ref[...], axis=1, keepdims=True))
    m = col * inv_e_ref[0, 0]
    m_on = mm(w1on_ref[...], m)
    m_tg = mm(w1tg_ref[...], m)

    x0 = x0_ref[...]
    x0_cat_t = mm_t(w0cat_ref[...], x0)
    bn = x0.shape[0]
    h_on_t = jnp.concatenate(
        [x0_cat_t[0:32, :], jnp.broadcast_to(m_on, (32, bn))], axis=0)
    h_tg_t = jnp.concatenate(
        [x0_cat_t[32:64, :], jnp.broadcast_to(m_tg, (32, bn))], axis=0)
    on_ref[...] = h_on_t
    tg_ref[...] = h_tg_t

    z = mm(p1w_ref[...], h_on_t) + p1b_ref[...]
    a = a_ref[0, 0]
    h = jnp.where(z >= 0, z, a * z)
    pred_ref[...] = mm(p2w_ref[...], h) + p2b_ref[...]


def kernel(x_0, x_1, adjacency_0, down_laplacian, up_laplacian,
           W0_on, W1_on, W0_tg, W1_tg, p1_w, p1_b, prelu_a, p2_w, p2_b):
    n, in0 = x_0.shape
    e, h = x_1.shape

    x1t = x_1.T

    sums_sc = _sc_colsum(x1t)
    ssc = sums_sc.reshape(_NW, 16)

    tc_lanes = e - _SC_ROWS
    blk0 = _SC_ROWS // _E_BLOCK_TC
    sums = pl.pallas_call(
        _colsum_body,
        grid=(tc_lanes // _E_BLOCK_TC,),
        in_specs=[pl.BlockSpec((h, _E_BLOCK_TC), lambda i: (0, i + blk0))],
        out_specs=pl.BlockSpec((h, 128), lambda i: (0, 0)),
        out_shape=jax.ShapeDtypeStruct((h, 128), jnp.float32),
    )(x1t)

    w0cat = jnp.concatenate([W0_on, W0_tg], axis=0)
    p1b = p1_b.reshape(h, 1)
    p2b = p2_b.reshape(2 * h, 1)
    a = jnp.reshape(prelu_a, (1, 1))
    inv_e = jnp.full((1, 1), 1.0 / e, dtype=jnp.float32)

    const = lambda shape: pl.BlockSpec(shape, lambda i: tuple(0 for _ in shape))
    n_blocks = (n + _N_BLOCK - 1) // _N_BLOCK
    on_t, pred_t, tg_t = pl.pallas_call(
        _dense_body,
        grid=(n_blocks,),
        in_specs=[
            const((h, 128)),
            const((_NW, 16)),
            pl.BlockSpec((_N_BLOCK, in0), lambda i: (i, 0)),
            const((2 * h, in0)),
            const((h, h)),
            const((h, h)),
            const((h, 2 * h)),
            const((h, 1)),
            const((1, 1)),
            const((2 * h, h)),
            const((2 * h, 1)),
            const((1, 1)),
        ],
        out_specs=[
            pl.BlockSpec((2 * h, _N_BLOCK), lambda i: (0, i)),
            pl.BlockSpec((2 * h, _N_BLOCK), lambda i: (0, i)),
            pl.BlockSpec((2 * h, _N_BLOCK), lambda i: (0, i)),
        ],
        out_shape=[
            jax.ShapeDtypeStruct((2 * h, n), jnp.float32),
            jax.ShapeDtypeStruct((2 * h, n), jnp.float32),
            jax.ShapeDtypeStruct((2 * h, n), jnp.float32),
        ],
    )(sums, ssc, x_0, w0cat, W1_on, W1_tg, p1_w, p1b, a, p2_w, p2b, inv_e)

    return (on_t.T, pred_t.T, tg_t.T)

# --- scband reference (transcript-rebuilt; emitter-appended) ---
"""Pipeline reference for scband-cell-complex-online-54065048322392 (READ-ONLY COPY).

The authoritative reference and input builder live on the scoring server;
editing this copy changes nothing except your own understanding.
"""

import jax, jax.numpy as jnp
import numpy as np

N = 50000
E = 1600000
IN0 = 128
H = 32


def setup_inputs(seed: int = 0) -> dict:
    key = jax.random.key(seed)
    ks = jax.random.split(key, 16)
    x_0 = jax.random.normal(ks[0], (N, IN0), dtype=jnp.float32)
    x_1 = jax.random.normal(ks[1], (E, H), dtype=jnp.float32)
    adjacency_0 = jax.random.randint(ks[2], (2, E), 0, N, dtype=jnp.int32)
    down_laplacian = jnp.ones((E,), dtype=jnp.float32)
    up_laplacian = jnp.ones((E,), dtype=jnp.float32)
    s0 = 1.0 / np.sqrt(IN0)
    sh = 1.0 / np.sqrt(H)
    s2h = 1.0 / np.sqrt(2 * H)
    # online cell-complex layer weights (fallback linear transforms, materialized deterministically)
    W0_on = jax.random.normal(ks[3], (H, IN0), dtype=jnp.float32) * s0
    W1_on = jax.random.normal(ks[4], (H, H), dtype=jnp.float32) * sh
    # target cell-complex layer weights
    W0_tg = jax.random.normal(ks[5], (H, IN0), dtype=jnp.float32) * s0
    W1_tg = jax.random.normal(ks[6], (H, H), dtype=jnp.float32) * sh
    # predictor: Linear(2H -> H), PReLU, Linear(H -> 2H)
    p1_w = jax.random.uniform(ks[7], (H, 2 * H), dtype=jnp.float32, minval=-s2h, maxval=s2h)
    p1_b = jax.random.uniform(ks[8], (H,), dtype=jnp.float32, minval=-s2h, maxval=s2h)
    prelu_a = jnp.asarray(0.25, dtype=jnp.float32)
    p2_w = jax.random.uniform(ks[9], (2 * H, H), dtype=jnp.float32, minval=-sh, maxval=sh)
    p2_b = jax.random.uniform(ks[10], (2 * H,), dtype=jnp.float32, minval=-sh, maxval=sh)
    return {
        "x_0": x_0, "x_1": x_1, "adjacency_0": adjacency_0,
        "down_laplacian": down_laplacian, "up_laplacian": up_laplacian,
        "W0_on": W0_on, "W1_on": W1_on, "W0_tg": W0_tg, "W1_tg": W1_tg,
        "p1_w": p1_w, "p1_b": p1_b, "prelu_a": prelu_a, "p2_w": p2_w, "p2_b": p2_b,
    }


def _cc_layer(x0, x1, W0, W1):
    # CellComplexLayer forward: x_1 already has in_channels_1 == hidden_dim columns
    # (8415-projection branch skipped) and exactly n_edges rows (pad/truncate no-op).
    # CAN is unavailable -> module's fallback linear transforms: F.linear(x, W).
    x0_out = x0 @ W0.T
    x1_out = x1 @ W1.T
    return x0_out, x1_out


def _combine(x0, x1):
    # mean over all edges, broadcast to every node, concat with node features
    x1_pooled = jnp.mean(x1, axis=0, keepdims=True)
    x1_pooled = jnp.broadcast_to(x1_pooled, (x0.shape[0], x1_pooled.shape[1]))
    return jnp.concatenate([x0, x1_pooled], axis=1)


def _prelu(x, a):
    return jnp.where(x >= 0, x, a * x)


def reference(x_0, x_1, adjacency_0, down_laplacian, up_laplacian,
              W0_on, W1_on, W0_tg, W1_tg, p1_w, p1_b, prelu_a, p2_w, p2_b):
    # online branch
    x0_on, x1_on = _cc_layer(x_0, x_1, W0_on, W1_on)
    h_online = _combine(x0_on, x1_on)
    h = _prelu(h_online @ p1_w.T + p1_b, prelu_a)
    h_pred = h @ p2_w.T + p2_b
    # target branch (torch.no_grad)
    x0_tg, x1_tg = _cc_layer(x_0, x_1, W0_tg, W1_tg)
    h_target = jax.lax.stop_gradient(_combine(x0_tg, x1_tg))
    return (h_online, h_pred, h_target)

if __name__ == "__main__":
    import jax
    _d = setup_inputs()
    print(jax.jit(kernel)(*tuple(_d.values())))

</pallas_src>

<mosaic_0001>
#map = affine_map<(d0, d1) -> (0, 0)>
#map1 = affine_map<(d0, d1) -> (0)>
module attributes {stable_mosaic.version = 14 : i64} {
  func.func @_sc_colsum_body(%arg0: i32, %arg1: i32, %arg2: memref<32x1600000xf32, #tpu.memory_space<hbm>>, %arg3: memref<512xf32, #tpu.memory_space<hbm>>, %arg4: memref<16000xf32, #tpu.memory_space<vmem>>, %arg5: memref<16000xf32, #tpu.memory_space<vmem>>, %arg6: memref<16xf32, #tpu.memory_space<vmem>>, %arg7: memref<!tpu.dma_semaphore, #tpu.memory_space<semaphore_mem>>, %arg8: memref<!tpu.dma_semaphore, #tpu.memory_space<semaphore_mem>>) attributes {dimension_semantics = [#tpu.dimension_semantics<core_parallel>, #tpu.dimension_semantics<subcore_parallel>], iteration_bounds = array<i64: 2, 16>, scalar_prefetch = 0 : i64, scratch_operands = 5 : i64, tpu.core_type = #tpu.core_type<sc_vector_subcore>, window_params = [{transform_indices = #map}, {transform_indices = #map1}]} {
    %mul3A = arith.constant 2 : i32
    %mul3A_0 = arith.muli %arg1, %mul3A : i32
    %add3A = arith.addi %mul3A_0, %arg0 : i32
    %dma_start3A = arith.constant 0 : i32
    %dma_start3A_1 = tpu.memref_slice %arg2[%add3A, %dma_start3A] : memref<32x1600000xf32, #tpu.memory_space<hbm>> -> memref<1x16000xf32, #tpu.memory_space<hbm>>
    %dma_start3A_2 = tpu.memref_squeeze %dma_start3A_1 : memref<1x16000xf32, #tpu.memory_space<hbm>> -> memref<16000xf32, #tpu.memory_space<hbm>>
    %dma_start3A_3 = arith.constant 0 : i32
    %dma_start3A_4 = tpu.memref_slice %arg2[%add3A, %dma_start3A_3] : memref<32x1600000xf32, #tpu.memory_space<hbm>> -> memref<1x16000xf32, #tpu.memory_space<hbm>>
    %dma_start3A_5 = tpu.memref_squeeze %dma_start3A_4 : memref<1x16000xf32, #tpu.memory_space<hbm>> -> memref<16000xf32, #tpu.memory_space<hbm>>
    tpu.enqueue_dma source(%dma_start3A_5 : memref<16000xf32, #tpu.memory_space<hbm>>) target(%arg4 : memref<16000xf32, #tpu.memory_space<vmem>>) target_semaphore(%arg7 : memref<!tpu.dma_semaphore, #tpu.memory_space<semaphore_mem>>)
    %broadcast_in_dim3A = arith.constant 0.000000e+00 : f32
    %broadcast_in_dim3A_6 = vector.broadcast %broadcast_in_dim3A : f32 to vector<16xf32>
    %dma_start3A_7 = arith.constant 16000 : i32
    %dma_start3A_8 = tpu.memref_slice %arg2[%add3A, %dma_start3A_7] : memref<32x1600000xf32, #tpu.memory_space<hbm>> -> memref<1x16000xf32, #tpu.memory_space<hbm>>
    %dma_start3A_9 = tpu.memref_squeeze %dma_start3A_8 : memref<1x16000xf32, #tpu.memory_space<hbm>> -> memref<16000xf32, #tpu.memory_space<hbm>>
    %dma_start3A_10 = arith.constant 16000 : i32
    %dma_start3A_11 = tpu.memref_slice %arg2[%add3A, %dma_start3A_10] : memref<32x1600000xf32, #tpu.memory_space<hbm>> -> memref<1x16000xf32, #tpu.memory_space<hbm>>
    %dma_start3A_12 = tpu.memref_squeeze %dma_start3A_11 : memref<1x16000xf32, #tpu.memory_space<hbm>> -> memref<16000xf32, #tpu.memory_space<hbm>>
    tpu.enqueue_dma source(%dma_start3A_12 : memref<16000xf32, #tpu.memory_space<hbm>>) target(%arg5 : memref<16000xf32, #tpu.memory_space<vmem>>) target_semaphore(%arg8 : memref<!tpu.dma_semaphore, #tpu.memory_space<semaphore_mem>>)
    %dma_wait3A = arith.constant 0 : i32
    %dma_wait3A_13 = tpu.memref_slice %arg2[%add3A, %dma_wait3A] : memref<32x1600000xf32, #tpu.memory_space<hbm>> -> memref<1x16000xf32, #tpu.memory_space<hbm>>
    %dma_wait3A_14 = tpu.memref_squeeze %dma_wait3A_13 : memref<1x16000xf32, #tpu.memory_space<hbm>> -> memref<16000xf32, #tpu.memory_space<hbm>>
    %dma_wait3A_15 = arith.constant 0 : i32
    %dma_wait3A_16 = tpu.memref_slice %arg2[%add3A, %dma_wait3A_15] : memref<32x1600000xf32, #tpu.memory_space<hbm>> -> memref<1x16000xf32, #tpu.memory_space<hbm>>
    %dma_wait3A_17 = tpu.memref_squeeze %dma_wait3A_16 : memref<1x16000xf32, #tpu.memory_space<hbm>> -> memref<16000xf32, #tpu.memory_space<hbm>>
    tpu.wait_dma2 semaphore(%arg7 : memref<!tpu.dma_semaphore, #tpu.memory_space<semaphore_mem>>) src(%dma_wait3A_17 : memref<16000xf32, #tpu.memory_space<hbm>>) dst(%arg4 : memref<16000xf32, #tpu.memory_space<vmem>>)
    %scan3A = arith.constant 0 : i32
    %scan3A_18 = arith.constant 125 : i32
    %scan3A_19 = arith.addi %scan3A, %scan3A_18 : i32
    %scan3A_20 = arith.constant 1 : i32
    %scan3A_21:8 = scf.for %scan3A_875 = %scan3A to %scan3A_19 step %scan3A_20 iter_args(%scan3A_876 = %broadcast_in_dim3A_6, %scan3A_877 = %broadcast_in_dim3A_6, %scan3A_878 = %broadcast_in_dim3A_6, %scan3A_879 = %broadcast_in_dim3A_6, %scan3A_880 = %broadcast_in_dim3A_6, %scan3A_881 = %broadcast_in_dim3A_6, %scan3A_882 = %broadcast_in_dim3A_6, %scan3A_883 = %broadcast_in_dim3A_6) -> (vector<16xf32>, vector<16xf32>, vector<16xf32>, vector<16xf32>, vector<16xf32>, vector<16xf32>, vector<16xf32>, vector<16xf32>)  : i32 {
      %mul3A_884 = arith.constant 128 : i32
      %mul3A_885 = arith.muli %scan3A_875, %mul3A_884 : i32
      %add3A_886 = arith.constant 0 : i32
      %add3A_887 = arith.addi %mul3A_885, %add3A_886 : i32
      %get3A = arith.index_cast %add3A_887 : i32 to index
      %get3A_888 = tpu.vector_load %arg4[%get3A] {strides = array<i32>} : memref<16000xf32, #tpu.memory_space<vmem>>, vector<16xf32>,
      %get3A_889 = vector.shape_cast %get3A_888 : vector<16xf32> to vector<16xf32>
      %add3A_890 = arith.addf %scan3A_876, %get3A_889 : vector<16xf32>
      %add3A_891 = arith.constant 16 : i32
      %add3A_892 = arith.addi %mul3A_885, %add3A_891 : i32
      %get3A_893 = arith.index_cast %add3A_892 : i32 to index
      %get3A_894 = tpu.vector_load %arg4[%get3A_893] {strides = array<i32>} : memref<16000xf32, #tpu.memory_space<vmem>>, vector<16xf32>,
      %get3A_895 = vector.shape_cast %get3A_894 : vector<16xf32> to vector<16xf32>
      %add3A_896 = arith.addf %scan3A_877, %get3A_895 : vector<16xf32>
      %add3A_897 = arith.constant 32 : i32
      %add3A_898 = arith.addi %mul3A_885, %add3A_897 : i32
      %get3A_899 = arith.index_cast %add3A_898 : i32 to index
      %get3A_900 = tpu.vector_load %arg4[%get3A_899] {strides = array<i32>} : memref<16000xf32, #tpu.memory_space<vmem>>, vector<16xf32>,
      %get3A_901 = vector.shape_cast %get3A_900 : vector<16xf32> to vector<16xf32>
      %add3A_902 = arith.addf %scan3A_878, %get3A_901 : vector<16xf32>
      %add3A_903 = arith.constant 48 : i32
      %add3A_904 = arith.addi %mul3A_885, %add3A_903 : i32
      %get3A_905 = arith.index_cast %add3A_904 : i32 to index
      %get3A_906 = tpu.vector_load %arg4[%get3A_905] {strides = array<i32>} : memref<16000xf32, #tpu.memory_space<vmem>>, vector<16xf32>,
      %get3A_907 = vector.shape_cast %get3A_906 : vector<16xf32> to vector<16xf32>
      %add3A_908 = arith.addf %scan3A_879, %get3A_907 : vector<16xf32>
      %add3A_909 = arith.constant 64 : i32
      %add3A_910 = arith.addi %mul3A_885, %add3A_909 : i32
      %get3A_911 = arith.index_cast %add3A_910 : i32 to index
      %get3A_912 = tpu.vector_load %arg4[%get3A_911] {strides = array<i32>} : memref<16000xf32, #tpu.memory_space<vmem>>, vector<16xf32>,
      %get3A_913 = vector.shape_cast %get3A_912 : vector<16xf32> to vector<16xf32>
      %add3A_914 = arith.addf %scan3A_880, %get3A_913 : vector<16xf32>
      %add3A_915 = arith.constant 80 : i32
      %add3A_916 = arith.addi %mul3A_885, %add3A_915 : i32
      %get3A_917 = arith.index_cast %add3A_916 : i32 to index
      %get3A_918 = tpu.vector_load %arg4[%get3A_917] {strides = array<i32>} : memref<16000xf32, #tpu.memory_space<vmem>>, vector<16xf32>,
      %get3A_919 = vector.shape_cast %get3A_918 : vector<16xf32> to vector<16xf32>
      %add3A_920 = arith.addf %scan3A_881, %get3A_919 : vector<16xf32>
      %add3A_921 = arith.constant 96 : i32
      %add3A_922 = arith.addi %mul3A_885, %add3A_921 : i32
      %get3A_923 = arith.index_cast %add3A_922 : i32 to index
      %get3A_924 = tpu.vector_load %arg4[%get3A_923] {strides = array<i32>} : memref<16000xf32, #tpu.memory_space<vmem>>, vector<16xf32>,
      %get3A_925 = vector.shape_cast %get3A_924 : vector<16xf32> to vector<16xf32>
      %add3A_926 = arith.addf %scan3A_882, %get3A_925 : vector<16xf32>
      %add3A_927 = arith.constant 112 : i32
      %add3A_928 = arith.addi %mul3A_885, %add3A_927 : i32
      %get3A_929 = arith.index_cast %add3A_928 : i32 to index
      %get3A_930 = tpu.vector_load %arg4[%get3A_929] {strides = array<i32>} : memref<16000xf32, #tpu.memory_space<vmem>>, vector<16xf32>,
      %get3A_931 = vector.shape_cast %get3A_930 : vector<16xf32> to vector<16xf32>
      %add3A_932 = arith.addf %scan3A_883, %get3A_931 : vector<16xf32>
      scf.yield %add3A_890, %add3A_896, %add3A_902, %add3A_908, %add3A_914, %add3A_920, %add3A_926, %add3A_932 : vector<16xf32>, vector<16xf32>, vector<16xf32>, vector<16xf32>, vector<16xf32>, vector<16xf32>, vector<16xf32>, vector<16xf32>
    }
    %scan3A_22 = arith.constant 125 : i32
    %dma_start3A_23 = arith.constant 32000 : i32
    %dma_start3A_24 = tpu.memref_slice %arg2[%add3A, %dma_start3A_23] : memref<32x1600000xf32, #tpu.memory_space<hbm>> -> memref<1x16000xf32, #tpu.memory_space<hbm>>
    %dma_start3A_25 = tpu.memref_squeeze %dma_start3A_24 : memref<1x16000xf32, #tpu.memory_space<hbm>> -> memref<16000xf32, #tpu.memory_space<hbm>>
    %dma_start3A_26 = arith.constant 32000 : i32
    %dma_start3A_27 = tpu.memref_slice %arg2[%add3A, %dma_start3A_26] : memref<32x1600000xf32, #tpu.memory_space<hbm>> -> memref<1x16000xf32, #tpu.memory_space<hbm>>
    %dma_start3A_28 = tpu.memref_squeeze %dma_start3A_27 : memref<1x16000xf32, #tpu.memory_space<hbm>> -> memref<16000xf32, #tpu.memory_space<hbm>>
    tpu.enqueue_dma source(%dma_start3A_28 : memref<16000xf32, #tpu.memory_space<hbm>>) target(%arg4 : memref<16000xf32, #tpu.memory_space<vmem>>) target_semaphore(%arg7 : memref<!tpu.dma_semaphore, #tpu.memory_space<semaphore_mem>>)
    %dma_wait3A_29 = arith.constant 16000 : i32
    %dma_wait3A_30 = tpu.memref_slice %arg2[%add3A, %dma_wait3A_29] : memref<32x1600000xf32, #tpu.memory_space<hbm>> -> memref<1x16000xf32, #tpu.memory_space<hbm>>
    %dma_wait3A_31 = tpu.memref_squeeze %dma_wait3A_30 : memref<1x16000xf32, #tpu.memory_space<hbm>> -> memref<16000xf32, #tpu.memory_space<hbm>>
    %dma_wait3A_32 = arith.constant 16000 : i32
    %dma_wait3A_33 = tpu.memref_slice %arg2[%add3A, %dma_wait3A_32] : memref<32x1600000xf32, #tpu.memory_space<hbm>> -> memref<1x16000xf32, #tpu.memory_space<hbm>>
    %dma_wait3A_34 = tpu.memref_squeeze %dma_wait3A_33 : memref<1x16000xf32, #tpu.memory_space<hbm>> -> memref<16000xf32, #tpu.memory_space<hbm>>
    tpu.wait_dma2 semaphore(%arg8 : memref<!tpu.dma_semaphore, #tpu.memory_space<semaphore_mem>>) src(%dma_wait3A_34 : memref<16000xf32, #tpu.memory_space<hbm>>) dst(%arg5 : memref<16000xf32, #tpu.memory_space<vmem>>)
    %scan3A_35 = arith.constant 0 : i32
    %scan3A_36 = arith.constant 125 : i32
    %scan3A_37 = arith.addi %scan3A_35, %scan3A_36 : i32
    %scan3A_38 = arith.constant 1 : i32
    %scan3A_39:8 = scf.for %scan3A_875 = %scan3A_35 to %scan3A_37 step %scan3A_38 iter_args(%scan3A_876 = %scan3A_21#0, %scan3A_877 = %scan3A_21#1, %scan3A_878 = %scan3A_21#2, %scan3A_879 = %scan3A_21#3, %scan3A_880 = %scan3A_21#4, %scan3A_881 = %scan3A_21#5, %scan3A_882 = %scan3A_21#6, %scan3A_883 = %scan3A_21#7) -> (vector<16xf32>, vector<16xf32>, vector<16xf32>, vector<16xf32>, vector<16xf32>, vector<16xf32>, vector<16xf32>, vector<16xf32>)  : i32 {
      %mul3A_884 = arith.constant 128 : i32
      %mul3A_885 = arith.muli %scan3A_875, %mul3A_884 : i32
      %add3A_886 = arith.constant 0 : i32
      %add3A_887 = arith.addi %mul3A_885, %add3A_886 : i32
      %get3A = arith.index_cast %add3A_887 : i32 to index
      %get3A_888 = tpu.vector_load %arg5[%get3A] {strides = array<i32>} : memref<16000xf32, #tpu.memory_space<vmem>>, vector<16xf32>,
      %get3A_889 = vector.shape_cast %get3A_888 : vector<16xf32> to vector<16xf32>
      %add3A_890 = arith.addf %scan3A_876, %get3A_889 : vector<16xf32>
      %add3A_891 = arith.constant 16 : i32
      %add3A_892 = arith.addi %mul3A_885, %add3A_891 : i32
      %get3A_893 = arith.index_cast %add3A_892 : i32 to index
      %get3A_894 = tpu.vector_load %arg5[%get3A_893] {strides = array<i32>} : memref<16000xf32, #tpu.memory_space<vmem>>, vector<16xf32>,
      %get3A_895 = vector.shape_cast %get3A_894 : vector<16xf32> to vector<16xf32>
      %add3A_896 = arith.addf %scan3A_877, %get3A_895 : vector<16xf32>
      %add3A_897 = arith.constant 32 : i32
      %add3A_898 = arith.addi %mul3A_885, %add3A_897 : i32
      %get3A_899 = arith.index_cast %add3A_898 : i32 to index
      %get3A_900 = tpu.vector_load %arg5[%get3A_899] {strides = array<i32>} : memref<16000xf32, #tpu.memory_space<vmem>>, vector<16xf32>,
      %get3A_901 = vector.shape_cast %get3A_900 : vector<16xf32> to vector<16xf32>
      %add3A_902 = arith.addf %scan3A_878, %get3A_901 : vector<16xf32>
      %add3A_903 = arith.constant 48 : i32
      %add3A_904 = arith.addi %mul3A_885, %add3A_903 : i32
      %get3A_905 = arith.index_cast %add3A_904 : i32 to index
      %get3A_906 = tpu.vector_load %arg5[%get3A_905] {strides = array<i32>} : memref<16000xf32, #tpu.memory_space<vmem>>, vector<16xf32>,
      %get3A_907 = vector.shape_cast %get3A_906 : vector<16xf32> to vector<16xf32>
      %add3A_908 = arith.addf %scan3A_879, %get3A_907 : vector<16xf32>
      %add3A_909 = arith.constant 64 : i32
      %add3A_910 = arith.addi %mul3A_885, %add3A_909 : i32
      %get3A_911 = arith.index_cast %add3A_910 : i32 to index
      %get3A_912 = tpu.vector_load %arg5[%get3A_911] {strides = array<i32>} : memref<16000xf32, #tpu.memory_space<vmem>>, vector<16xf32>,
      %get3A_913 = vector.shape_cast %get3A_912 : vector<16xf32> to vector<16xf32>
      %add3A_914 = arith.addf %scan3A_880, %get3A_913 : vector<16xf32>
      %add3A_915 = arith.constant 80 : i32
      %add3A_916 = arith.addi %mul3A_885, %add3A_915 : i32
      %get3A_917 = arith.index_cast %add3A_916 : i32 to index
      %get3A_918 = tpu.vector_load %arg5[%get3A_917] {strides = array<i32>} : memref<16000xf32, #tpu.memory_space<vmem>>, vector<16xf32>,
      %get3A_919 = vector.shape_cast %get3A_918 : vector<16xf32> to vector<16xf32>
      %add3A_920 = arith.addf %scan3A_881, %get3A_919 : vector<16xf32>
      %add3A_921 = arith.constant 96 : i32
      %add3A_922 = arith.addi %mul3A_885, %add3A_921 : i32
      %get3A_923 = arith.index_cast %add3A_922 : i32 to index
      %get3A_924 = tpu.vector_load %arg5[%get3A_923] {strides = array<i32>} : memref<16000xf32, #tpu.memory_space<vmem>>, vector<16xf32>,
      %get3A_925 = vector.shape_cast %get3A_924 : vector<16xf32> to vector<16xf32>
      %add3A_926 = arith.addf %scan3A_882, %get3A_925 : vector<16xf32>
      %add3A_927 = arith.constant 112 : i32
      %add3A_928 = arith.addi %mul3A_885, %add3A_927 : i32
      %get3A_929 = arith.index_cast %add3A_928 : i32 to index
      %get3A_930 = tpu.vector_load %arg5[%get3A_929] {strides = array<i32>} : memref<16000xf32, #tpu.memory_space<vmem>>, vector<16xf32>,
      %get3A_931 = vector.shape_cast %get3A_930 : vector<16xf32> to vector<16xf32>
      %add3A_932 = arith.addf %scan3A_883, %get3A_931 : vector<16xf32>
      scf.yield %add3A_890, %add3A_896, %add3A_902, %add3A_908, %add3A_914, %add3A_920, %add3A_926, %add3A_932 : vector<16xf32>, vector<16xf32>, vector<16xf32>, vector<16xf32>, vector<16xf32>, vector<16xf32>, vector<16xf32>, vector<16xf32>
    }
    %scan3A_40 = arith.constant 125 : i32
    %dma_start3A_41 = arith.constant 48000 : i32
    %dma_start3A_42 = tpu.memref_slice %arg2[%add3A, %dma_start3A_41] : memref<32x1600000xf32, #tpu.memory_space<hbm>> -> memref<1x16000xf32, #tpu.memory_space<hbm>>
    %dma_start3A_43 = tpu.memref_squeeze %dma_start3A_42 : memref<1x16000xf32, #tpu.memory_space<hbm>> -> memref<16000xf32, #tpu.memory_space<hbm>>
    %dma_start3A_44 = arith.constant 48000 : i32
    %dma_start3A_45 = tpu.memref_slice %arg2[%add3A, %dma_start3A_44] : memref<32x1600000xf32, #tpu.memory_space<hbm>> -> memref<1x16000xf32, #tpu.memory_space<hbm>>
    %dma_start3A_46 = tpu.memref_squeeze %dma_start3A_45 : memref<1x16000xf32, #tpu.memory_space<hbm>> -> memref<16000xf32, #tpu.memory_space<hbm>>
    tpu.enqueue_dma source(%dma_start3A_46 : memref<16000xf32, #tpu.memory_space<hbm>>) target(%arg5 : memref<16000xf32, #tpu.memory_space<vmem>>) target_semaphore(%arg8 : memref<!tpu.dma_semaphore, #tpu.memory_space<semaphore_mem>>)
    %dma_wait3A_47 = arith.constant 32000 : i32
    %dma_wait3A_48 = tpu.memref_slice %arg2[%add3A, %dma_wait3A_47] : memref<32x1600000xf32, #tpu.memory_space<hbm>> -> memref<1x16000xf32, #tpu.memory_space<hbm>>
    %dma_wait3A_49 = tpu.memref_squeeze %dma_wait3A_48 : memref<1x16000xf32, #tpu.memory_space<hbm>> -> memref<16000xf32, #tpu.memory_space<hbm>>
    %dma_wait3A_50 = arith.constant 32000 : i32
    %dma_wait3A_51 = tpu.memref_slice %arg2[%add3A, %dma_wait3A_50] : memref<32x1600000xf32, #tpu.memory_space<hbm>> -> memref<1x16000xf32, #tpu.memory_space<hbm>>
    %dma_wait3A_52 = tpu.memref_squeeze %dma_wait3A_51 : memref<1x16000xf32, #tpu.memory_space<hbm>> -> memref<16000xf32, #tpu.memory_space<hbm>>
    tpu.wait_dma2 semaphore(%arg7 : memref<!tpu.dma_semaphore, #tpu.memory_space<semaphore_mem>>) src(%dma_wait3A_52 : memref<16000xf32, #tpu.memory_space<hbm>>) dst(%arg4 : memref<16000xf32, #tpu.memory_space<vmem>>)
    %scan3A_53 = arith.constant 0 : i32
    %scan3A_54 = arith.constant 125 : i32
    %scan3A_55 = arith.addi %scan3A_53, %scan3A_54 : i32
    %scan3A_56 = arith.constant 1 : i32
    %scan3A_57:8 = scf.for %scan3A_875 = %scan3A_53 to %scan3A_55 step %scan3A_56 iter_args(%scan3A_876 = %scan3A_39#0, %scan3A_877 = %scan3A_39#1, %scan3A_878 = %scan3A_39#2, %scan3A_879 = %scan3A_39#3, %scan3A_880 = %scan3A_39#4, %scan3A_881 = %scan3A_39#5, %scan3A_882 = %scan3A_39#6, %scan3A_883 = %scan3A_39#7) -> (vector<16xf32>, vector<16xf32>, vector<16xf32>, vector<16xf32>, vector<16xf32>, vector<16xf32>, vector<16xf32>, vector<16xf32>)  : i32 {
      %mul3A_884 = arith.constant 128 : i32
      %mul3A_885 = arith.muli %scan3A_875, %mul3A_884 : i32
      %add3A_886 = arith.constant 0 : i32
      %add3A_887 = arith.addi %mul3A_885, %add3A_886 : i32
      %get3A = arith.index_cast %add3A_887 : i32 to index
      %get3A_888 = tpu.vector_load %arg4[%get3A] {strides = array<i32>} : memref<16000xf32, #tpu.memory_space<vmem>>, vector<16xf32>,
      %get3A_889 = vector.shape_cast %get3A_888 : vector<16xf32> to vector<16xf32>
      %add3A_890 = arith.addf %scan3A_876, %get3A_889 : vector<16xf32>
      %add3A_891 = arith.constant 16 : i32
      %add3A_892 = arith.addi %mul3A_885, %add3A_891 : i32
      %get3A_893 = arith.index_cast %add3A_892 : i32 to index
      %get3A_894 = tpu.vector_load %arg4[%get3A_893] {strides = array<i32>} : memref<16000xf32, #tpu.memory_space<vmem>>, vector<16xf32>,
      %get3A_895 = vector.shape_cast %get3A_894 : vector<16xf32> to vector<16xf32>
      %add3A_896 = arith.addf %scan3A_877, %get3A_895 : vector<16xf32>
      %add3A_897 = arith.constant 32 : i32
      %add3A_898 = arith.addi %mul3A_885, %add3A_897 : i32
      %get3A_899 = arith.index_cast %add3A_898 : i32 to index
      %get3A_900 = tpu.vector_load %arg4[%get3A_899] {strides = array<i32>} : memref<16000xf32, #tpu.memory_space<vmem>>, vector<16xf32>,
      %get3A_901 = vector.shape_cast %get3A_900 : vector<16xf32> to vector<16xf32>
      %add3A_902 = arith.addf %scan3A_878, %get3A_901 : vector<16xf32>
      %add3A_903 = arith.constant 48 : i32
      %add3A_904 = arith.addi %mul3A_885, %add3A_903 : i32
      %get3A_905 = arith.index_cast %add3A_904 : i32 to index
      %get3A_906 = tpu.vector_load %arg4[%get3A_905] {strides = array<i32>} : memref<16000xf32, #tpu.memory_space<vmem>>, vector<16xf32>,
      %get3A_907 = vector.shape_cast %get3A_906 : vector<16xf32> to vector<16xf32>
      %add3A_908 = arith.addf %scan3A_879, %get3A_907 : vector<16xf32>
      %add3A_909 = arith.constant 64 : i32
      %add3A_910 = arith.addi %mul3A_885, %add3A_909 : i32
      %get3A_911 = arith.index_cast %add3A_910 : i32 to index
      %get3A_912 = tpu.vector_load %arg4[%get3A_911] {strides = array<i32>} : memref<16000xf32, #tpu.memory_space<vmem>>, vector<16xf32>,
      %get3A_913 = vector.shape_cast %get3A_912 : vector<16xf32> to vector<16xf32>
      %add3A_914 = arith.addf %scan3A_880, %get3A_913 : vector<16xf32>
      %add3A_915 = arith.constant 80 : i32
      %add3A_916 = arith.addi %mul3A_885, %add3A_915 : i32
      %get3A_917 = arith.index_cast %add3A_916 : i32 to index
      %get3A_918 = tpu.vector_load %arg4[%get3A_917] {strides = array<i32>} : memref<16000xf32, #tpu.memory_space<vmem>>, vector<16xf32>,
      %get3A_919 = vector.shape_cast %get3A_918 : vector<16xf32> to vector<16xf32>
      %add3A_920 = arith.addf %scan3A_881, %get3A_919 : vector<16xf32>
      %add3A_921 = arith.constant 96 : i32
      %add3A_922 = arith.addi %mul3A_885, %add3A_921 : i32
      %get3A_923 = arith.index_cast %add3A_922 : i32 to index
      %get3A_924 = tpu.vector_load %arg4[%get3A_923] {strides = array<i32>} : memref<16000xf32, #tpu.memory_space<vmem>>, vector<16xf32>,
      %get3A_925 = vector.shape_cast %get3A_924 : vector<16xf32> to vector<16xf32>
      %add3A_926 = arith.addf %scan3A_882, %get3A_925 : vector<16xf32>
      %add3A_927 = arith.constant 112 : i32
      %add3A_928 = arith.addi %mul3A_885, %add3A_927 : i32
      %get3A_929 = arith.index_cast %add3A_928 : i32 to index
      %get3A_930 = tpu.vector_load %arg4[%get3A_929] {strides = array<i32>} : memref<16000xf32, #tpu.memory_space<vmem>>, vector<16xf32>,
      %get3A_931 = vector.shape_cast %get3A_930 : vector<16xf32> to vector<16xf32>
      %add3A_932 = arith.addf %scan3A_883, %get3A_931 : vector<16xf32>
      scf.yield %add3A_890, %add3A_896, %add3A_902, %add3A_908, %add3A_914, %add3A_920, %add3A_926, %add3A_932 : vector<16xf32>, vector<16xf32>, vector<16xf32>, vector<16xf32>, vector<16xf32>, vector<16xf32>, vector<16xf32>, vector<16xf32>
    }
    %scan3A_58 = arith.constant 125 : i32
    %dma_start3A_59 = arith.constant 64000 : i32
    %dma_start3A_60 = tpu.memref_slice %arg2[%add3A, %dma_start3A_59] : memref<32x1600000xf32, #tpu.memory_space<hbm>> -> memref<1x16000xf32, #tpu.memory_space<hbm>>
    %dma_start3A_61 = tpu.memref_squeeze %dma_start3A_60 : memref<1x16000xf32, #tpu.memory_space<hbm>> -> memref<16000xf32, #tpu.memory_space<hbm>>
    %dma_start3A_62 = arith.constant 64000 : i32
    %dma_start3A_63 = tpu.memref_slice %arg2[%add3A, %dma_start3A_62] : memref<32x1600000xf32, #tpu.memory_space<hbm>> -> memref<1x16000xf32, #tpu.memory_space<hbm>>
    %dma_start3A_64 = tpu.memref_squeeze %dma_start3A_63 : memref<1x16000xf32, #tpu.memory_space<hbm>> -> memref<16000xf32, #tpu.memory_space<hbm>>
    tpu.enqueue_dma source(%dma_start3A_64 : memref<16000xf32, #tpu.memory_space<hbm>>) target(%arg4 : memref<16000xf32, #tpu.memory_space<vmem>>) target_semaphore(%arg7 : memref<!tpu.dma_semaphore, #tpu.memory_space<semaphore_mem>>)
    %dma_wait3A_65 = arith.constant 48000 : i32
    %dma_wait3A_66 = tpu.memref_slice %arg2[%add3A, %dma_wait3A_65] : memref<32x1600000xf32, #tpu.memory_space<hbm>> -> memref<1x16000xf32, #tpu.memory_space<hbm>>
    %dma_wait3A_67 = tpu.memref_squeeze %dma_wait3A_66 : memref<1x16000xf32, #tpu.memory_space<hbm>> -> memref<16000xf32, #tpu.memory_space<hbm>>
    %dma_wait3A_68 = arith.constant 48000 : i32
    %dma_wait3A_69 = tpu.memref_slice %arg2[%add3A, %dma_wait3A_68] : memref<32x1600000xf32, #tpu.memory_space<hbm>> -> memref<1x16000xf32, #tpu.memory_space<hbm>>
    %dma_wait3A_70 = tpu.memref_squeeze %dma_wait3A_69 : memref<1x16000xf32, #tpu.memory_space<hbm>> -> memref<16000xf32, #tpu.memory_space<hbm>>
    tpu.wait_dma2 semaphore(%arg8 : memref<!tpu.dma_semaphore, #tpu.memory_space<semaphore_mem>>) src(%dma_wait3A_70 : memref<16000xf32, #tpu.memory_space<hbm>>) dst(%arg5 : memref<16000xf32, #tpu.memory_space<vmem>>)
    %scan3A_71 = arith.constant 0 : i32
    %scan3A_72 = arith.constant 125 : i32
    %scan3A_73 = arith.addi %scan3A_71, %scan3A_72 : i32
    %scan3A_74 = arith.constant 1 : i32
    %scan3A_75:8 = scf.for %scan3A_875 = %scan3A_71 to %scan3A_73 step %scan3A_74 iter_args(%scan3A_876 = %scan3A_57#0, %scan3A_877 = %scan3A_57#1, %scan3A_878 = %scan3A_57#2, %scan3A_879 = %scan3A_57#3, %scan3A_880 = %scan3A_57#4, %scan3A_881 = %scan3A_57#5, %scan3A_882 = %scan3A_57#6, %scan3A_883 = %scan3A_57#7) -> (vector<16xf32>, vector<16xf32>, vector<16xf32>, vector<16xf32>, vector<16xf32>, vector<16xf32>, vector<16xf32>, vector<16xf32>)  : i32 {
      %mul3A_884 = arith.constant 128 : i32
      %mul3A_885 = arith.muli %scan3A_875, %mul3A_884 : i32
      %add3A_886 = arith.constant 0 : i32
      %add3A_887 = arith.addi %mul3A_885, %add3A_886 : i32
      %get3A = arith.index_cast %add3A_887 : i32 to index
      %get3A_888 = tpu.vector_load %arg5[%get3A] {strides = array<i32>} : memref<16000xf32, #tpu.memory_space<vmem>>, vector<16xf32>,
      %get3A_889 = vector.shape_cast %get3A_888 : vector<16xf32> to vector<16xf32>
      %add3A_890 = arith.addf %scan3A_876, %get3A_889 : vector<16xf32>
      %add3A_891 = arith.constant 16 : i32
      %add3A_892 = arith.addi %mul3A_885, %add3A_891 : i32
      %get3A_893 = arith.index_cast %add3A_892 : i32 to index
      %get3A_894 = tpu.vector_load %arg5[%get3A_893] {strides = array<i32>} : memref<16000xf32, #tpu.memory_space<vmem>>, vector<16xf32>,
      %get3A_895 = vector.shape_cast %get3A_894 : vector<16xf32> to vector<16xf32>
      %add3A_896 = arith.addf %scan3A_877, %get3A_895 : vector<16xf32>
      %add3A_897 = arith.constant 32 : i32
      %add3A_898 = arith.addi %mul3A_885, %add3A_897 : i32
      %get3A_899 = arith.index_cast %add3A_898 : i32 to index
      %get3A_900 = tpu.vector_load %arg5[%get3A_899] {strides = array<i32>} : memref<16000xf32, #tpu.memory_space<vmem>>, vector<16xf32>,
      %get3A_901 = vector.shape_cast %get3A_900 : vector<16xf32> to vector<16xf32>
      %add3A_902 = arith.addf %scan3A_878, %get3A_901 : vector<16xf32>
      %add3A_903 = arith.constant 48 : i32
      %add3A_904 = arith.addi %mul3A_885, %add3A_903 : i32
      %get3A_905 = arith.index_cast %add3A_904 : i32 to index
      %get3A_906 = tpu.vector_load %arg5[%get3A_905] {strides = array<i32>} : memref<16000xf32, #tpu.memory_space<vmem>>, vector<16xf32>,
      %get3A_907 = vector.shape_cast %get3A_906 : vector<16xf32> to vector<16xf32>
      %add3A_908 = arith.addf %scan3A_879, %get3A_907 : vector<16xf32>
      %add3A_909 = arith.constant 64 : i32
      %add3A_910 = arith.addi %mul3A_885, %add3A_909 : i32
      %get3A_911 = arith.index_cast %add3A_910 : i32 to index
      %get3A_912 = tpu.vector_load %arg5[%get3A_911] {strides = array<i32>} : memref<16000xf32, #tpu.memory_space<vmem>>, vector<16xf32>,
      %get3A_913 = vector.shape_cast %get3A_912 : vector<16xf32> to vector<16xf32>
      %add3A_914 = arith.addf %scan3A_880, %get3A_913 : vector<16xf32>
      %add3A_915 = arith.constant 80 : i32
      %add3A_916 = arith.addi %mul3A_885, %add3A_915 : i32
      %get3A_917 = arith.index_cast %add3A_916 : i32 to index
      %get3A_918 = tpu.vector_load %arg5[%get3A_917] {strides = array<i32>} : memref<16000xf32, #tpu.memory_space<vmem>>, vector<16xf32>,
      %get3A_919 = vector.shape_cast %get3A_918 : vector<16xf32> to vector<16xf32>
      %add3A_920 = arith.addf %scan3A_881, %get3A_919 : vector<16xf32>
      %add3A_921 = arith.constant 96 : i32
      %add3A_922 = arith.addi %mul3A_885, %add3A_921 : i32
      %get3A_923 = arith.index_cast %add3A_922 : i32 to index
      %get3A_924 = tpu.vector_load %arg5[%get3A_923] {strides = array<i32>} : memref<16000xf32, #tpu.memory_space<vmem>>, vector<16xf32>,
      %get3A_925 = vector.shape_cast %get3A_924 : vector<16xf32> to vector<16xf32>
      %add3A_926 = arith.addf %scan3A_882, %get3A_925 : vector<16xf32>
      %add3A_927 = arith.constant 112 : i32
      %add3A_928 = arith.addi %mul3A_885, %add3A_927 : i32
      %get3A_929 = arith.index_cast %add3A_928 : i32 to index
      %get3A_930 = tpu.vector_load %arg5[%get3A_929] {strides = array<i32>} : memref<16000xf32, #tpu.memory_space<vmem>>, vector<16xf32>,
      %get3A_931 = vector.shape_cast %get3A_930 : vector<16xf32> to vector<16xf32>
      %add3A_932 = arith.addf %scan3A_883, %get3A_931 : vector<16xf32>
      scf.yield %add3A_890, %add3A_896, %add3A_902, %add3A_908, %add3A_914, %add3A_920, %add3A_926, %add3A_932 : vector<16xf32>, vector<16xf32>, vector<16xf32>, vector<16xf32>, vector<16xf32>, vector<16xf32>, vector<16xf32>, vector<16xf32>
    }
    %scan3A_76 = arith.constant 125 : i32
    %dma_start3A_77 = arith.constant 80000 : i32
    %dma_start3A_78 = tpu.memref_slice %arg2[%add3A, %dma_start3A_77] : memref<32x1600000xf32, #tpu.memory_space<hbm>> -> memref<1x16000xf32, #tpu.memory_space<hbm>>
    %dma_start3A_79 = tpu.memref_squeeze %dma_start3A_78 : memref<1x16000xf32, #tpu.memory_space<hbm>> -> memref<16000xf32, #tpu.memory_space<hbm>>
    %dma_start3A_80 = arith.constant 80000 : i32
    %dma_start3A_81 = tpu.memref_slice %arg2[%add3A, %dma_start3A_80] : memref<32x1600000xf32, #tpu.memory_space<hbm>> -> memref<1x16000xf32, #tpu.memory_space<hbm>>
    %dma_start3A_82 = tpu.memref_squeeze %dma_start3A_81 : memref<1x16000xf32, #tpu.memory_space<hbm>> -> memref<16000xf32, #tpu.memory_space<hbm>>
    tpu.enqueue_dma source(%dma_start3A_82 : memref<16000xf32, #tpu.memory_space<hbm>>) target(%arg5 : memref<16000xf32, #tpu.memory_space<vmem>>) target_semaphore(%arg8 : memref<!tpu.dma_semaphore, #tpu.memory_space<semaphore_mem>>)
    %dma_wait3A_83 = arith.constant 64000 : i32
    %dma_wait3A_84 = tpu.memref_slice %arg2[%add3A, %dma_wait3A_83] : memref<32x1600000xf32, #tpu.memory_space<hbm>> -> memref<1x16000xf32, #tpu.memory_space<hbm>>
    %dma_wait3A_85 = tpu.memref_squeeze %dma_wait3A_84 : memref<1x16000xf32, #tpu.memory_space<hbm>> -> memref<16000xf32, #tpu.memory_space<hbm>>
    %dma_wait3A_86 = arith.constant 64000 : i32
    %dma_wait3A_87 = tpu.memref_slice %arg2[%add3A, %dma_wait3A_86] : memref<32x1600000xf32, #tpu.memory_space<hbm>> -> memref<1x16000xf32, #tpu.memory_space<hbm>>
    %dma_wait3A_88 = tpu.memref_squeeze %dma_wait3A_87 : memref<1x16000xf32, #tpu.memory_space<hbm>> -> memref<16000xf32, #tpu.memory_space<hbm>>
    tpu.wait_dma2 semaphore(%arg7 : memref<!tpu.dma_semaphore, #tpu.memory_space<semaphore_mem>>) src(%dma_wait3A_88 : memref<16000xf32, #tpu.memory_space<hbm>>) dst(%arg4 : memref<16000xf32, #tpu.memory_space<vmem>>)
    %scan3A_89 = arith.constant 0 : i32
    %scan3A_90 = arith.constant 125 : i32
    %scan3A_91 = arith.addi %scan3A_89, %scan3A_90 : i32
    %scan3A_92 = arith.constant 1 : i32
    %scan3A_93:8 = scf.for %scan3A_875 = %scan3A_89 to %scan3A_91 step %scan3A_92 iter_args(%scan3A_876 = %scan3A_75#0, %scan3A_877 = %scan3A_75#1, %scan3A_878 = %scan3A_75#2, %scan3A_879 = %scan3A_75#3, %scan3A_880 = %scan3A_75#4, %scan3A_881 = %scan3A_75#5, %scan3A_882 = %scan3A_75#6, %scan3A_883 = %scan3A_75#7) -> (vector<16xf32>, vector<16xf32>, vector<16xf32>, vector<16xf32>, vector<16xf32>, vector<16xf32>, vector<16xf32>, vector<16xf32>)  : i32 {
      %mul3A_884 = arith.constant 128 : i32
      %mul3A_885 = arith.muli %scan3A_875, %mul3A_884 : i32
      %add3A_886 = arith.constant 0 : i32
      %add3A_887 = arith.addi %mul3A_885, %add3A_886 : i32
      %get3A = arith.index_cast %add3A_887 : i32 to index
      %get3A_888 = tpu.vector_load %arg4[%get3A] {strides = array<i32>} : memref<16000xf32, #tpu.memory_space<vmem>>, vector<16xf32>,
      %get3A_889 = vector.shape_cast %get3A_888 : vector<16xf32> to vector<16xf32>
      %add3A_890 = arith.addf %scan3A_876, %get3A_889 : vector<16xf32>
      %add3A_891 = arith.constant 16 : i32
      %add3A_892 = arith.addi %mul3A_885, %add3A_891 : i32
      %get3A_893 = arith.index_cast %add3A_892 : i32 to index
      %get3A_894 = tpu.vector_load %arg4[%get3A_893] {strides = array<i32>} : memref<16000xf32, #tpu.memory_space<vmem>>, vector<16xf32>,
      %get3A_895 = vector.shape_cast %get3A_894 : vector<16xf32> to vector<16xf32>
      %add3A_896 = arith.addf %scan3A_877, %get3A_895 : vector<16xf32>
      %add3A_897 = arith.constant 32 : i32
      %add3A_898 = arith.addi %mul3A_885, %add3A_897 : i32
      %get3A_899 = arith.index_cast %add3A_898 : i32 to index
      %get3A_900 = tpu.vector_load %arg4[%get3A_899] {strides = array<i32>} : memref<16000xf32, #tpu.memory_space<vmem>>, vector<16xf32>,
      %get3A_901 = vector.shape_cast %get3A_900 : vector<16xf32> to vector<16xf32>
      %add3A_902 = arith.addf %scan3A_878, %get3A_901 : vector<16xf32>
      %add3A_903 = arith.constant 48 : i32
      %add3A_904 = arith.addi %mul3A_885, %add3A_903 : i32
      %get3A_905 = arith.index_cast %add3A_904 : i32 to index
      %get3A_906 = tpu.vector_load %arg4[%get3A_905] {strides = array<i32>} : memref<16000xf32, #tpu.memory_space<vmem>>, vector<16xf32>,
      %get3A_907 = vector.shape_cast %get3A_906 : vector<16xf32> to vector<16xf32>
      %add3A_908 = arith.addf %scan3A_879, %get3A_907 : vector<16xf32>
      %add3A_909 = arith.constant 64 : i32
      %add3A_910 = arith.addi %mul3A_885, %add3A_909 : i32
      %get3A_911 = arith.index_cast %add3A_910 : i32 to index
      %get3A_912 = tpu.vector_load %arg4[%get3A_911] {strides = array<i32>} : memref<16000xf32, #tpu.memory_space<vmem>>, vector<16xf32>,
      %get3A_913 = vector.shape_cast %get3A_912 : vector<16xf32> to vector<16xf32>
      %add3A_914 = arith.addf %scan3A_880, %get3A_913 : vector<16xf32>
      %add3A_915 = arith.constant 80 : i32
      %add3A_916 = arith.addi %mul3A_885, %add3A_915 : i32
      %get3A_917 = arith.index_cast %add3A_916 : i32 to index
      %get3A_918 = tpu.vector_load %arg4[%get3A_917] {strides = array<i32>} : memref<16000xf32, #tpu.memory_space<vmem>>, vector<16xf32>,
      %get3A_919 = vector.shape_cast %get3A_918 : vector<16xf32> to vector<16xf32>
      %add3A_920 = arith.addf %scan3A_881, %get3A_919 : vector<16xf32>
      %add3A_921 = arith.constant 96 : i32
      %add3A_922 = arith.addi %mul3A_885, %add3A_921 : i32
      %get3A_923 = arith.index_cast %add3A_922 : i32 to index
      %get3A_924 = tpu.vector_load %arg4[%get3A_923] {strides = array<i32>} : memref<16000xf32, #tpu.memory_space<vmem>>, vector<16xf32>,
      %get3A_925 = vector.shape_cast %get3A_924 : vector<16xf32> to vector<16xf32>
      %add3A_926 = arith.addf %scan3A_882, %get3A_925 : vector<16xf32>
      %add3A_927 = arith.constant 112 : i32
      %add3A_928 = arith.addi %mul3A_885, %add3A_927 : i32
      %get3A_929 = arith.index_cast %add3A_928 : i32 to index
      %get3A_930 = tpu.vector_load %arg4[%get3A_929] {strides = array<i32>} : memref<16000xf32, #tpu.memory_space<vmem>>, vector<16xf32>,
      %get3A_931 = vector.shape_cast %get3A_930 : vector<16xf32> to vector<16xf32>
      %add3A_932 = arith.addf %scan3A_883, %get3A_931 : vector<16xf32>
      scf.yield %add3A_890, %add3A_896, %add3A_902, %add3A_908, %add3A_914, %add3A_920, %add3A_926, %add3A_932 : vector<16xf32>, vector<16xf32>, vector<16xf32>, vector<16xf32>, vector<16xf32>, vector<16xf32>, vector<16xf32>, vector<16xf32>
    }
    %scan3A_94 = arith.constant 125 : i32
    %dma_start3A_95 = arith.constant 96000 : i32
    %dma_start3A_96 = tpu.memref_slice %arg2[%add3A, %dma_start3A_95] : memref<32x1600000xf32, #tpu.memory_space<hbm>> -> memref<1x16000xf32, #tpu.memory_space<hbm>>
    %dma_start3A_97 = tpu.memref_squeeze %dma_start3A_96 : memref<1x16000xf32, #tpu.memory_space<hbm>> -> memref<16000xf32, #tpu.memory_space<hbm>>
    %dma_start3A_98 = arith.constant 96000 : i32
    %dma_start3A_99 = tpu.memref_slice %arg2[%add3A, %dma_start3A_98] : memref<32x1600000xf32, #tpu.memory_space<hbm>> -> memref<1x16000xf32, #tpu.memory_space<hbm>>
    %dma_start3A_100 = tpu.memref_squeeze %dma_start3A_99 : memref<1x16000xf32, #tpu.memory_space<hbm>> -> memref<16000xf32, #tpu.memory_space<hbm>>
    tpu.enqueue_dma source(%dma_start3A_100 : memref<16000xf32, #tpu.memory_space<hbm>>) target(%arg4 : memref<16000xf32, #tpu.memory_space<vmem>>) target_semaphore(%arg7 : memref<!tpu.dma_semaphore, #tpu.memory_space<semaphore_mem>>)
    %dma_wait3A_101 = arith.constant 80000 : i32
    %dma_wait3A_102 = tpu.memref_slice %arg2[%add3A, %dma_wait3A_101] : memref<32x1600000xf32, #tpu.memory_space<hbm>> -> memref<1x16000xf32, #tpu.memory_space<hbm>>
    %dma_wait3A_103 = tpu.memref_squeeze %dma_wait3A_102 : memref<1x16000xf32, #tpu.memory_space<hbm>> -> memref<16000xf32, #tpu.memory_space<hbm>>
    %dma_wait3A_104 = arith.constant 80000 : i32
    %dma_wait3A_105 = tpu.memref_slice %arg2[%add3A, %dma_wait3A_104] : memref<32x1600000xf32, #tpu.memory_space<hbm>> -> memref<1x16000xf32, #tpu.memory_space<hbm>>
    %dma_wait3A_106 = tpu.memref_squeeze %dma_wait3A_105 : memref<1x16000xf32, #tpu.memory_space<hbm>> -> memref<16000xf32, #tpu.memory_space<hbm>>
    tpu.wait_dma2 semaphore(%arg8 : memref<!tpu.dma_semaphore, #tpu.memory_space<semaphore_mem>>) src(%dma_wait3A_106 : memref<16000xf32, #tpu.memory_space<hbm>>) dst(%arg5 : memref<16000xf32, #tpu.memory_space<vmem>>)
    %scan3A_107 = arith.constant 0 : i32
    %scan3A_108 = arith.constant 125 : i32
    %scan3A_109 = arith.addi %scan3A_107, %scan3A_108 : i32
    %scan3A_110 = arith.constant 1 : i32
    %scan3A_111:8 = scf.for %scan3A_875 = %scan3A_107 to %scan3A_109 step %scan3A_110 iter_args(%scan3A_876 = %scan3A_93#0, %scan3A_877 = %scan3A_93#1, %scan3A_878 = %scan3A_93#2, %scan3A_879 = %scan3A_93#3, %scan3A_880 = %scan3A_93#4, %scan3A_881 = %scan3A_93#5, %scan3A_882 = %scan3A_93#6, %scan3A_883 = %scan3A_93#7) -> (vector<16xf32>, vector<16xf32>, vector<16xf32>, vector<16xf32>, vector<16xf32>, vector<16xf32>, vector<16xf32>, vector<16xf32>)  : i32 {
      %mul3A_884 = arith.constant 128 : i32
      %mul3A_885 = arith.muli %scan3A_875, %mul3A_884 : i32
      %add3A_886 = arith.constant 0 : i32
      %add3A_887 = arith.addi %mul3A_885, %add3A_886 : i32
      %get3A = arith.index_cast %add3A_887 : i32 to index
      %get3A_888 = tpu.vector_load %arg5[%get3A] {strides = array<i32>} : memref<16000xf32, #tpu.memory_space<vmem>>, vector<16xf32>,
      %get3A_889 = vector.shape_cast %get3A_888 : vector<16xf32> to vector<16xf32>
      %add3A_890 = arith.addf %scan3A_876, %get3A_889 : vector<16xf32>
      %add3A_891 = arith.constant 16 : i32
      %add3A_892 = arith.addi %mul3A_885, %add3A_891 : i32
      %get3A_893 = arith.index_cast %add3A_892 : i32 to index
      %get3A_894 = tpu.vector_load %arg5[%get3A_893] {strides = array<i32>} : memref<16000xf32, #tpu.memory_space<vmem>>, vector<16xf32>,
      %get3A_895 = vector.shape_cast %get3A_894 : vector<16xf32> to vector<16xf32>
      %add3A_896 = arith.addf %scan3A_877, %get3A_895 : vector<16xf32>
      %add3A_897 = arith.constant 32 : i32
      %add3A_898 = arith.addi %mul3A_885, %add3A_897 : i32
      %get3A_899 = arith.index_cast %add3A_898 : i32 to index
      %get3A_900 = tpu.vector_load %arg5[%get3A_899] {strides = array<i32>} : memref<16000xf32, #tpu.memory_space<vmem>>, vector<16xf32>,
      %get3A_901 = vector.shape_cast %get3A_900 : vector<16xf32> to vector<16xf32>
      %add3A_902 = arith.addf %scan3A_878, %get3A_901 : vector<16xf32>
      %add3A_903 = arith.constant 48 : i32
      %add3A_904 = arith.addi %mul3A_885, %add3A_903 : i32
      %get3A_905 = arith.index_cast %add3A_904 : i32 to index
      %get3A_906 = tpu.vector_load %arg5[%get3A_905] {strides = array<i32>} : memref<16000xf32, #tpu.memory_space<vmem>>, vector<16xf32>,
      %get3A_907 = vector.shape_cast %get3A_906 : vector<16xf32> to vector<16xf32>
      %add3A_908 = arith.addf %scan3A_879, %get3A_907 : vector<16xf32>
      %add3A_909 = arith.constant 64 : i32
      %add3A_910 = arith.addi %mul3A_885, %add3A_909 : i32
      %get3A_911 = arith.index_cast %add3A_910 : i32 to index
      %get3A_912 = tpu.vector_load %arg5[%get3A_911] {strides = array<i32>} : memref<16000xf32, #tpu.memory_space<vmem>>, vector<16xf32>,
      %get3A_913 = vector.shape_cast %get3A_912 : vector<16xf32> to vector<16xf32>
      %add3A_914 = arith.addf %scan3A_880, %get3A_913 : vector<16xf32>
      %add3A_915 = arith.constant 80 : i32
      %add3A_916 = arith.addi %mul3A_885, %add3A_915 : i32
      %get3A_917 = arith.index_cast %add3A_916 : i32 to index
      %get3A_918 = tpu.vector_load %arg5[%get3A_917] {strides = array<i32>} : memref<16000xf32, #tpu.memory_space<vmem>>, vector<16xf32>,
      %get3A_919 = vector.shape_cast %get3A_918 : vector<16xf32> to vector<16xf32>
      %add3A_920 = arith.addf %scan3A_881, %get3A_919 : vector<16xf32>
      %add3A_921 = arith.constant 96 : i32
      %add3A_922 = arith.addi %mul3A_885, %add3A_921 : i32
      %get3A_923 = arith.index_cast %add3A_922 : i32 to index
      %get3A_924 = tpu.vector_load %arg5[%get3A_923] {strides = array<i32>} : memref<16000xf32, #tpu.memory_space<vmem>>, vector<16xf32>,
      %get3A_925 = vector.shape_cast %get3A_924 : vector<16xf32> to vector<16xf32>
      %add3A_926 = arith.addf %scan3A_882, %get3A_925 : vector<16xf32>
      %add3A_927 = arith.constant 112 : i32
      %add3A_928 = arith.addi %mul3A_885, %add3A_927 : i32
      %get3A_929 = arith.index_cast %add3A_928 : i32 to index
      %get3A_930 = tpu.vector_load %arg5[%get3A_929] {strides = array<i32>} : memref<16000xf32, #tpu.memory_space<vmem>>, vector<16xf32>,
      %get3A_931 = vector.shape_cast %get3A_930 : vector<16xf32> to vector<16xf32>
      %add3A_932 = arith.addf %scan3A_883, %get3A_931 : vector<16xf32>
      scf.yield %add3A_890, %add3A_896, %add3A_902, %add3A_908, %add3A_914, %add3A_920, %add3A_926, %add3A_932 : vector<16xf32>, vector<16xf32>, vector<16xf32>, vector<16xf32>, vector<16xf32>, vector<16xf32>, vector<16xf32>, vector<16xf32>
    }
    %scan3A_112 = arith.constant 125 : i32
    %dma_start3A_113 = arith.constant 112000 : i32
    %dma_start3A_114 = tpu.memref_slice %arg2[%add3A, %dma_start3A_113] : memref<32x1600000xf32, #tpu.memory_space<hbm>> -> memref<1x16000xf32, #tpu.memory_space<hbm>>
    %dma_start3A_115 = tpu.memref_squeeze %dma_start3A_114 : memref<1x16000xf32, #tpu.memory_space<hbm>> -> memref<16000xf32, #tpu.memory_space<hbm>>
    %dma_start3A_116 = arith.constant 112000 : i32
    %dma_start3A_117 = tpu.memref_slice %arg2[%add3A, %dma_start3A_116] : memref<32x1600000xf32, #tpu.memory_space<hbm>> -> memref<1x16000xf32, #tpu.memory_space<hbm>>
    %dma_start3A_118 = tpu.memref_squeeze %dma_start3A_117 : memref<1x16000xf32, #tpu.memory_space<hbm>> -> memref<16000xf32, #tpu.memory_space<hbm>>
    tpu.enqueue_dma source(%dma_start3A_118 : memref<16000xf32, #tpu.memory_space<hbm>>) target(%arg5 : memref<16000xf32, #tpu.memory_space<vmem>>) target_semaphore(%arg8 : memref<!tpu.dma_semaphore, #tpu.memory_space<semaphore_mem>>)
    %dma_wait3A_119 = arith.constant 96000 : i32
    %dma_wait3A_120 = tpu.memref_slice %arg2[%add3A, %dma_wait3A_119] : memref<32x1600000xf32, #tpu.memory_space<hbm>> -> memref<1x16000xf32, #tpu.memory_space<hbm>>
    %dma_wait3A_121 = tpu.memref_squeeze %dma_wait3A_120 : memref<1x16000xf32, #tpu.memory_space<hbm>> -> memref<16000xf32, #tpu.memory_space<hbm>>
    %dma_wait3A_122 = arith.constant 96000 : i32
    %dma_wait3A_123 = tpu.memref_slice %arg2[%add3A, %dma_wait3A_122] : memref<32x1600000xf32, #tpu.memory_space<hbm>> -> memref<1x16000xf32, #tpu.memory_space<hbm>>
    %dma_wait3A_124 = tpu.memref_squeeze %dma_wait3A_123 : memref<1x16000xf32, #tpu.memory_space<hbm>> -> memref<16000xf32, #tpu.memory_space<hbm>>
    tpu.wait_dma2 semaphore(%arg7 : memref<!tpu.dma_semaphore, #tpu.memory_space<semaphore_mem>>) src(%dma_wait3A_124 : memref<16000xf32, #tpu.memory_space<hbm>>) dst(%arg4 : memref<16000xf32, #tpu.memory_space<vmem>>)
    %scan3A_125 = arith.constant 0 : i32
    %scan3A_126 = arith.constant 125 : i32
    %scan3A_127 = arith.addi %scan3A_125, %scan3A_126 : i32
    %scan3A_128 = arith.constant 1 : i32
    %scan3A_129:8 = scf.for %scan3A_875 = %scan3A_125 to %scan3A_127 step %scan3A_128 iter_args(%scan3A_876 = %scan3A_111#0, %scan3A_877 = %scan3A_111#1, %scan3A_878 = %scan3A_111#2, %scan3A_879 = %scan3A_111#3, %scan3A_880 = %scan3A_111#4, %scan3A_881 = %scan3A_111#5, %scan3A_882 = %scan3A_111#6, %scan3A_883 = %scan3A_111#7) -> (vector<16xf32>, vector<16xf32>, vector<16xf32>, vector<16xf32>, vector<16xf32>, vector<16xf32>, vector<16xf32>, vector<16xf32>)  : i32 {
      %mul3A_884 = arith.constant 128 : i32
      %mul3A_885 = arith.muli %scan3A_875, %mul3A_884 : i32
      %add3A_886 = arith.constant 0 : i32
      %add3A_887 = arith.addi %mul3A_885, %add3A_886 : i32
      %get3A = arith.index_cast %add3A_887 : i32 to index
      %get3A_888 = tpu.vector_load %arg4[%get3A] {strides = array<i32>} : memref<16000xf32, #tpu.memory_space<vmem>>, vector<16xf32>,
      %get3A_889 = vector.shape_cast %get3A_888 : vector<16xf32> to vector<16xf32>
      %add3A_890 = arith.addf %scan3A_876, %get3A_889 : vector<16xf32>
      %add3A_891 = arith.constant 16 : i32
      %add3A_892 = arith.addi %mul3A_885, %add3A_891 : i32
      %get3A_893 = arith.index_cast %add3A_892 : i32 to index
      %get3A_894 = tpu.vector_load %arg4[%get3A_893] {strides = array<i32>} : memref<16000xf32, #tpu.memory_space<vmem>>, vector<16xf32>,
      %get3A_895 = vector.shape_cast %get3A_894 : vector<16xf32> to vector<16xf32>
      %add3A_896 = arith.addf %scan3A_877, %get3A_895 : vector<16xf32>
      %add3A_897 = arith.constant 32 : i32
      %add3A_898 = arith.addi %mul3A_885, %add3A_897 : i32
      %get3A_899 = arith.index_cast %add3A_898 : i32 to index
      %get3A_900 = tpu.vector_load %arg4[%get3A_899] {strides = array<i32>} : memref<16000xf32, #tpu.memory_space<vmem>>, vector<16xf32>,
      %get3A_901 = vector.shape_cast %get3A_900 : vector<16xf32> to vector<16xf32>
      %add3A_902 = arith.addf %scan3A_878, %get3A_901 : vector<16xf32>
      %add3A_903 = arith.constant 48 : i32
      %add3A_904 = arith.addi %mul3A_885, %add3A_903 : i32
      %get3A_905 = arith.index_cast %add3A_904 : i32 to index
      %get3A_906 = tpu.vector_load %arg4[%get3A_905] {strides = array<i32>} : memref<16000xf32, #tpu.memory_space<vmem>>, vector<16xf32>,
      %get3A_907 = vector.shape_cast %get3A_906 : vector<16xf32> to vector<16xf32>
      %add3A_908 = arith.addf %scan3A_879, %get3A_907 : vector<16xf32>
      %add3A_909 = arith.constant 64 : i32
      %add3A_910 = arith.addi %mul3A_885, %add3A_909 : i32
      %get3A_911 = arith.index_cast %add3A_910 : i32 to index
      %get3A_912 = tpu.vector_load %arg4[%get3A_911] {strides = array<i32>} : memref<16000xf32, #tpu.memory_space<vmem>>, vector<16xf32>,
      %get3A_913 = vector.shape_cast %get3A_912 : vector<16xf32> to vector<16xf32>
      %add3A_914 = arith.addf %scan3A_880, %get3A_913 : vector<16xf32>
      %add3A_915 = arith.constant 80 : i32
      %add3A_916 = arith.addi %mul3A_885, %add3A_915 : i32
      %get3A_917 = arith.index_cast %add3A_916 : i32 to index
      %get3A_918 = tpu.vector_load %arg4[%get3A_917] {strides = array<i32>} : memref<16000xf32, #tpu.memory_space<vmem>>, vector<16xf32>,
      %get3A_919 = vector.shape_cast %get3A_918 : vector<16xf32> to vector<16xf32>
      %add3A_920 = arith.addf %scan3A_881, %get3A_919 : vector<16xf32>
      %add3A_921 = arith.constant 96 : i32
      %add3A_922 = arith.addi %mul3A_885, %add3A_921 : i32
      %get3A_923 = arith.index_cast %add3A_922 : i32 to index
      %get3A_924 = tpu.vector_load %arg4[%get3A_923] {strides = array<i32>} : memref<16000xf32, #tpu.memory_space<vmem>>, vector<16xf32>,
      %get3A_925 = vector.shape_cast %get3A_924 : vector<16xf32> to vector<16xf32>
      %add3A_926 = arith.addf %scan3A_882, %get3A_925 : vector<16xf32>
      %add3A_927 = arith.constant 112 : i32
      %add3A_928 = arith.addi %mul3A_885, %add3A_927 : i32
      %get3A_929 = arith.index_cast %add3A_928 : i32 to index
      %get3A_930 = tpu.vector_load %arg4[%get3A_929] {strides = array<i32>} : memref<16000xf32, #tpu.memory_space<vmem>>, vector<16xf32>,
      %get3A_931 = vector.shape_cast %get3A_930 : vector<16xf32> to vector<16xf32>
      %add3A_932 = arith.addf %scan3A_883, %get3A_931 : vector<16xf32>
      scf.yield %add3A_890, %add3A_896, %add3A_902, %add3A_908, %add3A_914, %add3A_920, %add3A_926, %add3A_932 : vector<16xf32>, vector<16xf32>, vector<16xf32>, vector<16xf32>, vector<16xf32>, vector<16xf32>, vector<16xf32>, vector<16xf32>
    }
    %scan3A_130 = arith.constant 125 : i32
    %dma_start3A_131 = arith.constant 128000 : i32
    %dma_start3A_132 = tpu.memref_slice %arg2[%add3A, %dma_start3A_131] : memref<32x1600000xf32, #tpu.memory_space<hbm>> -> memref<1x16000xf32, #tpu.memory_space<hbm>>
    %dma_start3A_133 = tpu.memref_squeeze %dma_start3A_132 : memref<1x16000xf32, #tpu.memory_space<hbm>> -> memref<16000xf32, #tpu.memory_space<hbm>>
    %dma_start3A_134 = arith.constant 128000 : i32
    %dma_start3A_135 = tpu.memref_slice %arg2[%add3A, %dma_start3A_134] : memref<32x1600000xf32, #tpu.memory_space<hbm>> -> memref<1x16000xf32, #tpu.memory_space<hbm>>
    %dma_start3A_136 = tpu.memref_squeeze %dma_start3A_135 : memref<1x16000xf32, #tpu.memory_space<hbm>> -> memref<16000xf32, #tpu.memory_space<hbm>>
    tpu.enqueue_dma source(%dma_start3A_136 : memref<16000xf32, #tpu.memory_space<hbm>>) target(%arg4 : memref<16000xf32, #tpu.memory_space<vmem>>) target_semaphore(%arg7 : memref<!tpu.dma_semaphore, #tpu.memory_space<semaphore_mem>>)
    %dma_wait3A_137 = arith.constant 112000 : i32
    %dma_wait3A_138 = tpu.memref_slice %arg2[%add3A, %dma_wait3A_137] : memref<32x1600000xf32, #tpu.memory_space<hbm>> -> memref<1x16000xf32, #tpu.memory_space<hbm>>
    %dma_wait3A_139 = tpu.memref_squeeze %dma_wait3A_138 : memref<1x16000xf32, #tpu.memory_space<hbm>> -> memref<16000xf32, #tpu.memory_space<hbm>>
    %dma_wait3A_140 = arith.constant 112000 : i32
    %dma_wait3A_141 = tpu.memref_slice %arg2[%add3A, %dma_wait3A_140] : memref<32x1600000xf32, #tpu.memory_space<hbm>> -> memref<1x16000xf32, #tpu.memory_space<hbm>>
    %dma_wait3A_142 = tpu.memref_squeeze %dma_wait3A_141 : memref<1x16000xf32, #tpu.memory_space<hbm>> -> memref<16000xf32, #tpu.memory_space<hbm>>
    tpu.wait_dma2 semaphore(%arg8 : memref<!tpu.dma_semaphore, #tpu.memory_space<semaphore_mem>>) src(%dma_wait3A_142 : memref<16000xf32, #tpu.memory_space<hbm>>) dst(%arg5 : memref<16000xf32, #tpu.memory_space<vmem>>)
    %scan3A_143 = arith.constant 0 : i32
    %scan3A_144 = arith.constant 125 : i32
    %scan3A_145 = arith.addi %scan3A_143, %scan3A_144 : i32
    %scan3A_146 = arith.constant 1 : i32
    %scan3A_147:8 = scf.for %scan3A_875 = %scan3A_143 to %scan3A_145 step %scan3A_146 iter_args(%scan3A_876 = %scan3A_129#0, %scan3A_877 = %scan3A_129#1, %scan3A_878 = %scan3A_129#2, %scan3A_879 = %scan3A_129#3, %scan3A_880 = %scan3A_129#4, %scan3A_881 = %scan3A_129#5, %scan3A_882 = %scan3A_129#6, %scan3A_883 = %scan3A_129#7) -> (vector<16xf32>, vector<16xf32>, vector<16xf32>, vector<16xf32>, vector<16xf32>, vector<16xf32>, vector<16xf32>, vector<16xf32>)  : i32 {
      %mul3A_884 = arith.constant 128 : i32
      %mul3A_885 = arith.muli %scan3A_875, %mul3A_884 : i32
      %add3A_886 = arith.constant 0 : i32
      %add3A_887 = arith.addi %mul3A_885, %add3A_886 : i32
      %get3A = arith.index_cast %add3A_887 : i32 to index
      %get3A_888 = tpu.vector_load %arg5[%get3A] {strides = array<i32>} : memref<16000xf32, #tpu.memory_space<vmem>>, vector<16xf32>,
      %get3A_889 = vector.shape_cast %get3A_888 : vector<16xf32> to vector<16xf32>
      %add3A_890 = arith.addf %scan3A_876, %get3A_889 : vector<16xf32>
      %add3A_891 = arith.constant 16 : i32
      %add3A_892 = arith.addi %mul3A_885, %add3A_891 : i32
      %get3A_893 = arith.index_cast %add3A_892 : i32 to index
      %get3A_894 = tpu.vector_load %arg5[%get3A_893] {strides = array<i32>} : memref<16000xf32, #tpu.memory_space<vmem>>, vector<16xf32>,
      %get3A_895 = vector.shape_cast %get3A_894 : vector<16xf32> to vector<16xf32>
      %add3A_896 = arith.addf %scan3A_877, %get3A_895 : vector<16xf32>
      %add3A_897 = arith.constant 32 : i32
      %add3A_898 = arith.addi %mul3A_885, %add3A_897 : i32
      %get3A_899 = arith.index_cast %add3A_898 : i32 to index
      %get3A_900 = tpu.vector_load %arg5[%get3A_899] {strides = array<i32>} : memref<16000xf32, #tpu.memory_space<vmem>>, vector<16xf32>,
      %get3A_901 = vector.shape_cast %get3A_900 : vector<16xf32> to vector<16xf32>
      %add3A_902 = arith.addf %scan3A_878, %get3A_901 : vector<16xf32>
      %add3A_903 = arith.constant 48 : i32
      %add3A_904 = arith.addi %mul3A_885, %add3A_903 : i32
      %get3A_905 = arith.index_cast %add3A_904 : i32 to index
      %get3A_906 = tpu.vector_load %arg5[%get3A_905] {strides = array<i32>} : memref<16000xf32, #tpu.memory_space<vmem>>, vector<16xf32>,
      %get3A_907 = vector.shape_cast %get3A_906 : vector<16xf32> to vector<16xf32>
      %add3A_908 = arith.addf %scan3A_879, %get3A_907 : vector<16xf32>
      %add3A_909 = arith.constant 64 : i32
      %add3A_910 = arith.addi %mul3A_885, %add3A_909 : i32
      %get3A_911 = arith.index_cast %add3A_910 : i32 to index
      %get3A_912 = tpu.vector_load %arg5[%get3A_911] {strides = array<i32>} : memref<16000xf32, #tpu.memory_space<vmem>>, vector<16xf32>,
      %get3A_913 = vector.shape_cast %get3A_912 : vector<16xf32> to vector<16xf32>
      %add3A_914 = arith.addf %scan3A_880, %get3A_913 : vector<16xf32>
      %add3A_915 = arith.constant 80 : i32
      %add3A_916 = arith.addi %mul3A_885, %add3A_915 : i32
      %get3A_917 = arith.index_cast %add3A_916 : i32 to index
      %get3A_918 = tpu.vector_load %arg5[%get3A_917] {strides = array<i32>} : memref<16000xf32, #tpu.memory_space<vmem>>, vector<16xf32>,
      %get3A_919 = vector.shape_cast %get3A_918 : vector<16xf32> to vector<16xf32>
      %add3A_920 = arith.addf %scan3A_881, %get3A_919 : vector<16xf32>
      %add3A_921 = arith.constant 96 : i32
      %add3A_922 = arith.addi %mul3A_885, %add3A_921 : i32
      %get3A_923 = arith.index_cast %add3A_922 : i32 to index
      %get3A_924 = tpu.vector_load %arg5[%get3A_923] {strides = array<i32>} : memref<16000xf32, #tpu.memory_space<vmem>>, vector<16xf32>,
      %get3A_925 = vector.shape_cast %get3A_924 : vector<16xf32> to vector<16xf32>
      %add3A_926 = arith.addf %scan3A_882, %get3A_925 : vector<16xf32>
      %add3A_927 = arith.constant 112 : i32
      %add3A_928 = arith.addi %mul3A_885, %add3A_927 : i32
      %get3A_929 = arith.index_cast %add3A_928 : i32 to index
      %get3A_930 = tpu.vector_load %arg5[%get3A_929] {strides = array<i32>} : memref<16000xf32, #tpu.memory_space<vmem>>, vector<16xf32>,
      %get3A_931 = vector.shape_cast %get3A_930 : vector<16xf32> to vector<16xf32>
      %add3A_932 = arith.addf %scan3A_883, %get3A_931 : vector<16xf32>
      scf.yield %add3A_890, %add3A_896, %add3A_902, %add3A_908, %add3A_914, %add3A_920, %add3A_926, %add3A_932 : vector<16xf32>, vector<16xf32>, vector<16xf32>, vector<16xf32>, vector<16xf32>, vector<16xf32>, vector<16xf32>, vector<16xf32>
    }
    %scan3A_148 = arith.constant 125 : i32
    %dma_start3A_149 = arith.constant 144000 : i32
    %dma_start3A_150 = tpu.memref_slice %arg2[%add3A, %dma_start3A_149] : memref<32x1600000xf32, #tpu.memory_space<hbm>> -> memref<1x16000xf32, #tpu.memory_space<hbm>>
    %dma_start3A_151 = tpu.memref_squeeze %dma_start3A_150 : memref<1x16000xf32, #tpu.memory_space<hbm>> -> memref<16000xf32, #tpu.memory_space<hbm>>
    %dma_start3A_152 = arith.constant 144000 : i32
    %dma_start3A_153 = tpu.memref_slice %arg2[%add3A, %dma_start3A_152] : memref<32x1600000xf32, #tpu.memory_space<hbm>> -> memref<1x16000xf32, #tpu.memory_space<hbm>>
    %dma_start3A_154 = tpu.memref_squeeze %dma_start3A_153 : memref<1x16000xf32, #tpu.memory_space<hbm>> -> memref<16000xf32, #tpu.memory_space<hbm>>
    tpu.enqueue_dma source(%dma_start3A_154 : memref<16000xf32, #tpu.memory_space<hbm>>) target(%arg5 : memref<16000xf32, #tpu.memory_space<vmem>>) target_semaphore(%arg8 : memref<!tpu.dma_semaphore, #tpu.memory_space<semaphore_mem>>)
    %dma_wait3A_155 = arith.constant 128000 : i32
    %dma_wait3A_156 = tpu.memref_slice %arg2[%add3A, %dma_wait3A_155] : memref<32x1600000xf32, #tpu.memory_space<hbm>> -> memref<1x16000xf32, #tpu.memory_space<hbm>>
    %dma_wait3A_157 = tpu.memref_squeeze %dma_wait3A_156 : memref<1x16000xf32, #tpu.memory_space<hbm>> -> memref<16000xf32, #tpu.memory_space<hbm>>
    %dma_wait3A_158 = arith.constant 128000 : i32
    %dma_wait3A_159 = tpu.memref_slice %arg2[%add3A, %dma_wait3A_158] : memref<32x1600000xf32, #tpu.memory_space<hbm>> -> memref<1x16000xf32, #tpu.memory_space<hbm>>
    %dma_wait3A_160 = tpu.memref_squeeze %dma_wait3A_159 : memref<1x16000xf32, #tpu.memory_space<hbm>> -> memref<16000xf32, #tpu.memory_space<hbm>>
    tpu.wait_dma2 semaphore(%arg7 : memref<!tpu.dma_semaphore, #tpu.memory_space<semaphore_mem>>) src(%dma_wait3A_160 : memref<16000xf32, #tpu.memory_space<hbm>>) dst(%arg4 : memref<16000xf32, #tpu.memory_space<vmem>>)
    %scan3A_161 = arith.constant 0 : i32
    %scan3A_162 = arith.constant 125 : i32
    %scan3A_163 = arith.addi %scan3A_161, %scan3A_162 : i32
    %scan3A_164 = arith.constant 1 : i32
    %scan3A_165:8 = scf.for %scan3A_875 = %scan3A_161 to %scan3A_163 step %scan3A_164 iter_args(%scan3A_876 = %scan3A_147#0, %scan3A_877 = %scan3A_147#1, %scan3A_878 = %scan3A_147#2, %scan3A_879 = %scan3A_147#3, %scan3A_880 = %scan3A_147#4, %scan3A_881 = %scan3A_147#5, %scan3A_882 = %scan3A_147#6, %scan3A_883 = %scan3A_147#7) -> (vector<16xf32>, vector<16xf32>, vector<16xf32>, vector<16xf32>, vector<16xf32>, vector<16xf32>, vector<16xf32>, vector<16xf32>)  : i32 {
      %mul3A_884 = arith.constant 128 : i32
      %mul3A_885 = arith.muli %scan3A_875, %mul3A_884 : i32
      %add3A_886 = arith.constant 0 : i32
      %add3A_887 = arith.addi %mul3A_885, %add3A_886 : i32
      %get3A = arith.index_cast %add3A_887 : i32 to index
      %get3A_888 = tpu.vector_load %arg4[%get3A] {strides = array<i32>} : memref<16000xf32, #tpu.memory_space<vmem>>, vector<16xf32>,
      %get3A_889 = vector.shape_cast %get3A_888 : vector<16xf32> to vector<16xf32>
      %add3A_890 = arith.addf %scan3A_876, %get3A_889 : vector<16xf32>
      %add3A_891 = arith.constant 16 : i32
      %add3A_892 = arith.addi %mul3A_885, %add3A_891 : i32
      %get3A_893 = arith.index_cast %add3A_892 : i32 to index
      %get3A_894 = tpu.vector_load %arg4[%get3A_893] {strides = array<i32>} : memref<16000xf32, #tpu.memory_space<vmem>>, vector<16xf32>,
      %get3A_895 = vector.shape_cast %get3A_894 : vector<16xf32> to vector<16xf32>
      %add3A_896 = arith.addf %scan3A_877, %get3A_895 : vector<16xf32>
      %add3A_897 = arith.constant 32 : i32
      %add3A_898 = arith.addi %mul3A_885, %add3A_897 : i32
      %get3A_899 = arith.index_cast %add3A_898 : i32 to index
      %get3A_900 = tpu.vector_load %arg4[%get3A_899] {strides = array<i32>} : memref<16000xf32, #tpu.memory_space<vmem>>, vector<16xf32>,
      %get3A_901 = vector.shape_cast %get3A_900 : vector<16xf32> to vector<16xf32>
      %add3A_902 = arith.addf %scan3A_878, %get3A_901 : vector<16xf32>
      %add3A_903 = arith.constant 48 : i32
      %add3A_904 = arith.addi %mul3A_885, %add3A_903 : i32
      %get3A_905 = arith.index_cast %add3A_904 : i32 to index
      %get3A_906 = tpu.vector_load %arg4[%get3A_905] {strides = array<i32>} : memref<16000xf32, #tpu.memory_space<vmem>>, vector<16xf32>,
      %get3A_907 = vector.shape_cast %get3A_906 : vector<16xf32> to vector<16xf32>
      %add3A_908 = arith.addf %scan3A_879, %get3A_907 : vector<16xf32>
      %add3A_909 = arith.constant 64 : i32
      %add3A_910 = arith.addi %mul3A_885, %add3A_909 : i32
      %get3A_911 = arith.index_cast %add3A_910 : i32 to index
      %get3A_912 = tpu.vector_load %arg4[%get3A_911] {strides = array<i32>} : memref<16000xf32, #tpu.memory_space<vmem>>, vector<16xf32>,
      %get3A_913 = vector.shape_cast %get3A_912 : vector<16xf32> to vector<16xf32>
      %add3A_914 = arith.addf %scan3A_880, %get3A_913 : vector<16xf32>
      %add3A_915 = arith.constant 80 : i32
      %add3A_916 = arith.addi %mul3A_885, %add3A_915 : i32
      %get3A_917 = arith.index_cast %add3A_916 : i32 to index
      %get3A_918 = tpu.vector_load %arg4[%get3A_917] {strides = array<i32>} : memref<16000xf32, #tpu.memory_space<vmem>>, vector<16xf32>,
      %get3A_919 = vector.shape_cast %get3A_918 : vector<16xf32> to vector<16xf32>
      %add3A_920 = arith.addf %scan3A_881, %get3A_919 : vector<16xf32>
      %add3A_921 = arith.constant 96 : i32
      %add3A_922 = arith.addi %mul3A_885, %add3A_921 : i32
      %get3A_923 = arith.index_cast %add3A_922 : i32 to index
      %get3A_924 = tpu.vector_load %arg4[%get3A_923] {strides = array<i32>} : memref<16000xf32, #tpu.memory_space<vmem>>, vector<16xf32>,
      %get3A_925 = vector.shape_cast %get3A_924 : vector<16xf32> to vector<16xf32>
      %add3A_926 = arith.addf %scan3A_882, %get3A_925 : vector<16xf32>
      %add3A_927 = arith.constant 112 : i32
      %add3A_928 = arith.addi %mul3A_885, %add3A_927 : i32
      %get3A_929 = arith.index_cast %add3A_928 : i32 to index
      %get3A_930 = tpu.vector_load %arg4[%get3A_929] {strides = array<i32>} : memref<16000xf32, #tpu.memory_space<vmem>>, vector<16xf32>,
      %get3A_931 = vector.shape_cast %get3A_930 : vector<16xf32> to vector<16xf32>
      %add3A_932 = arith.addf %scan3A_883, %get3A_931 : vector<16xf32>
      scf.yield %add3A_890, %add3A_896, %add3A_902, %add3A_908, %add3A_914, %add3A_920, %add3A_926, %add3A_932 : vector<16xf32>, vector<16xf32>, vector<16xf32>, vector<16xf32>, vector<16xf32>, vector<16xf32>, vector<16xf32>, vector<16xf32>
    }
    %scan3A_166 = arith.constant 125 : i32
    %dma_start3A_167 = arith.constant 160000 : i32
    %dma_start3A_168 = tpu.memref_slice %arg2[%add3A, %dma_start3A_167] : memref<32x1600000xf32, #tpu.memory_space<hbm>> -> memref<1x16000xf32, #tpu.memory_space<hbm>>
    %dma_start3A_169 = tpu.memref_squeeze %dma_start3A_168 : memref<1x16000xf32, #tpu.memory_space<hbm>> -> memref<16000xf32, #tpu.memory_space<hbm>>
    %dma_start3A_170 = arith.constant 160000 : i32
    %dma_start3A_171 = tpu.memref_slice %arg2[%add3A, %dma_start3A_170] : memref<32x1600000xf32, #tpu.memory_space<hbm>> -> memref<1x16000xf32, #tpu.memory_space<hbm>>
    %dma_start3A_172 = tpu.memref_squeeze %dma_start3A_171 : memref<1x16000xf32, #tpu.memory_space<hbm>> -> memref<16000xf32, #tpu.memory_space<hbm>>
    tpu.enqueue_dma source(%dma_start3A_172 : memref<16000xf32, #tpu.memory_space<hbm>>) target(%arg4 : memref<16000xf32, #tpu.memory_space<vmem>>) target_semaphore(%arg7 : memref<!tpu.dma_semaphore, #tpu.memory_space<semaphore_mem>>)
    %dma_wait3A_173 = arith.constant 144000 : i32
    %dma_wait3A_174 = tpu.memref_slice %arg2[%add3A, %dma_wait3A_173] : memref<32x1600000xf32, #tpu.memory_space<hbm>> -> memref<1x16000xf32, #tpu.memory_space<hbm>>
    %dma_wait3A_175 = tpu.memref_squeeze %dma_wait3A_174 : memref<1x16000xf32, #tpu.memory_space<hbm>> -> memref<16000xf32, #tpu.memory_space<hbm>>
    %dma_wait3A_176 = arith.constant 144000 : i32
    %dma_wait3A_177 = tpu.memref_slice %arg2[%add3A, %dma_wait3A_176] : memref<32x1600000xf32, #tpu.memory_space<hbm>> -> memref<1x16000xf32, #tpu.memory_space<hbm>>
    %dma_wait3A_178 = tpu.memref_squeeze %dma_wait3A_177 : memref<1x16000xf32, #tpu.memory_space<hbm>> -> memref<16000xf32, #tpu.memory_space<hbm>>
    tpu.wait_dma2 semaphore(%arg8 : memref<!tpu.dma_semaphore, #tpu.memory_space<semaphore_mem>>) src(%dma_wait3A_178 : memref<16000xf32, #tpu.memory_space<hbm>>) dst(%arg5 : memref<16000xf32, #tpu.memory_space<vmem>>)
    %scan3A_179 = arith.constant 0 : i32
    %scan3A_180 = arith.constant 125 : i32
    %scan3A_181 = arith.addi %scan3A_179, %scan3A_180 : i32
    %scan3A_182 = arith.constant 1 : i32
    %scan3A_183:8 = scf.for %scan3A_875 = %scan3A_179 to %scan3A_181 step %scan3A_182 iter_args(%scan3A_876 = %scan3A_165#0, %scan3A_877 = %scan3A_165#1, %scan3A_878 = %scan3A_165#2, %scan3A_879 = %scan3A_165#3, %scan3A_880 = %scan3A_165#4, %scan3A_881 = %scan3A_165#5, %scan3A_882 = %scan3A_165#6, %scan3A_883 = %scan3A_165#7) -> (vector<16xf32>, vector<16xf32>, vector<16xf32>, vector<16xf32>, vector<16xf32>, vector<16xf32>, vector<16xf32>, vector<16xf32>)  : i32 {
      %mul3A_884 = arith.constant 128 : i32
      %mul3A_885 = arith.muli %scan3A_875, %mul3A_884 : i32
      %add3A_886 = arith.constant 0 : i32
      %add3A_887 = arith.addi %mul3A_885, %add3A_886 : i32
      %get3A = arith.index_cast %add3A_887 : i32 to index
      %get3A_888 = tpu.vector_load %arg5[%get3A] {strides = array<i32>} : memref<16000xf32, #tpu.memory_space<vmem>>, vector<16xf32>,
      %get3A_889 = vector.shape_cast %get3A_888 : vector<16xf32> to vector<16xf32>
      %add3A_890 = arith.addf %scan3A_876, %get3A_889 : vector<16xf32>
      %add3A_891 = arith.constant 16 : i32
      %add3A_892 = arith.addi %mul3A_885, %add3A_891 : i32
      %get3A_893 = arith.index_cast %add3A_892 : i32 to index
      %get3A_894 = tpu.vector_load %arg5[%get3A_893] {strides = array<i32>} : memref<16000xf32, #tpu.memory_space<vmem>>, vector<16xf32>,
      %get3A_895 = vector.shape_cast %get3A_894 : vector<16xf32> to vector<16xf32>
      %add3A_896 = arith.addf %scan3A_877, %get3A_895 : vector<16xf32>
      %add3A_897 = arith.constant 32 : i32
      %add3A_898 = arith.addi %mul3A_885, %add3A_897 : i32
      %get3A_899 = arith.index_cast %add3A_898 : i32 to index
      %get3A_900 = tpu.vector_load %arg5[%get3A_899] {strides = array<i32>} : memref<16000xf32, #tpu.memory_space<vmem>>, vector<16xf32>,
      %get3A_901 = vector.shape_cast %get3A_900 : vector<16xf32> to vector<16xf32>
      %add3A_902 = arith.addf %scan3A_878, %get3A_901 : vector<16xf32>
      %add3A_903 = arith.constant 48 : i32
      %add3A_904 = arith.addi %mul3A_885, %add3A_903 : i32
      %get3A_905 = arith.index_cast %add3A_904 : i32 to index
      %get3A_906 = tpu.vector_load %arg5[%get3A_905] {strides = array<i32>} : memref<16000xf32, #tpu.memory_space<vmem>>, vector<16xf32>,
      %get3A_907 = vector.shape_cast %get3A_906 : vector<16xf32> to vector<16xf32>
      %add3A_908 = arith.addf %scan3A_879, %get3A_907 : vector<16xf32>
      %add3A_909 = arith.constant 64 : i32
      %add3A_910 = arith.addi %mul3A_885, %add3A_909 : i32
      %get3A_911 = arith.index_cast %add3A_910 : i32 to index
      %get3A_912 = tpu.vector_load %arg5[%get3A_911] {strides = array<i32>} : memref<16000xf32, #tpu.memory_space<vmem>>, vector<16xf32>,
      %get3A_913 = vector.shape_cast %get3A_912 : vector<16xf32> to vector<16xf32>
      %add3A_914 = arith.addf %scan3A_880, %get3A_913 : vector<16xf32>
      %add3A_915 = arith.constant 80 : i32
      %add3A_916 = arith.addi %mul3A_885, %add3A_915 : i32
      %get3A_917 = arith.index_cast %add3A_916 : i32 to index
      %get3A_918 = tpu.vector_load %arg5[%get3A_917] {strides = array<i32>} : memref<16000xf32, #tpu.memory_space<vmem>>, vector<16xf32>,
      %get3A_919 = vector.shape_cast %get3A_918 : vector<16xf32> to vector<16xf32>
      %add3A_920 = arith.addf %scan3A_881, %get3A_919 : vector<16xf32>
      %add3A_921 = arith.constant 96 : i32
      %add3A_922 = arith.addi %mul3A_885, %add3A_921 : i32
      %get3A_923 = arith.index_cast %add3A_922 : i32 to index
      %get3A_924 = tpu.vector_load %arg5[%get3A_923] {strides = array<i32>} : memref<16000xf32, #tpu.memory_space<vmem>>, vector<16xf32>,
      %get3A_925 = vector.shape_cast %get3A_924 : vector<16xf32> to vector<16xf32>
      %add3A_926 = arith.addf %scan3A_882, %get3A_925 : vector<16xf32>
      %add3A_927 = arith.constant 112 : i32
      %add3A_928 = arith.addi %mul3A_885, %add3A_927 : i32
      %get3A_929 = arith.index_cast %add3A_928 : i32 to index
      %get3A_930 = tpu.vector_load %arg5[%get3A_929] {strides = array<i32>} : memref<16000xf32, #tpu.memory_space<vmem>>, vector<16xf32>,
      %get3A_931 = vector.shape_cast %get3A_930 : vector<16xf32> to vector<16xf32>
      %add3A_932 = arith.addf %scan3A_883, %get3A_931 : vector<16xf32>
      scf.yield %add3A_890, %add3A_896, %add3A_902, %add3A_908, %add3A_914, %add3A_920, %add3A_926, %add3A_932 : vector<16xf32>, vector<16xf32>, vector<16xf32>, vector<16xf32>, vector<16xf32>, vector<16xf32>, vector<16xf32>, vector<16xf32>
    }
    %scan3A_184 = arith.constant 125 : i32
    %dma_start3A_185 = arith.constant 176000 : i32
    %dma_start3A_186 = tpu.memref_slice %arg2[%add3A, %dma_start3A_185] : memref<32x1600000xf32, #tpu.memory_space<hbm>> -> memref<1x16000xf32, #tpu.memory_space<hbm>>
    %dma_start3A_187 = tpu.memref_squeeze %dma_start3A_186 : memref<1x16000xf32, #tpu.memory_space<hbm>> -> memref<16000xf32, #tpu.memory_space<hbm>>
    %dma_start3A_188 = arith.constant 176000 : i32
    %dma_start3A_189 = tpu.memref_slice %arg2[%add3A, %dma_start3A_188] : memref<32x1600000xf32, #tpu.memory_space<hbm>> -> memref<1x16000xf32, #tpu.memory_space<hbm>>
    %dma_start3A_190 = tpu.memref_squeeze %dma_start3A_189 : memref<1x16000xf32, #tpu.memory_space<hbm>> -> memref<16000xf32, #tpu.memory_space<hbm>>
    tpu.enqueue_dma source(%dma_start3A_190 : memref<16000xf32, #tpu.memory_space<hbm>>) target(%arg5 : memref<16000xf32, #tpu.memory_space<vmem>>) target_semaphore(%arg8 : memref<!tpu.dma_semaphore, #tpu.memory_space<semaphore_mem>>)
    %dma_wait3A_191 = arith.constant 160000 : i32
    %dma_wait3A_192 = tpu.memref_slice %arg2[%add3A, %dma_wait3A_191] : memref<32x1600000xf32, #tpu.memory_space<hbm>> -> memref<1x16000xf32, #tpu.memory_space<hbm>>
    %dma_wait3A_193 = tpu.memref_squeeze %dma_wait3A_192 : memref<1x16000xf32, #tpu.memory_space<hbm>> -> memref<16000xf32, #tpu.memory_space<hbm>>
    %dma_wait3A_194 = arith.constant 160000 : i32
    %dma_wait3A_195 = tpu.memref_slice %arg2[%add3A, %dma_wait3A_194] : memref<32x1600000xf32, #tpu.memory_space<hbm>> -> memref<1x16000xf32, #tpu.memory_space<hbm>>
    %dma_wait3A_196 = tpu.memref_squeeze %dma_wait3A_195 : memref<1x16000xf32, #tpu.memory_space<hbm>> -> memref<16000xf32, #tpu.memory_space<hbm>>
    tpu.wait_dma2 semaphore(%arg7 : memref<!tpu.dma_semaphore, #tpu.memory_space<semaphore_mem>>) src(%dma_wait3A_196 : memref<16000xf32, #tpu.memory_space<hbm>>) dst(%arg4 : memref<16000xf32, #tpu.memory_space<vmem>>)
    %scan3A_197 = arith.constant 0 : i32
    %scan3A_198 = arith.constant 125 : i32
    %scan3A_199 = arith.addi %scan3A_197, %scan3A_198 : i32
    %scan3A_200 = arith.constant 1 : i32
    %scan3A_201:8 = scf.for %scan3A_875 = %scan3A_197 to %scan3A_199 step %scan3A_200 iter_args(%scan3A_876 = %scan3A_183#0, %scan3A_877 = %scan3A_183#1, %scan3A_878 = %scan3A_183#2, %scan3A_879 = %scan3A_183#3, %scan3A_880 = %scan3A_183#4, %scan3A_881 = %scan3A_183#5, %scan3A_882 = %scan3A_183#6, %scan3A_883 = %scan3A_183#7) -> (vector<16xf32>, vector<16xf32>, vector<16xf32>, vector<16xf32>, vector<16xf32>, vector<16xf32>, vector<16xf32>, vector<16xf32>)  : i32 {
      %mul3A_884 = arith.constant 128 : i32
      %mul3A_885 = arith.muli %scan3A_875, %mul3A_884 : i32
      %add3A_886 = arith.constant 0 : i32
      %add3A_887 = arith.addi %mul3A_885, %add3A_886 : i32
      %get3A = arith.index_cast %add3A_887 : i32 to index
      %get3A_888 = tpu.vector_load %arg4[%get3A] {strides = array<i32>} : memref<16000xf32, #tpu.memory_space<vmem>>, vector<16xf32>,
      %get3A_889 = vector.shape_cast %get3A_888 : vector<16xf32> to vector<16xf32>
      %add3A_890 = arith.addf %scan3A_876, %get3A_889 : vector<16xf32>
      %add3A_891 = arith.constant 16 : i32
      %add3A_892 = arith.addi %mul3A_885, %add3A_891 : i32
      %get3A_893 = arith.index_cast %add3A_892 : i32 to index
      %get3A_894 = tpu.vector_load %arg4[%get3A_893] {strides = array<i32>} : memref<16000xf32, #tpu.memory_space<vmem>>, vector<16xf32>,
      %get3A_895 = vector.shape_cast %get3A_894 : vector<16xf32> to vector<16xf32>
      %add3A_896 = arith.addf %scan3A_877, %get3A_895 : vector<16xf32>
      %add3A_897 = arith.constant 32 : i32
      %add3A_898 = arith.addi %mul3A_885, %add3A_897 : i32
      %get3A_899 = arith.index_cast %add3A_898 : i32 to index
      %get3A_900 = tpu.vector_load %arg4[%get3A_899] {strides = array<i32>} : memref<16000xf32, #tpu.memory_space<vmem>>, vector<16xf32>,
      %get3A_901 = vector.shape_cast %get3A_900 : vector<16xf32> to vector<16xf32>
      %add3A_902 = arith.addf %scan3A_878, %get3A_901 : vector<16xf32>
      %add3A_903 = arith.constant 48 : i32
      %add3A_904 = arith.addi %mul3A_885, %add3A_903 : i32
      %get3A_905 = arith.index_cast %add3A_904 : i32 to index
      %get3A_906 = tpu.vector_load %arg4[%get3A_905] {strides = array<i32>} : memref<16000xf32, #tpu.memory_space<vmem>>, vector<16xf32>,
      %get3A_907 = vector.shape_cast %get3A_906 : vector<16xf32> to vector<16xf32>
      %add3A_908 = arith.addf %scan3A_879, %get3A_907 : vector<16xf32>
      %add3A_909 = arith.constant 64 : i32
      %add3A_910 = arith.addi %mul3A_885, %add3A_909 : i32
      %get3A_911 = arith.index_cast %add3A_910 : i32 to index
      %get3A_912 = tpu.vector_load %arg4[%get3A_911] {strides = array<i32>} : memref<16000xf32, #tpu.memory_space<vmem>>, vector<16xf32>,
      %get3A_913 = vector.shape_cast %get3A_912 : vector<16xf32> to vector<16xf32>
      %add3A_914 = arith.addf %scan3A_880, %get3A_913 : vector<16xf32>
      %add3A_915 = arith.constant 80 : i32
      %add3A_916 = arith.addi %mul3A_885, %add3A_915 : i32
      %get3A_917 = arith.index_cast %add3A_916 : i32 to index
      %get3A_918 = tpu.vector_load %arg4[%get3A_917] {strides = array<i32>} : memref<16000xf32, #tpu.memory_space<vmem>>, vector<16xf32>,
      %get3A_919 = vector.shape_cast %get3A_918 : vector<16xf32> to vector<16xf32>
      %add3A_920 = arith.addf %scan3A_881, %get3A_919 : vector<16xf32>
      %add3A_921 = arith.constant 96 : i32
      %add3A_922 = arith.addi %mul3A_885, %add3A_921 : i32
      %get3A_923 = arith.index_cast %add3A_922 : i32 to index
      %get3A_924 = tpu.vector_load %arg4[%get3A_923] {strides = array<i32>} : memref<16000xf32, #tpu.memory_space<vmem>>, vector<16xf32>,
      %get3A_925 = vector.shape_cast %get3A_924 : vector<16xf32> to vector<16xf32>
      %add3A_926 = arith.addf %scan3A_882, %get3A_925 : vector<16xf32>
      %add3A_927 = arith.constant 112 : i32
      %add3A_928 = arith.addi %mul3A_885, %add3A_927 : i32
      %get3A_929 = arith.index_cast %add3A_928 : i32 to index
      %get3A_930 = tpu.vector_load %arg4[%get3A_929] {strides = array<i32>} : memref<16000xf32, #tpu.memory_space<vmem>>, vector<16xf32>,
      %get3A_931 = vector.shape_cast %get3A_930 : vector<16xf32> to vector<16xf32>
      %add3A_932 = arith.addf %scan3A_883, %get3A_931 : vector<16xf32>
      scf.yield %add3A_890, %add3A_896, %add3A_902, %add3A_908, %add3A_914, %add3A_920, %add3A_926, %add3A_932 : vector<16xf32>, vector<16xf32>, vector<16xf32>, vector<16xf32>, vector<16xf32>, vector<16xf32>, vector<16xf32>, vector<16xf32>
    }
    %scan3A_202 = arith.constant 125 : i32
    %dma_start3A_203 = arith.constant 192000 : i32
    %dma_start3A_204 = tpu.memref_slice %arg2[%add3A, %dma_start3A_203] : memref<32x1600000xf32, #tpu.memory_space<hbm>> -> memref<1x16000xf32, #tpu.memory_space<hbm>>
    %dma_start3A_205 = tpu.memref_squeeze %dma_start3A_204 : memref<1x16000xf32, #tpu.memory_space<hbm>> -> memref<16000xf32, #tpu.memory_space<hbm>>
    %dma_start3A_206 = arith.constant 192000 : i32
    %dma_start3A_207 = tpu.memref_slice %arg2[%add3A, %dma_start3A_206] : memref<32x1600000xf32, #tpu.memory_space<hbm>> -> memref<1x16000xf32, #tpu.memory_space<hbm>>
    %dma_start3A_208 = tpu.memref_squeeze %dma_start3A_207 : memref<1x16000xf32, #tpu.memory_space<hbm>> -> memref<16000xf32, #tpu.memory_space<hbm>>
    tpu.enqueue_dma source(%dma_start3A_208 : memref<16000xf32, #tpu.memory_space<hbm>>) target(%arg4 : memref<16000xf32, #tpu.memory_space<vmem>>) target_semaphore(%arg7 : memref<!tpu.dma_semaphore, #tpu.memory_space<semaphore_mem>>)
    %dma_wait3A_209 = arith.constant 176000 : i32
    %dma_wait3A_210 = tpu.memref_slice %arg2[%add3A, %dma_wait3A_209] : memref<32x1600000xf32, #tpu.memory_space<hbm>> -> memref<1x16000xf32, #tpu.memory_space<hbm>>
    %dma_wait3A_211 = tpu.memref_squeeze %dma_wait3A_210 : memref<1x16000xf32, #tpu.memory_space<hbm>> -> memref<16000xf32, #tpu.memory_space<hbm>>
    %dma_wait3A_212 = arith.constant 176000 : i32
    %dma_wait3A_213 = tpu.memref_slice %arg2[%add3A, %dma_wait3A_212] : memref<32x1600000xf32, #tpu.memory_space<hbm>> -> memref<1x16000xf32, #tpu.memory_space<hbm>>
    %dma_wait3A_214 = tpu.memref_squeeze %dma_wait3A_213 : memref<1x16000xf32, #tpu.memory_space<hbm>> -> memref<16000xf32, #tpu.memory_space<hbm>>
    tpu.wait_dma2 semaphore(%arg8 : memref<!tpu.dma_semaphore, #tpu.memory_space<semaphore_mem>>) src(%dma_wait3A_214 : memref<16000xf32, #tpu.memory_space<hbm>>) dst(%arg5 : memref<16000xf32, #tpu.memory_space<vmem>>)
    %scan3A_215 = arith.constant 0 : i32
    %scan3A_216 = arith.constant 125 : i32
    %scan3A_217 = arith.addi %scan3A_215, %scan3A_216 : i32
    %scan3A_218 = arith.constant 1 : i32
    %scan3A_219:8 = scf.for %scan3A_875 = %scan3A_215 to %scan3A_217 step %scan3A_218 iter_args(%scan3A_876 = %scan3A_201#0, %scan3A_877 = %scan3A_201#1, %scan3A_878 = %scan3A_201#2, %scan3A_879 = %scan3A_201#3, %scan3A_880 = %scan3A_201#4, %scan3A_881 = %scan3A_201#5, %scan3A_882 = %scan3A_201#6, %scan3A_883 = %scan3A_201#7) -> (vector<16xf32>, vector<16xf32>, vector<16xf32>, vector<16xf32>, vector<16xf32>, vector<16xf32>, vector<16xf32>, vector<16xf32>)  : i32 {
      %mul3A_884 = arith.constant 128 : i32
      %mul3A_885 = arith.muli %scan3A_875, %mul3A_884 : i32
      %add3A_886 = arith.constant 0 : i32
      %add3A_887 = arith.addi %mul3A_885, %add3A_886 : i32
      %get3A = arith.index_cast %add3A_887 : i32 to index
      %get3A_888 = tpu.vector_load %arg5[%get3A] {strides = array<i32>} : memref<16000xf32, #tpu.memory_space<vmem>>, vector<16xf32>,
      %get3A_889 = vector.shape_cast %get3A_888 : vector<16xf32> to vector<16xf32>
      %add3A_890 = arith.addf %scan3A_876, %get3A_889 : vector<16xf32>
      %add3A_891 = arith.constant 16 : i32
      %add3A_892 = arith.addi %mul3A_885, %add3A_891 : i32
      %get3A_893 = arith.index_cast %add3A_892 : i32 to index
      %get3A_894 = tpu.vector_load %arg5[%get3A_893] {strides = array<i32>} : memref<16000xf32, #tpu.memory_space<vmem>>, vector<16xf32>,
      %get3A_895 = vector.shape_cast %get3A_894 : vector<16xf32> to vector<16xf32>
      %add3A_896 = arith.addf %scan3A_877, %get3A_895 : vector<16xf32>
      %add3A_897 = arith.constant 32 : i32
      %add3A_898 = arith.addi %mul3A_885, %add3A_897 : i32
      %get3A_899 = arith.index_cast %add3A_898 : i32 to index
      %get3A_900 = tpu.vector_load %arg5[%get3A_899] {strides = array<i32>} : memref<16000xf32, #tpu.memory_space<vmem>>, vector<16xf32>,
      %get3A_901 = vector.shape_cast %get3A_900 : vector<16xf32> to vector<16xf32>
      %add3A_902 = arith.addf %scan3A_878, %get3A_901 : vector<16xf32>
      %add3A_903 = arith.constant 48 : i32
      %add3A_904 = arith.addi %mul3A_885, %add3A_903 : i32
      %get3A_905 = arith.index_cast %add3A_904 : i32 to index
      %get3A_906 = tpu.vector_load %arg5[%get3A_905] {strides = array<i32>} : memref<16000xf32, #tpu.memory_space<vmem>>, vector<16xf32>,
      %get3A_907 = vector.shape_cast %get3A_906 : vector<16xf32> to vector<16xf32>
      %add3A_908 = arith.addf %scan3A_879, %get3A_907 : vector<16xf32>
      %add3A_909 = arith.constant 64 : i32
      %add3A_910 = arith.addi %mul3A_885, %add3A_909 : i32
      %get3A_911 = arith.index_cast %add3A_910 : i32 to index
      %get3A_912 = tpu.vector_load %arg5[%get3A_911] {strides = array<i32>} : memref<16000xf32, #tpu.memory_space<vmem>>, vector<16xf32>,
      %get3A_913 = vector.shape_cast %get3A_912 : vector<16xf32> to vector<16xf32>
      %add3A_914 = arith.addf %scan3A_880, %get3A_913 : vector<16xf32>
      %add3A_915 = arith.constant 80 : i32
      %add3A_916 = arith.addi %mul3A_885, %add3A_915 : i32
      %get3A_917 = arith.index_cast %add3A_916 : i32 to index
      %get3A_918 = tpu.vector_load %arg5[%get3A_917] {strides = array<i32>} : memref<16000xf32, #tpu.memory_space<vmem>>, vector<16xf32>,
      %get3A_919 = vector.shape_cast %get3A_918 : vector<16xf32> to vector<16xf32>
      %add3A_920 = arith.addf %scan3A_881, %get3A_919 : vector<16xf32>
      %add3A_921 = arith.constant 96 : i32
      %add3A_922 = arith.addi %mul3A_885, %add3A_921 : i32
      %get3A_923 = arith.index_cast %add3A_922 : i32 to index
      %get3A_924 = tpu.vector_load %arg5[%get3A_923] {strides = array<i32>} : memref<16000xf32, #tpu.memory_space<vmem>>, vector<16xf32>,
      %get3A_925 = vector.shape_cast %get3A_924 : vector<16xf32> to vector<16xf32>
      %add3A_926 = arith.addf %scan3A_882, %get3A_925 : vector<16xf32>
      %add3A_927 = arith.constant 112 : i32
      %add3A_928 = arith.addi %mul3A_885, %add3A_927 : i32
      %get3A_929 = arith.index_cast %add3A_928 : i32 to index
      %get3A_930 = tpu.vector_load %arg5[%get3A_929] {strides = array<i32>} : memref<16000xf32, #tpu.memory_space<vmem>>, vector<16xf32>,
      %get3A_931 = vector.shape_cast %get3A_930 : vector<16xf32> to vector<16xf32>
      %add3A_932 = arith.addf %scan3A_883, %get3A_931 : vector<16xf32>
      scf.yield %add3A_890, %add3A_896, %add3A_902, %add3A_908, %add3A_914, %add3A_920, %add3A_926, %add3A_932 : vector<16xf32>, vector<16xf32>, vector<16xf32>, vector<16xf32>, vector<16xf32>, vector<16xf32>, vector<16xf32>, vector<16xf32>
    }
    %scan3A_220 = arith.constant 125 : i32
    %dma_start3A_221 = arith.constant 208000 : i32
    %dma_start3A_222 = tpu.memref_slice %arg2[%add3A, %dma_start3A_221] : memref<32x1600000xf32, #tpu.memory_space<hbm>> -> memref<1x16000xf32, #tpu.memory_space<hbm>>
    %dma_start3A_223 = tpu.memref_squeeze %dma_start3A_222 : memref<1x16000xf32, #tpu.memory_space<hbm>> -> memref<16000xf32, #tpu.memory_space<hbm>>
    %dma_start3A_224 = arith.constant 208000 : i32
    %dma_start3A_225 = tpu.memref_slice %arg2[%add3A, %dma_start3A_224] : memref<32x1600000xf32, #tpu.memory_space<hbm>> -> memref<1x16000xf32, #tpu.memory_space<hbm>>
    %dma_start3A_226 = tpu.memref_squeeze %dma_start3A_225 : memref<1x16000xf32, #tpu.memory_space<hbm>> -> memref<16000xf32, #tpu.memory_space<hbm>>
    tpu.enqueue_dma source(%dma_start3A_226 : memref<16000xf32, #tpu.memory_space<hbm>>) target(%arg5 : memref<16000xf32, #tpu.memory_space<vmem>>) target_semaphore(%arg8 : memref<!tpu.dma_semaphore, #tpu.memory_space<semaphore_mem>>)
    %dma_wait3A_227 = arith.constant 192000 : i32
    %dma_wait3A_228 = tpu.memref_slice %arg2[%add3A, %dma_wait3A_227] : memref<32x1600000xf32, #tpu.memory_space<hbm>> -> memref<1x16000xf32, #tpu.memory_space<hbm>>
    %dma_wait3A_229 = tpu.memref_squeeze %dma_wait3A_228 : memref<1x16000xf32, #tpu.memory_space<hbm>> -> memref<16000xf32, #tpu.memory_space<hbm>>
    %dma_wait3A_230 = arith.constant 192000 : i32
    %dma_wait3A_231 = tpu.memref_slice %arg2[%add3A, %dma_wait3A_230] : memref<32x1600000xf32, #tpu.memory_space<hbm>> -> memref<1x16000xf32, #tpu.memory_space<hbm>>
    %dma_wait3A_232 = tpu.memref_squeeze %dma_wait3A_231 : memref<1x16000xf32, #tpu.memory_space<hbm>> -> memref<16000xf32, #tpu.memory_space<hbm>>
    tpu.wait_dma2 semaphore(%arg7 : memref<!tpu.dma_semaphore, #tpu.memory_space<semaphore_mem>>) src(%dma_wait3A_232 : memref<16000xf32, #tpu.memory_space<hbm>>) dst(%arg4 : memref<16000xf32, #tpu.memory_space<vmem>>)
    %scan3A_233 = arith.constant 0 : i32
    %scan3A_234 = arith.constant 125 : i32
    %scan3A_235 = arith.addi %scan3A_233, %scan3A_234 : i32
    %scan3A_236 = arith.constant 1 : i32
    %scan3A_237:8 = scf.for %scan3A_875 = %scan3A_233 to %scan3A_235 step %scan3A_236 iter_args(%scan3A_876 = %scan3A_219#0, %scan3A_877 = %scan3A_219#1, %scan3A_878 = %scan3A_219#2, %scan3A_879 = %scan3A_219#3, %scan3A_880 = %scan3A_219#4, %scan3A_881 = %scan3A_219#5, %scan3A_882 = %scan3A_219#6, %scan3A_883 = %scan3A_219#7) -> (vector<16xf32>, vector<16xf32>, vector<16xf32>, vector<16xf32>, vector<16xf32>, vector<16xf32>, vector<16xf32>, vector<16xf32>)  : i32 {
      %mul3A_884 = arith.constant 128 : i32
      %mul3A_885 = arith.muli %scan3A_875, %mul3A_884 : i32
      %add3A_886 = arith.constant 0 : i32
      %add3A_887 = arith.addi %mul3A_885, %add3A_886 : i32
      %get3A = arith.index_cast %add3A_887 : i32 to index
      %get3A_888 = tpu.vector_load %arg4[%get3A] {strides = array<i32>} : memref<16000xf32, #tpu.memory_space<vmem>>, vector<16xf32>,
      %get3A_889 = vector.shape_cast %get3A_888 : vector<16xf32> to vector<16xf32>
      %add3A_890 = arith.addf %scan3A_876, %get3A_889 : vector<16xf32>
      %add3A_891 = arith.constant 16 : i32
      %add3A_892 = arith.addi %mul3A_885, %add3A_891 : i32
      %get3A_893 = arith.index_cast %add3A_892 : i32 to index
      %get3A_894 = tpu.vector_load %arg4[%get3A_893] {strides = array<i32>} : memref<16000xf32, #tpu.memory_space<vmem>>, vector<16xf32>,
      %get3A_895 = vector.shape_cast %get3A_894 : vector<16xf32> to vector<16xf32>
      %add3A_896 = arith.addf %scan3A_877, %get3A_895 : vector<16xf32>
      %add3A_897 = arith.constant 32 : i32
      %add3A_898 = arith.addi %mul3A_885, %add3A_897 : i32
      %get3A_899 = arith.index_cast %add3A_898 : i32 to index
      %get3A_900 = tpu.vector_load %arg4[%get3A_899] {strides = array<i32>} : memref<16000xf32, #tpu.memory_space<vmem>>, vector<16xf32>,
      %get3A_901 = vector.shape_cast %get3A_900 : vector<16xf32> to vector<16xf32>
      %add3A_902 = arith.addf %scan3A_878, %get3A_901 : vector<16xf32>
      %add3A_903 = arith.constant 48 : i32
      %add3A_904 = arith.addi %mul3A_885, %add3A_903 : i32
      %get3A_905 = arith.index_cast %add3A_904 : i32 to index
      %get3A_906 = tpu.vector_load %arg4[%get3A_905] {strides = array<i32>} : memref<16000xf32, #tpu.memory_space<vmem>>, vector<16xf32>,
      %get3A_907 = vector.shape_cast %get3A_906 : vector<16xf32> to vector<16xf32>
      %add3A_908 = arith.addf %scan3A_879, %get3A_907 : vector<16xf32>
      %add3A_909 = arith.constant 64 : i32
      %add3A_910 = arith.addi %mul3A_885, %add3A_909 : i32
      %get3A_911 = arith.index_cast %add3A_910 : i32 to index
      %get3A_912 = tpu.vector_load %arg4[%get3A_911] {strides = array<i32>} : memref<16000xf32, #tpu.memory_space<vmem>>, vector<16xf32>,
      %get3A_913 = vector.shape_cast %get3A_912 : vector<16xf32> to vector<16xf32>
      %add3A_914 = arith.addf %scan3A_880, %get3A_913 : vector<16xf32>
      %add3A_915 = arith.constant 80 : i32
      %add3A_916 = arith.addi %mul3A_885, %add3A_915 : i32
      %get3A_917 = arith.index_cast %add3A_916 : i32 to index
      %get3A_918 = tpu.vector_load %arg4[%get3A_917] {strides = array<i32>} : memref<16000xf32, #tpu.memory_space<vmem>>, vector<16xf32>,
      %get3A_919 = vector.shape_cast %get3A_918 : vector<16xf32> to vector<16xf32>
      %add3A_920 = arith.addf %scan3A_881, %get3A_919 : vector<16xf32>
      %add3A_921 = arith.constant 96 : i32
      %add3A_922 = arith.addi %mul3A_885, %add3A_921 : i32
      %get3A_923 = arith.index_cast %add3A_922 : i32 to index
      %get3A_924 = tpu.vector_load %arg4[%get3A_923] {strides = array<i32>} : memref<16000xf32, #tpu.memory_space<vmem>>, vector<16xf32>,
      %get3A_925 = vector.shape_cast %get3A_924 : vector<16xf32> to vector<16xf32>
      %add3A_926 = arith.addf %scan3A_882, %get3A_925 : vector<16xf32>
      %add3A_927 = arith.constant 112 : i32
      %add3A_928 = arith.addi %mul3A_885, %add3A_927 : i32
      %get3A_929 = arith.index_cast %add3A_928 : i32 to index
      %get3A_930 = tpu.vector_load %arg4[%get3A_929] {strides = array<i32>} : memref<16000xf32, #tpu.memory_space<vmem>>, vector<16xf32>,
      %get3A_931 = vector.shape_cast %get3A_930 : vector<16xf32> to vector<16xf32>
      %add3A_932 = arith.addf %scan3A_883, %get3A_931 : vector<16xf32>
      scf.yield %add3A_890, %add3A_896, %add3A_902, %add3A_908, %add3A_914, %add3A_920, %add3A_926, %add3A_932 : vector<16xf32>, vector<16xf32>, vector<16xf32>, vector<16xf32>, vector<16xf32>, vector<16xf32>, vector<16xf32>, vector<16xf32>
    }
    %scan3A_238 = arith.constant 125 : i32
    %dma_start3A_239 = arith.constant 224000 : i32
    %dma_start3A_240 = tpu.memref_slice %arg2[%add3A, %dma_start3A_239] : memref<32x1600000xf32, #tpu.memory_space<hbm>> -> memref<1x16000xf32, #tpu.memory_space<hbm>>
    %dma_start3A_241 = tpu.memref_squeeze %dma_start3A_240 : memref<1x16000xf32, #tpu.memory_space<hbm>> -> memref<16000xf32, #tpu.memory_space<hbm>>
    %dma_start3A_242 = arith.constant 224000 : i32
    %dma_start3A_243 = tpu.memref_slice %arg2[%add3A, %dma_start3A_242] : memref<32x1600000xf32, #tpu.memory_space<hbm>> -> memref<1x16000xf32, #tpu.memory_space<hbm>>
    %dma_start3A_244 = tpu.memref_squeeze %dma_start3A_243 : memref<1x16000xf32, #tpu.memory_space<hbm>> -> memref<16000xf32, #tpu.memory_space<hbm>>
    tpu.enqueue_dma source(%dma_start3A_244 : memref<16000xf32, #tpu.memory_space<hbm>>) target(%arg4 : memref<16000xf32, #tpu.memory_space<vmem>>) target_semaphore(%arg7 : memref<!tpu.dma_semaphore, #tpu.memory_space<semaphore_mem>>)
    %dma_wait3A_245 = arith.constant 208000 : i32
    %dma_wait3A_246 = tpu.memref_slice %arg2[%add3A, %dma_wait3A_245] : memref<32x1600000xf32, #tpu.memory_space<hbm>> -> memref<1x16000xf32, #tpu.memory_space<hbm>>
    %dma_wait3A_247 = tpu.memref_squeeze %dma_wait3A_246 : memref<1x16000xf32, #tpu.memory_space<hbm>> -> memref<16000xf32, #tpu.memory_space<hbm>>
    %dma_wait3A_248 = arith.constant 208000 : i32
    %dma_wait3A_249 = tpu.memref_slice %arg2[%add3A, %dma_wait3A_248] : memref<32x1600000xf32, #tpu.memory_space<hbm>> -> memref<1x16000xf32, #tpu.memory_space<hbm>>
    %dma_wait3A_250 = tpu.memref_squeeze %dma_wait3A_249 : memref<1x16000xf32, #tpu.memory_space<hbm>> -> memref<16000xf32, #tpu.memory_space<hbm>>
    tpu.wait_dma2 semaphore(%arg8 : memref<!tpu.dma_semaphore, #tpu.memory_space<semaphore_mem>>) src(%dma_wait3A_250 : memref<16000xf32, #tpu.memory_space<hbm>>) dst(%arg5 : memref<16000xf32, #tpu.memory_space<vmem>>)
    %scan3A_251 = arith.constant 0 : i32
    %scan3A_252 = arith.constant 125 : i32
    %scan3A_253 = arith.addi %scan3A_251, %scan3A_252 : i32
    %scan3A_254 = arith.constant 1 : i32
    %scan3A_255:8 = scf.for %scan3A_875 = %scan3A_251 to %scan3A_253 step %scan3A_254 iter_args(%scan3A_876 = %scan3A_237#0, %scan3A_877 = %scan3A_237#1, %scan3A_878 = %scan3A_237#2, %scan3A_879 = %scan3A_237#3, %scan3A_880 = %scan3A_237#4, %scan3A_881 = %scan3A_237#5, %scan3A_882 = %scan3A_237#6, %scan3A_883 = %scan3A_237#7) -> (vector<16xf32>, vector<16xf32>, vector<16xf32>, vector<16xf32>, vector<16xf32>, vector<16xf32>, vector<16xf32>, vector<16xf32>)  : i32 {
      %mul3A_884 = arith.constant 128 : i32
      %mul3A_885 = arith.muli %scan3A_875, %mul3A_884 : i32
      %add3A_886 = arith.constant 0 : i32
      %add3A_887 = arith.addi %mul3A_885, %add3A_886 : i32
      %get3A = arith.index_cast %add3A_887 : i32 to index
      %get3A_888 = tpu.vector_load %arg5[%get3A] {strides = array<i32>} : memref<16000xf32, #tpu.memory_space<vmem>>, vector<16xf32>,
      %get3A_889 = vector.shape_cast %get3A_888 : vector<16xf32> to vector<16xf32>
      %add3A_890 = arith.addf %scan3A_876, %get3A_889 : vector<16xf32>
      %add3A_891 = arith.constant 16 : i32
      %add3A_892 = arith.addi %mul3A_885, %add3A_891 : i32
      %get3A_893 = arith.index_cast %add3A_892 : i32 to index
      %get3A_894 = tpu.vector_load %arg5[%get3A_893] {strides = array<i32>} : memref<16000xf32, #tpu.memory_space<vmem>>, vector<16xf32>,
      %get3A_895 = vector.shape_cast %get3A_894 : vector<16xf32> to vector<16xf32>
      %add3A_896 = arith.addf %scan3A_877, %get3A_895 : vector<16xf32>
      %add3A_897 = arith.constant 32 : i32
      %add3A_898 = arith.addi %mul3A_885, %add3A_897 : i32
      %get3A_899 = arith.index_cast %add3A_898 : i32 to index
      %get3A_900 = tpu.vector_load %arg5[%get3A_899] {strides = array<i32>} : memref<16000xf32, #tpu.memory_space<vmem>>, vector<16xf32>,
      %get3A_901 = vector.shape_cast %get3A_900 : vector<16xf32> to vector<16xf32>
      %add3A_902 = arith.addf %scan3A_878, %get3A_901 : vector<16xf32>
      %add3A_903 = arith.constant 48 : i32
      %add3A_904 = arith.addi %mul3A_885, %add3A_903 : i32
      %get3A_905 = arith.index_cast %add3A_904 : i32 to index
      %get3A_906 = tpu.vector_load %arg5[%get3A_905] {strides = array<i32>} : memref<16000xf32, #tpu.memory_space<vmem>>, vector<16xf32>,
      %get3A_907 = vector.shape_cast %get3A_906 : vector<16xf32> to vector<16xf32>
      %add3A_908 = arith.addf %scan3A_879, %get3A_907 : vector<16xf32>
      %add3A_909 = arith.constant 64 : i32
      %add3A_910 = arith.addi %mul3A_885, %add3A_909 : i32
      %get3A_911 = arith.index_cast %add3A_910 : i32 to index
      %get3A_912 = tpu.vector_load %arg5[%get3A_911] {strides = array<i32>} : memref<16000xf32, #tpu.memory_space<vmem>>, vector<16xf32>,
      %get3A_913 = vector.shape_cast %get3A_912 : vector<16xf32> to vector<16xf32>
      %add3A_914 = arith.addf %scan3A_880, %get3A_913 : vector<16xf32>
      %add3A_915 = arith.constant 80 : i32
      %add3A_916 = arith.addi %mul3A_885, %add3A_915 : i32
      %get3A_917 = arith.index_cast %add3A_916 : i32 to index
      %get3A_918 = tpu.vector_load %arg5[%get3A_917] {strides = array<i32>} : memref<16000xf32, #tpu.memory_space<vmem>>, vector<16xf32>,
      %get3A_919 = vector.shape_cast %get3A_918 : vector<16xf32> to vector<16xf32>
      %add3A_920 = arith.addf %scan3A_881, %get3A_919 : vector<16xf32>
      %add3A_921 = arith.constant 96 : i32
      %add3A_922 = arith.addi %mul3A_885, %add3A_921 : i32
      %get3A_923 = arith.index_cast %add3A_922 : i32 to index
      %get3A_924 = tpu.vector_load %arg5[%get3A_923] {strides = array<i32>} : memref<16000xf32, #tpu.memory_space<vmem>>, vector<16xf32>,
      %get3A_925 = vector.shape_cast %get3A_924 : vector<16xf32> to vector<16xf32>
      %add3A_926 = arith.addf %scan3A_882, %get3A_925 : vector<16xf32>
      %add3A_927 = arith.constant 112 : i32
      %add3A_928 = arith.addi %mul3A_885, %add3A_927 : i32
      %get3A_929 = arith.index_cast %add3A_928 : i32 to index
      %get3A_930 = tpu.vector_load %arg5[%get3A_929] {strides = array<i32>} : memref<16000xf32, #tpu.memory_space<vmem>>, vector<16xf32>,
      %get3A_931 = vector.shape_cast %get3A_930 : vector<16xf32> to vector<16xf32>
      %add3A_932 = arith.addf %scan3A_883, %get3A_931 : vector<16xf32>
      scf.yield %add3A_890, %add3A_896, %add3A_902, %add3A_908, %add3A_914, %add3A_920, %add3A_926, %add3A_932 : vector<16xf32>, vector<16xf32>, vector<16xf32>, vector<16xf32>, vector<16xf32>, vector<16xf32>, vector<16xf32>, vector<16xf32>
    }
    %scan3A_256 = arith.constant 125 : i32
    %dma_start3A_257 = arith.constant 240000 : i32
    %dma_start3A_258 = tpu.memref_slice %arg2[%add3A, %dma_start3A_257] : memref<32x1600000xf32, #tpu.memory_space<hbm>> -> memref<1x16000xf32, #tpu.memory_space<hbm>>
    %dma_start3A_259 = tpu.memref_squeeze %dma_start3A_258 : memref<1x16000xf32, #tpu.memory_space<hbm>> -> memref<16000xf32, #tpu.memory_space<hbm>>
    %dma_start3A_260 = arith.constant 240000 : i32
    %dma_start3A_261 = tpu.memref_slice %arg2[%add3A, %dma_start3A_260] : memref<32x1600000xf32, #tpu.memory_space<hbm>> -> memref<1x16000xf32, #tpu.memory_space<hbm>>
    %dma_start3A_262 = tpu.memref_squeeze %dma_start3A_261 : memref<1x16000xf32, #tpu.memory_space<hbm>> -> memref<16000xf32, #tpu.memory_space<hbm>>
    tpu.enqueue_dma source(%dma_start3A_262 : memref<16000xf32, #tpu.memory_space<hbm>>) target(%arg5 : memref<16000xf32, #tpu.memory_space<vmem>>) target_semaphore(%arg8 : memref<!tpu.dma_semaphore, #tpu.memory_space<semaphore_mem>>)
    %dma_wait3A_263 = arith.constant 224000 : i32
    %dma_wait3A_264 = tpu.memref_slice %arg2[%add3A, %dma_wait3A_263] : memref<32x1600000xf32, #tpu.memory_space<hbm>> -> memref<1x16000xf32, #tpu.memory_space<hbm>>
    %dma_wait3A_265 = tpu.memref_squeeze %dma_wait3A_264 : memref<1x16000xf32, #tpu.memory_space<hbm>> -> memref<16000xf32, #tpu.memory_space<hbm>>
    %dma_wait3A_266 = arith.constant 224000 : i32
    %dma_wait3A_267 = tpu.memref_slice %arg2[%add3A, %dma_wait3A_266] : memref<32x1600000xf32, #tpu.memory_space<hbm>> -> memref<1x16000xf32, #tpu.memory_space<hbm>>
    %dma_wait3A_268 = tpu.memref_squeeze %dma_wait3A_267 : memref<1x16000xf32, #tpu.memory_space<hbm>> -> memref<16000xf32, #tpu.memory_space<hbm>>
    tpu.wait_dma2 semaphore(%arg7 : memref<!tpu.dma_semaphore, #tpu.memory_space<semaphore_mem>>) src(%dma_wait3A_268 : memref<16000xf32, #tpu.memory_space<hbm>>) dst(%arg4 : memref<16000xf32, #tpu.memory_space<vmem>>)
    %scan3A_269 = arith.constant 0 : i32
    %scan3A_270 = arith.constant 125 : i32
    %scan3A_271 = arith.addi %scan3A_269, %scan3A_270 : i32
    %scan3A_272 = arith.constant 1 : i32
    %scan3A_273:8 = scf.for %scan3A_875 = %scan3A_269 to %scan3A_271 step %scan3A_272 iter_args(%scan3A_876 = %scan3A_255#0, %scan3A_877 = %scan3A_255#1, %scan3A_878 = %scan3A_255#2, %scan3A_879 = %scan3A_255#3, %scan3A_880 = %scan3A_255#4, %scan3A_881 = %scan3A_255#5, %scan3A_882 = %scan3A_255#6, %scan3A_883 = %scan3A_255#7) -> (vector<16xf32>, vector<16xf32>, vector<16xf32>, vector<16xf32>, vector<16xf32>, vector<16xf32>, vector<16xf32>, vector<16xf32>)  : i32 {
      %mul3A_884 = arith.constant 128 : i32
      %mul3A_885 = arith.muli %scan3A_875, %mul3A_884 : i32
      %add3A_886 = arith.constant 0 : i32
      %add3A_887 = arith.addi %mul3A_885, %add3A_886 : i32
      %get3A = arith.index_cast %add3A_887 : i32 to index
      %get3A_888 = tpu.vector_load %arg4[%get3A] {strides = array<i32>} : memref<16000xf32, #tpu.memory_space<vmem>>, vector<16xf32>,
      %get3A_889 = vector.shape_cast %get3A_888 : vector<16xf32> to vector<16xf32>
      %add3A_890 = arith.addf %scan3A_876, %get3A_889 : vector<16xf32>
      %add3A_891 = arith.constant 16 : i32
      %add3A_892 = arith.addi %mul3A_885, %add3A_891 : i32
      %get3A_893 = arith.index_cast %add3A_892 : i32 to index
      %get3A_894 = tpu.vector_load %arg4[%get3A_893] {strides = array<i32>} : memref<16000xf32, #tpu.memory_space<vmem>>, vector<16xf32>,
      %get3A_895 = vector.shape_cast %get3A_894 : vector<16xf32> to vector<16xf32>
      %add3A_896 = arith.addf %scan3A_877, %get3A_895 : vector<16xf32>
      %add3A_897 = arith.constant 32 : i32
      %add3A_898 = arith.addi %mul3A_885, %add3A_897 : i32
      %get3A_899 = arith.index_cast %add3A_898 : i32 to index
      %get3A_900 = tpu.vector_load %arg4[%get3A_899] {strides = array<i32>} : memref<16000xf32, #tpu.memory_space<vmem>>, vector<16xf32>,
      %get3A_901 = vector.shape_cast %get3A_900 : vector<16xf32> to vector<16xf32>
      %add3A_902 = arith.addf %scan3A_878, %get3A_901 : vector<16xf32>
      %add3A_903 = arith.constant 48 : i32
      %add3A_904 = arith.addi %mul3A_885, %add3A_903 : i32
      %get3A_905 = arith.index_cast %add3A_904 : i32 to index
      %get3A_906 = tpu.vector_load %arg4[%get3A_905] {strides = array<i32>} : memref<16000xf32, #tpu.memory_space<vmem>>, vector<16xf32>,
      %get3A_907 = vector.shape_cast %get3A_906 : vector<16xf32> to vector<16xf32>
      %add3A_908 = arith.addf %scan3A_879, %get3A_907 : vector<16xf32>
      %add3A_909 = arith.constant 64 : i32
      %add3A_910 = arith.addi %mul3A_885, %add3A_909 : i32
      %get3A_911 = arith.index_cast %add3A_910 : i32 to index
      %get3A_912 = tpu.vector_load %arg4[%get3A_911] {strides = array<i32>} : memref<16000xf32, #tpu.memory_space<vmem>>, vector<16xf32>,
      %get3A_913 = vector.shape_cast %get3A_912 : vector<16xf32> to vector<16xf32>
      %add3A_914 = arith.addf %scan3A_880, %get3A_913 : vector<16xf32>
      %add3A_915 = arith.constant 80 : i32
      %add3A_916 = arith.addi %mul3A_885, %add3A_915 : i32
      %get3A_917 = arith.index_cast %add3A_916 : i32 to index
      %get3A_918 = tpu.vector_load %arg4[%get3A_917] {strides = array<i32>} : memref<16000xf32, #tpu.memory_space<vmem>>, vector<16xf32>,
      %get3A_919 = vector.shape_cast %get3A_918 : vector<16xf32> to vector<16xf32>
      %add3A_920 = arith.addf %scan3A_881, %get3A_919 : vector<16xf32>
      %add3A_921 = arith.constant 96 : i32
      %add3A_922 = arith.addi %mul3A_885, %add3A_921 : i32
      %get3A_923 = arith.index_cast %add3A_922 : i32 to index
      %get3A_924 = tpu.vector_load %arg4[%get3A_923] {strides = array<i32>} : memref<16000xf32, #tpu.memory_space<vmem>>, vector<16xf32>,
      %get3A_925 = vector.shape_cast %get3A_924 : vector<16xf32> to vector<16xf32>
      %add3A_926 = arith.addf %scan3A_882, %get3A_925 : vector<16xf32>
      %add3A_927 = arith.constant 112 : i32
      %add3A_928 = arith.addi %mul3A_885, %add3A_927 : i32
      %get3A_929 = arith.index_cast %add3A_928 : i32 to index
      %get3A_930 = tpu.vector_load %arg4[%get3A_929] {strides = array<i32>} : memref<16000xf32, #tpu.memory_space<vmem>>, vector<16xf32>,
      %get3A_931 = vector.shape_cast %get3A_930 : vector<16xf32> to vector<16xf32>
      %add3A_932 = arith.addf %scan3A_883, %get3A_931 : vector<16xf32>
      scf.yield %add3A_890, %add3A_896, %add3A_902, %add3A_908, %add3A_914, %add3A_920, %add3A_926, %add3A_932 : vector<16xf32>, vector<16xf32>, vector<16xf32>, vector<16xf32>, vector<16xf32>, vector<16xf32>, vector<16xf32>, vector<16xf32>
    }
    %scan3A_274 = arith.constant 125 : i32
    %dma_start3A_275 = arith.constant 256000 : i32
    %dma_start3A_276 = tpu.memref_slice %arg2[%add3A, %dma_start3A_275] : memref<32x1600000xf32, #tpu.memory_space<hbm>> -> memref<1x16000xf32, #tpu.memory_space<hbm>>
    %dma_start3A_277 = tpu.memref_squeeze %dma_start3A_276 : memref<1x16000xf32, #tpu.memory_space<hbm>> -> memref<16000xf32, #tpu.memory_space<hbm>>
    %dma_start3A_278 = arith.constant 256000 : i32
    %dma_start3A_279 = tpu.memref_slice %arg2[%add3A, %dma_start3A_278] : memref<32x1600000xf32, #tpu.memory_space<hbm>> -> memref<1x16000xf32, #tpu.memory_space<hbm>>
    %dma_start3A_280 = tpu.memref_squeeze %dma_start3A_279 : memref<1x16000xf32, #tpu.memory_space<hbm>> -> memref<16000xf32, #tpu.memory_space<hbm>>
    tpu.enqueue_dma source(%dma_start3A_280 : memref<16000xf32, #tpu.memory_space<hbm>>) target(%arg4 : memref<16000xf32, #tpu.memory_space<vmem>>) target_semaphore(%arg7 : memref<!tpu.dma_semaphore, #tpu.memory_space<semaphore_mem>>)
    %dma_wait3A_281 = arith.constant 240000 : i32
    %dma_wait3A_282 = tpu.memref_slice %arg2[%add3A, %dma_wait3A_281] : memref<32x1600000xf32, #tpu.memory_space<hbm>> -> memref<1x16000xf32, #tpu.memory_space<hbm>>
    %dma_wait3A_283 = tpu.memref_squeeze %dma_wait3A_282 : memref<1x16000xf32, #tpu.memory_space<hbm>> -> memref<16000xf32, #tpu.memory_space<hbm>>
    %dma_wait3A_284 = arith.constant 240000 : i32
    %dma_wait3A_285 = tpu.memref_slice %arg2[%add3A, %dma_wait3A_284] : memref<32x1600000xf32, #tpu.memory_space<hbm>> -> memref<1x16000xf32, #tpu.memory_space<hbm>>
    %dma_wait3A_286 = tpu.memref_squeeze %dma_wait3A_285 : memref<1x16000xf32, #tpu.memory_space<hbm>> -> memref<16000xf32, #tpu.memory_space<hbm>>
    tpu.wait_dma2 semaphore(%arg8 : memref<!tpu.dma_semaphore, #tpu.memory_space<semaphore_mem>>) src(%dma_wait3A_286 : memref<16000xf32, #tpu.memory_space<hbm>>) dst(%arg5 : memref<16000xf32, #tpu.memory_space<vmem>>)
    %scan3A_287 = arith.constant 0 : i32
    %scan3A_288 = arith.constant 125 : i32
    %scan3A_289 = arith.addi %scan3A_287, %scan3A_288 : i32
    %scan3A_290 = arith.constant 1 : i32
    %scan3A_291:8 = scf.for %scan3A_875 = %scan3A_287 to %scan3A_289 step %scan3A_290 iter_args(%scan3A_876 = %scan3A_273#0, %scan3A_877 = %scan3A_273#1, %scan3A_878 = %scan3A_273#2, %scan3A_879 = %scan3A_273#3, %scan3A_880 = %scan3A_273#4, %scan3A_881 = %scan3A_273#5, %scan3A_882 = %scan3A_273#6, %scan3A_883 = %scan3A_273#7) -> (vector<16xf32>, vector<16xf32>, vector<16xf32>, vector<16xf32>, vector<16xf32>, vector<16xf32>, vector<16xf32>, vector<16xf32>)  : i32 {
      %mul3A_884 = arith.constant 128 : i32
      %mul3A_885 = arith.muli %scan3A_875, %mul3A_884 : i32
      %add3A_886 = arith.constant 0 : i32
      %add3A_887 = arith.addi %mul3A_885, %add3A_886 : i32
      %get3A = arith.index_cast %add3A_887 : i32 to index
      %get3A_888 = tpu.vector_load %arg5[%get3A] {strides = array<i32>} : memref<16000xf32, #tpu.memory_space<vmem>>, vector<16xf32>,
      %get3A_889 = vector.shape_cast %get3A_888 : vector<16xf32> to vector<16xf32>
      %add3A_890 = arith.addf %scan3A_876, %get3A_889 : vector<16xf32>
      %add3A_891 = arith.constant 16 : i32
      %add3A_892 = arith.addi %mul3A_885, %add3A_891 : i32
      %get3A_893 = arith.index_cast %add3A_892 : i32 to index
      %get3A_894 = tpu.vector_load %arg5[%get3A_893] {strides = array<i32>} : memref<16000xf32, #tpu.memory_space<vmem>>, vector<16xf32>,
      %get3A_895 = vector.shape_cast %get3A_894 : vector<16xf32> to vector<16xf32>
      %add3A_896 = arith.addf %scan3A_877, %get3A_895 : vector<16xf32>
      %add3A_897 = arith.constant 32 : i32
      %add3A_898 = arith.addi %mul3A_885, %add3A_897 : i32
      %get3A_899 = arith.index_cast %add3A_898 : i32 to index
      %get3A_900 = tpu.vector_load %arg5[%get3A_899] {strides = array<i32>} : memref<16000xf32, #tpu.memory_space<vmem>>, vector<16xf32>,
      %get3A_901 = vector.shape_cast %get3A_900 : vector<16xf32> to vector<16xf32>
      %add3A_902 = arith.addf %scan3A_878, %get3A_901 : vector<16xf32>
      %add3A_903 = arith.constant 48 : i32
      %add3A_904 = arith.addi %mul3A_885, %add3A_903 : i32
      %get3A_905 = arith.index_cast %add3A_904 : i32 to index
      %get3A_906 = tpu.vector_load %arg5[%get3A_905] {strides = array<i32>} : memref<16000xf32, #tpu.memory_space<vmem>>, vector<16xf32>,
      %get3A_907 = vector.shape_cast %get3A_906 : vector<16xf32> to vector<16xf32>
      %add3A_908 = arith.addf %scan3A_879, %get3A_907 : vector<16xf32>
      %add3A_909 = arith.constant 64 : i32
      %add3A_910 = arith.addi %mul3A_885, %add3A_909 : i32
      %get3A_911 = arith.index_cast %add3A_910 : i32 to index
      %get3A_912 = tpu.vector_load %arg5[%get3A_911] {strides = array<i32>} : memref<16000xf32, #tpu.memory_space<vmem>>, vector<16xf32>,
      %get3A_913 = vector.shape_cast %get3A_912 : vector<16xf32> to vector<16xf32>
      %add3A_914 = arith.addf %scan3A_880, %get3A_913 : vector<16xf32>
      %add3A_915 = arith.constant 80 : i32
      %add3A_916 = arith.addi %mul3A_885, %add3A_915 : i32
      %get3A_917 = arith.index_cast %add3A_916 : i32 to index
      %get3A_918 = tpu.vector_load %arg5[%get3A_917] {strides = array<i32>} : memref<16000xf32, #tpu.memory_space<vmem>>, vector<16xf32>,
      %get3A_919 = vector.shape_cast %get3A_918 : vector<16xf32> to vector<16xf32>
      %add3A_920 = arith.addf %scan3A_881, %get3A_919 : vector<16xf32>
      %add3A_921 = arith.constant 96 : i32
      %add3A_922 = arith.addi %mul3A_885, %add3A_921 : i32
      %get3A_923 = arith.index_cast %add3A_922 : i32 to index
      %get3A_924 = tpu.vector_load %arg5[%get3A_923] {strides = array<i32>} : memref<16000xf32, #tpu.memory_space<vmem>>, vector<16xf32>,
      %get3A_925 = vector.shape_cast %get3A_924 : vector<16xf32> to vector<16xf32>
      %add3A_926 = arith.addf %scan3A_882, %get3A_925 : vector<16xf32>
      %add3A_927 = arith.constant 112 : i32
      %add3A_928 = arith.addi %mul3A_885, %add3A_927 : i32
      %get3A_929 = arith.index_cast %add3A_928 : i32 to index
      %get3A_930 = tpu.vector_load %arg5[%get3A_929] {strides = array<i32>} : memref<16000xf32, #tpu.memory_space<vmem>>, vector<16xf32>,
      %get3A_931 = vector.shape_cast %get3A_930 : vector<16xf32> to vector<16xf32>
      %add3A_932 = arith.addf %scan3A_883, %get3A_931 : vector<16xf32>
      scf.yield %add3A_890, %add3A_896, %add3A_902, %add3A_908, %add3A_914, %add3A_920, %add3A_926, %add3A_932 : vector<16xf32>, vector<16xf32>, vector<16xf32>, vector<16xf32>, vector<16xf32>, vector<16xf32>, vector<16xf32>, vector<16xf32>
    }
    %scan3A_292 = arith.constant 125 : i32
    %dma_start3A_293 = arith.constant 272000 : i32
    %dma_start3A_294 = tpu.memref_slice %arg2[%add3A, %dma_start3A_293] : memref<32x1600000xf32, #tpu.memory_space<hbm>> -> memref<1x16000xf32, #tpu.memory_space<hbm>>
    %dma_start3A_295 = tpu.memref_squeeze %dma_start3A_294 : memref<1x16000xf32, #tpu.memory_space<hbm>> -> memref<16000xf32, #tpu.memory_space<hbm>>
    %dma_start3A_296 = arith.constant 272000 : i32
    %dma_start3A_297 = tpu.memref_slice %arg2[%add3A, %dma_start3A_296] : memref<32x1600000xf32, #tpu.memory_space<hbm>> -> memref<1x16000xf32, #tpu.memory_space<hbm>>
    %dma_start3A_298 = tpu.memref_squeeze %dma_start3A_297 : memref<1x16000xf32, #tpu.memory_space<hbm>> -> memref<16000xf32, #tpu.memory_space<hbm>>
    tpu.enqueue_dma source(%dma_start3A_298 : memref<16000xf32, #tpu.memory_space<hbm>>) target(%arg5 : memref<16000xf32, #tpu.memory_space<vmem>>) target_semaphore(%arg8 : memref<!tpu.dma_semaphore, #tpu.memory_space<semaphore_mem>>)
    %dma_wait3A_299 = arith.constant 256000 : i32
    %dma_wait3A_300 = tpu.memref_slice %arg2[%add3A, %dma_wait3A_299] : memref<32x1600000xf32, #tpu.memory_space<hbm>> -> memref<1x16000xf32, #tpu.memory_space<hbm>>
    %dma_wait3A_301 = tpu.memref_squeeze %dma_wait3A_300 : memref<1x16000xf32, #tpu.memory_space<hbm>> -> memref<16000xf32, #tpu.memory_space<hbm>>
    %dma_wait3A_302 = arith.constant 256000 : i32
    %dma_wait3A_303 = tpu.memref_slice %arg2[%add3A, %dma_wait3A_302] : memref<32x1600000xf32, #tpu.memory_space<hbm>> -> memref<1x16000xf32, #tpu.memory_space<hbm>>
    %dma_wait3A_304 = tpu.memref_squeeze %dma_wait3A_303 : memref<1x16000xf32, #tpu.memory_space<hbm>> -> memref<16000xf32, #tpu.memory_space<hbm>>
    tpu.wait_dma2 semaphore(%arg7 : memref<!tpu.dma_semaphore, #tpu.memory_space<semaphore_mem>>) src(%dma_wait3A_304 : memref<16000xf32, #tpu.memory_space<hbm>>) dst(%arg4 : memref<16000xf32, #tpu.memory_space<vmem>>)
    %scan3A_305 = arith.constant 0 : i32
    %scan3A_306 = arith.constant 125 : i32
    %scan3A_307 = arith.addi %scan3A_305, %scan3A_306 : i32
    %scan3A_308 = arith.constant 1 : i32
    %scan3A_309:8 = scf.for %scan3A_875 = %scan3A_305 to %scan3A_307 step %scan3A_308 iter_args(%scan3A_876 = %scan3A_291#0, %scan3A_877 = %scan3A_291#1, %scan3A_878 = %scan3A_291#2, %scan3A_879 = %scan3A_291#3, %scan3A_880 = %scan3A_291#4, %scan3A_881 = %scan3A_291#5, %scan3A_882 = %scan3A_291#6, %scan3A_883 = %scan3A_291#7) -> (vector<16xf32>, vector<16xf32>, vector<16xf32>, vector<16xf32>, vector<16xf32>, vector<16xf32>, vector<16xf32>, vector<16xf32>)  : i32 {
      %mul3A_884 = arith.constant 128 : i32
      %mul3A_885 = arith.muli %scan3A_875, %mul3A_884 : i32
      %add3A_886 = arith.constant 0 : i32
      %add3A_887 = arith.addi %mul3A_885, %add3A_886 : i32
      %get3A = arith.index_cast %add3A_887 : i32 to index
      %get3A_888 = tpu.vector_load %arg4[%get3A] {strides = array<i32>} : memref<16000xf32, #tpu.memory_space<vmem>>, vector<16xf32>,
      %get3A_889 = vector.shape_cast %get3A_888 : vector<16xf32> to vector<16xf32>
      %add3A_890 = arith.addf %scan3A_876, %get3A_889 : vector<16xf32>
      %add3A_891 = arith.constant 16 : i32
      %add3A_892 = arith.addi %mul3A_885, %add3A_891 : i32
      %get3A_893 = arith.index_cast %add3A_892 : i32 to index
      %get3A_894 = tpu.vector_load %arg4[%get3A_893] {strides = array<i32>} : memref<16000xf32, #tpu.memory_space<vmem>>, vector<16xf32>,
      %get3A_895 = vector.shape_cast %get3A_894 : vector<16xf32> to vector<16xf32>
      %add3A_896 = arith.addf %scan3A_877, %get3A_895 : vector<16xf32>
      %add3A_897 = arith.constant 32 : i32
      %add3A_898 = arith.addi %mul3A_885, %add3A_897 : i32
      %get3A_899 = arith.index_cast %add3A_898 : i32 to index
      %get3A_900 = tpu.vector_load %arg4[%get3A_899] {strides = array<i32>} : memref<16000xf32, #tpu.memory_space<vmem>>, vector<16xf32>,
      %get3A_901 = vector.shape_cast %get3A_900 : vector<16xf32> to vector<16xf32>
      %add3A_902 = arith.addf %scan3A_878, %get3A_901 : vector<16xf32>
      %add3A_903 = arith.constant 48 : i32
      %add3A_904 = arith.addi %mul3A_885, %add3A_903 : i32
      %get3A_905 = arith.index_cast %add3A_904 : i32 to index
      %get3A_906 = tpu.vector_load %arg4[%get3A_905] {strides = array<i32>} : memref<16000xf32, #tpu.memory_space<vmem>>, vector<16xf32>,
      %get3A_907 = vector.shape_cast %get3A_906 : vector<16xf32> to vector<16xf32>
      %add3A_908 = arith.addf %scan3A_879, %get3A_907 : vector<16xf32>
      %add3A_909 = arith.constant 64 : i32
      %add3A_910 = arith.addi %mul3A_885, %add3A_909 : i32
      %get3A_911 = arith.index_cast %add3A_910 : i32 to index
      %get3A_912 = tpu.vector_load %arg4[%get3A_911] {strides = array<i32>} : memref<16000xf32, #tpu.memory_space<vmem>>, vector<16xf32>,
      %get3A_913 = vector.shape_cast %get3A_912 : vector<16xf32> to vector<16xf32>
      %add3A_914 = arith.addf %scan3A_880, %get3A_913 : vector<16xf32>
      %add3A_915 = arith.constant 80 : i32
      %add3A_916 = arith.addi %mul3A_885, %add3A_915 : i32
      %get3A_917 = arith.index_cast %add3A_916 : i32 to index
      %get3A_918 = tpu.vector_load %arg4[%get3A_917] {strides = array<i32>} : memref<16000xf32, #tpu.memory_space<vmem>>, vector<16xf32>,
      %get3A_919 = vector.shape_cast %get3A_918 : vector<16xf32> to vector<16xf32>
      %add3A_920 = arith.addf %scan3A_881, %get3A_919 : vector<16xf32>
      %add3A_921 = arith.constant 96 : i32
      %add3A_922 = arith.addi %mul3A_885, %add3A_921 : i32
      %get3A_923 = arith.index_cast %add3A_922 : i32 to index
      %get3A_924 = tpu.vector_load %arg4[%get3A_923] {strides = array<i32>} : memref<16000xf32, #tpu.memory_space<vmem>>, vector<16xf32>,
      %get3A_925 = vector.shape_cast %get3A_924 : vector<16xf32> to vector<16xf32>
      %add3A_926 = arith.addf %scan3A_882, %get3A_925 : vector<16xf32>
      %add3A_927 = arith.constant 112 : i32
      %add3A_928 = arith.addi %mul3A_885, %add3A_927 : i32
      %get3A_929 = arith.index_cast %add3A_928 : i32 to index
      %get3A_930 = tpu.vector_load %arg4[%get3A_929] {strides = array<i32>} : memref<16000xf32, #tpu.memory_space<vmem>>, vector<16xf32>,
      %get3A_931 = vector.shape_cast %get3A_930 : vector<16xf32> to vector<16xf32>
      %add3A_932 = arith.addf %scan3A_883, %get3A_931 : vector<16xf32>
      scf.yield %add3A_890, %add3A_896, %add3A_902, %add3A_908, %add3A_914, %add3A_920, %add3A_926, %add3A_932 : vector<16xf32>, vector<16xf32>, vector<16xf32>, vector<16xf32>, vector<16xf32>, vector<16xf32>, vector<16xf32>, vector<16xf32>
    }
    %scan3A_310 = arith.constant 125 : i32
    %dma_start3A_311 = arith.constant 288000 : i32
    %dma_start3A_312 = tpu.memref_slice %arg2[%add3A, %dma_start3A_311] : memref<32x1600000xf32, #tpu.memory_space<hbm>> -> memref<1x16000xf32, #tpu.memory_space<hbm>>
    %dma_start3A_313 = tpu.memref_squeeze %dma_start3A_312 : memref<1x16000xf32, #tpu.memory_space<hbm>> -> memref<16000xf32, #tpu.memory_space<hbm>>
    %dma_start3A_314 = arith.constant 288000 : i32
    %dma_start3A_315 = tpu.memref_slice %arg2[%add3A, %dma_start3A_314] : memref<32x1600000xf32, #tpu.memory_space<hbm>> -> memref<1x16000xf32, #tpu.memory_space<hbm>>
    %dma_start3A_316 = tpu.memref_squeeze %dma_start3A_315 : memref<1x16000xf32, #tpu.memory_space<hbm>> -> memref<16000xf32, #tpu.memory_space<hbm>>
    tpu.enqueue_dma source(%dma_start3A_316 : memref<16000xf32, #tpu.memory_space<hbm>>) target(%arg4 : memref<16000xf32, #tpu.memory_space<vmem>>) target_semaphore(%arg7 : memref<!tpu.dma_semaphore, #tpu.memory_space<semaphore_mem>>)
    %dma_wait3A_317 = arith.constant 272000 : i32
    %dma_wait3A_318 = tpu.memref_slice %arg2[%add3A, %dma_wait3A_317] : memref<32x1600000xf32, #tpu.memory_space<hbm>> -> memref<1x16000xf32, #tpu.memory_space<hbm>>
    %dma_wait3A_319 = tpu.memref_squeeze %dma_wait3A_318 : memref<1x16000xf32, #tpu.memory_space<hbm>> -> memref<16000xf32, #tpu.memory_space<hbm>>
    %dma_wait3A_320 = arith.constant 272000 : i32
    %dma_wait3A_321 = tpu.memref_slice %arg2[%add3A, %dma_wait3A_320] : memref<32x1600000xf32, #tpu.memory_space<hbm>> -> memref<1x16000xf32, #tpu.memory_space<hbm>>
    %dma_wait3A_322 = tpu.memref_squeeze %dma_wait3A_321 : memref<1x16000xf32, #tpu.memory_space<hbm>> -> memref<16000xf32, #tpu.memory_space<hbm>>
    tpu.wait_dma2 semaphore(%arg8 : memref<!tpu.dma_semaphore, #tpu.memory_space<semaphore_mem>>) src(%dma_wait3A_322 : memref<16000xf32, #tpu.memory_space<hbm>>) dst(%arg5 : memref<16000xf32, #tpu.memory_space<vmem>>)
    %scan3A_323 = arith.constant 0 : i32
    %scan3A_324 = arith.constant 125 : i32
    %scan3A_325 = arith.addi %scan3A_323, %scan3A_324 : i32
    %scan3A_326 = arith.constant 1 : i32
    %scan3A_327:8 = scf.for %scan3A_875 = %scan3A_323 to %scan3A_325 step %scan3A_326 iter_args(%scan3A_876 = %scan3A_309#0, %scan3A_877 = %scan3A_309#1, %scan3A_878 = %scan3A_309#2, %scan3A_879 = %scan3A_309#3, %scan3A_880 = %scan3A_309#4, %scan3A_881 = %scan3A_309#5, %scan3A_882 = %scan3A_309#6, %scan3A_883 = %scan3A_309#7) -> (vector<16xf32>, vector<16xf32>, vector<16xf32>, vector<16xf32>, vector<16xf32>, vector<16xf32>, vector<16xf32>, vector<16xf32>)  : i32 {
      %mul3A_884 = arith.constant 128 : i32
      %mul3A_885 = arith.muli %scan3A_875, %mul3A_884 : i32
      %add3A_886 = arith.constant 0 : i32
      %add3A_887 = arith.addi %mul3A_885, %add3A_886 : i32
      %get3A = arith.index_cast %add3A_887 : i32 to index
      %get3A_888 = tpu.vector_load %arg5[%get3A] {strides = array<i32>} : memref<16000xf32, #tpu.memory_space<vmem>>, vector<16xf32>,
      %get3A_889 = vector.shape_cast %get3A_888 : vector<16xf32> to vector<16xf32>
      %add3A_890 = arith.addf %scan3A_876, %get3A_889 : vector<16xf32>
      %add3A_891 = arith.constant 16 : i32
      %add3A_892 = arith.addi %mul3A_885, %add3A_891 : i32
      %get3A_893 = arith.index_cast %add3A_892 : i32 to index
      %get3A_894 = tpu.vector_load %arg5[%get3A_893] {strides = array<i32>} : memref<16000xf32, #tpu.memory_space<vmem>>, vector<16xf32>,
      %get3A_895 = vector.shape_cast %get3A_894 : vector<16xf32> to vector<16xf32>
      %add3A_896 = arith.addf %scan3A_877, %get3A_895 : vector<16xf32>
      %add3A_897 = arith.constant 32 : i32
      %add3A_898 = arith.addi %mul3A_885, %add3A_897 : i32
      %get3A_899 = arith.index_cast %add3A_898 : i32 to index
      %get3A_900 = tpu.vector_load %arg5[%get3A_899] {strides = array<i32>} : memref<16000xf32, #tpu.memory_space<vmem>>, vector<16xf32>,
      %get3A_901 = vector.shape_cast %get3A_900 : vector<16xf32> to vector<16xf32>
      %add3A_902 = arith.addf %scan3A_878, %get3A_901 : vector<16xf32>
      %add3A_903 = arith.constant 48 : i32
      %add3A_904 = arith.addi %mul3A_885, %add3A_903 : i32
      %get3A_905 = arith.index_cast %add3A_904 : i32 to index
      %get3A_906 = tpu.vector_load %arg5[%get3A_905] {strides = array<i32>} : memref<16000xf32, #tpu.memory_space<vmem>>, vector<16xf32>,
      %get3A_907 = vector.shape_cast %get3A_906 : vector<16xf32> to vector<16xf32>
      %add3A_908 = arith.addf %scan3A_879, %get3A_907 : vector<16xf32>
      %add3A_909 = arith.constant 64 : i32
      %add3A_910 = arith.addi %mul3A_885, %add3A_909 : i32
      %get3A_911 = arith.index_cast %add3A_910 : i32 to index
      %get3A_912 = tpu.vector_load %arg5[%get3A_911] {strides = array<i32>} : memref<16000xf32, #tpu.memory_space<vmem>>, vector<16xf32>,
      %get3A_913 = vector.shape_cast %get3A_912 : vector<16xf32> to vector<16xf32>
      %add3A_914 = arith.addf %scan3A_880, %get3A_913 : vector<16xf32>
      %add3A_915 = arith.constant 80 : i32
      %add3A_916 = arith.addi %mul3A_885, %add3A_915 : i32
      %get3A_917 = arith.index_cast %add3A_916 : i32 to index
      %get3A_918 = tpu.vector_load %arg5[%get3A_917] {strides = array<i32>} : memref<16000xf32, #tpu.memory_space<vmem>>, vector<16xf32>,
      %get3A_919 = vector.shape_cast %get3A_918 : vector<16xf32> to vector<16xf32>
      %add3A_920 = arith.addf %scan3A_881, %get3A_919 : vector<16xf32>
      %add3A_921 = arith.constant 96 : i32
      %add3A_922 = arith.addi %mul3A_885, %add3A_921 : i32
      %get3A_923 = arith.index_cast %add3A_922 : i32 to index
      %get3A_924 = tpu.vector_load %arg5[%get3A_923] {strides = array<i32>} : memref<16000xf32, #tpu.memory_space<vmem>>, vector<16xf32>,
      %get3A_925 = vector.shape_cast %get3A_924 : vector<16xf32> to vector<16xf32>
      %add3A_926 = arith.addf %scan3A_882, %get3A_925 : vector<16xf32>
      %add3A_927 = arith.constant 112 : i32
      %add3A_928 = arith.addi %mul3A_885, %add3A_927 : i32
      %get3A_929 = arith.index_cast %add3A_928 : i32 to index
      %get3A_930 = tpu.vector_load %arg5[%get3A_929] {strides = array<i32>} : memref<16000xf32, #tpu.memory_space<vmem>>, vector<16xf32>,
      %get3A_931 = vector.shape_cast %get3A_930 : vector<16xf32> to vector<16xf32>
      %add3A_932 = arith.addf %scan3A_883, %get3A_931 : vector<16xf32>
      scf.yield %add3A_890, %add3A_896, %add3A_902, %add3A_908, %add3A_914, %add3A_920, %add3A_926, %add3A_932 : vector<16xf32>, vector<16xf32>, vector<16xf32>, vector<16xf32>, vector<16xf32>, vector<16xf32>, vector<16xf32>, vector<16xf32>
    }
    %scan3A_328 = arith.constant 125 : i32
    %dma_start3A_329 = arith.constant 304000 : i32
    %dma_start3A_330 = tpu.memref_slice %arg2[%add3A, %dma_start3A_329] : memref<32x1600000xf32, #tpu.memory_space<hbm>> -> memref<1x16000xf32, #tpu.memory_space<hbm>>
    %dma_start3A_331 = tpu.memref_squeeze %dma_start3A_330 : memref<1x16000xf32, #tpu.memory_space<hbm>> -> memref<16000xf32, #tpu.memory_space<hbm>>
    %dma_start3A_332 = arith.constant 304000 : i32
    %dma_start3A_333 = tpu.memref_slice %arg2[%add3A, %dma_start3A_332] : memref<32x1600000xf32, #tpu.memory_space<hbm>> -> memref<1x16000xf32, #tpu.memory_space<hbm>>
    %dma_start3A_334 = tpu.memref_squeeze %dma_start3A_333 : memref<1x16000xf32, #tpu.memory_space<hbm>> -> memref<16000xf32, #tpu.memory_space<hbm>>
    tpu.enqueue_dma source(%dma_start3A_334 : memref<16000xf32, #tpu.memory_space<hbm>>) target(%arg5 : memref<16000xf32, #tpu.memory_space<vmem>>) target_semaphore(%arg8 : memref<!tpu.dma_semaphore, #tpu.memory_space<semaphore_mem>>)
    %dma_wait3A_335 = arith.constant 288000 : i32
    %dma_wait3A_336 = tpu.memref_slice %arg2[%add3A, %dma_wait3A_335] : memref<32x1600000xf32, #tpu.memory_space<hbm>> -> memref<1x16000xf32, #tpu.memory_space<hbm>>
    %dma_wait3A_337 = tpu.memref_squeeze %dma_wait3A_336 : memref<1x16000xf32, #tpu.memory_space<hbm>> -> memref<16000xf32, #tpu.memory_space<hbm>>
    %dma_wait3A_338 = arith.constant 288000 : i32
    %dma_wait3A_339 = tpu.memref_slice %arg2[%add3A, %dma_wait3A_338] : memref<32x1600000xf32, #tpu.memory_space<hbm>> -> memref<1x16000xf32, #tpu.memory_space<hbm>>
    %dma_wait3A_340 = tpu.memref_squeeze %dma_wait3A_339 : memref<1x16000xf32, #tpu.memory_space<hbm>> -> memref<16000xf32, #tpu.memory_space<hbm>>
    tpu.wait_dma2 semaphore(%arg7 : memref<!tpu.dma_semaphore, #tpu.memory_space<semaphore_mem>>) src(%dma_wait3A_340 : memref<16000xf32, #tpu.memory_space<hbm>>) dst(%arg4 : memref<16000xf32, #tpu.memory_space<vmem>>)
    %scan3A_341 = arith.constant 0 : i32
    %scan3A_342 = arith.constant 125 : i32
    %scan3A_343 = arith.addi %scan3A_341, %scan3A_342 : i32
    %scan3A_344 = arith.constant 1 : i32
    %scan3A_345:8 = scf.for %scan3A_875 = %scan3A_341 to %scan3A_343 step %scan3A_344 iter_args(%scan3A_876 = %scan3A_327#0, %scan3A_877 = %scan3A_327#1, %scan3A_878 = %scan3A_327#2, %scan3A_879 = %scan3A_327#3, %scan3A_880 = %scan3A_327#4, %scan3A_881 = %scan3A_327#5, %scan3A_882 = %scan3A_327#6, %scan3A_883 = %scan3A_327#7) -> (vector<16xf32>, vector<16xf32>, vector<16xf32>, vector<16xf32>, vector<16xf32>, vector<16xf32>, vector<16xf32>, vector<16xf32>)  : i32 {
      %mul3A_884 = arith.constant 128 : i32
      %mul3A_885 = arith.muli %scan3A_875, %mul3A_884 : i32
      %add3A_886 = arith.constant 0 : i32
      %add3A_887 = arith.addi %mul3A_885, %add3A_886 : i32
      %get3A = arith.index_cast %add3A_887 : i32 to index
      %get3A_888 = tpu.vector_load %arg4[%get3A] {strides = array<i32>} : memref<16000xf32, #tpu.memory_space<vmem>>, vector<16xf32>,
      %get3A_889 = vector.shape_cast %get3A_888 : vector<16xf32> to vector<16xf32>
      %add3A_890 = arith.addf %scan3A_876, %get3A_889 : vector<16xf32>
      %add3A_891 = arith.constant 16 : i32
      %add3A_892 = arith.addi %mul3A_885, %add3A_891 : i32
      %get3A_893 = arith.index_cast %add3A_892 : i32 to index
      %get3A_894 = tpu.vector_load %arg4[%get3A_893] {strides = array<i32>} : memref<16000xf32, #tpu.memory_space<vmem>>, vector<16xf32>,
      %get3A_895 = vector.shape_cast %get3A_894 : vector<16xf32> to vector<16xf32>
      %add3A_896 = arith.addf %scan3A_877, %get3A_895 : vector<16xf32>
      %add3A_897 = arith.constant 32 : i32
      %add3A_898 = arith.addi %mul3A_885, %add3A_897 : i32
      %get3A_899 = arith.index_cast %add3A_898 : i32 to index
      %get3A_900 = tpu.vector_load %arg4[%get3A_899] {strides = array<i32>} : memref<16000xf32, #tpu.memory_space<vmem>>, vector<16xf32>,
      %get3A_901 = vector.shape_cast %get3A_900 : vector<16xf32> to vector<16xf32>
      %add3A_902 = arith.addf %scan3A_878, %get3A_901 : vector<16xf32>
      %add3A_903 = arith.constant 48 : i32
      %add3A_904 = arith.addi %mul3A_885, %add3A_903 : i32
      %get3A_905 = arith.index_cast %add3A_904 : i32 to index
      %get3A_906 = tpu.vector_load %arg4[%get3A_905] {strides = array<i32>} : memref<16000xf32, #tpu.memory_space<vmem>>, vector<16xf32>,
      %get3A_907 = vector.shape_cast %get3A_906 : vector<16xf32> to vector<16xf32>
      %add3A_908 = arith.addf %scan3A_879, %get3A_907 : vector<16xf32>
      %add3A_909 = arith.constant 64 : i32
      %add3A_910 = arith.addi %mul3A_885, %add3A_909 : i32
      %get3A_911 = arith.index_cast %add3A_910 : i32 to index
      %get3A_912 = tpu.vector_load %arg4[%get3A_911] {strides = array<i32>} : memref<16000xf32, #tpu.memory_space<vmem>>, vector<16xf32>,
      %get3A_913 = vector.shape_cast %get3A_912 : vector<16xf32> to vector<16xf32>
      %add3A_914 = arith.addf %scan3A_880, %get3A_913 : vector<16xf32>
      %add3A_915 = arith.constant 80 : i32
      %add3A_916 = arith.addi %mul3A_885, %add3A_915 : i32
      %get3A_917 = arith.index_cast %add3A_916 : i32 to index
      %get3A_918 = tpu.vector_load %arg4[%get3A_917] {strides = array<i32>} : memref<16000xf32, #tpu.memory_space<vmem>>, vector<16xf32>,
      %get3A_919 = vector.shape_cast %get3A_918 : vector<16xf32> to vector<16xf32>
      %add3A_920 = arith.addf %scan3A_881, %get3A_919 : vector<16xf32>
      %add3A_921 = arith.constant 96 : i32
      %add3A_922 = arith.addi %mul3A_885, %add3A_921 : i32
      %get3A_923 = arith.index_cast %add3A_922 : i32 to index
      %get3A_924 = tpu.vector_load %arg4[%get3A_923] {strides = array<i32>} : memref<16000xf32, #tpu.memory_space<vmem>>, vector<16xf32>,
      %get3A_925 = vector.shape_cast %get3A_924 : vector<16xf32> to vector<16xf32>
      %add3A_926 = arith.addf %scan3A_882, %get3A_925 : vector<16xf32>
      %add3A_927 = arith.constant 112 : i32
      %add3A_928 = arith.addi %mul3A_885, %add3A_927 : i32
      %get3A_929 = arith.index_cast %add3A_928 : i32 to index
      %get3A_930 = tpu.vector_load %arg4[%get3A_929] {strides = array<i32>} : memref<16000xf32, #tpu.memory_space<vmem>>, vector<16xf32>,
      %get3A_931 = vector.shape_cast %get3A_930 : vector<16xf32> to vector<16xf32>
      %add3A_932 = arith.addf %scan3A_883, %get3A_931 : vector<16xf32>
      scf.yield %add3A_890, %add3A_896, %add3A_902, %add3A_908, %add3A_914, %add3A_920, %add3A_926, %add3A_932 : vector<16xf32>, vector<16xf32>, vector<16xf32>, vector<16xf32>, vector<16xf32>, vector<16xf32>, vector<16xf32>, vector<16xf32>
    }
    %scan3A_346 = arith.constant 125 : i32
    %dma_start3A_347 = arith.constant 320000 : i32
    %dma_start3A_348 = tpu.memref_slice %arg2[%add3A, %dma_start3A_347] : memref<32x1600000xf32, #tpu.memory_space<hbm>> -> memref<1x16000xf32, #tpu.memory_space<hbm>>
    %dma_start3A_349 = tpu.memref_squeeze %dma_start3A_348 : memref<1x16000xf32, #tpu.memory_space<hbm>> -> memref<16000xf32, #tpu.memory_space<hbm>>
    %dma_start3A_350 = arith.constant 320000 : i32
    %dma_start3A_351 = tpu.memref_slice %arg2[%add3A, %dma_start3A_350] : memref<32x1600000xf32, #tpu.memory_space<hbm>> -> memref<1x16000xf32, #tpu.memory_space<hbm>>
    %dma_start3A_352 = tpu.memref_squeeze %dma_start3A_351 : memref<1x16000xf32, #tpu.memory_space<hbm>> -> memref<16000xf32, #tpu.memory_space<hbm>>
    tpu.enqueue_dma source(%dma_start3A_352 : memref<16000xf32, #tpu.memory_space<hbm>>) target(%arg4 : memref<16000xf32, #tpu.memory_space<vmem>>) target_semaphore(%arg7 : memref<!tpu.dma_semaphore, #tpu.memory_space<semaphore_mem>>)
    %dma_wait3A_353 = arith.constant 304000 : i32
    %dma_wait3A_354 = tpu.memref_slice %arg2[%add3A, %dma_wait3A_353] : memref<32x1600000xf32, #tpu.memory_space<hbm>> -> memref<1x16000xf32, #tpu.memory_space<hbm>>
    %dma_wait3A_355 = tpu.memref_squeeze %dma_wait3A_354 : memref<1x16000xf32, #tpu.memory_space<hbm>> -> memref<16000xf32, #tpu.memory_space<hbm>>
    %dma_wait3A_356 = arith.constant 304000 : i32
    %dma_wait3A_357 = tpu.memref_slice %arg2[%add3A, %dma_wait3A_356] : memref<32x1600000xf32, #tpu.memory_space<hbm>> -> memref<1x16000xf32, #tpu.memory_space<hbm>>
    %dma_wait3A_358 = tpu.memref_squeeze %dma_wait3A_357 : memref<1x16000xf32, #tpu.memory_space<hbm>> -> memref<16000xf32, #tpu.memory_space<hbm>>
    tpu.wait_dma2 semaphore(%arg8 : memref<!tpu.dma_semaphore, #tpu.memory_space<semaphore_mem>>) src(%dma_wait3A_358 : memref<16000xf32, #tpu.memory_space<hbm>>) dst(%arg5 : memref<16000xf32, #tpu.memory_space<vmem>>)
    %scan3A_359 = arith.constant 0 : i32
    %scan3A_360 = arith.constant 125 : i32
    %scan3A_361 = arith.addi %scan3A_359, %scan3A_360 : i32
    %scan3A_362 = arith.constant 1 : i32
    %scan3A_363:8 = scf.for %scan3A_875 = %scan3A_359 to %scan3A_361 step %scan3A_362 iter_args(%scan3A_876 = %scan3A_345#0, %scan3A_877 = %scan3A_345#1, %scan3A_878 = %scan3A_345#2, %scan3A_879 = %scan3A_345#3, %scan3A_880 = %scan3A_345#4, %scan3A_881 = %scan3A_345#5, %scan3A_882 = %scan3A_345#6, %scan3A_883 = %scan3A_345#7) -> (vector<16xf32>, vector<16xf32>, vector<16xf32>, vector<16xf32>, vector<16xf32>, vector<16xf32>, vector<16xf32>, vector<16xf32>)  : i32 {
      %mul3A_884 = arith.constant 128 : i32
      %mul3A_885 = arith.muli %scan3A_875, %mul3A_884 : i32
      %add3A_886 = arith.constant 0 : i32
      %add3A_887 = arith.addi %mul3A_885, %add3A_886 : i32
      %get3A = arith.index_cast %add3A_887 : i32 to index
      %get3A_888 = tpu.vector_load %arg5[%get3A] {strides = array<i32>} : memref<16000xf32, #tpu.memory_space<vmem>>, vector<16xf32>,
      %get3A_889 = vector.shape_cast %get3A_888 : vector<16xf32> to vector<16xf32>
      %add3A_890 = arith.addf %scan3A_876, %get3A_889 : vector<16xf32>
      %add3A_891 = arith.constant 16 : i32
      %add3A_892 = arith.addi %mul3A_885, %add3A_891 : i32
      %get3A_893 = arith.index_cast %add3A_892 : i32 to index
      %get3A_894 = tpu.vector_load %arg5[%get3A_893] {strides = array<i32>} : memref<16000xf32, #tpu.memory_space<vmem>>, vector<16xf32>,
      %get3A_895 = vector.shape_cast %get3A_894 : vector<16xf32> to vector<16xf32>
      %add3A_896 = arith.addf %scan3A_877, %get3A_895 : vector<16xf32>
      %add3A_897 = arith.constant 32 : i32
      %add3A_898 = arith.addi %mul3A_885, %add3A_897 : i32
      %get3A_899 = arith.index_cast %add3A_898 : i32 to index
      %get3A_900 = tpu.vector_load %arg5[%get3A_899] {strides = array<i32>} : memref<16000xf32, #tpu.memory_space<vmem>>, vector<16xf32>,
      %get3A_901 = vector.shape_cast %get3A_900 : vector<16xf32> to vector<16xf32>
      %add3A_902 = arith.addf %scan3A_878, %get3A_901 : vector<16xf32>
      %add3A_903 = arith.constant 48 : i32
      %add3A_904 = arith.addi %mul3A_885, %add3A_903 : i32
      %get3A_905 = arith.index_cast %add3A_904 : i32 to index
      %get3A_906 = tpu.vector_load %arg5[%get3A_905] {strides = array<i32>} : memref<16000xf32, #tpu.memory_space<vmem>>, vector<16xf32>,
      %get3A_907 = vector.shape_cast %get3A_906 : vector<16xf32> to vector<16xf32>
      %add3A_908 = arith.addf %scan3A_879, %get3A_907 : vector<16xf32>
      %add3A_909 = arith.constant 64 : i32
      %add3A_910 = arith.addi %mul3A_885, %add3A_909 : i32
      %get3A_911 = arith.index_cast %add3A_910 : i32 to index
      %get3A_912 = tpu.vector_load %arg5[%get3A_911] {strides = array<i32>} : memref<16000xf32, #tpu.memory_space<vmem>>, vector<16xf32>,
      %get3A_913 = vector.shape_cast %get3A_912 : vector<16xf32> to vector<16xf32>
      %add3A_914 = arith.addf %scan3A_880, %get3A_913 : vector<16xf32>
      %add3A_915 = arith.constant 80 : i32
      %add3A_916 = arith.addi %mul3A_885, %add3A_915 : i32
      %get3A_917 = arith.index_cast %add3A_916 : i32 to index
      %get3A_918 = tpu.vector_load %arg5[%get3A_917] {strides = array<i32>} : memref<16000xf32, #tpu.memory_space<vmem>>, vector<16xf32>,
      %get3A_919 = vector.shape_cast %get3A_918 : vector<16xf32> to vector<16xf32>
      %add3A_920 = arith.addf %scan3A_881, %get3A_919 : vector<16xf32>
      %add3A_921 = arith.constant 96 : i32
      %add3A_922 = arith.addi %mul3A_885, %add3A_921 : i32
      %get3A_923 = arith.index_cast %add3A_922 : i32 to index
      %get3A_924 = tpu.vector_load %arg5[%get3A_923] {strides = array<i32>} : memref<16000xf32, #tpu.memory_space<vmem>>, vector<16xf32>,
      %get3A_925 = vector.shape_cast %get3A_924 : vector<16xf32> to vector<16xf32>
      %add3A_926 = arith.addf %scan3A_882, %get3A_925 : vector<16xf32>
      %add3A_927 = arith.constant 112 : i32
      %add3A_928 = arith.addi %mul3A_885, %add3A_927 : i32
      %get3A_929 = arith.index_cast %add3A_928 : i32 to index
      %get3A_930 = tpu.vector_load %arg5[%get3A_929] {strides = array<i32>} : memref<16000xf32, #tpu.memory_space<vmem>>, vector<16xf32>,
      %get3A_931 = vector.shape_cast %get3A_930 : vector<16xf32> to vector<16xf32>
      %add3A_932 = arith.addf %scan3A_883, %get3A_931 : vector<16xf32>
      scf.yield %add3A_890, %add3A_896, %add3A_902, %add3A_908, %add3A_914, %add3A_920, %add3A_926, %add3A_932 : vector<16xf32>, vector<16xf32>, vector<16xf32>, vector<16xf32>, vector<16xf32>, vector<16xf32>, vector<16xf32>, vector<16xf32>
    }
    %scan3A_364 = arith.constant 125 : i32
    %dma_start3A_365 = arith.constant 336000 : i32
    %dma_start3A_366 = tpu.memref_slice %arg2[%add3A, %dma_start3A_365] : memref<32x1600000xf32, #tpu.memory_space<hbm>> -> memref<1x16000xf32, #tpu.memory_space<hbm>>
    %dma_start3A_367 = tpu.memref_squeeze %dma_start3A_366 : memref<1x16000xf32, #tpu.memory_space<hbm>> -> memref<16000xf32, #tpu.memory_space<hbm>>
    %dma_start3A_368 = arith.constant 336000 : i32
    %dma_start3A_369 = tpu.memref_slice %arg2[%add3A, %dma_start3A_368] : memref<32x1600000xf32, #tpu.memory_space<hbm>> -> memref<1x16000xf32, #tpu.memory_space<hbm>>
    %dma_start3A_370 = tpu.memref_squeeze %dma_start3A_369 : memref<1x16000xf32, #tpu.memory_space<hbm>> -> memref<16000xf32, #tpu.memory_space<hbm>>
    tpu.enqueue_dma source(%dma_start3A_370 : memref<16000xf32, #tpu.memory_space<hbm>>) target(%arg5 : memref<16000xf32, #tpu.memory_space<vmem>>) target_semaphore(%arg8 : memref<!tpu.dma_semaphore, #tpu.memory_space<semaphore_mem>>)
    %dma_wait3A_371 = arith.constant 320000 : i32
    %dma_wait3A_372 = tpu.memref_slice %arg2[%add3A, %dma_wait3A_371] : memref<32x1600000xf32, #tpu.memory_space<hbm>> -> memref<1x16000xf32, #tpu.memory_space<hbm>>
    %dma_wait3A_373 = tpu.memref_squeeze %dma_wait3A_372 : memref<1x16000xf32, #tpu.memory_space<hbm>> -> memref<16000xf32, #tpu.memory_space<hbm>>
    %dma_wait3A_374 = arith.constant 320000 : i32
    %dma_wait3A_375 = tpu.memref_slice %arg2[%add3A, %dma_wait3A_374] : memref<32x1600000xf32, #tpu.memory_space<hbm>> -> memref<1x16000xf32, #tpu.memory_space<hbm>>
    %dma_wait3A_376 = tpu.memref_squeeze %dma_wait3A_375 : memref<1x16000xf32, #tpu.memory_space<hbm>> -> memref<16000xf32, #tpu.memory_space<hbm>>
    tpu.wait_dma2 semaphore(%arg7 : memref<!tpu.dma_semaphore, #tpu.memory_space<semaphore_mem>>) src(%dma_wait3A_376 : memref<16000xf32, #tpu.memory_space<hbm>>) dst(%arg4 : memref<16000xf32, #tpu.memory_space<vmem>>)
    %scan3A_377 = arith.constant 0 : i32
    %scan3A_378 = arith.constant 125 : i32
    %scan3A_379 = arith.addi %scan3A_377, %scan3A_378 : i32
    %scan3A_380 = arith.constant 1 : i32
    %scan3A_381:8 = scf.for %scan3A_875 = %scan3A_377 to %scan3A_379 step %scan3A_380 iter_args(%scan3A_876 = %scan3A_363#0, %scan3A_877 = %scan3A_363#1, %scan3A_878 = %scan3A_363#2, %scan3A_879 = %scan3A_363#3, %scan3A_880 = %scan3A_363#4, %scan3A_881 = %scan3A_363#5, %scan3A_882 = %scan3A_363#6, %scan3A_883 = %scan3A_363#7) -> (vector<16xf32>, vector<16xf32>, vector<16xf32>, vector<16xf32>, vector<16xf32>, vector<16xf32>, vector<16xf32>, vector<16xf32>)  : i32 {
      %mul3A_884 = arith.constant 128 : i32
      %mul3A_885 = arith.muli %scan3A_875, %mul3A_884 : i32
      %add3A_886 = arith.constant 0 : i32
      %add3A_887 = arith.addi %mul3A_885, %add3A_886 : i32
      %get3A = arith.index_cast %add3A_887 : i32 to index
      %get3A_888 = tpu.vector_load %arg4[%get3A] {strides = array<i32>} : memref<16000xf32, #tpu.memory_space<vmem>>, vector<16xf32>,
      %get3A_889 = vector.shape_cast %get3A_888 : vector<16xf32> to vector<16xf32>
      %add3A_890 = arith.addf %scan3A_876, %get3A_889 : vector<16xf32>
      %add3A_891 = arith.constant 16 : i32
      %add3A_892 = arith.addi %mul3A_885, %add3A_891 : i32
      %get3A_893 = arith.index_cast %add3A_892 : i32 to index
      %get3A_894 = tpu.vector_load %arg4[%get3A_893] {strides = array<i32>} : memref<16000xf32, #tpu.memory_space<vmem>>, vector<16xf32>,
      %get3A_895 = vector.shape_cast %get3A_894 : vector<16xf32> to vector<16xf32>
      %add3A_896 = arith.addf %scan3A_877, %get3A_895 : vector<16xf32>
      %add3A_897 = arith.constant 32 : i32
      %add3A_898 = arith.addi %mul3A_885, %add3A_897 : i32
      %get3A_899 = arith.index_cast %add3A_898 : i32 to index
      %get3A_900 = tpu.vector_load %arg4[%get3A_899] {strides = array<i32>} : memref<16000xf32, #tpu.memory_space<vmem>>, vector<16xf32>,
      %get3A_901 = vector.shape_cast %get3A_900 : vector<16xf32> to vector<16xf32>
      %add3A_902 = arith.addf %scan3A_878, %get3A_901 : vector<16xf32>
      %add3A_903 = arith.constant 48 : i32
      %add3A_904 = arith.addi %mul3A_885, %add3A_903 : i32
      %get3A_905 = arith.index_cast %add3A_904 : i32 to index
      %get3A_906 = tpu.vector_load %arg4[%get3A_905] {strides = array<i32>} : memref<16000xf32, #tpu.memory_space<vmem>>, vector<16xf32>,
      %get3A_907 = vector.shape_cast %get3A_906 : vector<16xf32> to vector<16xf32>
      %add3A_908 = arith.addf %scan3A_879, %get3A_907 : vector<16xf32>
      %add3A_909 = arith.constant 64 : i32
      %add3A_910 = arith.addi %mul3A_885, %add3A_909 : i32
      %get3A_911 = arith.index_cast %add3A_910 : i32 to index
      %get3A_912 = tpu.vector_load %arg4[%get3A_911] {strides = array<i32>} : memref<16000xf32, #tpu.memory_space<vmem>>, vector<16xf32>,
      %get3A_913 = vector.shape_cast %get3A_912 : vector<16xf32> to vector<16xf32>
      %add3A_914 = arith.addf %scan3A_880, %get3A_913 : vector<16xf32>
      %add3A_915 = arith.constant 80 : i32
      %add3A_916 = arith.addi %mul3A_885, %add3A_915 : i32
      %get3A_917 = arith.index_cast %add3A_916 : i32 to index
      %get3A_918 = tpu.vector_load %arg4[%get3A_917] {strides = array<i32>} : memref<16000xf32, #tpu.memory_space<vmem>>, vector<16xf32>,
      %get3A_919 = vector.shape_cast %get3A_918 : vector<16xf32> to vector<16xf32>
      %add3A_920 = arith.addf %scan3A_881, %get3A_919 : vector<16xf32>
      %add3A_921 = arith.constant 96 : i32
      %add3A_922 = arith.addi %mul3A_885, %add3A_921 : i32
      %get3A_923 = arith.index_cast %add3A_922 : i32 to index
      %get3A_924 = tpu.vector_load %arg4[%get3A_923] {strides = array<i32>} : memref<16000xf32, #tpu.memory_space<vmem>>, vector<16xf32>,
      %get3A_925 = vector.shape_cast %get3A_924 : vector<16xf32> to vector<16xf32>
      %add3A_926 = arith.addf %scan3A_882, %get3A_925 : vector<16xf32>
      %add3A_927 = arith.constant 112 : i32
      %add3A_928 = arith.addi %mul3A_885, %add3A_927 : i32
      %get3A_929 = arith.index_cast %add3A_928 : i32 to index
      %get3A_930 = tpu.vector_load %arg4[%get3A_929] {strides = array<i32>} : memref<16000xf32, #tpu.memory_space<vmem>>, vector<16xf32>,
      %get3A_931 = vector.shape_cast %get3A_930 : vector<16xf32> to vector<16xf32>
      %add3A_932 = arith.addf %scan3A_883, %get3A_931 : vector<16xf32>
      scf.yield %add3A_890, %add3A_896, %add3A_902, %add3A_908, %add3A_914, %add3A_920, %add3A_926, %add3A_932 : vector<16xf32>, vector<16xf32>, vector<16xf32>, vector<16xf32>, vector<16xf32>, vector<16xf32>, vector<16xf32>, vector<16xf32>
    }
    %scan3A_382 = arith.constant 125 : i32
    %dma_start3A_383 = arith.constant 352000 : i32
    %dma_start3A_384 = tpu.memref_slice %arg2[%add3A, %dma_start3A_383] : memref<32x1600000xf32, #tpu.memory_space<hbm>> -> memref<1x16000xf32, #tpu.memory_space<hbm>>
    %dma_start3A_385 = tpu.memref_squeeze %dma_start3A_384 : memref<1x16000xf32, #tpu.memory_space<hbm>> -> memref<16000xf32, #tpu.memory_space<hbm>>
    %dma_start3A_386 = arith.constant 352000 : i32
    %dma_start3A_387 = tpu.memref_slice %arg2[%add3A, %dma_start3A_386] : memref<32x1600000xf32, #tpu.memory_space<hbm>> -> memref<1x16000xf32, #tpu.memory_space<hbm>>
    %dma_start3A_388 = tpu.memref_squeeze %dma_start3A_387 : memref<1x16000xf32, #tpu.memory_space<hbm>> -> memref<16000xf32, #tpu.memory_space<hbm>>
    tpu.enqueue_dma source(%dma_start3A_388 : memref<16000xf32, #tpu.memory_space<hbm>>) target(%arg4 : memref<16000xf32, #tpu.memory_space<vmem>>) target_semaphore(%arg7 : memref<!tpu.dma_semaphore, #tpu.memory_space<semaphore_mem>>)
    %dma_wait3A_389 = arith.constant 336000 : i32
    %dma_wait3A_390 = tpu.memref_slice %arg2[%add3A, %dma_wait3A_389] : memref<32x1600000xf32, #tpu.memory_space<hbm>> -> memref<1x16000xf32, #tpu.memory_space<hbm>>
    %dma_wait3A_391 = tpu.memref_squeeze %dma_wait3A_390 : memref<1x16000xf32, #tpu.memory_space<hbm>> -> memref<16000xf32, #tpu.memory_space<hbm>>
    %dma_wait3A_392 = arith.constant 336000 : i32
    %dma_wait3A_393 = tpu.memref_slice %arg2[%add3A, %dma_wait3A_392] : memref<32x1600000xf32, #tpu.memory_space<hbm>> -> memref<1x16000xf32, #tpu.memory_space<hbm>>
    %dma_wait3A_394 = tpu.memref_squeeze %dma_wait3A_393 : memref<1x16000xf32, #tpu.memory_space<hbm>> -> memref<16000xf32, #tpu.memory_space<hbm>>
    tpu.wait_dma2 semaphore(%arg8 : memref<!tpu.dma_semaphore, #tpu.memory_space<semaphore_mem>>) src(%dma_wait3A_394 : memref<16000xf32, #tpu.memory_space<hbm>>) dst(%arg5 : memref<16000xf32, #tpu.memory_space<vmem>>)
    %scan3A_395 = arith.constant 0 : i32
    %scan3A_396 = arith.constant 125 : i32
    %scan3A_397 = arith.addi %scan3A_395, %scan3A_396 : i32
    %scan3A_398 = arith.constant 1 : i32
    %scan3A_399:8 = scf.for %scan3A_875 = %scan3A_395 to %scan3A_397 step %scan3A_398 iter_args(%scan3A_876 = %scan3A_381#0, %scan3A_877 = %scan3A_381#1, %scan3A_878 = %scan3A_381#2, %scan3A_879 = %scan3A_381#3, %scan3A_880 = %scan3A_381#4, %scan3A_881 = %scan3A_381#5, %scan3A_882 = %scan3A_381#6, %scan3A_883 = %scan3A_381#7) -> (vector<16xf32>, vector<16xf32>, vector<16xf32>, vector<16xf32>, vector<16xf32>, vector<16xf32>, vector<16xf32>, vector<16xf32>)  : i32 {
      %mul3A_884 = arith.constant 128 : i32
      %mul3A_885 = arith.muli %scan3A_875, %mul3A_884 : i32
      %add3A_886 = arith.constant 0 : i32
      %add3A_887 = arith.addi %mul3A_885, %add3A_886 : i32
      %get3A = arith.index_cast %add3A_887 : i32 to index
      %get3A_888 = tpu.vector_load %arg5[%get3A] {strides = array<i32>} : memref<16000xf32, #tpu.memory_space<vmem>>, vector<16xf32>,
      %get3A_889 = vector.shape_cast %get3A_888 : vector<16xf32> to vector<16xf32>
      %add3A_890 = arith.addf %scan3A_876, %get3A_889 : vector<16xf32>
      %add3A_891 = arith.constant 16 : i32
      %add3A_892 = arith.addi %mul3A_885, %add3A_891 : i32
      %get3A_893 = arith.index_cast %add3A_892 : i32 to index
      %get3A_894 = tpu.vector_load %arg5[%get3A_893] {strides = array<i32>} : memref<16000xf32, #tpu.memory_space<vmem>>, vector<16xf32>,
      %get3A_895 = vector.shape_cast %get3A_894 : vector<16xf32> to vector<16xf32>
      %add3A_896 = arith.addf %scan3A_877, %get3A_895 : vector<16xf32>
      %add3A_897 = arith.constant 32 : i32
      %add3A_898 = arith.addi %mul3A_885, %add3A_897 : i32
      %get3A_899 = arith.index_cast %add3A_898 : i32 to index
      %get3A_900 = tpu.vector_load %arg5[%get3A_899] {strides = array<i32>} : memref<16000xf32, #tpu.memory_space<vmem>>, vector<16xf32>,
      %get3A_901 = vector.shape_cast %get3A_900 : vector<16xf32> to vector<16xf32>
      %add3A_902 = arith.addf %scan3A_878, %get3A_901 : vector<16xf32>
      %add3A_903 = arith.constant 48 : i32
      %add3A_904 = arith.addi %mul3A_885, %add3A_903 : i32
      %get3A_905 = arith.index_cast %add3A_904 : i32 to index
      %get3A_906 = tpu.vector_load %arg5[%get3A_905] {strides = array<i32>} : memref<16000xf32, #tpu.memory_space<vmem>>, vector<16xf32>,
      %get3A_907 = vector.shape_cast %get3A_906 : vector<16xf32> to vector<16xf32>
      %add3A_908 = arith.addf %scan3A_879, %get3A_907 : vector<16xf32>
      %add3A_909 = arith.constant 64 : i32
      %add3A_910 = arith.addi %mul3A_885, %add3A_909 : i32
      %get3A_911 = arith.index_cast %add3A_910 : i32 to index
      %get3A_912 = tpu.vector_load %arg5[%get3A_911] {strides = array<i32>} : memref<16000xf32, #tpu.memory_space<vmem>>, vector<16xf32>,
      %get3A_913 = vector.shape_cast %get3A_912 : vector<16xf32> to vector<16xf32>
      %add3A_914 = arith.addf %scan3A_880, %get3A_913 : vector<16xf32>
      %add3A_915 = arith.constant 80 : i32
      %add3A_916 = arith.addi %mul3A_885, %add3A_915 : i32
      %get3A_917 = arith.index_cast %add3A_916 : i32 to index
      %get3A_918 = tpu.vector_load %arg5[%get3A_917] {strides = array<i32>} : memref<16000xf32, #tpu.memory_space<vmem>>, vector<16xf32>,
      %get3A_919 = vector.shape_cast %get3A_918 : vector<16xf32> to vector<16xf32>
      %add3A_920 = arith.addf %scan3A_881, %get3A_919 : vector<16xf32>
      %add3A_921 = arith.constant 96 : i32
      %add3A_922 = arith.addi %mul3A_885, %add3A_921 : i32
      %get3A_923 = arith.index_cast %add3A_922 : i32 to index
      %get3A_924 = tpu.vector_load %arg5[%get3A_923] {strides = array<i32>} : memref<16000xf32, #tpu.memory_space<vmem>>, vector<16xf32>,
      %get3A_925 = vector.shape_cast %get3A_924 : vector<16xf32> to vector<16xf32>
      %add3A_926 = arith.addf %scan3A_882, %get3A_925 : vector<16xf32>
      %add3A_927 = arith.constant 112 : i32
      %add3A_928 = arith.addi %mul3A_885, %add3A_927 : i32
      %get3A_929 = arith.index_cast %add3A_928 : i32 to index
      %get3A_930 = tpu.vector_load %arg5[%get3A_929] {strides = array<i32>} : memref<16000xf32, #tpu.memory_space<vmem>>, vector<16xf32>,
      %get3A_931 = vector.shape_cast %get3A_930 : vector<16xf32> to vector<16xf32>
      %add3A_932 = arith.addf %scan3A_883, %get3A_931 : vector<16xf32>
      scf.yield %add3A_890, %add3A_896, %add3A_902, %add3A_908, %add3A_914, %add3A_920, %add3A_926, %add3A_932 : vector<16xf32>, vector<16xf32>, vector<16xf32>, vector<16xf32>, vector<16xf32>, vector<16xf32>, vector<16xf32>, vector<16xf32>
    }
    %scan3A_400 = arith.constant 125 : i32
    %dma_start3A_401 = arith.constant 368000 : i32
    %dma_start3A_402 = tpu.memref_slice %arg2[%add3A, %dma_start3A_401] : memref<32x1600000xf32, #tpu.memory_space<hbm>> -> memref<1x16000xf32, #tpu.memory_space<hbm>>
    %dma_start3A_403 = tpu.memref_squeeze %dma_start3A_402 : memref<1x16000xf32, #tpu.memory_space<hbm>> -> memref<16000xf32, #tpu.memory_space<hbm>>
    %dma_start3A_404 = arith.constant 368000 : i32
    %dma_start3A_405 = tpu.memref_slice %arg2[%add3A, %dma_start3A_404] : memref<32x1600000xf32, #tpu.memory_space<hbm>> -> memref<1x16000xf32, #tpu.memory_space<hbm>>
    %dma_start3A_406 = tpu.memref_squeeze %dma_start3A_405 : memref<1x16000xf32, #tpu.memory_space<hbm>> -> memref<16000xf32, #tpu.memory_space<hbm>>
    tpu.enqueue_dma source(%dma_start3A_406 : memref<16000xf32, #tpu.memory_space<hbm>>) target(%arg5 : memref<16000xf32, #tpu.memory_space<vmem>>) target_semaphore(%arg8 : memref<!tpu.dma_semaphore, #tpu.memory_space<semaphore_mem>>)
    %dma_wait3A_407 = arith.constant 352000 : i32
    %dma_wait3A_408 = tpu.memref_slice %arg2[%add3A, %dma_wait3A_407] : memref<32x1600000xf32, #tpu.memory_space<hbm>> -> memref<1x16000xf32, #tpu.memory_space<hbm>>
    %dma_wait3A_409 = tpu.memref_squeeze %dma_wait3A_408 : memref<1x16000xf32, #tpu.memory_space<hbm>> -> memref<16000xf32, #tpu.memory_space<hbm>>
    %dma_wait3A_410 = arith.constant 352000 : i32
    %dma_wait3A_411 = tpu.memref_slice %arg2[%add3A, %dma_wait3A_410] : memref<32x1600000xf32, #tpu.memory_space<hbm>> -> memref<1x16000xf32, #tpu.memory_space<hbm>>
    %dma_wait3A_412 = tpu.memref_squeeze %dma_wait3A_411 : memref<1x16000xf32, #tpu.memory_space<hbm>> -> memref<16000xf32, #tpu.memory_space<hbm>>
    tpu.wait_dma2 semaphore(%arg7 : memref<!tpu.dma_semaphore, #tpu.memory_space<semaphore_mem>>) src(%dma_wait3A_412 : memref<16000xf32, #tpu.memory_space<hbm>>) dst(%arg4 : memref<16000xf32, #tpu.memory_space<vmem>>)
    %scan3A_413 = arith.constant 0 : i32
    %scan3A_414 = arith.constant 125 : i32
    %scan3A_415 = arith.addi %scan3A_413, %scan3A_414 : i32
    %scan3A_416 = arith.constant 1 : i32
    %scan3A_417:8 = scf.for %scan3A_875 = %scan3A_413 to %scan3A_415 step %scan3A_416 iter_args(%scan3A_876 = %scan3A_399#0, %scan3A_877 = %scan3A_399#1, %scan3A_878 = %scan3A_399#2, %scan3A_879 = %scan3A_399#3, %scan3A_880 = %scan3A_399#4, %scan3A_881 = %scan3A_399#5, %scan3A_882 = %scan3A_399#6, %scan3A_883 = %scan3A_399#7) -> (vector<16xf32>, vector<16xf32>, vector<16xf32>, vector<16xf32>, vector<16xf32>, vector<16xf32>, vector<16xf32>, vector<16xf32>)  : i32 {
      %mul3A_884 = arith.constant 128 : i32
      %mul3A_885 = arith.muli %scan3A_875, %mul3A_884 : i32
      %add3A_886 = arith.constant 0 : i32
      %add3A_887 = arith.addi %mul3A_885, %add3A_886 : i32
      %get3A = arith.index_cast %add3A_887 : i32 to index
      %get3A_888 = tpu.vector_load %arg4[%get3A] {strides = array<i32>} : memref<16000xf32, #tpu.memory_space<vmem>>, vector<16xf32>,
      %get3A_889 = vector.shape_cast %get3A_888 : vector<16xf32> to vector<16xf32>
      %add3A_890 = arith.addf %scan3A_876, %get3A_889 : vector<16xf32>
      %add3A_891 = arith.constant 16 : i32
      %add3A_892 = arith.addi %mul3A_885, %add3A_891 : i32
      %get3A_893 = arith.index_cast %add3A_892 : i32 to index
      %get3A_894 = tpu.vector_load %arg4[%get3A_893] {strides = array<i32>} : memref<16000xf32, #tpu.memory_space<vmem>>, vector<16xf32>,
      %get3A_895 = vector.shape_cast %get3A_894 : vector<16xf32> to vector<16xf32>
      %add3A_896 = arith.addf %scan3A_877, %get3A_895 : vector<16xf32>
      %add3A_897 = arith.constant 32 : i32
      %add3A_898 = arith.addi %mul3A_885, %add3A_897 : i32
      %get3A_899 = arith.index_cast %add3A_898 : i32 to index
      %get3A_900 = tpu.vector_load %arg4[%get3A_899] {strides = array<i32>} : memref<16000xf32, #tpu.memory_space<vmem>>, vector<16xf32>,
      %get3A_901 = vector.shape_cast %get3A_900 : vector<16xf32> to vector<16xf32>
      %add3A_902 = arith.addf %scan3A_878, %get3A_901 : vector<16xf32>
      %add3A_903 = arith.constant 48 : i32
      %add3A_904 = arith.addi %mul3A_885, %add3A_903 : i32
      %get3A_905 = arith.index_cast %add3A_904 : i32 to index
      %get3A_906 = tpu.vector_load %arg4[%get3A_905] {strides = array<i32>} : memref<16000xf32, #tpu.memory_space<vmem>>, vector<16xf32>,
      %get3A_907 = vector.shape_cast %get3A_906 : vector<16xf32> to vector<16xf32>
      %add3A_908 = arith.addf %scan3A_879, %get3A_907 : vector<16xf32>
      %add3A_909 = arith.constant 64 : i32
      %add3A_910 = arith.addi %mul3A_885, %add3A_909 : i32
      %get3A_911 = arith.index_cast %add3A_910 : i32 to index
      %get3A_912 = tpu.vector_load %arg4[%get3A_911] {strides = array<i32>} : memref<16000xf32, #tpu.memory_space<vmem>>, vector<16xf32>,
      %get3A_913 = vector.shape_cast %get3A_912 : vector<16xf32> to vector<16xf32>
      %add3A_914 = arith.addf %scan3A_880, %get3A_913 : vector<16xf32>
      %add3A_915 = arith.constant 80 : i32
      %add3A_916 = arith.addi %mul3A_885, %add3A_915 : i32
      %get3A_917 = arith.index_cast %add3A_916 : i32 to index
      %get3A_918 = tpu.vector_load %arg4[%get3A_917] {strides = array<i32>} : memref<16000xf32, #tpu.memory_space<vmem>>, vector<16xf32>,
      %get3A_919 = vector.shape_cast %get3A_918 : vector<16xf32> to vector<16xf32>
      %add3A_920 = arith.addf %scan3A_881, %get3A_919 : vector<16xf32>
      %add3A_921 = arith.constant 96 : i32
      %add3A_922 = arith.addi %mul3A_885, %add3A_921 : i32
      %get3A_923 = arith.index_cast %add3A_922 : i32 to index
      %get3A_924 = tpu.vector_load %arg4[%get3A_923] {strides = array<i32>} : memref<16000xf32, #tpu.memory_space<vmem>>, vector<16xf32>,
      %get3A_925 = vector.shape_cast %get3A_924 : vector<16xf32> to vector<16xf32>
      %add3A_926 = arith.addf %scan3A_882, %get3A_925 : vector<16xf32>
      %add3A_927 = arith.constant 112 : i32
      %add3A_928 = arith.addi %mul3A_885, %add3A_927 : i32
      %get3A_929 = arith.index_cast %add3A_928 : i32 to index
      %get3A_930 = tpu.vector_load %arg4[%get3A_929] {strides = array<i32>} : memref<16000xf32, #tpu.memory_space<vmem>>, vector<16xf32>,
      %get3A_931 = vector.shape_cast %get3A_930 : vector<16xf32> to vector<16xf32>
      %add3A_932 = arith.addf %scan3A_883, %get3A_931 : vector<16xf32>
      scf.yield %add3A_890, %add3A_896, %add3A_902, %add3A_908, %add3A_914, %add3A_920, %add3A_926, %add3A_932 : vector<16xf32>, vector<16xf32>, vector<16xf32>, vector<16xf32>, vector<16xf32>, vector<16xf32>, vector<16xf32>, vector<16xf32>
    }
    %scan3A_418 = arith.constant 125 : i32
    %dma_start3A_419 = arith.constant 384000 : i32
    %dma_start3A_420 = tpu.memref_slice %arg2[%add3A, %dma_start3A_419] : memref<32x1600000xf32, #tpu.memory_space<hbm>> -> memref<1x16000xf32, #tpu.memory_space<hbm>>
    %dma_start3A_421 = tpu.memref_squeeze %dma_start3A_420 : memref<1x16000xf32, #tpu.memory_space<hbm>> -> memref<16000xf32, #tpu.memory_space<hbm>>
    %dma_start3A_422 = arith.constant 384000 : i32
    %dma_start3A_423 = tpu.memref_slice %arg2[%add3A, %dma_start3A_422] : memref<32x1600000xf32, #tpu.memory_space<hbm>> -> memref<1x16000xf32, #tpu.memory_space<hbm>>
    %dma_start3A_424 = tpu.memref_squeeze %dma_start3A_423 : memref<1x16000xf32, #tpu.memory_space<hbm>> -> memref<16000xf32, #tpu.memory_space<hbm>>
    tpu.enqueue_dma source(%dma_start3A_424 : memref<16000xf32, #tpu.memory_space<hbm>>) target(%arg4 : memref<16000xf32, #tpu.memory_space<vmem>>) target_semaphore(%arg7 : memref<!tpu.dma_semaphore, #tpu.memory_space<semaphore_mem>>)
    %dma_wait3A_425 = arith.constant 368000 : i32
    %dma_wait3A_426 = tpu.memref_slice %arg2[%add3A, %dma_wait3A_425] : memref<32x1600000xf32, #tpu.memory_space<hbm>> -> memref<1x16000xf32, #tpu.memory_space<hbm>>
    %dma_wait3A_427 = tpu.memref_squeeze %dma_wait3A_426 : memref<1x16000xf32, #tpu.memory_space<hbm>> -> memref<16000xf32, #tpu.memory_space<hbm>>
    %dma_wait3A_428 = arith.constant 368000 : i32
    %dma_wait3A_429 = tpu.memref_slice %arg2[%add3A, %dma_wait3A_428] : memref<32x1600000xf32, #tpu.memory_space<hbm>> -> memref<1x16000xf32, #tpu.memory_space<hbm>>
    %dma_wait3A_430 = tpu.memref_squeeze %dma_wait3A_429 : memref<1x16000xf32, #tpu.memory_space<hbm>> -> memref<16000xf32, #tpu.memory_space<hbm>>
    tpu.wait_dma2 semaphore(%arg8 : memref<!tpu.dma_semaphore, #tpu.memory_space<semaphore_mem>>) src(%dma_wait3A_430 : memref<16000xf32, #tpu.memory_space<hbm>>) dst(%arg5 : memref<16000xf32, #tpu.memory_space<vmem>>)
    %scan3A_431 = arith.constant 0 : i32
    %scan3A_432 = arith.constant 125 : i32
    %scan3A_433 = arith.addi %scan3A_431, %scan3A_432 : i32
    %scan3A_434 = arith.constant 1 : i32
    %scan3A_435:8 = scf.for %scan3A_875 = %scan3A_431 to %scan3A_433 step %scan3A_434 iter_args(%scan3A_876 = %scan3A_417#0, %scan3A_877 = %scan3A_417#1, %scan3A_878 = %scan3A_417#2, %scan3A_879 = %scan3A_417#3, %scan3A_880 = %scan3A_417#4, %scan3A_881 = %scan3A_417#5, %scan3A_882 = %scan3A_417#6, %scan3A_883 = %scan3A_417#7) -> (vector<16xf32>, vector<16xf32>, vector<16xf32>, vector<16xf32>, vector<16xf32>, vector<16xf32>, vector<16xf32>, vector<16xf32>)  : i32 {
      %mul3A_884 = arith.constant 128 : i32
      %mul3A_885 = arith.muli %scan3A_875, %mul3A_884 : i32
      %add3A_886 = arith.constant 0 : i32
      %add3A_887 = arith.addi %mul3A_885, %add3A_886 : i32
      %get3A = arith.index_cast %add3A_887 : i32 to index
      %get3A_888 = tpu.vector_load %arg5[%get3A] {strides = array<i32>} : memref<16000xf32, #tpu.memory_space<vmem>>, vector<16xf32>,
      %get3A_889 = vector.shape_cast %get3A_888 : vector<16xf32> to vector<16xf32>
      %add3A_890 = arith.addf %scan3A_876, %get3A_889 : vector<16xf32>
      %add3A_891 = arith.constant 16 : i32
      %add3A_892 = arith.addi %mul3A_885, %add3A_891 : i32
      %get3A_893 = arith.index_cast %add3A_892 : i32 to index
      %get3A_894 = tpu.vector_load %arg5[%get3A_893] {strides = array<i32>} : memref<16000xf32, #tpu.memory_space<vmem>>, vector<16xf32>,
      %get3A_895 = vector.shape_cast %get3A_894 : vector<16xf32> to vector<16xf32>
      %add3A_896 = arith.addf %scan3A_877, %get3A_895 : vector<16xf32>
      %add3A_897 = arith.constant 32 : i32
      %add3A_898 = arith.addi %mul3A_885, %add3A_897 : i32
      %get3A_899 = arith.index_cast %add3A_898 : i32 to index
      %get3A_900 = tpu.vector_load %arg5[%get3A_899] {strides = array<i32>} : memref<16000xf32, #tpu.memory_space<vmem>>, vector<16xf32>,
      %get3A_901 = vector.shape_cast %get3A_900 : vector<16xf32> to vector<16xf32>
      %add3A_902 = arith.addf %scan3A_878, %get3A_901 : vector<16xf32>
      %add3A_903 = arith.constant 48 : i32
      %add3A_904 = arith.addi %mul3A_885, %add3A_903 : i32
      %get3A_905 = arith.index_cast %add3A_904 : i32 to index
      %get3A_906 = tpu.vector_load %arg5[%get3A_905] {strides = array<i32>} : memref<16000xf32, #tpu.memory_space<vmem>>, vector<16xf32>,
      %get3A_907 = vector.shape_cast %get3A_906 : vector<16xf32> to vector<16xf32>
      %add3A_908 = arith.addf %scan3A_879, %get3A_907 : vector<16xf32>
      %add3A_909 = arith.constant 64 : i32
      %add3A_910 = arith.addi %mul3A_885, %add3A_909 : i32
      %get3A_911 = arith.index_cast %add3A_910 : i32 to index
      %get3A_912 = tpu.vector_load %arg5[%get3A_911] {strides = array<i32>} : memref<16000xf32, #tpu.memory_space<vmem>>, vector<16xf32>,
      %get3A_913 = vector.shape_cast %get3A_912 : vector<16xf32> to vector<16xf32>
      %add3A_914 = arith.addf %scan3A_880, %get3A_913 : vector<16xf32>
      %add3A_915 = arith.constant 80 : i32
      %add3A_916 = arith.addi %mul3A_885, %add3A_915 : i32
      %get3A_917 = arith.index_cast %add3A_916 : i32 to index
      %get3A_918 = tpu.vector_load %arg5[%get3A_917] {strides = array<i32>} : memref<16000xf32, #tpu.memory_space<vmem>>, vector<16xf32>,
      %get3A_919 = vector.shape_cast %get3A_918 : vector<16xf32> to vector<16xf32>
      %add3A_920 = arith.addf %scan3A_881, %get3A_919 : vector<16xf32>
      %add3A_921 = arith.constant 96 : i32
      %add3A_922 = arith.addi %mul3A_885, %add3A_921 : i32
      %get3A_923 = arith.index_cast %add3A_922 : i32 to index
      %get3A_924 = tpu.vector_load %arg5[%get3A_923] {strides = array<i32>} : memref<16000xf32, #tpu.memory_space<vmem>>, vector<16xf32>,
      %get3A_925 = vector.shape_cast %get3A_924 : vector<16xf32> to vector<16xf32>
      %add3A_926 = arith.addf %scan3A_882, %get3A_925 : vector<16xf32>
      %add3A_927 = arith.constant 112 : i32
      %add3A_928 = arith.addi %mul3A_885, %add3A_927 : i32
      %get3A_929 = arith.index_cast %add3A_928 : i32 to index
      %get3A_930 = tpu.vector_load %arg5[%get3A_929] {strides = array<i32>} : memref<16000xf32, #tpu.memory_space<vmem>>, vector<16xf32>,
      %get3A_931 = vector.shape_cast %get3A_930 : vector<16xf32> to vector<16xf32>
      %add3A_932 = arith.addf %scan3A_883, %get3A_931 : vector<16xf32>
      scf.yield %add3A_890, %add3A_896, %add3A_902, %add3A_908, %add3A_914, %add3A_920, %add3A_926, %add3A_932 : vector<16xf32>, vector<16xf32>, vector<16xf32>, vector<16xf32>, vector<16xf32>, vector<16xf32>, vector<16xf32>, vector<16xf32>
    }
    %scan3A_436 = arith.constant 125 : i32
    %dma_start3A_437 = arith.constant 400000 : i32
    %dma_start3A_438 = tpu.memref_slice %arg2[%add3A, %dma_start3A_437] : memref<32x1600000xf32, #tpu.memory_space<hbm>> -> memref<1x16000xf32, #tpu.memory_space<hbm>>
    %dma_start3A_439 = tpu.memref_squeeze %dma_start3A_438 : memref<1x16000xf32, #tpu.memory_space<hbm>> -> memref<16000xf32, #tpu.memory_space<hbm>>
    %dma_start3A_440 = arith.constant 400000 : i32
    %dma_start3A_441 = tpu.memref_slice %arg2[%add3A, %dma_start3A_440] : memref<32x1600000xf32, #tpu.memory_space<hbm>> -> memref<1x16000xf32, #tpu.memory_space<hbm>>
    %dma_start3A_442 = tpu.memref_squeeze %dma_start3A_441 : memref<1x16000xf32, #tpu.memory_space<hbm>> -> memref<16000xf32, #tpu.memory_space<hbm>>
    tpu.enqueue_dma source(%dma_start3A_442 : memref<16000xf32, #tpu.memory_space<hbm>>) target(%arg5 : memref<16000xf32, #tpu.memory_space<vmem>>) target_semaphore(%arg8 : memref<!tpu.dma_semaphore, #tpu.memory_space<semaphore_mem>>)
    %dma_wait3A_443 = arith.constant 384000 : i32
    %dma_wait3A_444 = tpu.memref_slice %arg2[%add3A, %dma_wait3A_443] : memref<32x1600000xf32, #tpu.memory_space<hbm>> -> memref<1x16000xf32, #tpu.memory_space<hbm>>
    %dma_wait3A_445 = tpu.memref_squeeze %dma_wait3A_444 : memref<1x16000xf32, #tpu.memory_space<hbm>> -> memref<16000xf32, #tpu.memory_space<hbm>>
    %dma_wait3A_446 = arith.constant 384000 : i32
    %dma_wait3A_447 = tpu.memref_slice %arg2[%add3A, %dma_wait3A_446] : memref<32x1600000xf32, #tpu.memory_space<hbm>> -> memref<1x16000xf32, #tpu.memory_space<hbm>>
    %dma_wait3A_448 = tpu.memref_squeeze %dma_wait3A_447 : memref<1x16000xf32, #tpu.memory_space<hbm>> -> memref<16000xf32, #tpu.memory_space<hbm>>
    tpu.wait_dma2 semaphore(%arg7 : memref<!tpu.dma_semaphore, #tpu.memory_space<semaphore_mem>>) src(%dma_wait3A_448 : memref<16000xf32, #tpu.memory_space<hbm>>) dst(%arg4 : memref<16000xf32, #tpu.memory_space<vmem>>)
    %scan3A_449 = arith.constant 0 : i32
    %scan3A_450 = arith.constant 125 : i32
    %scan3A_451 = arith.addi %scan3A_449, %scan3A_450 : i32
    %scan3A_452 = arith.constant 1 : i32
    %scan3A_453:8 = scf.for %scan3A_875 = %scan3A_449 to %scan3A_451 step %scan3A_452 iter_args(%scan3A_876 = %scan3A_435#0, %scan3A_877 = %scan3A_435#1, %scan3A_878 = %scan3A_435#2, %scan3A_879 = %scan3A_435#3, %scan3A_880 = %scan3A_435#4, %scan3A_881 = %scan3A_435#5, %scan3A_882 = %scan3A_435#6, %scan3A_883 = %scan3A_435#7) -> (vector<16xf32>, vector<16xf32>, vector<16xf32>, vector<16xf32>, vector<16xf32>, vector<16xf32>, vector<16xf32>, vector<16xf32>)  : i32 {
      %mul3A_884 = arith.constant 128 : i32
      %mul3A_885 = arith.muli %scan3A_875, %mul3A_884 : i32
      %add3A_886 = arith.constant 0 : i32
      %add3A_887 = arith.addi %mul3A_885, %add3A_886 : i32
      %get3A = arith.index_cast %add3A_887 : i32 to index
      %get3A_888 = tpu.vector_load %arg4[%get3A] {strides = array<i32>} : memref<16000xf32, #tpu.memory_space<vmem>>, vector<16xf32>,
      %get3A_889 = vector.shape_cast %get3A_888 : vector<16xf32> to vector<16xf32>
      %add3A_890 = arith.addf %scan3A_876, %get3A_889 : vector<16xf32>
      %add3A_891 = arith.constant 16 : i32
      %add3A_892 = arith.addi %mul3A_885, %add3A_891 : i32
      %get3A_893 = arith.index_cast %add3A_892 : i32 to index
      %get3A_894 = tpu.vector_load %arg4[%get3A_893] {strides = array<i32>} : memref<16000xf32, #tpu.memory_space<vmem>>, vector<16xf32>,
      %get3A_895 = vector.shape_cast %get3A_894 : vector<16xf32> to vector<16xf32>
      %add3A_896 = arith.addf %scan3A_877, %get3A_895 : vector<16xf32>
      %add3A_897 = arith.constant 32 : i32
      %add3A_898 = arith.addi %mul3A_885, %add3A_897 : i32
      %get3A_899 = arith.index_cast %add3A_898 : i32 to index
      %get3A_900 = tpu.vector_load %arg4[%get3A_899] {strides = array<i32>} : memref<16000xf32, #tpu.memory_space<vmem>>, vector<16xf32>,
      %get3A_901 = vector.shape_cast %get3A_900 : vector<16xf32> to vector<16xf32>
      %add3A_902 = arith.addf %scan3A_878, %get3A_901 : vector<16xf32>
      %add3A_903 = arith.constant 48 : i32
      %add3A_904 = arith.addi %mul3A_885, %add3A_903 : i32
      %get3A_905 = arith.index_cast %add3A_904 : i32 to index
      %get3A_906 = tpu.vector_load %arg4[%get3A_905] {strides = array<i32>} : memref<16000xf32, #tpu.memory_space<vmem>>, vector<16xf32>,
      %get3A_907 = vector.shape_cast %get3A_906 : vector<16xf32> to vector<16xf32>
      %add3A_908 = arith.addf %scan3A_879, %get3A_907 : vector<16xf32>
      %add3A_909 = arith.constant 64 : i32
      %add3A_910 = arith.addi %mul3A_885, %add3A_909 : i32
      %get3A_911 = arith.index_cast %add3A_910 : i32 to index
      %get3A_912 = tpu.vector_load %arg4[%get3A_911] {strides = array<i32>} : memref<16000xf32, #tpu.memory_space<vmem>>, vector<16xf32>,
      %get3A_913 = vector.shape_cast %get3A_912 : vector<16xf32> to vector<16xf32>
      %add3A_914 = arith.addf %scan3A_880, %get3A_913 : vector<16xf32>
      %add3A_915 = arith.constant 80 : i32
      %add3A_916 = arith.addi %mul3A_885, %add3A_915 : i32
      %get3A_917 = arith.index_cast %add3A_916 : i32 to index
      %get3A_918 = tpu.vector_load %arg4[%get3A_917] {strides = array<i32>} : memref<16000xf32, #tpu.memory_space<vmem>>, vector<16xf32>,
      %get3A_919 = vector.shape_cast %get3A_918 : vector<16xf32> to vector<16xf32>
      %add3A_920 = arith.addf %scan3A_881, %get3A_919 : vector<16xf32>
      %add3A_921 = arith.constant 96 : i32
      %add3A_922 = arith.addi %mul3A_885, %add3A_921 : i32
      %get3A_923 = arith.index_cast %add3A_922 : i32 to index
      %get3A_924 = tpu.vector_load %arg4[%get3A_923] {strides = array<i32>} : memref<16000xf32, #tpu.memory_space<vmem>>, vector<16xf32>,
      %get3A_925 = vector.shape_cast %get3A_924 : vector<16xf32> to vector<16xf32>
      %add3A_926 = arith.addf %scan3A_882, %get3A_925 : vector<16xf32>
      %add3A_927 = arith.constant 112 : i32
      %add3A_928 = arith.addi %mul3A_885, %add3A_927 : i32
      %get3A_929 = arith.index_cast %add3A_928 : i32 to index
      %get3A_930 = tpu.vector_load %arg4[%get3A_929] {strides = array<i32>} : memref<16000xf32, #tpu.memory_space<vmem>>, vector<16xf32>,
      %get3A_931 = vector.shape_cast %get3A_930 : vector<16xf32> to vector<16xf32>
      %add3A_932 = arith.addf %scan3A_883, %get3A_931 : vector<16xf32>
      scf.yield %add3A_890, %add3A_896, %add3A_902, %add3A_908, %add3A_914, %add3A_920, %add3A_926, %add3A_932 : vector<16xf32>, vector<16xf32>, vector<16xf32>, vector<16xf32>, vector<16xf32>, vector<16xf32>, vector<16xf32>, vector<16xf32>
    }
    %scan3A_454 = arith.constant 125 : i32
    %dma_start3A_455 = arith.constant 416000 : i32
    %dma_start3A_456 = tpu.memref_slice %arg2[%add3A, %dma_start3A_455] : memref<32x1600000xf32, #tpu.memory_space<hbm>> -> memref<1x16000xf32, #tpu.memory_space<hbm>>
    %dma_start3A_457 = tpu.memref_squeeze %dma_start3A_456 : memref<1x16000xf32, #tpu.memory_space<hbm>> -> memref<16000xf32, #tpu.memory_space<hbm>>
    %dma_start3A_458 = arith.constant 416000 : i32
    %dma_start3A_459 = tpu.memref_slice %arg2[%add3A, %dma_start3A_458] : memref<32x1600000xf32, #tpu.memory_space<hbm>> -> memref<1x16000xf32, #tpu.memory_space<hbm>>
    %dma_start3A_460 = tpu.memref_squeeze %dma_start3A_459 : memref<1x16000xf32, #tpu.memory_space<hbm>> -> memref<16000xf32, #tpu.memory_space<hbm>>
    tpu.enqueue_dma source(%dma_start3A_460 : memref<16000xf32, #tpu.memory_space<hbm>>) target(%arg4 : memref<16000xf32, #tpu.memory_space<vmem>>) target_semaphore(%arg7 : memref<!tpu.dma_semaphore, #tpu.memory_space<semaphore_mem>>)
    %dma_wait3A_461 = arith.constant 400000 : i32
    %dma_wait3A_462 = tpu.memref_slice %arg2[%add3A, %dma_wait3A_461] : memref<32x1600000xf32, #tpu.memory_space<hbm>> -> memref<1x16000xf32, #tpu.memory_space<hbm>>
    %dma_wait3A_463 = tpu.memref_squeeze %dma_wait3A_462 : memref<1x16000xf32, #tpu.memory_space<hbm>> -> memref<16000xf32, #tpu.memory_space<hbm>>
    %dma_wait3A_464 = arith.constant 400000 : i32
    %dma_wait3A_465 = tpu.memref_slice %arg2[%add3A, %dma_wait3A_464] : memref<32x1600000xf32, #tpu.memory_space<hbm>> -> memref<1x16000xf32, #tpu.memory_space<hbm>>
    %dma_wait3A_466 = tpu.memref_squeeze %dma_wait3A_465 : memref<1x16000xf32, #tpu.memory_space<hbm>> -> memref<16000xf32, #tpu.memory_space<hbm>>
    tpu.wait_dma2 semaphore(%arg8 : memref<!tpu.dma_semaphore, #tpu.memory_space<semaphore_mem>>) src(%dma_wait3A_466 : memref<16000xf32, #tpu.memory_space<hbm>>) dst(%arg5 : memref<16000xf32, #tpu.memory_space<vmem>>)
    %scan3A_467 = arith.constant 0 : i32
    %scan3A_468 = arith.constant 125 : i32
    %scan3A_469 = arith.addi %scan3A_467, %scan3A_468 : i32
    %scan3A_470 = arith.constant 1 : i32
    %scan3A_471:8 = scf.for %scan3A_875 = %scan3A_467 to %scan3A_469 step %scan3A_470 iter_args(%scan3A_876 = %scan3A_453#0, %scan3A_877 = %scan3A_453#1, %scan3A_878 = %scan3A_453#2, %scan3A_879 = %scan3A_453#3, %scan3A_880 = %scan3A_453#4, %scan3A_881 = %scan3A_453#5, %scan3A_882 = %scan3A_453#6, %scan3A_883 = %scan3A_453#7) -> (vector<16xf32>, vector<16xf32>, vector<16xf32>, vector<16xf32>, vector<16xf32>, vector<16xf32>, vector<16xf32>, vector<16xf32>)  : i32 {
      %mul3A_884 = arith.constant 128 : i32
      %mul3A_885 = arith.muli %scan3A_875, %mul3A_884 : i32
      %add3A_886 = arith.constant 0 : i32
      %add3A_887 = arith.addi %mul3A_885, %add3A_886 : i32
      %get3A = arith.index_cast %add3A_887 : i32 to index
      %get3A_888 = tpu.vector_load %arg5[%get3A] {strides = array<i32>} : memref<16000xf32, #tpu.memory_space<vmem>>, vector<16xf32>,
      %get3A_889 = vector.shape_cast %get3A_888 : vector<16xf32> to vector<16xf32>
      %add3A_890 = arith.addf %scan3A_876, %get3A_889 : vector<16xf32>
      %add3A_891 = arith.constant 16 : i32
      %add3A_892 = arith.addi %mul3A_885, %add3A_891 : i32
      %get3A_893 = arith.index_cast %add3A_892 : i32 to index
      %get3A_894 = tpu.vector_load %arg5[%get3A_893] {strides = array<i32>} : memref<16000xf32, #tpu.memory_space<vmem>>, vector<16xf32>,
      %get3A_895 = vector.shape_cast %get3A_894 : vector<16xf32> to vector<16xf32>
      %add3A_896 = arith.addf %scan3A_877, %get3A_895 : vector<16xf32>
      %add3A_897 = arith.constant 32 : i32
      %add3A_898 = arith.addi %mul3A_885, %add3A_897 : i32
      %get3A_899 = arith.index_cast %add3A_898 : i32 to index
      %get3A_900 = tpu.vector_load %arg5[%get3A_899] {strides = array<i32>} : memref<16000xf32, #tpu.memory_space<vmem>>, vector<16xf32>,
      %get3A_901 = vector.shape_cast %get3A_900 : vector<16xf32> to vector<16xf32>
      %add3A_902 = arith.addf %scan3A_878, %get3A_901 : vector<16xf32>
      %add3A_903 = arith.constant 48 : i32
      %add3A_904 = arith.addi %mul3A_885, %add3A_903 : i32
      %get3A_905 = arith.index_cast %add3A_904 : i32 to index
      %get3A_906 = tpu.vector_load %arg5[%get3A_905] {strides = array<i32>} : memref<16000xf32, #tpu.memory_space<vmem>>, vector<16xf32>,
      %get3A_907 = vector.shape_cast %get3A_906 : vector<16xf32> to vector<16xf32>
      %add3A_908 = arith.addf %scan3A_879, %get3A_907 : vector<16xf32>
      %add3A_909 = arith.constant 64 : i32
      %add3A_910 = arith.addi %mul3A_885, %add3A_909 : i32
      %get3A_911 = arith.index_cast %add3A_910 : i32 to index
      %get3A_912 = tpu.vector_load %arg5[%get3A_911] {strides = array<i32>} : memref<16000xf32, #tpu.memory_space<vmem>>, vector<16xf32>,
      %get3A_913 = vector.shape_cast %get3A_912 : vector<16xf32> to vector<16xf32>
      %add3A_914 = arith.addf %scan3A_880, %get3A_913 : vector<16xf32>
      %add3A_915 = arith.constant 80 : i32
      %add3A_916 = arith.addi %mul3A_885, %add3A_915 : i32
      %get3A_917 = arith.index_cast %add3A_916 : i32 to index
      %get3A_918 = tpu.vector_load %arg5[%get3A_917] {strides = array<i32>} : memref<16000xf32, #tpu.memory_space<vmem>>, vector<16xf32>,
      %get3A_919 = vector.shape_cast %get3A_918 : vector<16xf32> to vector<16xf32>
      %add3A_920 = arith.addf %scan3A_881, %get3A_919 : vector<16xf32>
      %add3A_921 = arith.constant 96 : i32
      %add3A_922 = arith.addi %mul3A_885, %add3A_921 : i32
      %get3A_923 = arith.index_cast %add3A_922 : i32 to index
      %get3A_924 = tpu.vector_load %arg5[%get3A_923] {strides = array<i32>} : memref<16000xf32, #tpu.memory_space<vmem>>, vector<16xf32>,
      %get3A_925 = vector.shape_cast %get3A_924 : vector<16xf32> to vector<16xf32>
      %add3A_926 = arith.addf %scan3A_882, %get3A_925 : vector<16xf32>
      %add3A_927 = arith.constant 112 : i32
      %add3A_928 = arith.addi %mul3A_885, %add3A_927 : i32
      %get3A_929 = arith.index_cast %add3A_928 : i32 to index
      %get3A_930 = tpu.vector_load %arg5[%get3A_929] {strides = array<i32>} : memref<16000xf32, #tpu.memory_space<vmem>>, vector<16xf32>,
      %get3A_931 = vector.shape_cast %get3A_930 : vector<16xf32> to vector<16xf32>
      %add3A_932 = arith.addf %scan3A_883, %get3A_931 : vector<16xf32>
      scf.yield %add3A_890, %add3A_896, %add3A_902, %add3A_908, %add3A_914, %add3A_920, %add3A_926, %add3A_932 : vector<16xf32>, vector<16xf32>, vector<16xf32>, vector<16xf32>, vector<16xf32>, vector<16xf32>, vector<16xf32>, vector<16xf32>
    }
    %scan3A_472 = arith.constant 125 : i32
    %dma_start3A_473 = arith.constant 432000 : i32
    %dma_start3A_474 = tpu.memref_slice %arg2[%add3A, %dma_start3A_473] : memref<32x1600000xf32, #tpu.memory_space<hbm>> -> memref<1x16000xf32, #tpu.memory_space<hbm>>
    %dma_start3A_475 = tpu.memref_squeeze %dma_start3A_474 : memref<1x16000xf32, #tpu.memory_space<hbm>> -> memref<16000xf32, #tpu.memory_space<hbm>>
    %dma_start3A_476 = arith.constant 432000 : i32
    %dma_start3A_477 = tpu.memref_slice %arg2[%add3A, %dma_start3A_476] : memref<32x1600000xf32, #tpu.memory_space<hbm>> -> memref<1x16000xf32, #tpu.memory_space<hbm>>
    %dma_start3A_478 = tpu.memref_squeeze %dma_start3A_477 : memref<1x16000xf32, #tpu.memory_space<hbm>> -> memref<16000xf32, #tpu.memory_space<hbm>>
    tpu.enqueue_dma source(%dma_start3A_478 : memref<16000xf32, #tpu.memory_space<hbm>>) target(%arg5 : memref<16000xf32, #tpu.memory_space<vmem>>) target_semaphore(%arg8 : memref<!tpu.dma_semaphore, #tpu.memory_space<semaphore_mem>>)
    %dma_wait3A_479 = arith.constant 416000 : i32
    %dma_wait3A_480 = tpu.memref_slice %arg2[%add3A, %dma_wait3A_479] : memref<32x1600000xf32, #tpu.memory_space<hbm>> -> memref<1x16000xf32, #tpu.memory_space<hbm>>
    %dma_wait3A_481 = tpu.memref_squeeze %dma_wait3A_480 : memref<1x16000xf32, #tpu.memory_space<hbm>> -> memref<16000xf32, #tpu.memory_space<hbm>>
    %dma_wait3A_482 = arith.constant 416000 : i32
    %dma_wait3A_483 = tpu.memref_slice %arg2[%add3A, %dma_wait3A_482] : memref<32x1600000xf32, #tpu.memory_space<hbm>> -> memref<1x16000xf32, #tpu.memory_space<hbm>>
    %dma_wait3A_484 = tpu.memref_squeeze %dma_wait3A_483 : memref<1x16000xf32, #tpu.memory_space<hbm>> -> memref<16000xf32, #tpu.memory_space<hbm>>
    tpu.wait_dma2 semaphore(%arg7 : memref<!tpu.dma_semaphore, #tpu.memory_space<semaphore_mem>>) src(%dma_wait3A_484 : memref<16000xf32, #tpu.memory_space<hbm>>) dst(%arg4 : memref<16000xf32, #tpu.memory_space<vmem>>)
    %scan3A_485 = arith.constant 0 : i32
    %scan3A_486 = arith.constant 125 : i32
    %scan3A_487 = arith.addi %scan3A_485, %scan3A_486 : i32
    %scan3A_488 = arith.constant 1 : i32
    %scan3A_489:8 = scf.for %scan3A_875 = %scan3A_485 to %scan3A_487 step %scan3A_488 iter_args(%scan3A_876 = %scan3A_471#0, %scan3A_877 = %scan3A_471#1, %scan3A_878 = %scan3A_471#2, %scan3A_879 = %scan3A_471#3, %scan3A_880 = %scan3A_471#4, %scan3A_881 = %scan3A_471#5, %scan3A_882 = %scan3A_471#6, %scan3A_883 = %scan3A_471#7) -> (vector<16xf32>, vector<16xf32>, vector<16xf32>, vector<16xf32>, vector<16xf32>, vector<16xf32>, vector<16xf32>, vector<16xf32>)  : i32 {
      %mul3A_884 = arith.constant 128 : i32
      %mul3A_885 = arith.muli %scan3A_875, %mul3A_884 : i32
      %add3A_886 = arith.constant 0 : i32
      %add3A_887 = arith.addi %mul3A_885, %add3A_886 : i32
      %get3A = arith.index_cast %add3A_887 : i32 to index
      %get3A_888 = tpu.vector_load %arg4[%get3A] {strides = array<i32>} : memref<16000xf32, #tpu.memory_space<vmem>>, vector<16xf32>,
      %get3A_889 = vector.shape_cast %get3A_888 : vector<16xf32> to vector<16xf32>
      %add3A_890 = arith.addf %scan3A_876, %get3A_889 : vector<16xf32>
      %add3A_891 = arith.constant 16 : i32
      %add3A_892 = arith.addi %mul3A_885, %add3A_891 : i32
      %get3A_893 = arith.index_cast %add3A_892 : i32 to index
      %get3A_894 = tpu.vector_load %arg4[%get3A_893] {strides = array<i32>} : memref<16000xf32, #tpu.memory_space<vmem>>, vector<16xf32>,
      %get3A_895 = vector.shape_cast %get3A_894 : vector<16xf32> to vector<16xf32>
      %add3A_896 = arith.addf %scan3A_877, %get3A_895 : vector<16xf32>
      %add3A_897 = arith.constant 32 : i32
      %add3A_898 = arith.addi %mul3A_885, %add3A_897 : i32
      %get3A_899 = arith.index_cast %add3A_898 : i32 to index
      %get3A_900 = tpu.vector_load %arg4[%get3A_899] {strides = array<i32>} : memref<16000xf32, #tpu.memory_space<vmem>>, vector<16xf32>,
      %get3A_901 = vector.shape_cast %get3A_900 : vector<16xf32> to vector<16xf32>
      %add3A_902 = arith.addf %scan3A_878, %get3A_901 : vector<16xf32>
      %add3A_903 = arith.constant 48 : i32
      %add3A_904 = arith.addi %mul3A_885, %add3A_903 : i32
      %get3A_905 = arith.index_cast %add3A_904 : i32 to index
      %get3A_906 = tpu.vector_load %arg4[%get3A_905] {strides = array<i32>} : memref<16000xf32, #tpu.memory_space<vmem>>, vector<16xf32>,
      %get3A_907 = vector.shape_cast %get3A_906 : vector<16xf32> to vector<16xf32>
      %add3A_908 = arith.addf %scan3A_879, %get3A_907 : vector<16xf32>
      %add3A_909 = arith.constant 64 : i32
      %add3A_910 = arith.addi %mul3A_885, %add3A_909 : i32
      %get3A_911 = arith.index_cast %add3A_910 : i32 to index
      %get3A_912 = tpu.vector_load %arg4[%get3A_911] {strides = array<i32>} : memref<16000xf32, #tpu.memory_space<vmem>>, vector<16xf32>,
      %get3A_913 = vector.shape_cast %get3A_912 : vector<16xf32> to vector<16xf32>
      %add3A_914 = arith.addf %scan3A_880, %get3A_913 : vector<16xf32>
      %add3A_915 = arith.constant 80 : i32
      %add3A_916 = arith.addi %mul3A_885, %add3A_915 : i32
      %get3A_917 = arith.index_cast %add3A_916 : i32 to index
      %get3A_918 = tpu.vector_load %arg4[%get3A_917] {strides = array<i32>} : memref<16000xf32, #tpu.memory_space<vmem>>, vector<16xf32>,
      %get3A_919 = vector.shape_cast %get3A_918 : vector<16xf32> to vector<16xf32>
      %add3A_920 = arith.addf %scan3A_881, %get3A_919 : vector<16xf32>
      %add3A_921 = arith.constant 96 : i32
      %add3A_922 = arith.addi %mul3A_885, %add3A_921 : i32
      %get3A_923 = arith.index_cast %add3A_922 : i32 to index
      %get3A_924 = tpu.vector_load %arg4[%get3A_923] {strides = array<i32>} : memref<16000xf32, #tpu.memory_space<vmem>>, vector<16xf32>,
      %get3A_925 = vector.shape_cast %get3A_924 : vector<16xf32> to vector<16xf32>
      %add3A_926 = arith.addf %scan3A_882, %get3A_925 : vector<16xf32>
      %add3A_927 = arith.constant 112 : i32
      %add3A_928 = arith.addi %mul3A_885, %add3A_927 : i32
      %get3A_929 = arith.index_cast %add3A_928 : i32 to index
      %get3A_930 = tpu.vector_load %arg4[%get3A_929] {strides = array<i32>} : memref<16000xf32, #tpu.memory_space<vmem>>, vector<16xf32>,
      %get3A_931 = vector.shape_cast %get3A_930 : vector<16xf32> to vector<16xf32>
      %add3A_932 = arith.addf %scan3A_883, %get3A_931 : vector<16xf32>
      scf.yield %add3A_890, %add3A_896, %add3A_902, %add3A_908, %add3A_914, %add3A_920, %add3A_926, %add3A_932 : vector<16xf32>, vector<16xf32>, vector<16xf32>, vector<16xf32>, vector<16xf32>, vector<16xf32>, vector<16xf32>, vector<16xf32>
    }
    %scan3A_490 = arith.constant 125 : i32
    %dma_start3A_491 = arith.constant 448000 : i32
    %dma_start3A_492 = tpu.memref_slice %arg2[%add3A, %dma_start3A_491] : memref<32x1600000xf32, #tpu.memory_space<hbm>> -> memref<1x16000xf32, #tpu.memory_space<hbm>>
    %dma_start3A_493 = tpu.memref_squeeze %dma_start3A_492 : memref<1x16000xf32, #tpu.memory_space<hbm>> -> memref<16000xf32, #tpu.memory_space<hbm>>
    %dma_start3A_494 = arith.constant 448000 : i32
    %dma_start3A_495 = tpu.memref_slice %arg2[%add3A, %dma_start3A_494] : memref<32x1600000xf32, #tpu.memory_space<hbm>> -> memref<1x16000xf32, #tpu.memory_space<hbm>>
    %dma_start3A_496 = tpu.memref_squeeze %dma_start3A_495 : memref<1x16000xf32, #tpu.memory_space<hbm>> -> memref<16000xf32, #tpu.memory_space<hbm>>
    tpu.enqueue_dma source(%dma_start3A_496 : memref<16000xf32, #tpu.memory_space<hbm>>) target(%arg4 : memref<16000xf32, #tpu.memory_space<vmem>>) target_semaphore(%arg7 : memref<!tpu.dma_semaphore, #tpu.memory_space<semaphore_mem>>)
    %dma_wait3A_497 = arith.constant 432000 : i32
    %dma_wait3A_498 = tpu.memref_slice %arg2[%add3A, %dma_wait3A_497] : memref<32x1600000xf32, #tpu.memory_space<hbm>> -> memref<1x16000xf32, #tpu.memory_space<hbm>>
    %dma_wait3A_499 = tpu.memref_squeeze %dma_wait3A_498 : memref<1x16000xf32, #tpu.memory_space<hbm>> -> memref<16000xf32, #tpu.memory_space<hbm>>
    %dma_wait3A_500 = arith.constant 432000 : i32
    %dma_wait3A_501 = tpu.memref_slice %arg2[%add3A, %dma_wait3A_500] : memref<32x1600000xf32, #tpu.memory_space<hbm>> -> memref<1x16000xf32, #tpu.memory_space<hbm>>
    %dma_wait3A_502 = tpu.memref_squeeze %dma_wait3A_501 : memref<1x16000xf32, #tpu.memory_space<hbm>> -> memref<16000xf32, #tpu.memory_space<hbm>>
    tpu.wait_dma2 semaphore(%arg8 : memref<!tpu.dma_semaphore, #tpu.memory_space<semaphore_mem>>) src(%dma_wait3A_502 : memref<16000xf32, #tpu.memory_space<hbm>>) dst(%arg5 : memref<16000xf32, #tpu.memory_space<vmem>>)
    %scan3A_503 = arith.constant 0 : i32
    %scan3A_504 = arith.constant 125 : i32
    %scan3A_505 = arith.addi %scan3A_503, %scan3A_504 : i32
    %scan3A_506 = arith.constant 1 : i32
    %scan3A_507:8 = scf.for %scan3A_875 = %scan3A_503 to %scan3A_505 step %scan3A_506 iter_args(%scan3A_876 = %scan3A_489#0, %scan3A_877 = %scan3A_489#1, %scan3A_878 = %scan3A_489#2, %scan3A_879 = %scan3A_489#3, %scan3A_880 = %scan3A_489#4, %scan3A_881 = %scan3A_489#5, %scan3A_882 = %scan3A_489#6, %scan3A_883 = %scan3A_489#7) -> (vector<16xf32>, vector<16xf32>, vector<16xf32>, vector<16xf32>, vector<16xf32>, vector<16xf32>, vector<16xf32>, vector<16xf32>)  : i32 {
      %mul3A_884 = arith.constant 128 : i32
      %mul3A_885 = arith.muli %scan3A_875, %mul3A_884 : i32
      %add3A_886 = arith.constant 0 : i32
      %add3A_887 = arith.addi %mul3A_885, %add3A_886 : i32
      %get3A = arith.index_cast %add3A_887 : i32 to index
      %get3A_888 = tpu.vector_load %arg5[%get3A] {strides = array<i32>} : memref<16000xf32, #tpu.memory_space<vmem>>, vector<16xf32>,
      %get3A_889 = vector.shape_cast %get3A_888 : vector<16xf32> to vector<16xf32>
      %add3A_890 = arith.addf %scan3A_876, %get3A_889 : vector<16xf32>
      %add3A_891 = arith.constant 16 : i32
      %add3A_892 = arith.addi %mul3A_885, %add3A_891 : i32
      %get3A_893 = arith.index_cast %add3A_892 : i32 to index
      %get3A_894 = tpu.vector_load %arg5[%get3A_893] {strides = array<i32>} : memref<16000xf32, #tpu.memory_space<vmem>>, vector<16xf32>,
      %get3A_895 = vector.shape_cast %get3A_894 : vector<16xf32> to vector<16xf32>
      %add3A_896 = arith.addf %scan3A_877, %get3A_895 : vector<16xf32>
      %add3A_897 = arith.constant 32 : i32
      %add3A_898 = arith.addi %mul3A_885, %add3A_897 : i32
      %get3A_899 = arith.index_cast %add3A_898 : i32 to index
      %get3A_900 = tpu.vector_load %arg5[%get3A_899] {strides = array<i32>} : memref<16000xf32, #tpu.memory_space<vmem>>, vector<16xf32>,
      %get3A_901 = vector.shape_cast %get3A_900 : vector<16xf32> to vector<16xf32>
      %add3A_902 = arith.addf %scan3A_878, %get3A_901 : vector<16xf32>
      %add3A_903 = arith.constant 48 : i32
      %add3A_904 = arith.addi %mul3A_885, %add3A_903 : i32
      %get3A_905 = arith.index_cast %add3A_904 : i32 to index
      %get3A_906 = tpu.vector_load %arg5[%get3A_905] {strides = array<i32>} : memref<16000xf32, #tpu.memory_space<vmem>>, vector<16xf32>,
      %get3A_907 = vector.shape_cast %get3A_906 : vector<16xf32> to vector<16xf32>
      %add3A_908 = arith.addf %scan3A_879, %get3A_907 : vector<16xf32>
      %add3A_909 = arith.constant 64 : i32
      %add3A_910 = arith.addi %mul3A_885, %add3A_909 : i32
      %get3A_911 = arith.index_cast %add3A_910 : i32 to index
      %get3A_912 = tpu.vector_load %arg5[%get3A_911] {strides = array<i32>} : memref<16000xf32, #tpu.memory_space<vmem>>, vector<16xf32>,
      %get3A_913 = vector.shape_cast %get3A_912 : vector<16xf32> to vector<16xf32>
      %add3A_914 = arith.addf %scan3A_880, %get3A_913 : vector<16xf32>
      %add3A_915 = arith.constant 80 : i32
      %add3A_916 = arith.addi %mul3A_885, %add3A_915 : i32
      %get3A_917 = arith.index_cast %add3A_916 : i32 to index
      %get3A_918 = tpu.vector_load %arg5[%get3A_917] {strides = array<i32>} : memref<16000xf32, #tpu.memory_space<vmem>>, vector<16xf32>,
      %get3A_919 = vector.shape_cast %get3A_918 : vector<16xf32> to vector<16xf32>
      %add3A_920 = arith.addf %scan3A_881, %get3A_919 : vector<16xf32>
      %add3A_921 = arith.constant 96 : i32
      %add3A_922 = arith.addi %mul3A_885, %add3A_921 : i32
      %get3A_923 = arith.index_cast %add3A_922 : i32 to index
      %get3A_924 = tpu.vector_load %arg5[%get3A_923] {strides = array<i32>} : memref<16000xf32, #tpu.memory_space<vmem>>, vector<16xf32>,
      %get3A_925 = vector.shape_cast %get3A_924 : vector<16xf32> to vector<16xf32>
      %add3A_926 = arith.addf %scan3A_882, %get3A_925 : vector<16xf32>
      %add3A_927 = arith.constant 112 : i32
      %add3A_928 = arith.addi %mul3A_885, %add3A_927 : i32
      %get3A_929 = arith.index_cast %add3A_928 : i32 to index
      %get3A_930 = tpu.vector_load %arg5[%get3A_929] {strides = array<i32>} : memref<16000xf32, #tpu.memory_space<vmem>>, vector<16xf32>,
      %get3A_931 = vector.shape_cast %get3A_930 : vector<16xf32> to vector<16xf32>
      %add3A_932 = arith.addf %scan3A_883, %get3A_931 : vector<16xf32>
      scf.yield %add3A_890, %add3A_896, %add3A_902, %add3A_908, %add3A_914, %add3A_920, %add3A_926, %add3A_932 : vector<16xf32>, vector<16xf32>, vector<16xf32>, vector<16xf32>, vector<16xf32>, vector<16xf32>, vector<16xf32>, vector<16xf32>
    }
    %scan3A_508 = arith.constant 125 : i32
    %dma_start3A_509 = arith.constant 464000 : i32
    %dma_start3A_510 = tpu.memref_slice %arg2[%add3A, %dma_start3A_509] : memref<32x1600000xf32, #tpu.memory_space<hbm>> -> memref<1x16000xf32, #tpu.memory_space<hbm>>
    %dma_start3A_511 = tpu.memref_squeeze %dma_start3A_510 : memref<1x16000xf32, #tpu.memory_space<hbm>> -> memref<16000xf32, #tpu.memory_space<hbm>>
    %dma_start3A_512 = arith.constant 464000 : i32
    %dma_start3A_513 = tpu.memref_slice %arg2[%add3A, %dma_start3A_512] : memref<32x1600000xf32, #tpu.memory_space<hbm>> -> memref<1x16000xf32, #tpu.memory_space<hbm>>
    %dma_start3A_514 = tpu.memref_squeeze %dma_start3A_513 : memref<1x16000xf32, #tpu.memory_space<hbm>> -> memref<16000xf32, #tpu.memory_space<hbm>>
    tpu.enqueue_dma source(%dma_start3A_514 : memref<16000xf32, #tpu.memory_space<hbm>>) target(%arg5 : memref<16000xf32, #tpu.memory_space<vmem>>) target_semaphore(%arg8 : memref<!tpu.dma_semaphore, #tpu.memory_space<semaphore_mem>>)
    %dma_wait3A_515 = arith.constant 448000 : i32
    %dma_wait3A_516 = tpu.memref_slice %arg2[%add3A, %dma_wait3A_515] : memref<32x1600000xf32, #tpu.memory_space<hbm>> -> memref<1x16000xf32, #tpu.memory_space<hbm>>
    %dma_wait3A_517 = tpu.memref_squeeze %dma_wait3A_516 : memref<1x16000xf32, #tpu.memory_space<hbm>> -> memref<16000xf32, #tpu.memory_space<hbm>>
    %dma_wait3A_518 = arith.constant 448000 : i32
    %dma_wait3A_519 = tpu.memref_slice %arg2[%add3A, %dma_wait3A_518] : memref<32x1600000xf32, #tpu.memory_space<hbm>> -> memref<1x16000xf32, #tpu.memory_space<hbm>>
    %dma_wait3A_520 = tpu.memref_squeeze %dma_wait3A_519 : memref<1x16000xf32, #tpu.memory_space<hbm>> -> memref<16000xf32, #tpu.memory_space<hbm>>
    tpu.wait_dma2 semaphore(%arg7 : memref<!tpu.dma_semaphore, #tpu.memory_space<semaphore_mem>>) src(%dma_wait3A_520 : memref<16000xf32, #tpu.memory_space<hbm>>) dst(%arg4 : memref<16000xf32, #tpu.memory_space<vmem>>)
    %scan3A_521 = arith.constant 0 : i32
    %scan3A_522 = arith.constant 125 : i32
    %scan3A_523 = arith.addi %scan3A_521, %scan3A_522 : i32
    %scan3A_524 = arith.constant 1 : i32
    %scan3A_525:8 = scf.for %scan3A_875 = %scan3A_521 to %scan3A_523 step %scan3A_524 iter_args(%scan3A_876 = %scan3A_507#0, %scan3A_877 = %scan3A_507#1, %scan3A_878 = %scan3A_507#2, %scan3A_879 = %scan3A_507#3, %scan3A_880 = %scan3A_507#4, %scan3A_881 = %scan3A_507#5, %scan3A_882 = %scan3A_507#6, %scan3A_883 = %scan3A_507#7) -> (vector<16xf32>, vector<16xf32>, vector<16xf32>, vector<16xf32>, vector<16xf32>, vector<16xf32>, vector<16xf32>, vector<16xf32>)  : i32 {
      %mul3A_884 = arith.constant 128 : i32
      %mul3A_885 = arith.muli %scan3A_875, %mul3A_884 : i32
      %add3A_886 = arith.constant 0 : i32
      %add3A_887 = arith.addi %mul3A_885, %add3A_886 : i32
      %get3A = arith.index_cast %add3A_887 : i32 to index
      %get3A_888 = tpu.vector_load %arg4[%get3A] {strides = array<i32>} : memref<16000xf32, #tpu.memory_space<vmem>>, vector<16xf32>,
      %get3A_889 = vector.shape_cast %get3A_888 : vector<16xf32> to vector<16xf32>
      %add3A_890 = arith.addf %scan3A_876, %get3A_889 : vector<16xf32>
      %add3A_891 = arith.constant 16 : i32
      %add3A_892 = arith.addi %mul3A_885, %add3A_891 : i32
      %get3A_893 = arith.index_cast %add3A_892 : i32 to index
      %get3A_894 = tpu.vector_load %arg4[%get3A_893] {strides = array<i32>} : memref<16000xf32, #tpu.memory_space<vmem>>, vector<16xf32>,
      %get3A_895 = vector.shape_cast %get3A_894 : vector<16xf32> to vector<16xf32>
      %add3A_896 = arith.addf %scan3A_877, %get3A_895 : vector<16xf32>
      %add3A_897 = arith.constant 32 : i32
      %add3A_898 = arith.addi %mul3A_885, %add3A_897 : i32
      %get3A_899 = arith.index_cast %add3A_898 : i32 to index
      %get3A_900 = tpu.vector_load %arg4[%get3A_899] {strides = array<i32>} : memref<16000xf32, #tpu.memory_space<vmem>>, vector<16xf32>,
      %get3A_901 = vector.shape_cast %get3A_900 : vector<16xf32> to vector<16xf32>
      %add3A_902 = arith.addf %scan3A_878, %get3A_901 : vector<16xf32>
      %add3A_903 = arith.constant 48 : i32
      %add3A_904 = arith.addi %mul3A_885, %add3A_903 : i32
      %get3A_905 = arith.index_cast %add3A_904 : i32 to index
      %get3A_906 = tpu.vector_load %arg4[%get3A_905] {strides = array<i32>} : memref<16000xf32, #tpu.memory_space<vmem>>, vector<16xf32>,
      %get3A_907 = vector.shape_cast %get3A_906 : vector<16xf32> to vector<16xf32>
      %add3A_908 = arith.addf %scan3A_879, %get3A_907 : vector<16xf32>
      %add3A_909 = arith.constant 64 : i32
      %add3A_910 = arith.addi %mul3A_885, %add3A_909 : i32
      %get3A_911 = arith.index_cast %add3A_910 : i32 to index
      %get3A_912 = tpu.vector_load %arg4[%get3A_911] {strides = array<i32>} : memref<16000xf32, #tpu.memory_space<vmem>>, vector<16xf32>,
      %get3A_913 = vector.shape_cast %get3A_912 : vector<16xf32> to vector<16xf32>
      %add3A_914 = arith.addf %scan3A_880, %get3A_913 : vector<16xf32>
      %add3A_915 = arith.constant 80 : i32
      %add3A_916 = arith.addi %mul3A_885, %add3A_915 : i32
      %get3A_917 = arith.index_cast %add3A_916 : i32 to index
      %get3A_918 = tpu.vector_load %arg4[%get3A_917] {strides = array<i32>} : memref<16000xf32, #tpu.memory_space<vmem>>, vector<16xf32>,
      %get3A_919 = vector.shape_cast %get3A_918 : vector<16xf32> to vector<16xf32>
      %add3A_920 = arith.addf %scan3A_881, %get3A_919 : vector<16xf32>
      %add3A_921 = arith.constant 96 : i32
      %add3A_922 = arith.addi %mul3A_885, %add3A_921 : i32
      %get3A_923 = arith.index_cast %add3A_922 : i32 to index
      %get3A_924 = tpu.vector_load %arg4[%get3A_923] {strides = array<i32>} : memref<16000xf32, #tpu.memory_space<vmem>>, vector<16xf32>,
      %get3A_925 = vector.shape_cast %get3A_924 : vector<16xf32> to vector<16xf32>
      %add3A_926 = arith.addf %scan3A_882, %get3A_925 : vector<16xf32>
      %add3A_927 = arith.constant 112 : i32
      %add3A_928 = arith.addi %mul3A_885, %add3A_927 : i32
      %get3A_929 = arith.index_cast %add3A_928 : i32 to index
      %get3A_930 = tpu.vector_load %arg4[%get3A_929] {strides = array<i32>} : memref<16000xf32, #tpu.memory_space<vmem>>, vector<16xf32>,
      %get3A_931 = vector.shape_cast %get3A_930 : vector<16xf32> to vector<16xf32>
      %add3A_932 = arith.addf %scan3A_883, %get3A_931 : vector<16xf32>
      scf.yield %add3A_890, %add3A_896, %add3A_902, %add3A_908, %add3A_914, %add3A_920, %add3A_926, %add3A_932 : vector<16xf32>, vector<16xf32>, vector<16xf32>, vector<16xf32>, vector<16xf32>, vector<16xf32>, vector<16xf32>, vector<16xf32>
    }
    %scan3A_526 = arith.constant 125 : i32
    %dma_start3A_527 = arith.constant 480000 : i32
    %dma_start3A_528 = tpu.memref_slice %arg2[%add3A, %dma_start3A_527] : memref<32x1600000xf32, #tpu.memory_space<hbm>> -> memref<1x16000xf32, #tpu.memory_space<hbm>>
    %dma_start3A_529 = tpu.memref_squeeze %dma_start3A_528 : memref<1x16000xf32, #tpu.memory_space<hbm>> -> memref<16000xf32, #tpu.memory_space<hbm>>
    %dma_start3A_530 = arith.constant 480000 : i32
    %dma_start3A_531 = tpu.memref_slice %arg2[%add3A, %dma_start3A_530] : memref<32x1600000xf32, #tpu.memory_space<hbm>> -> memref<1x16000xf32, #tpu.memory_space<hbm>>
    %dma_start3A_532 = tpu.memref_squeeze %dma_start3A_531 : memref<1x16000xf32, #tpu.memory_space<hbm>> -> memref<16000xf32, #tpu.memory_space<hbm>>
    tpu.enqueue_dma source(%dma_start3A_532 : memref<16000xf32, #tpu.memory_space<hbm>>) target(%arg4 : memref<16000xf32, #tpu.memory_space<vmem>>) target_semaphore(%arg7 : memref<!tpu.dma_semaphore, #tpu.memory_space<semaphore_mem>>)
    %dma_wait3A_533 = arith.constant 464000 : i32
    %dma_wait3A_534 = tpu.memref_slice %arg2[%add3A, %dma_wait3A_533] : memref<32x1600000xf32, #tpu.memory_space<hbm>> -> memref<1x16000xf32, #tpu.memory_space<hbm>>
    %dma_wait3A_535 = tpu.memref_squeeze %dma_wait3A_534 : memref<1x16000xf32, #tpu.memory_space<hbm>> -> memref<16000xf32, #tpu.memory_space<hbm>>
    %dma_wait3A_536 = arith.constant 464000 : i32
    %dma_wait3A_537 = tpu.memref_slice %arg2[%add3A, %dma_wait3A_536] : memref<32x1600000xf32, #tpu.memory_space<hbm>> -> memref<1x16000xf32, #tpu.memory_space<hbm>>
    %dma_wait3A_538 = tpu.memref_squeeze %dma_wait3A_537 : memref<1x16000xf32, #tpu.memory_space<hbm>> -> memref<16000xf32, #tpu.memory_space<hbm>>
    tpu.wait_dma2 semaphore(%arg8 : memref<!tpu.dma_semaphore, #tpu.memory_space<semaphore_mem>>) src(%dma_wait3A_538 : memref<16000xf32, #tpu.memory_space<hbm>>) dst(%arg5 : memref<16000xf32, #tpu.memory_space<vmem>>)
    %scan3A_539 = arith.constant 0 : i32
    %scan3A_540 = arith.constant 125 : i32
    %scan3A_541 = arith.addi %scan3A_539, %scan3A_540 : i32
    %scan3A_542 = arith.constant 1 : i32
    %scan3A_543:8 = scf.for %scan3A_875 = %scan3A_539 to %scan3A_541 step %scan3A_542 iter_args(%scan3A_876 = %scan3A_525#0, %scan3A_877 = %scan3A_525#1, %scan3A_878 = %scan3A_525#2, %scan3A_879 = %scan3A_525#3, %scan3A_880 = %scan3A_525#4, %scan3A_881 = %scan3A_525#5, %scan3A_882 = %scan3A_525#6, %scan3A_883 = %scan3A_525#7) -> (vector<16xf32>, vector<16xf32>, vector<16xf32>, vector<16xf32>, vector<16xf32>, vector<16xf32>, vector<16xf32>, vector<16xf32>)  : i32 {
      %mul3A_884 = arith.constant 128 : i32
      %mul3A_885 = arith.muli %scan3A_875, %mul3A_884 : i32
      %add3A_886 = arith.constant 0 : i32
      %add3A_887 = arith.addi %mul3A_885, %add3A_886 : i32
      %get3A = arith.index_cast %add3A_887 : i32 to index
      %get3A_888 = tpu.vector_load %arg5[%get3A] {strides = array<i32>} : memref<16000xf32, #tpu.memory_space<vmem>>, vector<16xf32>,
      %get3A_889 = vector.shape_cast %get3A_888 : vector<16xf32> to vector<16xf32>
      %add3A_890 = arith.addf %scan3A_876, %get3A_889 : vector<16xf32>
      %add3A_891 = arith.constant 16 : i32
      %add3A_892 = arith.addi %mul3A_885, %add3A_891 : i32
      %get3A_893 = arith.index_cast %add3A_892 : i32 to index
      %get3A_894 = tpu.vector_load %arg5[%get3A_893] {strides = array<i32>} : memref<16000xf32, #tpu.memory_space<vmem>>, vector<16xf32>,
      %get3A_895 = vector.shape_cast %get3A_894 : vector<16xf32> to vector<16xf32>
      %add3A_896 = arith.addf %scan3A_877, %get3A_895 : vector<16xf32>
      %add3A_897 = arith.constant 32 : i32
      %add3A_898 = arith.addi %mul3A_885, %add3A_897 : i32
      %get3A_899 = arith.index_cast %add3A_898 : i32 to index
      %get3A_900 = tpu.vector_load %arg5[%get3A_899] {strides = array<i32>} : memref<16000xf32, #tpu.memory_space<vmem>>, vector<16xf32>,
      %get3A_901 = vector.shape_cast %get3A_900 : vector<16xf32> to vector<16xf32>
      %add3A_902 = arith.addf %scan3A_878, %get3A_901 : vector<16xf32>
      %add3A_903 = arith.constant 48 : i32
      %add3A_904 = arith.addi %mul3A_885, %add3A_903 : i32
      %get3A_905 = arith.index_cast %add3A_904 : i32 to index
      %get3A_906 = tpu.vector_load %arg5[%get3A_905] {strides = array<i32>} : memref<16000xf32, #tpu.memory_space<vmem>>, vector<16xf32>,
      %get3A_907 = vector.shape_cast %get3A_906 : vector<16xf32> to vector<16xf32>
      %add3A_908 = arith.addf %scan3A_879, %get3A_907 : vector<16xf32>
      %add3A_909 = arith.constant 64 : i32
      %add3A_910 = arith.addi %mul3A_885, %add3A_909 : i32
      %get3A_911 = arith.index_cast %add3A_910 : i32 to index
      %get3A_912 = tpu.vector_load %arg5[%get3A_911] {strides = array<i32>} : memref<16000xf32, #tpu.memory_space<vmem>>, vector<16xf32>,
      %get3A_913 = vector.shape_cast %get3A_912 : vector<16xf32> to vector<16xf32>
      %add3A_914 = arith.addf %scan3A_880, %get3A_913 : vector<16xf32>
      %add3A_915 = arith.constant 80 : i32
      %add3A_916 = arith.addi %mul3A_885, %add3A_915 : i32
      %get3A_917 = arith.index_cast %add3A_916 : i32 to index
      %get3A_918 = tpu.vector_load %arg5[%get3A_917] {strides = array<i32>} : memref<16000xf32, #tpu.memory_space<vmem>>, vector<16xf32>,
      %get3A_919 = vector.shape_cast %get3A_918 : vector<16xf32> to vector<16xf32>
      %add3A_920 = arith.addf %scan3A_881, %get3A_919 : vector<16xf32>
      %add3A_921 = arith.constant 96 : i32
      %add3A_922 = arith.addi %mul3A_885, %add3A_921 : i32
      %get3A_923 = arith.index_cast %add3A_922 : i32 to index
      %get3A_924 = tpu.vector_load %arg5[%get3A_923] {strides = array<i32>} : memref<16000xf32, #tpu.memory_space<vmem>>, vector<16xf32>,
      %get3A_925 = vector.shape_cast %get3A_924 : vector<16xf32> to vector<16xf32>
      %add3A_926 = arith.addf %scan3A_882, %get3A_925 : vector<16xf32>
      %add3A_927 = arith.constant 112 : i32
      %add3A_928 = arith.addi %mul3A_885, %add3A_927 : i32
      %get3A_929 = arith.index_cast %add3A_928 : i32 to index
      %get3A_930 = tpu.vector_load %arg5[%get3A_929] {strides = array<i32>} : memref<16000xf32, #tpu.memory_space<vmem>>, vector<16xf32>,
      %get3A_931 = vector.shape_cast %get3A_930 : vector<16xf32> to vector<16xf32>
      %add3A_932 = arith.addf %scan3A_883, %get3A_931 : vector<16xf32>
      scf.yield %add3A_890, %add3A_896, %add3A_902, %add3A_908, %add3A_914, %add3A_920, %add3A_926, %add3A_932 : vector<16xf32>, vector<16xf32>, vector<16xf32>, vector<16xf32>, vector<16xf32>, vector<16xf32>, vector<16xf32>, vector<16xf32>
    }
    %scan3A_544 = arith.constant 125 : i32
    %dma_start3A_545 = arith.constant 496000 : i32
    %dma_start3A_546 = tpu.memref_slice %arg2[%add3A, %dma_start3A_545] : memref<32x1600000xf32, #tpu.memory_space<hbm>> -> memref<1x16000xf32, #tpu.memory_space<hbm>>
    %dma_start3A_547 = tpu.memref_squeeze %dma_start3A_546 : memref<1x16000xf32, #tpu.memory_space<hbm>> -> memref<16000xf32, #tpu.memory_space<hbm>>
    %dma_start3A_548 = arith.constant 496000 : i32
    %dma_start3A_549 = tpu.memref_slice %arg2[%add3A, %dma_start3A_548] : memref<32x1600000xf32, #tpu.memory_space<hbm>> -> memref<1x16000xf32, #tpu.memory_space<hbm>>
    %dma_start3A_550 = tpu.memref_squeeze %dma_start3A_549 : memref<1x16000xf32, #tpu.memory_space<hbm>> -> memref<16000xf32, #tpu.memory_space<hbm>>
    tpu.enqueue_dma source(%dma_start3A_550 : memref<16000xf32, #tpu.memory_space<hbm>>) target(%arg5 : memref<16000xf32, #tpu.memory_space<vmem>>) target_semaphore(%arg8 : memref<!tpu.dma_semaphore, #tpu.memory_space<semaphore_mem>>)
    %dma_wait3A_551 = arith.constant 480000 : i32
    %dma_wait3A_552 = tpu.memref_slice %arg2[%add3A, %dma_wait3A_551] : memref<32x1600000xf32, #tpu.memory_space<hbm>> -> memref<1x16000xf32, #tpu.memory_space<hbm>>
    %dma_wait3A_553 = tpu.memref_squeeze %dma_wait3A_552 : memref<1x16000xf32, #tpu.memory_space<hbm>> -> memref<16000xf32, #tpu.memory_space<hbm>>
    %dma_wait3A_554 = arith.constant 480000 : i32
    %dma_wait3A_555 = tpu.memref_slice %arg2[%add3A, %dma_wait3A_554] : memref<32x1600000xf32, #tpu.memory_space<hbm>> -> memref<1x16000xf32, #tpu.memory_space<hbm>>
    %dma_wait3A_556 = tpu.memref_squeeze %dma_wait3A_555 : memref<1x16000xf32, #tpu.memory_space<hbm>> -> memref<16000xf32, #tpu.memory_space<hbm>>
    tpu.wait_dma2 semaphore(%arg7 : memref<!tpu.dma_semaphore, #tpu.memory_space<semaphore_mem>>) src(%dma_wait3A_556 : memref<16000xf32, #tpu.memory_space<hbm>>) dst(%arg4 : memref<16000xf32, #tpu.memory_space<vmem>>)
    %scan3A_557 = arith.constant 0 : i32
    %scan3A_558 = arith.constant 125 : i32
    %scan3A_559 = arith.addi %scan3A_557, %scan3A_558 : i32
    %scan3A_560 = arith.constant 1 : i32
    %scan3A_561:8 = scf.for %scan3A_875 = %scan3A_557 to %scan3A_559 step %scan3A_560 iter_args(%scan3A_876 = %scan3A_543#0, %scan3A_877 = %scan3A_543#1, %scan3A_878 = %scan3A_543#2, %scan3A_879 = %scan3A_543#3, %scan3A_880 = %scan3A_543#4, %scan3A_881 = %scan3A_543#5, %scan3A_882 = %scan3A_543#6, %scan3A_883 = %scan3A_543#7) -> (vector<16xf32>, vector<16xf32>, vector<16xf32>, vector<16xf32>, vector<16xf32>, vector<16xf32>, vector<16xf32>, vector<16xf32>)  : i32 {
      %mul3A_884 = arith.constant 128 : i32
      %mul3A_885 = arith.muli %scan3A_875, %mul3A_884 : i32
      %add3A_886 = arith.constant 0 : i32
      %add3A_887 = arith.addi %mul3A_885, %add3A_886 : i32
      %get3A = arith.index_cast %add3A_887 : i32 to index
      %get3A_888 = tpu.vector_load %arg4[%get3A] {strides = array<i32>} : memref<16000xf32, #tpu.memory_space<vmem>>, vector<16xf32>,
      %get3A_889 = vector.shape_cast %get3A_888 : vector<16xf32> to vector<16xf32>
      %add3A_890 = arith.addf %scan3A_876, %get3A_889 : vector<16xf32>
      %add3A_891 = arith.constant 16 : i32
      %add3A_892 = arith.addi %mul3A_885, %add3A_891 : i32
      %get3A_893 = arith.index_cast %add3A_892 : i32 to index
      %get3A_894 = tpu.vector_load %arg4[%get3A_893] {strides = array<i32>} : memref<16000xf32, #tpu.memory_space<vmem>>, vector<16xf32>,
      %get3A_895 = vector.shape_cast %get3A_894 : vector<16xf32> to vector<16xf32>
      %add3A_896 = arith.addf %scan3A_877, %get3A_895 : vector<16xf32>
      %add3A_897 = arith.constant 32 : i32
      %add3A_898 = arith.addi %mul3A_885, %add3A_897 : i32
      %get3A_899 = arith.index_cast %add3A_898 : i32 to index
      %get3A_900 = tpu.vector_load %arg4[%get3A_899] {strides = array<i32>} : memref<16000xf32, #tpu.memory_space<vmem>>, vector<16xf32>,
      %get3A_901 = vector.shape_cast %get3A_900 : vector<16xf32> to vector<16xf32>
      %add3A_902 = arith.addf %scan3A_878, %get3A_901 : vector<16xf32>
      %add3A_903 = arith.constant 48 : i32
      %add3A_904 = arith.addi %mul3A_885, %add3A_903 : i32
      %get3A_905 = arith.index_cast %add3A_904 : i32 to index
      %get3A_906 = tpu.vector_load %arg4[%get3A_905] {strides = array<i32>} : memref<16000xf32, #tpu.memory_space<vmem>>, vector<16xf32>,
      %get3A_907 = vector.shape_cast %get3A_906 : vector<16xf32> to vector<16xf32>
      %add3A_908 = arith.addf %scan3A_879, %get3A_907 : vector<16xf32>
      %add3A_909 = arith.constant 64 : i32
      %add3A_910 = arith.addi %mul3A_885, %add3A_909 : i32
      %get3A_911 = arith.index_cast %add3A_910 : i32 to index
      %get3A_912 = tpu.vector_load %arg4[%get3A_911] {strides = array<i32>} : memref<16000xf32, #tpu.memory_space<vmem>>, vector<16xf32>,
      %get3A_913 = vector.shape_cast %get3A_912 : vector<16xf32> to vector<16xf32>
      %add3A_914 = arith.addf %scan3A_880, %get3A_913 : vector<16xf32>
      %add3A_915 = arith.constant 80 : i32
      %add3A_916 = arith.addi %mul3A_885, %add3A_915 : i32
      %get3A_917 = arith.index_cast %add3A_916 : i32 to index
      %get3A_918 = tpu.vector_load %arg4[%get3A_917] {strides = array<i32>} : memref<16000xf32, #tpu.memory_space<vmem>>, vector<16xf32>,
      %get3A_919 = vector.shape_cast %get3A_918 : vector<16xf32> to vector<16xf32>
      %add3A_920 = arith.addf %scan3A_881, %get3A_919 : vector<16xf32>
      %add3A_921 = arith.constant 96 : i32
      %add3A_922 = arith.addi %mul3A_885, %add3A_921 : i32
      %get3A_923 = arith.index_cast %add3A_922 : i32 to index
      %get3A_924 = tpu.vector_load %arg4[%get3A_923] {strides = array<i32>} : memref<16000xf32, #tpu.memory_space<vmem>>, vector<16xf32>,
      %get3A_925 = vector.shape_cast %get3A_924 : vector<16xf32> to vector<16xf32>
      %add3A_926 = arith.addf %scan3A_882, %get3A_925 : vector<16xf32>
      %add3A_927 = arith.constant 112 : i32
      %add3A_928 = arith.addi %mul3A_885, %add3A_927 : i32
      %get3A_929 = arith.index_cast %add3A_928 : i32 to index
      %get3A_930 = tpu.vector_load %arg4[%get3A_929] {strides = array<i32>} : memref<16000xf32, #tpu.memory_space<vmem>>, vector<16xf32>,
      %get3A_931 = vector.shape_cast %get3A_930 : vector<16xf32> to vector<16xf32>
      %add3A_932 = arith.addf %scan3A_883, %get3A_931 : vector<16xf32>
      scf.yield %add3A_890, %add3A_896, %add3A_902, %add3A_908, %add3A_914, %add3A_920, %add3A_926, %add3A_932 : vector<16xf32>, vector<16xf32>, vector<16xf32>, vector<16xf32>, vector<16xf32>, vector<16xf32>, vector<16xf32>, vector<16xf32>
    }
    %scan3A_562 = arith.constant 125 : i32
    %dma_start3A_563 = arith.constant 512000 : i32
    %dma_start3A_564 = tpu.memref_slice %arg2[%add3A, %dma_start3A_563] : memref<32x1600000xf32, #tpu.memory_space<hbm>> -> memref<1x16000xf32, #tpu.memory_space<hbm>>
    %dma_start3A_565 = tpu.memref_squeeze %dma_start3A_564 : memref<1x16000xf32, #tpu.memory_space<hbm>> -> memref<16000xf32, #tpu.memory_space<hbm>>
    %dma_start3A_566 = arith.constant 512000 : i32
    %dma_start3A_567 = tpu.memref_slice %arg2[%add3A, %dma_start3A_566] : memref<32x1600000xf32, #tpu.memory_space<hbm>> -> memref<1x16000xf32, #tpu.memory_space<hbm>>
    %dma_start3A_568 = tpu.memref_squeeze %dma_start3A_567 : memref<1x16000xf32, #tpu.memory_space<hbm>> -> memref<16000xf32, #tpu.memory_space<hbm>>
    tpu.enqueue_dma source(%dma_start3A_568 : memref<16000xf32, #tpu.memory_space<hbm>>) target(%arg4 : memref<16000xf32, #tpu.memory_space<vmem>>) target_semaphore(%arg7 : memref<!tpu.dma_semaphore, #tpu.memory_space<semaphore_mem>>)
    %dma_wait3A_569 = arith.constant 496000 : i32
    %dma_wait3A_570 = tpu.memref_slice %arg2[%add3A, %dma_wait3A_569] : memref<32x1600000xf32, #tpu.memory_space<hbm>> -> memref<1x16000xf32, #tpu.memory_space<hbm>>
    %dma_wait3A_571 = tpu.memref_squeeze %dma_wait3A_570 : memref<1x16000xf32, #tpu.memory_space<hbm>> -> memref<16000xf32, #tpu.memory_space<hbm>>
    %dma_wait3A_572 = arith.constant 496000 : i32
    %dma_wait3A_573 = tpu.memref_slice %arg2[%add3A, %dma_wait3A_572] : memref<32x1600000xf32, #tpu.memory_space<hbm>> -> memref<1x16000xf32, #tpu.memory_space<hbm>>
    %dma_wait3A_574 = tpu.memref_squeeze %dma_wait3A_573 : memref<1x16000xf32, #tpu.memory_space<hbm>> -> memref<16000xf32, #tpu.memory_space<hbm>>
    tpu.wait_dma2 semaphore(%arg8 : memref<!tpu.dma_semaphore, #tpu.memory_space<semaphore_mem>>) src(%dma_wait3A_574 : memref<16000xf32, #tpu.memory_space<hbm>>) dst(%arg5 : memref<16000xf32, #tpu.memory_space<vmem>>)
    %scan3A_575 = arith.constant 0 : i32
    %scan3A_576 = arith.constant 125 : i32
    %scan3A_577 = arith.addi %scan3A_575, %scan3A_576 : i32
    %scan3A_578 = arith.constant 1 : i32
    %scan3A_579:8 = scf.for %scan3A_875 = %scan3A_575 to %scan3A_577 step %scan3A_578 iter_args(%scan3A_876 = %scan3A_561#0, %scan3A_877 = %scan3A_561#1, %scan3A_878 = %scan3A_561#2, %scan3A_879 = %scan3A_561#3, %scan3A_880 = %scan3A_561#4, %scan3A_881 = %scan3A_561#5, %scan3A_882 = %scan3A_561#6, %scan3A_883 = %scan3A_561#7) -> (vector<16xf32>, vector<16xf32>, vector<16xf32>, vector<16xf32>, vector<16xf32>, vector<16xf32>, vector<16xf32>, vector<16xf32>)  : i32 {
      %mul3A_884 = arith.constant 128 : i32
      %mul3A_885 = arith.muli %scan3A_875, %mul3A_884 : i32
      %add3A_886 = arith.constant 0 : i32
      %add3A_887 = arith.addi %mul3A_885, %add3A_886 : i32
      %get3A = arith.index_cast %add3A_887 : i32 to index
      %get3A_888 = tpu.vector_load %arg5[%get3A] {strides = array<i32>} : memref<16000xf32, #tpu.memory_space<vmem>>, vector<16xf32>,
      %get3A_889 = vector.shape_cast %get3A_888 : vector<16xf32> to vector<16xf32>
      %add3A_890 = arith.addf %scan3A_876, %get3A_889 : vector<16xf32>
      %add3A_891 = arith.constant 16 : i32
      %add3A_892 = arith.addi %mul3A_885, %add3A_891 : i32
      %get3A_893 = arith.index_cast %add3A_892 : i32 to index
      %get3A_894 = tpu.vector_load %arg5[%get3A_893] {strides = array<i32>} : memref<16000xf32, #tpu.memory_space<vmem>>, vector<16xf32>,
      %get3A_895 = vector.shape_cast %get3A_894 : vector<16xf32> to vector<16xf32>
      %add3A_896 = arith.addf %scan3A_877, %get3A_895 : vector<16xf32>
      %add3A_897 = arith.constant 32 : i32
      %add3A_898 = arith.addi %mul3A_885, %add3A_897 : i32
      %get3A_899 = arith.index_cast %add3A_898 : i32 to index
      %get3A_900 = tpu.vector_load %arg5[%get3A_899] {strides = array<i32>} : memref<16000xf32, #tpu.memory_space<vmem>>, vector<16xf32>,
      %get3A_901 = vector.shape_cast %get3A_900 : vector<16xf32> to vector<16xf32>
      %add3A_902 = arith.addf %scan3A_878, %get3A_901 : vector<16xf32>
      %add3A_903 = arith.constant 48 : i32
      %add3A_904 = arith.addi %mul3A_885, %add3A_903 : i32
      %get3A_905 = arith.index_cast %add3A_904 : i32 to index
      %get3A_906 = tpu.vector_load %arg5[%get3A_905] {strides = array<i32>} : memref<16000xf32, #tpu.memory_space<vmem>>, vector<16xf32>,
      %get3A_907 = vector.shape_cast %get3A_906 : vector<16xf32> to vector<16xf32>
      %add3A_908 = arith.addf %scan3A_879, %get3A_907 : vector<16xf32>
      %add3A_909 = arith.constant 64 : i32
      %add3A_910 = arith.addi %mul3A_885, %add3A_909 : i32
      %get3A_911 = arith.index_cast %add3A_910 : i32 to index
      %get3A_912 = tpu.vector_load %arg5[%get3A_911] {strides = array<i32>} : memref<16000xf32, #tpu.memory_space<vmem>>, vector<16xf32>,
      %get3A_913 = vector.shape_cast %get3A_912 : vector<16xf32> to vector<16xf32>
      %add3A_914 = arith.addf %scan3A_880, %get3A_913 : vector<16xf32>
      %add3A_915 = arith.constant 80 : i32
      %add3A_916 = arith.addi %mul3A_885, %add3A_915 : i32
      %get3A_917 = arith.index_cast %add3A_916 : i32 to index
      %get3A_918 = tpu.vector_load %arg5[%get3A_917] {strides = array<i32>} : memref<16000xf32, #tpu.memory_space<vmem>>, vector<16xf32>,
      %get3A_919 = vector.shape_cast %get3A_918 : vector<16xf32> to vector<16xf32>
      %add3A_920 = arith.addf %scan3A_881, %get3A_919 : vector<16xf32>
      %add3A_921 = arith.constant 96 : i32
      %add3A_922 = arith.addi %mul3A_885, %add3A_921 : i32
      %get3A_923 = arith.index_cast %add3A_922 : i32 to index
      %get3A_924 = tpu.vector_load %arg5[%get3A_923] {strides = array<i32>} : memref<16000xf32, #tpu.memory_space<vmem>>, vector<16xf32>,
      %get3A_925 = vector.shape_cast %get3A_924 : vector<16xf32> to vector<16xf32>
      %add3A_926 = arith.addf %scan3A_882, %get3A_925 : vector<16xf32>
      %add3A_927 = arith.constant 112 : i32
      %add3A_928 = arith.addi %mul3A_885, %add3A_927 : i32
      %get3A_929 = arith.index_cast %add3A_928 : i32 to index
      %get3A_930 = tpu.vector_load %arg5[%get3A_929] {strides = array<i32>} : memref<16000xf32, #tpu.memory_space<vmem>>, vector<16xf32>,
      %get3A_931 = vector.shape_cast %get3A_930 : vector<16xf32> to vector<16xf32>
      %add3A_932 = arith.addf %scan3A_883, %get3A_931 : vector<16xf32>
      scf.yield %add3A_890, %add3A_896, %add3A_902, %add3A_908, %add3A_914, %add3A_920, %add3A_926, %add3A_932 : vector<16xf32>, vector<16xf32>, vector<16xf32>, vector<16xf32>, vector<16xf32>, vector<16xf32>, vector<16xf32>, vector<16xf32>
    }
    %scan3A_580 = arith.constant 125 : i32
    %dma_start3A_581 = arith.constant 528000 : i32
    %dma_start3A_582 = tpu.memref_slice %arg2[%add3A, %dma_start3A_581] : memref<32x1600000xf32, #tpu.memory_space<hbm>> -> memref<1x16000xf32, #tpu.memory_space<hbm>>
    %dma_start3A_583 = tpu.memref_squeeze %dma_start3A_582 : memref<1x16000xf32, #tpu.memory_space<hbm>> -> memref<16000xf32, #tpu.memory_space<hbm>>
    %dma_start3A_584 = arith.constant 528000 : i32
    %dma_start3A_585 = tpu.memref_slice %arg2[%add3A, %dma_start3A_584] : memref<32x1600000xf32, #tpu.memory_space<hbm>> -> memref<1x16000xf32, #tpu.memory_space<hbm>>
    %dma_start3A_586 = tpu.memref_squeeze %dma_start3A_585 : memref<1x16000xf32, #tpu.memory_space<hbm>> -> memref<16000xf32, #tpu.memory_space<hbm>>
    tpu.enqueue_dma source(%dma_start3A_586 : memref<16000xf32, #tpu.memory_space<hbm>>) target(%arg5 : memref<16000xf32, #tpu.memory_space<vmem>>) target_semaphore(%arg8 : memref<!tpu.dma_semaphore, #tpu.memory_space<semaphore_mem>>)
    %dma_wait3A_587 = arith.constant 512000 : i32
    %dma_wait3A_588 = tpu.memref_slice %arg2[%add3A, %dma_wait3A_587] : memref<32x1600000xf32, #tpu.memory_space<hbm>> -> memref<1x16000xf32, #tpu.memory_space<hbm>>
    %dma_wait3A_589 = tpu.memref_squeeze %dma_wait3A_588 : memref<1x16000xf32, #tpu.memory_space<hbm>> -> memref<16000xf32, #tpu.memory_space<hbm>>
    %dma_wait3A_590 = arith.constant 512000 : i32
    %dma_wait3A_591 = tpu.memref_slice %arg2[%add3A, %dma_wait3A_590] : memref<32x1600000xf32, #tpu.memory_space<hbm>> -> memref<1x16000xf32, #tpu.memory_space<hbm>>
    %dma_wait3A_592 = tpu.memref_squeeze %dma_wait3A_591 : memref<1x16000xf32, #tpu.memory_space<hbm>> -> memref<16000xf32, #tpu.memory_space<hbm>>
    tpu.wait_dma2 semaphore(%arg7 : memref<!tpu.dma_semaphore, #tpu.memory_space<semaphore_mem>>) src(%dma_wait3A_592 : memref<16000xf32, #tpu.memory_space<hbm>>) dst(%arg4 : memref<16000xf32, #tpu.memory_space<vmem>>)
    %scan3A_593 = arith.constant 0 : i32
    %scan3A_594 = arith.constant 125 : i32
    %scan3A_595 = arith.addi %scan3A_593, %scan3A_594 : i32
    %scan3A_596 = arith.constant 1 : i32
    %scan3A_597:8 = scf.for %scan3A_875 = %scan3A_593 to %scan3A_595 step %scan3A_596 iter_args(%scan3A_876 = %scan3A_579#0, %scan3A_877 = %scan3A_579#1, %scan3A_878 = %scan3A_579#2, %scan3A_879 = %scan3A_579#3, %scan3A_880 = %scan3A_579#4, %scan3A_881 = %scan3A_579#5, %scan3A_882 = %scan3A_579#6, %scan3A_883 = %scan3A_579#7) -> (vector<16xf32>, vector<16xf32>, vector<16xf32>, vector<16xf32>, vector<16xf32>, vector<16xf32>, vector<16xf32>, vector<16xf32>)  : i32 {
      %mul3A_884 = arith.constant 128 : i32
      %mul3A_885 = arith.muli %scan3A_875, %mul3A_884 : i32
      %add3A_886 = arith.constant 0 : i32
      %add3A_887 = arith.addi %mul3A_885, %add3A_886 : i32
      %get3A = arith.index_cast %add3A_887 : i32 to index
      %get3A_888 = tpu.vector_load %arg4[%get3A] {strides = array<i32>} : memref<16000xf32, #tpu.memory_space<vmem>>, vector<16xf32>,
      %get3A_889 = vector.shape_cast %get3A_888 : vector<16xf32> to vector<16xf32>
      %add3A_890 = arith.addf %scan3A_876, %get3A_889 : vector<16xf32>
      %add3A_891 = arith.constant 16 : i32
      %add3A_892 = arith.addi %mul3A_885, %add3A_891 : i32
      %get3A_893 = arith.index_cast %add3A_892 : i32 to index
      %get3A_894 = tpu.vector_load %arg4[%get3A_893] {strides = array<i32>} : memref<16000xf32, #tpu.memory_space<vmem>>, vector<16xf32>,
      %get3A_895 = vector.shape_cast %get3A_894 : vector<16xf32> to vector<16xf32>
      %add3A_896 = arith.addf %scan3A_877, %get3A_895 : vector<16xf32>
      %add3A_897 = arith.constant 32 : i32
      %add3A_898 = arith.addi %mul3A_885, %add3A_897 : i32
      %get3A_899 = arith.index_cast %add3A_898 : i32 to index
      %get3A_900 = tpu.vector_load %arg4[%get3A_899] {strides = array<i32>} : memref<16000xf32, #tpu.memory_space<vmem>>, vector<16xf32>,
      %get3A_901 = vector.shape_cast %get3A_900 : vector<16xf32> to vector<16xf32>
      %add3A_902 = arith.addf %scan3A_878, %get3A_901 : vector<16xf32>
      %add3A_903 = arith.constant 48 : i32
      %add3A_904 = arith.addi %mul3A_885, %add3A_903 : i32
      %get3A_905 = arith.index_cast %add3A_904 : i32 to index
      %get3A_906 = tpu.vector_load %arg4[%get3A_905] {strides = array<i32>} : memref<16000xf32, #tpu.memory_space<vmem>>, vector<16xf32>,
      %get3A_907 = vector.shape_cast %get3A_906 : vector<16xf32> to vector<16xf32>
      %add3A_908 = arith.addf %scan3A_879, %get3A_907 : vector<16xf32>
      %add3A_909 = arith.constant 64 : i32
      %add3A_910 = arith.addi %mul3A_885, %add3A_909 : i32
      %get3A_911 = arith.index_cast %add3A_910 : i32 to index
      %get3A_912 = tpu.vector_load %arg4[%get3A_911] {strides = array<i32>} : memref<16000xf32, #tpu.memory_space<vmem>>, vector<16xf32>,
      %get3A_913 = vector.shape_cast %get3A_912 : vector<16xf32> to vector<16xf32>
      %add3A_914 = arith.addf %scan3A_880, %get3A_913 : vector<16xf32>
      %add3A_915 = arith.constant 80 : i32
      %add3A_916 = arith.addi %mul3A_885, %add3A_915 : i32
      %get3A_917 = arith.index_cast %add3A_916 : i32 to index
      %get3A_918 = tpu.vector_load %arg4[%get3A_917] {strides = array<i32>} : memref<16000xf32, #tpu.memory_space<vmem>>, vector<16xf32>,
      %get3A_919 = vector.shape_cast %get3A_918 : vector<16xf32> to vector<16xf32>
      %add3A_920 = arith.addf %scan3A_881, %get3A_919 : vector<16xf32>
      %add3A_921 = arith.constant 96 : i32
      %add3A_922 = arith.addi %mul3A_885, %add3A_921 : i32
      %get3A_923 = arith.index_cast %add3A_922 : i32 to index
      %get3A_924 = tpu.vector_load %arg4[%get3A_923] {strides = array<i32>} : memref<16000xf32, #tpu.memory_space<vmem>>, vector<16xf32>,
      %get3A_925 = vector.shape_cast %get3A_924 : vector<16xf32> to vector<16xf32>
      %add3A_926 = arith.addf %scan3A_882, %get3A_925 : vector<16xf32>
      %add3A_927 = arith.constant 112 : i32
      %add3A_928 = arith.addi %mul3A_885, %add3A_927 : i32
      %get3A_929 = arith.index_cast %add3A_928 : i32 to index
      %get3A_930 = tpu.vector_load %arg4[%get3A_929] {strides = array<i32>} : memref<16000xf32, #tpu.memory_space<vmem>>, vector<16xf32>,
      %get3A_931 = vector.shape_cast %get3A_930 : vector<16xf32> to vector<16xf32>
      %add3A_932 = arith.addf %scan3A_883, %get3A_931 : vector<16xf32>
      scf.yield %add3A_890, %add3A_896, %add3A_902, %add3A_908, %add3A_914, %add3A_920, %add3A_926, %add3A_932 : vector<16xf32>, vector<16xf32>, vector<16xf32>, vector<16xf32>, vector<16xf32>, vector<16xf32>, vector<16xf32>, vector<16xf32>
    }
    %scan3A_598 = arith.constant 125 : i32
    %dma_start3A_599 = arith.constant 544000 : i32
    %dma_start3A_600 = tpu.memref_slice %arg2[%add3A, %dma_start3A_599] : memref<32x1600000xf32, #tpu.memory_space<hbm>> -> memref<1x16000xf32, #tpu.memory_space<hbm>>
    %dma_start3A_601 = tpu.memref_squeeze %dma_start3A_600 : memref<1x16000xf32, #tpu.memory_space<hbm>> -> memref<16000xf32, #tpu.memory_space<hbm>>
    %dma_start3A_602 = arith.constant 544000 : i32
    %dma_start3A_603 = tpu.memref_slice %arg2[%add3A, %dma_start3A_602] : memref<32x1600000xf32, #tpu.memory_space<hbm>> -> memref<1x16000xf32, #tpu.memory_space<hbm>>
    %dma_start3A_604 = tpu.memref_squeeze %dma_start3A_603 : memref<1x16000xf32, #tpu.memory_space<hbm>> -> memref<16000xf32, #tpu.memory_space<hbm>>
    tpu.enqueue_dma source(%dma_start3A_604 : memref<16000xf32, #tpu.memory_space<hbm>>) target(%arg4 : memref<16000xf32, #tpu.memory_space<vmem>>) target_semaphore(%arg7 : memref<!tpu.dma_semaphore, #tpu.memory_space<semaphore_mem>>)
    %dma_wait3A_605 = arith.constant 528000 : i32
    %dma_wait3A_606 = tpu.memref_slice %arg2[%add3A, %dma_wait3A_605] : memref<32x1600000xf32, #tpu.memory_space<hbm>> -> memref<1x16000xf32, #tpu.memory_space<hbm>>
    %dma_wait3A_607 = tpu.memref_squeeze %dma_wait3A_606 : memref<1x16000xf32, #tpu.memory_space<hbm>> -> memref<16000xf32, #tpu.memory_space<hbm>>
    %dma_wait3A_608 = arith.constant 528000 : i32
    %dma_wait3A_609 = tpu.memref_slice %arg2[%add3A, %dma_wait3A_608] : memref<32x1600000xf32, #tpu.memory_space<hbm>> -> memref<1x16000xf32, #tpu.memory_space<hbm>>
    %dma_wait3A_610 = tpu.memref_squeeze %dma_wait3A_609 : memref<1x16000xf32, #tpu.memory_space<hbm>> -> memref<16000xf32, #tpu.memory_space<hbm>>
    tpu.wait_dma2 semaphore(%arg8 : memref<!tpu.dma_semaphore, #tpu.memory_space<semaphore_mem>>) src(%dma_wait3A_610 : memref<16000xf32, #tpu.memory_space<hbm>>) dst(%arg5 : memref<16000xf32, #tpu.memory_space<vmem>>)
    %scan3A_611 = arith.constant 0 : i32
    %scan3A_612 = arith.constant 125 : i32
    %scan3A_613 = arith.addi %scan3A_611, %scan3A_612 : i32
    %scan3A_614 = arith.constant 1 : i32
    %scan3A_615:8 = scf.for %scan3A_875 = %scan3A_611 to %scan3A_613 step %scan3A_614 iter_args(%scan3A_876 = %scan3A_597#0, %scan3A_877 = %scan3A_597#1, %scan3A_878 = %scan3A_597#2, %scan3A_879 = %scan3A_597#3, %scan3A_880 = %scan3A_597#4, %scan3A_881 = %scan3A_597#5, %scan3A_882 = %scan3A_597#6, %scan3A_883 = %scan3A_597#7) -> (vector<16xf32>, vector<16xf32>, vector<16xf32>, vector<16xf32>, vector<16xf32>, vector<16xf32>, vector<16xf32>, vector<16xf32>)  : i32 {
      %mul3A_884 = arith.constant 128 : i32
      %mul3A_885 = arith.muli %scan3A_875, %mul3A_884 : i32
      %add3A_886 = arith.constant 0 : i32
      %add3A_887 = arith.addi %mul3A_885, %add3A_886 : i32
      %get3A = arith.index_cast %add3A_887 : i32 to index
      %get3A_888 = tpu.vector_load %arg5[%get3A] {strides = array<i32>} : memref<16000xf32, #tpu.memory_space<vmem>>, vector<16xf32>,
      %get3A_889 = vector.shape_cast %get3A_888 : vector<16xf32> to vector<16xf32>
      %add3A_890 = arith.addf %scan3A_876, %get3A_889 : vector<16xf32>
      %add3A_891 = arith.constant 16 : i32
      %add3A_892 = arith.addi %mul3A_885, %add3A_891 : i32
      %get3A_893 = arith.index_cast %add3A_892 : i32 to index
      %get3A_894 = tpu.vector_load %arg5[%get3A_893] {strides = array<i32>} : memref<16000xf32, #tpu.memory_space<vmem>>, vector<16xf32>,
      %get3A_895 = vector.shape_cast %get3A_894 : vector<16xf32> to vector<16xf32>
      %add3A_896 = arith.addf %scan3A_877, %get3A_895 : vector<16xf32>
      %add3A_897 = arith.constant 32 : i32
      %add3A_898 = arith.addi %mul3A_885, %add3A_897 : i32
      %get3A_899 = arith.index_cast %add3A_898 : i32 to index
      %get3A_900 = tpu.vector_load %arg5[%get3A_899] {strides = array<i32>} : memref<16000xf32, #tpu.memory_space<vmem>>, vector<16xf32>,
      %get3A_901 = vector.shape_cast %get3A_900 : vector<16xf32> to vector<16xf32>
      %add3A_902 = arith.addf %scan3A_878, %get3A_901 : vector<16xf32>
      %add3A_903 = arith.constant 48 : i32
      %add3A_904 = arith.addi %mul3A_885, %add3A_903 : i32
      %get3A_905 = arith.index_cast %add3A_904 : i32 to index
      %get3A_906 = tpu.vector_load %arg5[%get3A_905] {strides = array<i32>} : memref<16000xf32, #tpu.memory_space<vmem>>, vector<16xf32>,
      %get3A_907 = vector.shape_cast %get3A_906 : vector<16xf32> to vector<16xf32>
      %add3A_908 = arith.addf %scan3A_879, %get3A_907 : vector<16xf32>
      %add3A_909 = arith.constant 64 : i32
      %add3A_910 = arith.addi %mul3A_885, %add3A_909 : i32
      %get3A_911 = arith.index_cast %add3A_910 : i32 to index
      %get3A_912 = tpu.vector_load %arg5[%get3A_911] {strides = array<i32>} : memref<16000xf32, #tpu.memory_space<vmem>>, vector<16xf32>,
      %get3A_913 = vector.shape_cast %get3A_912 : vector<16xf32> to vector<16xf32>
      %add3A_914 = arith.addf %scan3A_880, %get3A_913 : vector<16xf32>
      %add3A_915 = arith.constant 80 : i32
      %add3A_916 = arith.addi %mul3A_885, %add3A_915 : i32
      %get3A_917 = arith.index_cast %add3A_916 : i32 to index
      %get3A_918 = tpu.vector_load %arg5[%get3A_917] {strides = array<i32>} : memref<16000xf32, #tpu.memory_space<vmem>>, vector<16xf32>,
      %get3A_919 = vector.shape_cast %get3A_918 : vector<16xf32> to vector<16xf32>
      %add3A_920 = arith.addf %scan3A_881, %get3A_919 : vector<16xf32>
      %add3A_921 = arith.constant 96 : i32
      %add3A_922 = arith.addi %mul3A_885, %add3A_921 : i32
      %get3A_923 = arith.index_cast %add3A_922 : i32 to index
      %get3A_924 = tpu.vector_load %arg5[%get3A_923] {strides = array<i32>} : memref<16000xf32, #tpu.memory_space<vmem>>, vector<16xf32>,
      %get3A_925 = vector.shape_cast %get3A_924 : vector<16xf32> to vector<16xf32>
      %add3A_926 = arith.addf %scan3A_882, %get3A_925 : vector<16xf32>
      %add3A_927 = arith.constant 112 : i32
      %add3A_928 = arith.addi %mul3A_885, %add3A_927 : i32
      %get3A_929 = arith.index_cast %add3A_928 : i32 to index
      %get3A_930 = tpu.vector_load %arg5[%get3A_929] {strides = array<i32>} : memref<16000xf32, #tpu.memory_space<vmem>>, vector<16xf32>,
      %get3A_931 = vector.shape_cast %get3A_930 : vector<16xf32> to vector<16xf32>
      %add3A_932 = arith.addf %scan3A_883, %get3A_931 : vector<16xf32>
      scf.yield %add3A_890, %add3A_896, %add3A_902, %add3A_908, %add3A_914, %add3A_920, %add3A_926, %add3A_932 : vector<16xf32>, vector<16xf32>, vector<16xf32>, vector<16xf32>, vector<16xf32>, vector<16xf32>, vector<16xf32>, vector<16xf32>
    }
    %scan3A_616 = arith.constant 125 : i32
    %dma_start3A_617 = arith.constant 560000 : i32
    %dma_start3A_618 = tpu.memref_slice %arg2[%add3A, %dma_start3A_617] : memref<32x1600000xf32, #tpu.memory_space<hbm>> -> memref<1x16000xf32, #tpu.memory_space<hbm>>
    %dma_start3A_619 = tpu.memref_squeeze %dma_start3A_618 : memref<1x16000xf32, #tpu.memory_space<hbm>> -> memref<16000xf32, #tpu.memory_space<hbm>>
    %dma_start3A_620 = arith.constant 560000 : i32
    %dma_start3A_621 = tpu.memref_slice %arg2[%add3A, %dma_start3A_620] : memref<32x1600000xf32, #tpu.memory_space<hbm>> -> memref<1x16000xf32, #tpu.memory_space<hbm>>
    %dma_start3A_622 = tpu.memref_squeeze %dma_start3A_621 : memref<1x16000xf32, #tpu.memory_space<hbm>> -> memref<16000xf32, #tpu.memory_space<hbm>>
    tpu.enqueue_dma source(%dma_start3A_622 : memref<16000xf32, #tpu.memory_space<hbm>>) target(%arg5 : memref<16000xf32, #tpu.memory_space<vmem>>) target_semaphore(%arg8 : memref<!tpu.dma_semaphore, #tpu.memory_space<semaphore_mem>>)
    %dma_wait3A_623 = arith.constant 544000 : i32
    %dma_wait3A_624 = tpu.memref_slice %arg2[%add3A, %dma_wait3A_623] : memref<32x1600000xf32, #tpu.memory_space<hbm>> -> memref<1x16000xf32, #tpu.memory_space<hbm>>
    %dma_wait3A_625 = tpu.memref_squeeze %dma_wait3A_624 : memref<1x16000xf32, #tpu.memory_space<hbm>> -> memref<16000xf32, #tpu.memory_space<hbm>>
    %dma_wait3A_626 = arith.constant 544000 : i32
    %dma_wait3A_627 = tpu.memref_slice %arg2[%add3A, %dma_wait3A_626] : memref<32x1600000xf32, #tpu.memory_space<hbm>> -> memref<1x16000xf32, #tpu.memory_space<hbm>>
    %dma_wait3A_628 = tpu.memref_squeeze %dma_wait3A_627 : memref<1x16000xf32, #tpu.memory_space<hbm>> -> memref<16000xf32, #tpu.memory_space<hbm>>
    tpu.wait_dma2 semaphore(%arg7 : memref<!tpu.dma_semaphore, #tpu.memory_space<semaphore_mem>>) src(%dma_wait3A_628 : memref<16000xf32, #tpu.memory_space<hbm>>) dst(%arg4 : memref<16000xf32, #tpu.memory_space<vmem>>)
    %scan3A_629 = arith.constant 0 : i32
    %scan3A_630 = arith.constant 125 : i32
    %scan3A_631 = arith.addi %scan3A_629, %scan3A_630 : i32
    %scan3A_632 = arith.constant 1 : i32
    %scan3A_633:8 = scf.for %scan3A_875 = %scan3A_629 to %scan3A_631 step %scan3A_632 iter_args(%scan3A_876 = %scan3A_615#0, %scan3A_877 = %scan3A_615#1, %scan3A_878 = %scan3A_615#2, %scan3A_879 = %scan3A_615#3, %scan3A_880 = %scan3A_615#4, %scan3A_881 = %scan3A_615#5, %scan3A_882 = %scan3A_615#6, %scan3A_883 = %scan3A_615#7) -> (vector<16xf32>, vector<16xf32>, vector<16xf32>, vector<16xf32>, vector<16xf32>, vector<16xf32>, vector<16xf32>, vector<16xf32>)  : i32 {
      %mul3A_884 = arith.constant 128 : i32
      %mul3A_885 = arith.muli %scan3A_875, %mul3A_884 : i32
      %add3A_886 = arith.constant 0 : i32
      %add3A_887 = arith.addi %mul3A_885, %add3A_886 : i32
      %get3A = arith.index_cast %add3A_887 : i32 to index
      %get3A_888 = tpu.vector_load %arg4[%get3A] {strides = array<i32>} : memref<16000xf32, #tpu.memory_space<vmem>>, vector<16xf32>,
      %get3A_889 = vector.shape_cast %get3A_888 : vector<16xf32> to vector<16xf32>
      %add3A_890 = arith.addf %scan3A_876, %get3A_889 : vector<16xf32>
      %add3A_891 = arith.constant 16 : i32
      %add3A_892 = arith.addi %mul3A_885, %add3A_891 : i32
      %get3A_893 = arith.index_cast %add3A_892 : i32 to index
      %get3A_894 = tpu.vector_load %arg4[%get3A_893] {strides = array<i32>} : memref<16000xf32, #tpu.memory_space<vmem>>, vector<16xf32>,
      %get3A_895 = vector.shape_cast %get3A_894 : vector<16xf32> to vector<16xf32>
      %add3A_896 = arith.addf %scan3A_877, %get3A_895 : vector<16xf32>
      %add3A_897 = arith.constant 32 : i32
      %add3A_898 = arith.addi %mul3A_885, %add3A_897 : i32
      %get3A_899 = arith.index_cast %add3A_898 : i32 to index
      %get3A_900 = tpu.vector_load %arg4[%get3A_899] {strides = array<i32>} : memref<16000xf32, #tpu.memory_space<vmem>>, vector<16xf32>,
      %get3A_901 = vector.shape_cast %get3A_900 : vector<16xf32> to vector<16xf32>
      %add3A_902 = arith.addf %scan3A_878, %get3A_901 : vector<16xf32>
      %add3A_903 = arith.constant 48 : i32
      %add3A_904 = arith.addi %mul3A_885, %add3A_903 : i32
      %get3A_905 = arith.index_cast %add3A_904 : i32 to index
      %get3A_906 = tpu.vector_load %arg4[%get3A_905] {strides = array<i32>} : memref<16000xf32, #tpu.memory_space<vmem>>, vector<16xf32>,
      %get3A_907 = vector.shape_cast %get3A_906 : vector<16xf32> to vector<16xf32>
      %add3A_908 = arith.addf %scan3A_879, %get3A_907 : vector<16xf32>
      %add3A_909 = arith.constant 64 : i32
      %add3A_910 = arith.addi %mul3A_885, %add3A_909 : i32
      %get3A_911 = arith.index_cast %add3A_910 : i32 to index
      %get3A_912 = tpu.vector_load %arg4[%get3A_911] {strides = array<i32>} : memref<16000xf32, #tpu.memory_space<vmem>>, vector<16xf32>,
      %get3A_913 = vector.shape_cast %get3A_912 : vector<16xf32> to vector<16xf32>
      %add3A_914 = arith.addf %scan3A_880, %get3A_913 : vector<16xf32>
      %add3A_915 = arith.constant 80 : i32
      %add3A_916 = arith.addi %mul3A_885, %add3A_915 : i32
      %get3A_917 = arith.index_cast %add3A_916 : i32 to index
      %get3A_918 = tpu.vector_load %arg4[%get3A_917] {strides = array<i32>} : memref<16000xf32, #tpu.memory_space<vmem>>, vector<16xf32>,
      %get3A_919 = vector.shape_cast %get3A_918 : vector<16xf32> to vector<16xf32>
      %add3A_920 = arith.addf %scan3A_881, %get3A_919 : vector<16xf32>
      %add3A_921 = arith.constant 96 : i32
      %add3A_922 = arith.addi %mul3A_885, %add3A_921 : i32
      %get3A_923 = arith.index_cast %add3A_922 : i32 to index
      %get3A_924 = tpu.vector_load %arg4[%get3A_923] {strides = array<i32>} : memref<16000xf32, #tpu.memory_space<vmem>>, vector<16xf32>,
      %get3A_925 = vector.shape_cast %get3A_924 : vector<16xf32> to vector<16xf32>
      %add3A_926 = arith.addf %scan3A_882, %get3A_925 : vector<16xf32>
      %add3A_927 = arith.constant 112 : i32
      %add3A_928 = arith.addi %mul3A_885, %add3A_927 : i32
      %get3A_929 = arith.index_cast %add3A_928 : i32 to index
      %get3A_930 = tpu.vector_load %arg4[%get3A_929] {strides = array<i32>} : memref<16000xf32, #tpu.memory_space<vmem>>, vector<16xf32>,
      %get3A_931 = vector.shape_cast %get3A_930 : vector<16xf32> to vector<16xf32>
      %add3A_932 = arith.addf %scan3A_883, %get3A_931 : vector<16xf32>
      scf.yield %add3A_890, %add3A_896, %add3A_902, %add3A_908, %add3A_914, %add3A_920, %add3A_926, %add3A_932 : vector<16xf32>, vector<16xf32>, vector<16xf32>, vector<16xf32>, vector<16xf32>, vector<16xf32>, vector<16xf32>, vector<16xf32>
    }
    %scan3A_634 = arith.constant 125 : i32
    %dma_start3A_635 = arith.constant 576000 : i32
    %dma_start3A_636 = tpu.memref_slice %arg2[%add3A, %dma_start3A_635] : memref<32x1600000xf32, #tpu.memory_space<hbm>> -> memref<1x16000xf32, #tpu.memory_space<hbm>>
    %dma_start3A_637 = tpu.memref_squeeze %dma_start3A_636 : memref<1x16000xf32, #tpu.memory_space<hbm>> -> memref<16000xf32, #tpu.memory_space<hbm>>
    %dma_start3A_638 = arith.constant 576000 : i32
    %dma_start3A_639 = tpu.memref_slice %arg2[%add3A, %dma_start3A_638] : memref<32x1600000xf32, #tpu.memory_space<hbm>> -> memref<1x16000xf32, #tpu.memory_space<hbm>>
    %dma_start3A_640 = tpu.memref_squeeze %dma_start3A_639 : memref<1x16000xf32, #tpu.memory_space<hbm>> -> memref<16000xf32, #tpu.memory_space<hbm>>
    tpu.enqueue_dma source(%dma_start3A_640 : memref<16000xf32, #tpu.memory_space<hbm>>) target(%arg4 : memref<16000xf32, #tpu.memory_space<vmem>>) target_semaphore(%arg7 : memref<!tpu.dma_semaphore, #tpu.memory_space<semaphore_mem>>)
    %dma_wait3A_641 = arith.constant 560000 : i32
    %dma_wait3A_642 = tpu.memref_slice %arg2[%add3A, %dma_wait3A_641] : memref<32x1600000xf32, #tpu.memory_space<hbm>> -> memref<1x16000xf32, #tpu.memory_space<hbm>>
    %dma_wait3A_643 = tpu.memref_squeeze %dma_wait3A_642 : memref<1x16000xf32, #tpu.memory_space<hbm>> -> memref<16000xf32, #tpu.memory_space<hbm>>
    %dma_wait3A_644 = arith.constant 560000 : i32
    %dma_wait3A_645 = tpu.memref_slice %arg2[%add3A, %dma_wait3A_644] : memref<32x1600000xf32, #tpu.memory_space<hbm>> -> memref<1x16000xf32, #tpu.memory_space<hbm>>
    %dma_wait3A_646 = tpu.memref_squeeze %dma_wait3A_645 : memref<1x16000xf32, #tpu.memory_space<hbm>> -> memref<16000xf32, #tpu.memory_space<hbm>>
    tpu.wait_dma2 semaphore(%arg8 : memref<!tpu.dma_semaphore, #tpu.memory_space<semaphore_mem>>) src(%dma_wait3A_646 : memref<16000xf32, #tpu.memory_space<hbm>>) dst(%arg5 : memref<16000xf32, #tpu.memory_space<vmem>>)
    %scan3A_647 = arith.constant 0 : i32
    %scan3A_648 = arith.constant 125 : i32
    %scan3A_649 = arith.addi %scan3A_647, %scan3A_648 : i32
    %scan3A_650 = arith.constant 1 : i32
    %scan3A_651:8 = scf.for %scan3A_875 = %scan3A_647 to %scan3A_649 step %scan3A_650 iter_args(%scan3A_876 = %scan3A_633#0, %scan3A_877 = %scan3A_633#1, %scan3A_878 = %scan3A_633#2, %scan3A_879 = %scan3A_633#3, %scan3A_880 = %scan3A_633#4, %scan3A_881 = %scan3A_633#5, %scan3A_882 = %scan3A_633#6, %scan3A_883 = %scan3A_633#7) -> (vector<16xf32>, vector<16xf32>, vector<16xf32>, vector<16xf32>, vector<16xf32>, vector<16xf32>, vector<16xf32>, vector<16xf32>)  : i32 {
      %mul3A_884 = arith.constant 128 : i32
      %mul3A_885 = arith.muli %scan3A_875, %mul3A_884 : i32
      %add3A_886 = arith.constant 0 : i32
      %add3A_887 = arith.addi %mul3A_885, %add3A_886 : i32
      %get3A = arith.index_cast %add3A_887 : i32 to index
      %get3A_888 = tpu.vector_load %arg5[%get3A] {strides = array<i32>} : memref<16000xf32, #tpu.memory_space<vmem>>, vector<16xf32>,
      %get3A_889 = vector.shape_cast %get3A_888 : vector<16xf32> to vector<16xf32>
      %add3A_890 = arith.addf %scan3A_876, %get3A_889 : vector<16xf32>
      %add3A_891 = arith.constant 16 : i32
      %add3A_892 = arith.addi %mul3A_885, %add3A_891 : i32
      %get3A_893 = arith.index_cast %add3A_892 : i32 to index
      %get3A_894 = tpu.vector_load %arg5[%get3A_893] {strides = array<i32>} : memref<16000xf32, #tpu.memory_space<vmem>>, vector<16xf32>,
      %get3A_895 = vector.shape_cast %get3A_894 : vector<16xf32> to vector<16xf32>
      %add3A_896 = arith.addf %scan3A_877, %get3A_895 : vector<16xf32>
      %add3A_897 = arith.constant 32 : i32
      %add3A_898 = arith.addi %mul3A_885, %add3A_897 : i32
      %get3A_899 = arith.index_cast %add3A_898 : i32 to index
      %get3A_900 = tpu.vector_load %arg5[%get3A_899] {strides = array<i32>} : memref<16000xf32, #tpu.memory_space<vmem>>, vector<16xf32>,
      %get3A_901 = vector.shape_cast %get3A_900 : vector<16xf32> to vector<16xf32>
      %add3A_902 = arith.addf %scan3A_878, %get3A_901 : vector<16xf32>
      %add3A_903 = arith.constant 48 : i32
      %add3A_904 = arith.addi %mul3A_885, %add3A_903 : i32
      %get3A_905 = arith.index_cast %add3A_904 : i32 to index
      %get3A_906 = tpu.vector_load %arg5[%get3A_905] {strides = array<i32>} : memref<16000xf32, #tpu.memory_space<vmem>>, vector<16xf32>,
      %get3A_907 = vector.shape_cast %get3A_906 : vector<16xf32> to vector<16xf32>
      %add3A_908 = arith.addf %scan3A_879, %get3A_907 : vector<16xf32>
      %add3A_909 = arith.constant 64 : i32
      %add3A_910 = arith.addi %mul3A_885, %add3A_909 : i32
      %get3A_911 = arith.index_cast %add3A_910 : i32 to index
      %get3A_912 = tpu.vector_load %arg5[%get3A_911] {strides = array<i32>} : memref<16000xf32, #tpu.memory_space<vmem>>, vector<16xf32>,
      %get3A_913 = vector.shape_cast %get3A_912 : vector<16xf32> to vector<16xf32>
      %add3A_914 = arith.addf %scan3A_880, %get3A_913 : vector<16xf32>
      %add3A_915 = arith.constant 80 : i32
      %add3A_916 = arith.addi %mul3A_885, %add3A_915 : i32
      %get3A_917 = arith.index_cast %add3A_916 : i32 to index
      %get3A_918 = tpu.vector_load %arg5[%get3A_917] {strides = array<i32>} : memref<16000xf32, #tpu.memory_space<vmem>>, vector<16xf32>,
      %get3A_919 = vector.shape_cast %get3A_918 : vector<16xf32> to vector<16xf32>
      %add3A_920 = arith.addf %scan3A_881, %get3A_919 : vector<16xf32>
      %add3A_921 = arith.constant 96 : i32
      %add3A_922 = arith.addi %mul3A_885, %add3A_921 : i32
      %get3A_923 = arith.index_cast %add3A_922 : i32 to index
      %get3A_924 = tpu.vector_load %arg5[%get3A_923] {strides = array<i32>} : memref<16000xf32, #tpu.memory_space<vmem>>, vector<16xf32>,
      %get3A_925 = vector.shape_cast %get3A_924 : vector<16xf32> to vector<16xf32>
      %add3A_926 = arith.addf %scan3A_882, %get3A_925 : vector<16xf32>
      %add3A_927 = arith.constant 112 : i32
      %add3A_928 = arith.addi %mul3A_885, %add3A_927 : i32
      %get3A_929 = arith.index_cast %add3A_928 : i32 to index
      %get3A_930 = tpu.vector_load %arg5[%get3A_929] {strides = array<i32>} : memref<16000xf32, #tpu.memory_space<vmem>>, vector<16xf32>,
      %get3A_931 = vector.shape_cast %get3A_930 : vector<16xf32> to vector<16xf32>
      %add3A_932 = arith.addf %scan3A_883, %get3A_931 : vector<16xf32>
      scf.yield %add3A_890, %add3A_896, %add3A_902, %add3A_908, %add3A_914, %add3A_920, %add3A_926, %add3A_932 : vector<16xf32>, vector<16xf32>, vector<16xf32>, vector<16xf32>, vector<16xf32>, vector<16xf32>, vector<16xf32>, vector<16xf32>
    }
    %scan3A_652 = arith.constant 125 : i32
    %dma_start3A_653 = arith.constant 592000 : i32
    %dma_start3A_654 = tpu.memref_slice %arg2[%add3A, %dma_start3A_653] : memref<32x1600000xf32, #tpu.memory_space<hbm>> -> memref<1x16000xf32, #tpu.memory_space<hbm>>
    %dma_start3A_655 = tpu.memref_squeeze %dma_start3A_654 : memref<1x16000xf32, #tpu.memory_space<hbm>> -> memref<16000xf32, #tpu.memory_space<hbm>>
    %dma_start3A_656 = arith.constant 592000 : i32
    %dma_start3A_657 = tpu.memref_slice %arg2[%add3A, %dma_start3A_656] : memref<32x1600000xf32, #tpu.memory_space<hbm>> -> memref<1x16000xf32, #tpu.memory_space<hbm>>
    %dma_start3A_658 = tpu.memref_squeeze %dma_start3A_657 : memref<1x16000xf32, #tpu.memory_space<hbm>> -> memref<16000xf32, #tpu.memory_space<hbm>>
    tpu.enqueue_dma source(%dma_start3A_658 : memref<16000xf32, #tpu.memory_space<hbm>>) target(%arg5 : memref<16000xf32, #tpu.memory_space<vmem>>) target_semaphore(%arg8 : memref<!tpu.dma_semaphore, #tpu.memory_space<semaphore_mem>>)
    %dma_wait3A_659 = arith.constant 576000 : i32
    %dma_wait3A_660 = tpu.memref_slice %arg2[%add3A, %dma_wait3A_659] : memref<32x1600000xf32, #tpu.memory_space<hbm>> -> memref<1x16000xf32, #tpu.memory_space<hbm>>
    %dma_wait3A_661 = tpu.memref_squeeze %dma_wait3A_660 : memref<1x16000xf32, #tpu.memory_space<hbm>> -> memref<16000xf32, #tpu.memory_space<hbm>>
    %dma_wait3A_662 = arith.constant 576000 : i32
    %dma_wait3A_663 = tpu.memref_slice %arg2[%add3A, %dma_wait3A_662] : memref<32x1600000xf32, #tpu.memory_space<hbm>> -> memref<1x16000xf32, #tpu.memory_space<hbm>>
    %dma_wait3A_664 = tpu.memref_squeeze %dma_wait3A_663 : memref<1x16000xf32, #tpu.memory_space<hbm>> -> memref<16000xf32, #tpu.memory_space<hbm>>
    tpu.wait_dma2 semaphore(%arg7 : memref<!tpu.dma_semaphore, #tpu.memory_space<semaphore_mem>>) src(%dma_wait3A_664 : memref<16000xf32, #tpu.memory_space<hbm>>) dst(%arg4 : memref<16000xf32, #tpu.memory_space<vmem>>)
    %scan3A_665 = arith.constant 0 : i32
    %scan3A_666 = arith.constant 125 : i32
    %scan3A_667 = arith.addi %scan3A_665, %scan3A_666 : i32
    %scan3A_668 = arith.constant 1 : i32
    %scan3A_669:8 = scf.for %scan3A_875 = %scan3A_665 to %scan3A_667 step %scan3A_668 iter_args(%scan3A_876 = %scan3A_651#0, %scan3A_877 = %scan3A_651#1, %scan3A_878 = %scan3A_651#2, %scan3A_879 = %scan3A_651#3, %scan3A_880 = %scan3A_651#4, %scan3A_881 = %scan3A_651#5, %scan3A_882 = %scan3A_651#6, %scan3A_883 = %scan3A_651#7) -> (vector<16xf32>, vector<16xf32>, vector<16xf32>, vector<16xf32>, vector<16xf32>, vector<16xf32>, vector<16xf32>, vector<16xf32>)  : i32 {
      %mul3A_884 = arith.constant 128 : i32
      %mul3A_885 = arith.muli %scan3A_875, %mul3A_884 : i32
      %add3A_886 = arith.constant 0 : i32
      %add3A_887 = arith.addi %mul3A_885, %add3A_886 : i32
      %get3A = arith.index_cast %add3A_887 : i32 to index
      %get3A_888 = tpu.vector_load %arg4[%get3A] {strides = array<i32>} : memref<16000xf32, #tpu.memory_space<vmem>>, vector<16xf32>,
      %get3A_889 = vector.shape_cast %get3A_888 : vector<16xf32> to vector<16xf32>
      %add3A_890 = arith.addf %scan3A_876, %get3A_889 : vector<16xf32>
      %add3A_891 = arith.constant 16 : i32
      %add3A_892 = arith.addi %mul3A_885, %add3A_891 : i32
      %get3A_893 = arith.index_cast %add3A_892 : i32 to index
      %get3A_894 = tpu.vector_load %arg4[%get3A_893] {strides = array<i32>} : memref<16000xf32, #tpu.memory_space<vmem>>, vector<16xf32>,
      %get3A_895 = vector.shape_cast %get3A_894 : vector<16xf32> to vector<16xf32>
      %add3A_896 = arith.addf %scan3A_877, %get3A_895 : vector<16xf32>
      %add3A_897 = arith.constant 32 : i32
      %add3A_898 = arith.addi %mul3A_885, %add3A_897 : i32
      %get3A_899 = arith.index_cast %add3A_898 : i32 to index
      %get3A_900 = tpu.vector_load %arg4[%get3A_899] {strides = array<i32>} : memref<16000xf32, #tpu.memory_space<vmem>>, vector<16xf32>,
      %get3A_901 = vector.shape_cast %get3A_900 : vector<16xf32> to vector<16xf32>
      %add3A_902 = arith.addf %scan3A_878, %get3A_901 : vector<16xf32>
      %add3A_903 = arith.constant 48 : i32
      %add3A_904 = arith.addi %mul3A_885, %add3A_903 : i32
      %get3A_905 = arith.index_cast %add3A_904 : i32 to index
      %get3A_906 = tpu.vector_load %arg4[%get3A_905] {strides = array<i32>} : memref<16000xf32, #tpu.memory_space<vmem>>, vector<16xf32>,
      %get3A_907 = vector.shape_cast %get3A_906 : vector<16xf32> to vector<16xf32>
      %add3A_908 = arith.addf %scan3A_879, %get3A_907 : vector<16xf32>
      %add3A_909 = arith.constant 64 : i32
      %add3A_910 = arith.addi %mul3A_885, %add3A_909 : i32
      %get3A_911 = arith.index_cast %add3A_910 : i32 to index
      %get3A_912 = tpu.vector_load %arg4[%get3A_911] {strides = array<i32>} : memref<16000xf32, #tpu.memory_space<vmem>>, vector<16xf32>,
      %get3A_913 = vector.shape_cast %get3A_912 : vector<16xf32> to vector<16xf32>
      %add3A_914 = arith.addf %scan3A_880, %get3A_913 : vector<16xf32>
      %add3A_915 = arith.constant 80 : i32
      %add3A_916 = arith.addi %mul3A_885, %add3A_915 : i32
      %get3A_917 = arith.index_cast %add3A_916 : i32 to index
      %get3A_918 = tpu.vector_load %arg4[%get3A_917] {strides = array<i32>} : memref<16000xf32, #tpu.memory_space<vmem>>, vector<16xf32>,
      %get3A_919 = vector.shape_cast %get3A_918 : vector<16xf32> to vector<16xf32>
      %add3A_920 = arith.addf %scan3A_881, %get3A_919 : vector<16xf32>
      %add3A_921 = arith.constant 96 : i32
      %add3A_922 = arith.addi %mul3A_885, %add3A_921 : i32
      %get3A_923 = arith.index_cast %add3A_922 : i32 to index
      %get3A_924 = tpu.vector_load %arg4[%get3A_923] {strides = array<i32>} : memref<16000xf32, #tpu.memory_space<vmem>>, vector<16xf32>,
      %get3A_925 = vector.shape_cast %get3A_924 : vector<16xf32> to vector<16xf32>
      %add3A_926 = arith.addf %scan3A_882, %get3A_925 : vector<16xf32>
      %add3A_927 = arith.constant 112 : i32
      %add3A_928 = arith.addi %mul3A_885, %add3A_927 : i32
      %get3A_929 = arith.index_cast %add3A_928 : i32 to index
      %get3A_930 = tpu.vector_load %arg4[%get3A_929] {strides = array<i32>} : memref<16000xf32, #tpu.memory_space<vmem>>, vector<16xf32>,
      %get3A_931 = vector.shape_cast %get3A_930 : vector<16xf32> to vector<16xf32>
      %add3A_932 = arith.addf %scan3A_883, %get3A_931 : vector<16xf32>
      scf.yield %add3A_890, %add3A_896, %add3A_902, %add3A_908, %add3A_914, %add3A_920, %add3A_926, %add3A_932 : vector<16xf32>, vector<16xf32>, vector<16xf32>, vector<16xf32>, vector<16xf32>, vector<16xf32>, vector<16xf32>, vector<16xf32>
    }
    %scan3A_670 = arith.constant 125 : i32
    %dma_start3A_671 = arith.constant 608000 : i32
    %dma_start3A_672 = tpu.memref_slice %arg2[%add3A, %dma_start3A_671] : memref<32x1600000xf32, #tpu.memory_space<hbm>> -> memref<1x16000xf32, #tpu.memory_space<hbm>>
    %dma_start3A_673 = tpu.memref_squeeze %dma_start3A_672 : memref<1x16000xf32, #tpu.memory_space<hbm>> -> memref<16000xf32, #tpu.memory_space<hbm>>
    %dma_start3A_674 = arith.constant 608000 : i32
    %dma_start3A_675 = tpu.memref_slice %arg2[%add3A, %dma_start3A_674] : memref<32x1600000xf32, #tpu.memory_space<hbm>> -> memref<1x16000xf32, #tpu.memory_space<hbm>>
    %dma_start3A_676 = tpu.memref_squeeze %dma_start3A_675 : memref<1x16000xf32, #tpu.memory_space<hbm>> -> memref<16000xf32, #tpu.memory_space<hbm>>
    tpu.enqueue_dma source(%dma_start3A_676 : memref<16000xf32, #tpu.memory_space<hbm>>) target(%arg4 : memref<16000xf32, #tpu.memory_space<vmem>>) target_semaphore(%arg7 : memref<!tpu.dma_semaphore, #tpu.memory_space<semaphore_mem>>)
    %dma_wait3A_677 = arith.constant 592000 : i32
    %dma_wait3A_678 = tpu.memref_slice %arg2[%add3A, %dma_wait3A_677] : memref<32x1600000xf32, #tpu.memory_space<hbm>> -> memref<1x16000xf32, #tpu.memory_space<hbm>>
    %dma_wait3A_679 = tpu.memref_squeeze %dma_wait3A_678 : memref<1x16000xf32, #tpu.memory_space<hbm>> -> memref<16000xf32, #tpu.memory_space<hbm>>
    %dma_wait3A_680 = arith.constant 592000 : i32
    %dma_wait3A_681 = tpu.memref_slice %arg2[%add3A, %dma_wait3A_680] : memref<32x1600000xf32, #tpu.memory_space<hbm>> -> memref<1x16000xf32, #tpu.memory_space<hbm>>
    %dma_wait3A_682 = tpu.memref_squeeze %dma_wait3A_681 : memref<1x16000xf32, #tpu.memory_space<hbm>> -> memref<16000xf32, #tpu.memory_space<hbm>>
    tpu.wait_dma2 semaphore(%arg8 : memref<!tpu.dma_semaphore, #tpu.memory_space<semaphore_mem>>) src(%dma_wait3A_682 : memref<16000xf32, #tpu.memory_space<hbm>>) dst(%arg5 : memref<16000xf32, #tpu.memory_space<vmem>>)
    %scan3A_683 = arith.constant 0 : i32
    %scan3A_684 = arith.constant 125 : i32
    %scan3A_685 = arith.addi %scan3A_683, %scan3A_684 : i32
    %scan3A_686 = arith.constant 1 : i32
    %scan3A_687:8 = scf.for %scan3A_875 = %scan3A_683 to %scan3A_685 step %scan3A_686 iter_args(%scan3A_876 = %scan3A_669#0, %scan3A_877 = %scan3A_669#1, %scan3A_878 = %scan3A_669#2, %scan3A_879 = %scan3A_669#3, %scan3A_880 = %scan3A_669#4, %scan3A_881 = %scan3A_669#5, %scan3A_882 = %scan3A_669#6, %scan3A_883 = %scan3A_669#7) -> (vector<16xf32>, vector<16xf32>, vector<16xf32>, vector<16xf32>, vector<16xf32>, vector<16xf32>, vector<16xf32>, vector<16xf32>)  : i32 {
      %mul3A_884 = arith.constant 128 : i32
      %mul3A_885 = arith.muli %scan3A_875, %mul3A_884 : i32
      %add3A_886 = arith.constant 0 : i32
      %add3A_887 = arith.addi %mul3A_885, %add3A_886 : i32
      %get3A = arith.index_cast %add3A_887 : i32 to index
      %get3A_888 = tpu.vector_load %arg5[%get3A] {strides = array<i32>} : memref<16000xf32, #tpu.memory_space<vmem>>, vector<16xf32>,
      %get3A_889 = vector.shape_cast %get3A_888 : vector<16xf32> to vector<16xf32>
      %add3A_890 = arith.addf %scan3A_876, %get3A_889 : vector<16xf32>
      %add3A_891 = arith.constant 16 : i32
      %add3A_892 = arith.addi %mul3A_885, %add3A_891 : i32
      %get3A_893 = arith.index_cast %add3A_892 : i32 to index
      %get3A_894 = tpu.vector_load %arg5[%get3A_893] {strides = array<i32>} : memref<16000xf32, #tpu.memory_space<vmem>>, vector<16xf32>,
      %get3A_895 = vector.shape_cast %get3A_894 : vector<16xf32> to vector<16xf32>
      %add3A_896 = arith.addf %scan3A_877, %get3A_895 : vector<16xf32>
      %add3A_897 = arith.constant 32 : i32
      %add3A_898 = arith.addi %mul3A_885, %add3A_897 : i32
      %get3A_899 = arith.index_cast %add3A_898 : i32 to index
      %get3A_900 = tpu.vector_load %arg5[%get3A_899] {strides = array<i32>} : memref<16000xf32, #tpu.memory_space<vmem>>, vector<16xf32>,
      %get3A_901 = vector.shape_cast %get3A_900 : vector<16xf32> to vector<16xf32>
      %add3A_902 = arith.addf %scan3A_878, %get3A_901 : vector<16xf32>
      %add3A_903 = arith.constant 48 : i32
      %add3A_904 = arith.addi %mul3A_885, %add3A_903 : i32
      %get3A_905 = arith.index_cast %add3A_904 : i32 to index
      %get3A_906 = tpu.vector_load %arg5[%get3A_905] {strides = array<i32>} : memref<16000xf32, #tpu.memory_space<vmem>>, vector<16xf32>,
      %get3A_907 = vector.shape_cast %get3A_906 : vector<16xf32> to vector<16xf32>
      %add3A_908 = arith.addf %scan3A_879, %get3A_907 : vector<16xf32>
      %add3A_909 = arith.constant 64 : i32
      %add3A_910 = arith.addi %mul3A_885, %add3A_909 : i32
      %get3A_911 = arith.index_cast %add3A_910 : i32 to index
      %get3A_912 = tpu.vector_load %arg5[%get3A_911] {strides = array<i32>} : memref<16000xf32, #tpu.memory_space<vmem>>, vector<16xf32>,
      %get3A_913 = vector.shape_cast %get3A_912 : vector<16xf32> to vector<16xf32>
      %add3A_914 = arith.addf %scan3A_880, %get3A_913 : vector<16xf32>
      %add3A_915 = arith.constant 80 : i32
      %add3A_916 = arith.addi %mul3A_885, %add3A_915 : i32
      %get3A_917 = arith.index_cast %add3A_916 : i32 to index
      %get3A_918 = tpu.vector_load %arg5[%get3A_917] {strides = array<i32>} : memref<16000xf32, #tpu.memory_space<vmem>>, vector<16xf32>,
      %get3A_919 = vector.shape_cast %get3A_918 : vector<16xf32> to vector<16xf32>
      %add3A_920 = arith.addf %scan3A_881, %get3A_919 : vector<16xf32>
      %add3A_921 = arith.constant 96 : i32
      %add3A_922 = arith.addi %mul3A_885, %add3A_921 : i32
      %get3A_923 = arith.index_cast %add3A_922 : i32 to index
      %get3A_924 = tpu.vector_load %arg5[%get3A_923] {strides = array<i32>} : memref<16000xf32, #tpu.memory_space<vmem>>, vector<16xf32>,
      %get3A_925 = vector.shape_cast %get3A_924 : vector<16xf32> to vector<16xf32>
      %add3A_926 = arith.addf %scan3A_882, %get3A_925 : vector<16xf32>
      %add3A_927 = arith.constant 112 : i32
      %add3A_928 = arith.addi %mul3A_885, %add3A_927 : i32
      %get3A_929 = arith.index_cast %add3A_928 : i32 to index
      %get3A_930 = tpu.vector_load %arg5[%get3A_929] {strides = array<i32>} : memref<16000xf32, #tpu.memory_space<vmem>>, vector<16xf32>,
      %get3A_931 = vector.shape_cast %get3A_930 : vector<16xf32> to vector<16xf32>
      %add3A_932 = arith.addf %scan3A_883, %get3A_931 : vector<16xf32>
      scf.yield %add3A_890, %add3A_896, %add3A_902, %add3A_908, %add3A_914, %add3A_920, %add3A_926, %add3A_932 : vector<16xf32>, vector<16xf32>, vector<16xf32>, vector<16xf32>, vector<16xf32>, vector<16xf32>, vector<16xf32>, vector<16xf32>
    }
    %scan3A_688 = arith.constant 125 : i32
    %dma_start3A_689 = arith.constant 624000 : i32
    %dma_start3A_690 = tpu.memref_slice %arg2[%add3A, %dma_start3A_689] : memref<32x1600000xf32, #tpu.memory_space<hbm>> -> memref<1x16000xf32, #tpu.memory_space<hbm>>
    %dma_start3A_691 = tpu.memref_squeeze %dma_start3A_690 : memref<1x16000xf32, #tpu.memory_space<hbm>> -> memref<16000xf32, #tpu.memory_space<hbm>>
    %dma_start3A_692 = arith.constant 624000 : i32
    %dma_start3A_693 = tpu.memref_slice %arg2[%add3A, %dma_start3A_692] : memref<32x1600000xf32, #tpu.memory_space<hbm>> -> memref<1x16000xf32, #tpu.memory_space<hbm>>
    %dma_start3A_694 = tpu.memref_squeeze %dma_start3A_693 : memref<1x16000xf32, #tpu.memory_space<hbm>> -> memref<16000xf32, #tpu.memory_space<hbm>>
    tpu.enqueue_dma source(%dma_start3A_694 : memref<16000xf32, #tpu.memory_space<hbm>>) target(%arg5 : memref<16000xf32, #tpu.memory_space<vmem>>) target_semaphore(%arg8 : memref<!tpu.dma_semaphore, #tpu.memory_space<semaphore_mem>>)
    %dma_wait3A_695 = arith.constant 608000 : i32
    %dma_wait3A_696 = tpu.memref_slice %arg2[%add3A, %dma_wait3A_695] : memref<32x1600000xf32, #tpu.memory_space<hbm>> -> memref<1x16000xf32, #tpu.memory_space<hbm>>
    %dma_wait3A_697 = tpu.memref_squeeze %dma_wait3A_696 : memref<1x16000xf32, #tpu.memory_space<hbm>> -> memref<16000xf32, #tpu.memory_space<hbm>>
    %dma_wait3A_698 = arith.constant 608000 : i32
    %dma_wait3A_699 = tpu.memref_slice %arg2[%add3A, %dma_wait3A_698] : memref<32x1600000xf32, #tpu.memory_space<hbm>> -> memref<1x16000xf32, #tpu.memory_space<hbm>>
    %dma_wait3A_700 = tpu.memref_squeeze %dma_wait3A_699 : memref<1x16000xf32, #tpu.memory_space<hbm>> -> memref<16000xf32, #tpu.memory_space<hbm>>
    tpu.wait_dma2 semaphore(%arg7 : memref<!tpu.dma_semaphore, #tpu.memory_space<semaphore_mem>>) src(%dma_wait3A_700 : memref<16000xf32, #tpu.memory_space<hbm>>) dst(%arg4 : memref<16000xf32, #tpu.memory_space<vmem>>)
    %scan3A_701 = arith.constant 0 : i32
    %scan3A_702 = arith.constant 125 : i32
    %scan3A_703 = arith.addi %scan3A_701, %scan3A_702 : i32
    %scan3A_704 = arith.constant 1 : i32
    %scan3A_705:8 = scf.for %scan3A_875 = %scan3A_701 to %scan3A_703 step %scan3A_704 iter_args(%scan3A_876 = %scan3A_687#0, %scan3A_877 = %scan3A_687#1, %scan3A_878 = %scan3A_687#2, %scan3A_879 = %scan3A_687#3, %scan3A_880 = %scan3A_687#4, %scan3A_881 = %scan3A_687#5, %scan3A_882 = %scan3A_687#6, %scan3A_883 = %scan3A_687#7) -> (vector<16xf32>, vector<16xf32>, vector<16xf32>, vector<16xf32>, vector<16xf32>, vector<16xf32>, vector<16xf32>, vector<16xf32>)  : i32 {
      %mul3A_884 = arith.constant 128 : i32
      %mul3A_885 = arith.muli %scan3A_875, %mul3A_884 : i32
      %add3A_886 = arith.constant 0 : i32
      %add3A_887 = arith.addi %mul3A_885, %add3A_886 : i32
      %get3A = arith.index_cast %add3A_887 : i32 to index
      %get3A_888 = tpu.vector_load %arg4[%get3A] {strides = array<i32>} : memref<16000xf32, #tpu.memory_space<vmem>>, vector<16xf32>,
      %get3A_889 = vector.shape_cast %get3A_888 : vector<16xf32> to vector<16xf32>
      %add3A_890 = arith.addf %scan3A_876, %get3A_889 : vector<16xf32>
      %add3A_891 = arith.constant 16 : i32
      %add3A_892 = arith.addi %mul3A_885, %add3A_891 : i32
      %get3A_893 = arith.index_cast %add3A_892 : i32 to index
      %get3A_894 = tpu.vector_load %arg4[%get3A_893] {strides = array<i32>} : memref<16000xf32, #tpu.memory_space<vmem>>, vector<16xf32>,
      %get3A_895 = vector.shape_cast %get3A_894 : vector<16xf32> to vector<16xf32>
      %add3A_896 = arith.addf %scan3A_877, %get3A_895 : vector<16xf32>
      %add3A_897 = arith.constant 32 : i32
      %add3A_898 = arith.addi %mul3A_885, %add3A_897 : i32
      %get3A_899 = arith.index_cast %add3A_898 : i32 to index
      %get3A_900 = tpu.vector_load %arg4[%get3A_899] {strides = array<i32>} : memref<16000xf32, #tpu.memory_space<vmem>>, vector<16xf32>,
      %get3A_901 = vector.shape_cast %get3A_900 : vector<16xf32> to vector<16xf32>
      %add3A_902 = arith.addf %scan3A_878, %get3A_901 : vector<16xf32>
      %add3A_903 = arith.constant 48 : i32
      %add3A_904 = arith.addi %mul3A_885, %add3A_903 : i32
      %get3A_905 = arith.index_cast %add3A_904 : i32 to index
      %get3A_906 = tpu.vector_load %arg4[%get3A_905] {strides = array<i32>} : memref<16000xf32, #tpu.memory_space<vmem>>, vector<16xf32>,
      %get3A_907 = vector.shape_cast %get3A_906 : vector<16xf32> to vector<16xf32>
      %add3A_908 = arith.addf %scan3A_879, %get3A_907 : vector<16xf32>
      %add3A_909 = arith.constant 64 : i32
      %add3A_910 = arith.addi %mul3A_885, %add3A_909 : i32
      %get3A_911 = arith.index_cast %add3A_910 : i32 to index
      %get3A_912 = tpu.vector_load %arg4[%get3A_911] {strides = array<i32>} : memref<16000xf32, #tpu.memory_space<vmem>>, vector<16xf32>,
      %get3A_913 = vector.shape_cast %get3A_912 : vector<16xf32> to vector<16xf32>
      %add3A_914 = arith.addf %scan3A_880, %get3A_913 : vector<16xf32>
      %add3A_915 = arith.constant 80 : i32
      %add3A_916 = arith.addi %mul3A_885, %add3A_915 : i32
      %get3A_917 = arith.index_cast %add3A_916 : i32 to index
      %get3A_918 = tpu.vector_load %arg4[%get3A_917] {strides = array<i32>} : memref<16000xf32, #tpu.memory_space<vmem>>, vector<16xf32>,
      %get3A_919 = vector.shape_cast %get3A_918 : vector<16xf32> to vector<16xf32>
      %add3A_920 = arith.addf %scan3A_881, %get3A_919 : vector<16xf32>
      %add3A_921 = arith.constant 96 : i32
      %add3A_922 = arith.addi %mul3A_885, %add3A_921 : i32
      %get3A_923 = arith.index_cast %add3A_922 : i32 to index
      %get3A_924 = tpu.vector_load %arg4[%get3A_923] {strides = array<i32>} : memref<16000xf32, #tpu.memory_space<vmem>>, vector<16xf32>,
      %get3A_925 = vector.shape_cast %get3A_924 : vector<16xf32> to vector<16xf32>
      %add3A_926 = arith.addf %scan3A_882, %get3A_925 : vector<16xf32>
      %add3A_927 = arith.constant 112 : i32
      %add3A_928 = arith.addi %mul3A_885, %add3A_927 : i32
      %get3A_929 = arith.index_cast %add3A_928 : i32 to index
      %get3A_930 = tpu.vector_load %arg4[%get3A_929] {strides = array<i32>} : memref<16000xf32, #tpu.memory_space<vmem>>, vector<16xf32>,
      %get3A_931 = vector.shape_cast %get3A_930 : vector<16xf32> to vector<16xf32>
      %add3A_932 = arith.addf %scan3A_883, %get3A_931 : vector<16xf32>
      scf.yield %add3A_890, %add3A_896, %add3A_902, %add3A_908, %add3A_914, %add3A_920, %add3A_926, %add3A_932 : vector<16xf32>, vector<16xf32>, vector<16xf32>, vector<16xf32>, vector<16xf32>, vector<16xf32>, vector<16xf32>, vector<16xf32>
    }
    %scan3A_706 = arith.constant 125 : i32
    %dma_start3A_707 = arith.constant 640000 : i32
    %dma_start3A_708 = tpu.memref_slice %arg2[%add3A, %dma_start3A_707] : memref<32x1600000xf32, #tpu.memory_space<hbm>> -> memref<1x16000xf32, #tpu.memory_space<hbm>>
    %dma_start3A_709 = tpu.memref_squeeze %dma_start3A_708 : memref<1x16000xf32, #tpu.memory_space<hbm>> -> memref<16000xf32, #tpu.memory_space<hbm>>
    %dma_start3A_710 = arith.constant 640000 : i32
    %dma_start3A_711 = tpu.memref_slice %arg2[%add3A, %dma_start3A_710] : memref<32x1600000xf32, #tpu.memory_space<hbm>> -> memref<1x16000xf32, #tpu.memory_space<hbm>>
    %dma_start3A_712 = tpu.memref_squeeze %dma_start3A_711 : memref<1x16000xf32, #tpu.memory_space<hbm>> -> memref<16000xf32, #tpu.memory_space<hbm>>
    tpu.enqueue_dma source(%dma_start3A_712 : memref<16000xf32, #tpu.memory_space<hbm>>) target(%arg4 : memref<16000xf32, #tpu.memory_space<vmem>>) target_semaphore(%arg7 : memref<!tpu.dma_semaphore, #tpu.memory_space<semaphore_mem>>)
    %dma_wait3A_713 = arith.constant 624000 : i32
    %dma_wait3A_714 = tpu.memref_slice %arg2[%add3A, %dma_wait3A_713] : memref<32x1600000xf32, #tpu.memory_space<hbm>> -> memref<1x16000xf32, #tpu.memory_space<hbm>>
    %dma_wait3A_715 = tpu.memref_squeeze %dma_wait3A_714 : memref<1x16000xf32, #tpu.memory_space<hbm>> -> memref<16000xf32, #tpu.memory_space<hbm>>
    %dma_wait3A_716 = arith.constant 624000 : i32
    %dma_wait3A_717 = tpu.memref_slice %arg2[%add3A, %dma_wait3A_716] : memref<32x1600000xf32, #tpu.memory_space<hbm>> -> memref<1x16000xf32, #tpu.memory_space<hbm>>
    %dma_wait3A_718 = tpu.memref_squeeze %dma_wait3A_717 : memref<1x16000xf32, #tpu.memory_space<hbm>> -> memref<16000xf32, #tpu.memory_space<hbm>>
    tpu.wait_dma2 semaphore(%arg8 : memref<!tpu.dma_semaphore, #tpu.memory_space<semaphore_mem>>) src(%dma_wait3A_718 : memref<16000xf32, #tpu.memory_space<hbm>>) dst(%arg5 : memref<16000xf32, #tpu.memory_space<vmem>>)
    %scan3A_719 = arith.constant 0 : i32
    %scan3A_720 = arith.constant 125 : i32
    %scan3A_721 = arith.addi %scan3A_719, %scan3A_720 : i32
    %scan3A_722 = arith.constant 1 : i32
    %scan3A_723:8 = scf.for %scan3A_875 = %scan3A_719 to %scan3A_721 step %scan3A_722 iter_args(%scan3A_876 = %scan3A_705#0, %scan3A_877 = %scan3A_705#1, %scan3A_878 = %scan3A_705#2, %scan3A_879 = %scan3A_705#3, %scan3A_880 = %scan3A_705#4, %scan3A_881 = %scan3A_705#5, %scan3A_882 = %scan3A_705#6, %scan3A_883 = %scan3A_705#7) -> (vector<16xf32>, vector<16xf32>, vector<16xf32>, vector<16xf32>, vector<16xf32>, vector<16xf32>, vector<16xf32>, vector<16xf32>)  : i32 {
      %mul3A_884 = arith.constant 128 : i32
      %mul3A_885 = arith.muli %scan3A_875, %mul3A_884 : i32
      %add3A_886 = arith.constant 0 : i32
      %add3A_887 = arith.addi %mul3A_885, %add3A_886 : i32
      %get3A = arith.index_cast %add3A_887 : i32 to index
      %get3A_888 = tpu.vector_load %arg5[%get3A] {strides = array<i32>} : memref<16000xf32, #tpu.memory_space<vmem>>, vector<16xf32>,
      %get3A_889 = vector.shape_cast %get3A_888 : vector<16xf32> to vector<16xf32>
      %add3A_890 = arith.addf %scan3A_876, %get3A_889 : vector<16xf32>
      %add3A_891 = arith.constant 16 : i32
      %add3A_892 = arith.addi %mul3A_885, %add3A_891 : i32
      %get3A_893 = arith.index_cast %add3A_892 : i32 to index
      %get3A_894 = tpu.vector_load %arg5[%get3A_893] {strides = array<i32>} : memref<16000xf32, #tpu.memory_space<vmem>>, vector<16xf32>,
      %get3A_895 = vector.shape_cast %get3A_894 : vector<16xf32> to vector<16xf32>
      %add3A_896 = arith.addf %scan3A_877, %get3A_895 : vector<16xf32>
      %add3A_897 = arith.constant 32 : i32
      %add3A_898 = arith.addi %mul3A_885, %add3A_897 : i32
      %get3A_899 = arith.index_cast %add3A_898 : i32 to index
      %get3A_900 = tpu.vector_load %arg5[%get3A_899] {strides = array<i32>} : memref<16000xf32, #tpu.memory_space<vmem>>, vector<16xf32>,
      %get3A_901 = vector.shape_cast %get3A_900 : vector<16xf32> to vector<16xf32>
      %add3A_902 = arith.addf %scan3A_878, %get3A_901 : vector<16xf32>
      %add3A_903 = arith.constant 48 : i32
      %add3A_904 = arith.addi %mul3A_885, %add3A_903 : i32
      %get3A_905 = arith.index_cast %add3A_904 : i32 to index
      %get3A_906 = tpu.vector_load %arg5[%get3A_905] {strides = array<i32>} : memref<16000xf32, #tpu.memory_space<vmem>>, vector<16xf32>,
      %get3A_907 = vector.shape_cast %get3A_906 : vector<16xf32> to vector<16xf32>
      %add3A_908 = arith.addf %scan3A_879, %get3A_907 : vector<16xf32>
      %add3A_909 = arith.constant 64 : i32
      %add3A_910 = arith.addi %mul3A_885, %add3A_909 : i32
      %get3A_911 = arith.index_cast %add3A_910 : i32 to index
      %get3A_912 = tpu.vector_load %arg5[%get3A_911] {strides = array<i32>} : memref<16000xf32, #tpu.memory_space<vmem>>, vector<16xf32>,
      %get3A_913 = vector.shape_cast %get3A_912 : vector<16xf32> to vector<16xf32>
      %add3A_914 = arith.addf %scan3A_880, %get3A_913 : vector<16xf32>
      %add3A_915 = arith.constant 80 : i32
      %add3A_916 = arith.addi %mul3A_885, %add3A_915 : i32
      %get3A_917 = arith.index_cast %add3A_916 : i32 to index
      %get3A_918 = tpu.vector_load %arg5[%get3A_917] {strides = array<i32>} : memref<16000xf32, #tpu.memory_space<vmem>>, vector<16xf32>,
      %get3A_919 = vector.shape_cast %get3A_918 : vector<16xf32> to vector<16xf32>
      %add3A_920 = arith.addf %scan3A_881, %get3A_919 : vector<16xf32>
      %add3A_921 = arith.constant 96 : i32
      %add3A_922 = arith.addi %mul3A_885, %add3A_921 : i32
      %get3A_923 = arith.index_cast %add3A_922 : i32 to index
      %get3A_924 = tpu.vector_load %arg5[%get3A_923] {strides = array<i32>} : memref<16000xf32, #tpu.memory_space<vmem>>, vector<16xf32>,
      %get3A_925 = vector.shape_cast %get3A_924 : vector<16xf32> to vector<16xf32>
      %add3A_926 = arith.addf %scan3A_882, %get3A_925 : vector<16xf32>
      %add3A_927 = arith.constant 112 : i32
      %add3A_928 = arith.addi %mul3A_885, %add3A_927 : i32
      %get3A_929 = arith.index_cast %add3A_928 : i32 to index
      %get3A_930 = tpu.vector_load %arg5[%get3A_929] {strides = array<i32>} : memref<16000xf32, #tpu.memory_space<vmem>>, vector<16xf32>,
      %get3A_931 = vector.shape_cast %get3A_930 : vector<16xf32> to vector<16xf32>
      %add3A_932 = arith.addf %scan3A_883, %get3A_931 : vector<16xf32>
      scf.yield %add3A_890, %add3A_896, %add3A_902, %add3A_908, %add3A_914, %add3A_920, %add3A_926, %add3A_932 : vector<16xf32>, vector<16xf32>, vector<16xf32>, vector<16xf32>, vector<16xf32>, vector<16xf32>, vector<16xf32>, vector<16xf32>
    }
    %scan3A_724 = arith.constant 125 : i32
    %dma_start3A_725 = arith.constant 656000 : i32
    %dma_start3A_726 = tpu.memref_slice %arg2[%add3A, %dma_start3A_725] : memref<32x1600000xf32, #tpu.memory_space<hbm>> -> memref<1x16000xf32, #tpu.memory_space<hbm>>
    %dma_start3A_727 = tpu.memref_squeeze %dma_start3A_726 : memref<1x16000xf32, #tpu.memory_space<hbm>> -> memref<16000xf32, #tpu.memory_space<hbm>>
    %dma_start3A_728 = arith.constant 656000 : i32
    %dma_start3A_729 = tpu.memref_slice %arg2[%add3A, %dma_start3A_728] : memref<32x1600000xf32, #tpu.memory_space<hbm>> -> memref<1x16000xf32, #tpu.memory_space<hbm>>
    %dma_start3A_730 = tpu.memref_squeeze %dma_start3A_729 : memref<1x16000xf32, #tpu.memory_space<hbm>> -> memref<16000xf32, #tpu.memory_space<hbm>>
    tpu.enqueue_dma source(%dma_start3A_730 : memref<16000xf32, #tpu.memory_space<hbm>>) target(%arg5 : memref<16000xf32, #tpu.memory_space<vmem>>) target_semaphore(%arg8 : memref<!tpu.dma_semaphore, #tpu.memory_space<semaphore_mem>>)
    %dma_wait3A_731 = arith.constant 640000 : i32
    %dma_wait3A_732 = tpu.memref_slice %arg2[%add3A, %dma_wait3A_731] : memref<32x1600000xf32, #tpu.memory_space<hbm>> -> memref<1x16000xf32, #tpu.memory_space<hbm>>
    %dma_wait3A_733 = tpu.memref_squeeze %dma_wait3A_732 : memref<1x16000xf32, #tpu.memory_space<hbm>> -> memref<16000xf32, #tpu.memory_space<hbm>>
    %dma_wait3A_734 = arith.constant 640000 : i32
    %dma_wait3A_735 = tpu.memref_slice %arg2[%add3A, %dma_wait3A_734] : memref<32x1600000xf32, #tpu.memory_space<hbm>> -> memref<1x16000xf32, #tpu.memory_space<hbm>>
    %dma_wait3A_736 = tpu.memref_squeeze %dma_wait3A_735 : memref<1x16000xf32, #tpu.memory_space<hbm>> -> memref<16000xf32, #tpu.memory_space<hbm>>
    tpu.wait_dma2 semaphore(%arg7 : memref<!tpu.dma_semaphore, #tpu.memory_space<semaphore_mem>>) src(%dma_wait3A_736 : memref<16000xf32, #tpu.memory_space<hbm>>) dst(%arg4 : memref<16000xf32, #tpu.memory_space<vmem>>)
    %scan3A_737 = arith.constant 0 : i32
    %scan3A_738 = arith.constant 125 : i32
    %scan3A_739 = arith.addi %scan3A_737, %scan3A_738 : i32
    %scan3A_740 = arith.constant 1 : i32
    %scan3A_741:8 = scf.for %scan3A_875 = %scan3A_737 to %scan3A_739 step %scan3A_740 iter_args(%scan3A_876 = %scan3A_723#0, %scan3A_877 = %scan3A_723#1, %scan3A_878 = %scan3A_723#2, %scan3A_879 = %scan3A_723#3, %scan3A_880 = %scan3A_723#4, %scan3A_881 = %scan3A_723#5, %scan3A_882 = %scan3A_723#6, %scan3A_883 = %scan3A_723#7) -> (vector<16xf32>, vector<16xf32>, vector<16xf32>, vector<16xf32>, vector<16xf32>, vector<16xf32>, vector<16xf32>, vector<16xf32>)  : i32 {
      %mul3A_884 = arith.constant 128 : i32
      %mul3A_885 = arith.muli %scan3A_875, %mul3A_884 : i32
      %add3A_886 = arith.constant 0 : i32
      %add3A_887 = arith.addi %mul3A_885, %add3A_886 : i32
      %get3A = arith.index_cast %add3A_887 : i32 to index
      %get3A_888 = tpu.vector_load %arg4[%get3A] {strides = array<i32>} : memref<16000xf32, #tpu.memory_space<vmem>>, vector<16xf32>,
      %get3A_889 = vector.shape_cast %get3A_888 : vector<16xf32> to vector<16xf32>
      %add3A_890 = arith.addf %scan3A_876, %get3A_889 : vector<16xf32>
      %add3A_891 = arith.constant 16 : i32
      %add3A_892 = arith.addi %mul3A_885, %add3A_891 : i32
      %get3A_893 = arith.index_cast %add3A_892 : i32 to index
      %get3A_894 = tpu.vector_load %arg4[%get3A_893] {strides = array<i32>} : memref<16000xf32, #tpu.memory_space<vmem>>, vector<16xf32>,
      %get3A_895 = vector.shape_cast %get3A_894 : vector<16xf32> to vector<16xf32>
      %add3A_896 = arith.addf %scan3A_877, %get3A_895 : vector<16xf32>
      %add3A_897 = arith.constant 32 : i32
      %add3A_898 = arith.addi %mul3A_885, %add3A_897 : i32
      %get3A_899 = arith.index_cast %add3A_898 : i32 to index
      %get3A_900 = tpu.vector_load %arg4[%get3A_899] {strides = array<i32>} : memref<16000xf32, #tpu.memory_space<vmem>>, vector<16xf32>,
      %get3A_901 = vector.shape_cast %get3A_900 : vector<16xf32> to vector<16xf32>
      %add3A_902 = arith.addf %scan3A_878, %get3A_901 : vector<16xf32>
      %add3A_903 = arith.constant 48 : i32
      %add3A_904 = arith.addi %mul3A_885, %add3A_903 : i32
      %get3A_905 = arith.index_cast %add3A_904 : i32 to index
      %get3A_906 = tpu.vector_load %arg4[%get3A_905] {strides = array<i32>} : memref<16000xf32, #tpu.memory_space<vmem>>, vector<16xf32>,
      %get3A_907 = vector.shape_cast %get3A_906 : vector<16xf32> to vector<16xf32>
      %add3A_908 = arith.addf %scan3A_879, %get3A_907 : vector<16xf32>
      %add3A_909 = arith.constant 64 : i32
      %add3A_910 = arith.addi %mul3A_885, %add3A_909 : i32
      %get3A_911 = arith.index_cast %add3A_910 : i32 to index
      %get3A_912 = tpu.vector_load %arg4[%get3A_911] {strides = array<i32>} : memref<16000xf32, #tpu.memory_space<vmem>>, vector<16xf32>,
      %get3A_913 = vector.shape_cast %get3A_912 : vector<16xf32> to vector<16xf32>
      %add3A_914 = arith.addf %scan3A_880, %get3A_913 : vector<16xf32>
      %add3A_915 = arith.constant 80 : i32
      %add3A_916 = arith.addi %mul3A_885, %add3A_915 : i32
      %get3A_917 = arith.index_cast %add3A_916 : i32 to index
      %get3A_918 = tpu.vector_load %arg4[%get3A_917] {strides = array<i32>} : memref<16000xf32, #tpu.memory_space<vmem>>, vector<16xf32>,
      %get3A_919 = vector.shape_cast %get3A_918 : vector<16xf32> to vector<16xf32>
      %add3A_920 = arith.addf %scan3A_881, %get3A_919 : vector<16xf32>
      %add3A_921 = arith.constant 96 : i32
      %add3A_922 = arith.addi %mul3A_885, %add3A_921 : i32
      %get3A_923 = arith.index_cast %add3A_922 : i32 to index
      %get3A_924 = tpu.vector_load %arg4[%get3A_923] {strides = array<i32>} : memref<16000xf32, #tpu.memory_space<vmem>>, vector<16xf32>,
      %get3A_925 = vector.shape_cast %get3A_924 : vector<16xf32> to vector<16xf32>
      %add3A_926 = arith.addf %scan3A_882, %get3A_925 : vector<16xf32>
      %add3A_927 = arith.constant 112 : i32
      %add3A_928 = arith.addi %mul3A_885, %add3A_927 : i32
      %get3A_929 = arith.index_cast %add3A_928 : i32 to index
      %get3A_930 = tpu.vector_load %arg4[%get3A_929] {strides = array<i32>} : memref<16000xf32, #tpu.memory_space<vmem>>, vector<16xf32>,
      %get3A_931 = vector.shape_cast %get3A_930 : vector<16xf32> to vector<16xf32>
      %add3A_932 = arith.addf %scan3A_883, %get3A_931 : vector<16xf32>
      scf.yield %add3A_890, %add3A_896, %add3A_902, %add3A_908, %add3A_914, %add3A_920, %add3A_926, %add3A_932 : vector<16xf32>, vector<16xf32>, vector<16xf32>, vector<16xf32>, vector<16xf32>, vector<16xf32>, vector<16xf32>, vector<16xf32>
    }
    %scan3A_742 = arith.constant 125 : i32
    %dma_start3A_743 = arith.constant 672000 : i32
    %dma_start3A_744 = tpu.memref_slice %arg2[%add3A, %dma_start3A_743] : memref<32x1600000xf32, #tpu.memory_space<hbm>> -> memref<1x16000xf32, #tpu.memory_space<hbm>>
    %dma_start3A_745 = tpu.memref_squeeze %dma_start3A_744 : memref<1x16000xf32, #tpu.memory_space<hbm>> -> memref<16000xf32, #tpu.memory_space<hbm>>
    %dma_start3A_746 = arith.constant 672000 : i32
    %dma_start3A_747 = tpu.memref_slice %arg2[%add3A, %dma_start3A_746] : memref<32x1600000xf32, #tpu.memory_space<hbm>> -> memref<1x16000xf32, #tpu.memory_space<hbm>>
    %dma_start3A_748 = tpu.memref_squeeze %dma_start3A_747 : memref<1x16000xf32, #tpu.memory_space<hbm>> -> memref<16000xf32, #tpu.memory_space<hbm>>
    tpu.enqueue_dma source(%dma_start3A_748 : memref<16000xf32, #tpu.memory_space<hbm>>) target(%arg4 : memref<16000xf32, #tpu.memory_space<vmem>>) target_semaphore(%arg7 : memref<!tpu.dma_semaphore, #tpu.memory_space<semaphore_mem>>)
    %dma_wait3A_749 = arith.constant 656000 : i32
    %dma_wait3A_750 = tpu.memref_slice %arg2[%add3A, %dma_wait3A_749] : memref<32x1600000xf32, #tpu.memory_space<hbm>> -> memref<1x16000xf32, #tpu.memory_space<hbm>>
    %dma_wait3A_751 = tpu.memref_squeeze %dma_wait3A_750 : memref<1x16000xf32, #tpu.memory_space<hbm>> -> memref<16000xf32, #tpu.memory_space<hbm>>
    %dma_wait3A_752 = arith.constant 656000 : i32
    %dma_wait3A_753 = tpu.memref_slice %arg2[%add3A, %dma_wait3A_752] : memref<32x1600000xf32, #tpu.memory_space<hbm>> -> memref<1x16000xf32, #tpu.memory_space<hbm>>
    %dma_wait3A_754 = tpu.memref_squeeze %dma_wait3A_753 : memref<1x16000xf32, #tpu.memory_space<hbm>> -> memref<16000xf32, #tpu.memory_space<hbm>>
    tpu.wait_dma2 semaphore(%arg8 : memref<!tpu.dma_semaphore, #tpu.memory_space<semaphore_mem>>) src(%dma_wait3A_754 : memref<16000xf32, #tpu.memory_space<hbm>>) dst(%arg5 : memref<16000xf32, #tpu.memory_space<vmem>>)
    %scan3A_755 = arith.constant 0 : i32
    %scan3A_756 = arith.constant 125 : i32
    %scan3A_757 = arith.addi %scan3A_755, %scan3A_756 : i32
    %scan3A_758 = arith.constant 1 : i32
    %scan3A_759:8 = scf.for %scan3A_875 = %scan3A_755 to %scan3A_757 step %scan3A_758 iter_args(%scan3A_876 = %scan3A_741#0, %scan3A_877 = %scan3A_741#1, %scan3A_878 = %scan3A_741#2, %scan3A_879 = %scan3A_741#3, %scan3A_880 = %scan3A_741#4, %scan3A_881 = %scan3A_741#5, %scan3A_882 = %scan3A_741#6, %scan3A_883 = %scan3A_741#7) -> (vector<16xf32>, vector<16xf32>, vector<16xf32>, vector<16xf32>, vector<16xf32>, vector<16xf32>, vector<16xf32>, vector<16xf32>)  : i32 {
      %mul3A_884 = arith.constant 128 : i32
      %mul3A_885 = arith.muli %scan3A_875, %mul3A_884 : i32
      %add3A_886 = arith.constant 0 : i32
      %add3A_887 = arith.addi %mul3A_885, %add3A_886 : i32
      %get3A = arith.index_cast %add3A_887 : i32 to index
      %get3A_888 = tpu.vector_load %arg5[%get3A] {strides = array<i32>} : memref<16000xf32, #tpu.memory_space<vmem>>, vector<16xf32>,
      %get3A_889 = vector.shape_cast %get3A_888 : vector<16xf32> to vector<16xf32>
      %add3A_890 = arith.addf %scan3A_876, %get3A_889 : vector<16xf32>
      %add3A_891 = arith.constant 16 : i32
      %add3A_892 = arith.addi %mul3A_885, %add3A_891 : i32
      %get3A_893 = arith.index_cast %add3A_892 : i32 to index
      %get3A_894 = tpu.vector_load %arg5[%get3A_893] {strides = array<i32>} : memref<16000xf32, #tpu.memory_space<vmem>>, vector<16xf32>,
      %get3A_895 = vector.shape_cast %get3A_894 : vector<16xf32> to vector<16xf32>
      %add3A_896 = arith.addf %scan3A_877, %get3A_895 : vector<16xf32>
      %add3A_897 = arith.constant 32 : i32
      %add3A_898 = arith.addi %mul3A_885, %add3A_897 : i32
      %get3A_899 = arith.index_cast %add3A_898 : i32 to index
      %get3A_900 = tpu.vector_load %arg5[%get3A_899] {strides = array<i32>} : memref<16000xf32, #tpu.memory_space<vmem>>, vector<16xf32>,
      %get3A_901 = vector.shape_cast %get3A_900 : vector<16xf32> to vector<16xf32>
      %add3A_902 = arith.addf %scan3A_878, %get3A_901 : vector<16xf32>
      %add3A_903 = arith.constant 48 : i32
      %add3A_904 = arith.addi %mul3A_885, %add3A_903 : i32
      %get3A_905 = arith.index_cast %add3A_904 : i32 to index
      %get3A_906 = tpu.vector_load %arg5[%get3A_905] {strides = array<i32>} : memref<16000xf32, #tpu.memory_space<vmem>>, vector<16xf32>,
      %get3A_907 = vector.shape_cast %get3A_906 : vector<16xf32> to vector<16xf32>
      %add3A_908 = arith.addf %scan3A_879, %get3A_907 : vector<16xf32>
      %add3A_909 = arith.constant 64 : i32
      %add3A_910 = arith.addi %mul3A_885, %add3A_909 : i32
      %get3A_911 = arith.index_cast %add3A_910 : i32 to index
      %get3A_912 = tpu.vector_load %arg5[%get3A_911] {strides = array<i32>} : memref<16000xf32, #tpu.memory_space<vmem>>, vector<16xf32>,
      %get3A_913 = vector.shape_cast %get3A_912 : vector<16xf32> to vector<16xf32>
      %add3A_914 = arith.addf %scan3A_880, %get3A_913 : vector<16xf32>
      %add3A_915 = arith.constant 80 : i32
      %add3A_916 = arith.addi %mul3A_885, %add3A_915 : i32
      %get3A_917 = arith.index_cast %add3A_916 : i32 to index
      %get3A_918 = tpu.vector_load %arg5[%get3A_917] {strides = array<i32>} : memref<16000xf32, #tpu.memory_space<vmem>>, vector<16xf32>,
      %get3A_919 = vector.shape_cast %get3A_918 : vector<16xf32> to vector<16xf32>
      %add3A_920 = arith.addf %scan3A_881, %get3A_919 : vector<16xf32>
      %add3A_921 = arith.constant 96 : i32
      %add3A_922 = arith.addi %mul3A_885, %add3A_921 : i32
      %get3A_923 = arith.index_cast %add3A_922 : i32 to index
      %get3A_924 = tpu.vector_load %arg5[%get3A_923] {strides = array<i32>} : memref<16000xf32, #tpu.memory_space<vmem>>, vector<16xf32>,
      %get3A_925 = vector.shape_cast %get3A_924 : vector<16xf32> to vector<16xf32>
      %add3A_926 = arith.addf %scan3A_882, %get3A_925 : vector<16xf32>
      %add3A_927 = arith.constant 112 : i32
      %add3A_928 = arith.addi %mul3A_885, %add3A_927 : i32
      %get3A_929 = arith.index_cast %add3A_928 : i32 to index
      %get3A_930 = tpu.vector_load %arg5[%get3A_929] {strides = array<i32>} : memref<16000xf32, #tpu.memory_space<vmem>>, vector<16xf32>,
      %get3A_931 = vector.shape_cast %get3A_930 : vector<16xf32> to vector<16xf32>
      %add3A_932 = arith.addf %scan3A_883, %get3A_931 : vector<16xf32>
      scf.yield %add3A_890, %add3A_896, %add3A_902, %add3A_908, %add3A_914, %add3A_920, %add3A_926, %add3A_932 : vector<16xf32>, vector<16xf32>, vector<16xf32>, vector<16xf32>, vector<16xf32>, vector<16xf32>, vector<16xf32>, vector<16xf32>
    }
    %scan3A_760 = arith.constant 125 : i32
    %dma_start3A_761 = arith.constant 688000 : i32
    %dma_start3A_762 = tpu.memref_slice %arg2[%add3A, %dma_start3A_761] : memref<32x1600000xf32, #tpu.memory_space<hbm>> -> memref<1x16000xf32, #tpu.memory_space<hbm>>
    %dma_start3A_763 = tpu.memref_squeeze %dma_start3A_762 : memref<1x16000xf32, #tpu.memory_space<hbm>> -> memref<16000xf32, #tpu.memory_space<hbm>>
    %dma_start3A_764 = arith.constant 688000 : i32
    %dma_start3A_765 = tpu.memref_slice %arg2[%add3A, %dma_start3A_764] : memref<32x1600000xf32, #tpu.memory_space<hbm>> -> memref<1x16000xf32, #tpu.memory_space<hbm>>
    %dma_start3A_766 = tpu.memref_squeeze %dma_start3A_765 : memref<1x16000xf32, #tpu.memory_space<hbm>> -> memref<16000xf32, #tpu.memory_space<hbm>>
    tpu.enqueue_dma source(%dma_start3A_766 : memref<16000xf32, #tpu.memory_space<hbm>>) target(%arg5 : memref<16000xf32, #tpu.memory_space<vmem>>) target_semaphore(%arg8 : memref<!tpu.dma_semaphore, #tpu.memory_space<semaphore_mem>>)
    %dma_wait3A_767 = arith.constant 672000 : i32
    %dma_wait3A_768 = tpu.memref_slice %arg2[%add3A, %dma_wait3A_767] : memref<32x1600000xf32, #tpu.memory_space<hbm>> -> memref<1x16000xf32, #tpu.memory_space<hbm>>
    %dma_wait3A_769 = tpu.memref_squeeze %dma_wait3A_768 : memref<1x16000xf32, #tpu.memory_space<hbm>> -> memref<16000xf32, #tpu.memory_space<hbm>>
    %dma_wait3A_770 = arith.constant 672000 : i32
    %dma_wait3A_771 = tpu.memref_slice %arg2[%add3A, %dma_wait3A_770] : memref<32x1600000xf32, #tpu.memory_space<hbm>> -> memref<1x16000xf32, #tpu.memory_space<hbm>>
    %dma_wait3A_772 = tpu.memref_squeeze %dma_wait3A_771 : memref<1x16000xf32, #tpu.memory_space<hbm>> -> memref<16000xf32, #tpu.memory_space<hbm>>
    tpu.wait_dma2 semaphore(%arg7 : memref<!tpu.dma_semaphore, #tpu.memory_space<semaphore_mem>>) src(%dma_wait3A_772 : memref<16000xf32, #tpu.memory_space<hbm>>) dst(%arg4 : memref<16000xf32, #tpu.memory_space<vmem>>)
    %scan3A_773 = arith.constant 0 : i32
    %scan3A_774 = arith.constant 125 : i32
    %scan3A_775 = arith.addi %scan3A_773, %scan3A_774 : i32
    %scan3A_776 = arith.constant 1 : i32
    %scan3A_777:8 = scf.for %scan3A_875 = %scan3A_773 to %scan3A_775 step %scan3A_776 iter_args(%scan3A_876 = %scan3A_759#0, %scan3A_877 = %scan3A_759#1, %scan3A_878 = %scan3A_759#2, %scan3A_879 = %scan3A_759#3, %scan3A_880 = %scan3A_759#4, %scan3A_881 = %scan3A_759#5, %scan3A_882 = %scan3A_759#6, %scan3A_883 = %scan3A_759#7) -> (vector<16xf32>, vector<16xf32>, vector<16xf32>, vector<16xf32>, vector<16xf32>, vector<16xf32>, vector<16xf32>, vector<16xf32>)  : i32 {
      %mul3A_884 = arith.constant 128 : i32
      %mul3A_885 = arith.muli %scan3A_875, %mul3A_884 : i32
      %add3A_886 = arith.constant 0 : i32
      %add3A_887 = arith.addi %mul3A_885, %add3A_886 : i32
      %get3A = arith.index_cast %add3A_887 : i32 to index
      %get3A_888 = tpu.vector_load %arg4[%get3A] {strides = array<i32>} : memref<16000xf32, #tpu.memory_space<vmem>>, vector<16xf32>,
      %get3A_889 = vector.shape_cast %get3A_888 : vector<16xf32> to vector<16xf32>
      %add3A_890 = arith.addf %scan3A_876, %get3A_889 : vector<16xf32>
      %add3A_891 = arith.constant 16 : i32
      %add3A_892 = arith.addi %mul3A_885, %add3A_891 : i32
      %get3A_893 = arith.index_cast %add3A_892 : i32 to index
      %get3A_894 = tpu.vector_load %arg4[%get3A_893] {strides = array<i32>} : memref<16000xf32, #tpu.memory_space<vmem>>, vector<16xf32>,
      %get3A_895 = vector.shape_cast %get3A_894 : vector<16xf32> to vector<16xf32>
      %add3A_896 = arith.addf %scan3A_877, %get3A_895 : vector<16xf32>
      %add3A_897 = arith.constant 32 : i32
      %add3A_898 = arith.addi %mul3A_885, %add3A_897 : i32
      %get3A_899 = arith.index_cast %add3A_898 : i32 to index
      %get3A_900 = tpu.vector_load %arg4[%get3A_899] {strides = array<i32>} : memref<16000xf32, #tpu.memory_space<vmem>>, vector<16xf32>,
      %get3A_901 = vector.shape_cast %get3A_900 : vector<16xf32> to vector<16xf32>
      %add3A_902 = arith.addf %scan3A_878, %get3A_901 : vector<16xf32>
      %add3A_903 = arith.constant 48 : i32
      %add3A_904 = arith.addi %mul3A_885, %add3A_903 : i32
      %get3A_905 = arith.index_cast %add3A_904 : i32 to index
      %get3A_906 = tpu.vector_load %arg4[%get3A_905] {strides = array<i32>} : memref<16000xf32, #tpu.memory_space<vmem>>, vector<16xf32>,
      %get3A_907 = vector.shape_cast %get3A_906 : vector<16xf32> to vector<16xf32>
      %add3A_908 = arith.addf %scan3A_879, %get3A_907 : vector<16xf32>
      %add3A_909 = arith.constant 64 : i32
      %add3A_910 = arith.addi %mul3A_885, %add3A_909 : i32
      %get3A_911 = arith.index_cast %add3A_910 : i32 to index
      %get3A_912 = tpu.vector_load %arg4[%get3A_911] {strides = array<i32>} : memref<16000xf32, #tpu.memory_space<vmem>>, vector<16xf32>,
      %get3A_913 = vector.shape_cast %get3A_912 : vector<16xf32> to vector<16xf32>
      %add3A_914 = arith.addf %scan3A_880, %get3A_913 : vector<16xf32>
      %add3A_915 = arith.constant 80 : i32
      %add3A_916 = arith.addi %mul3A_885, %add3A_915 : i32
      %get3A_917 = arith.index_cast %add3A_916 : i32 to index
      %get3A_918 = tpu.vector_load %arg4[%get3A_917] {strides = array<i32>} : memref<16000xf32, #tpu.memory_space<vmem>>, vector<16xf32>,
      %get3A_919 = vector.shape_cast %get3A_918 : vector<16xf32> to vector<16xf32>
      %add3A_920 = arith.addf %scan3A_881, %get3A_919 : vector<16xf32>
      %add3A_921 = arith.constant 96 : i32
      %add3A_922 = arith.addi %mul3A_885, %add3A_921 : i32
      %get3A_923 = arith.index_cast %add3A_922 : i32 to index
      %get3A_924 = tpu.vector_load %arg4[%get3A_923] {strides = array<i32>} : memref<16000xf32, #tpu.memory_space<vmem>>, vector<16xf32>,
      %get3A_925 = vector.shape_cast %get3A_924 : vector<16xf32> to vector<16xf32>
      %add3A_926 = arith.addf %scan3A_882, %get3A_925 : vector<16xf32>
      %add3A_927 = arith.constant 112 : i32
      %add3A_928 = arith.addi %mul3A_885, %add3A_927 : i32
      %get3A_929 = arith.index_cast %add3A_928 : i32 to index
      %get3A_930 = tpu.vector_load %arg4[%get3A_929] {strides = array<i32>} : memref<16000xf32, #tpu.memory_space<vmem>>, vector<16xf32>,
      %get3A_931 = vector.shape_cast %get3A_930 : vector<16xf32> to vector<16xf32>
      %add3A_932 = arith.addf %scan3A_883, %get3A_931 : vector<16xf32>
      scf.yield %add3A_890, %add3A_896, %add3A_902, %add3A_908, %add3A_914, %add3A_920, %add3A_926, %add3A_932 : vector<16xf32>, vector<16xf32>, vector<16xf32>, vector<16xf32>, vector<16xf32>, vector<16xf32>, vector<16xf32>, vector<16xf32>
    }
    %scan3A_778 = arith.constant 125 : i32
    %dma_start3A_779 = arith.constant 704000 : i32
    %dma_start3A_780 = tpu.memref_slice %arg2[%add3A, %dma_start3A_779] : memref<32x1600000xf32, #tpu.memory_space<hbm>> -> memref<1x16000xf32, #tpu.memory_space<hbm>>
    %dma_start3A_781 = tpu.memref_squeeze %dma_start3A_780 : memref<1x16000xf32, #tpu.memory_space<hbm>> -> memref<16000xf32, #tpu.memory_space<hbm>>
    %dma_start3A_782 = arith.constant 704000 : i32
    %dma_start3A_783 = tpu.memref_slice %arg2[%add3A, %dma_start3A_782] : memref<32x1600000xf32, #tpu.memory_space<hbm>> -> memref<1x16000xf32, #tpu.memory_space<hbm>>
    %dma_start3A_784 = tpu.memref_squeeze %dma_start3A_783 : memref<1x16000xf32, #tpu.memory_space<hbm>> -> memref<16000xf32, #tpu.memory_space<hbm>>
    tpu.enqueue_dma source(%dma_start3A_784 : memref<16000xf32, #tpu.memory_space<hbm>>) target(%arg4 : memref<16000xf32, #tpu.memory_space<vmem>>) target_semaphore(%arg7 : memref<!tpu.dma_semaphore, #tpu.memory_space<semaphore_mem>>)
    %dma_wait3A_785 = arith.constant 688000 : i32
    %dma_wait3A_786 = tpu.memref_slice %arg2[%add3A, %dma_wait3A_785] : memref<32x1600000xf32, #tpu.memory_space<hbm>> -> memref<1x16000xf32, #tpu.memory_space<hbm>>
    %dma_wait3A_787 = tpu.memref_squeeze %dma_wait3A_786 : memref<1x16000xf32, #tpu.memory_space<hbm>> -> memref<16000xf32, #tpu.memory_space<hbm>>
    %dma_wait3A_788 = arith.constant 688000 : i32
    %dma_wait3A_789 = tpu.memref_slice %arg2[%add3A, %dma_wait3A_788] : memref<32x1600000xf32, #tpu.memory_space<hbm>> -> memref<1x16000xf32, #tpu.memory_space<hbm>>
    %dma_wait3A_790 = tpu.memref_squeeze %dma_wait3A_789 : memref<1x16000xf32, #tpu.memory_space<hbm>> -> memref<16000xf32, #tpu.memory_space<hbm>>
    tpu.wait_dma2 semaphore(%arg8 : memref<!tpu.dma_semaphore, #tpu.memory_space<semaphore_mem>>) src(%dma_wait3A_790 : memref<16000xf32, #tpu.memory_space<hbm>>) dst(%arg5 : memref<16000xf32, #tpu.memory_space<vmem>>)
    %scan3A_791 = arith.constant 0 : i32
    %scan3A_792 = arith.constant 125 : i32
    %scan3A_793 = arith.addi %scan3A_791, %scan3A_792 : i32
    %scan3A_794 = arith.constant 1 : i32
    %scan3A_795:8 = scf.for %scan3A_875 = %scan3A_791 to %scan3A_793 step %scan3A_794 iter_args(%scan3A_876 = %scan3A_777#0, %scan3A_877 = %scan3A_777#1, %scan3A_878 = %scan3A_777#2, %scan3A_879 = %scan3A_777#3, %scan3A_880 = %scan3A_777#4, %scan3A_881 = %scan3A_777#5, %scan3A_882 = %scan3A_777#6, %scan3A_883 = %scan3A_777#7) -> (vector<16xf32>, vector<16xf32>, vector<16xf32>, vector<16xf32>, vector<16xf32>, vector<16xf32>, vector<16xf32>, vector<16xf32>)  : i32 {
      %mul3A_884 = arith.constant 128 : i32
      %mul3A_885 = arith.muli %scan3A_875, %mul3A_884 : i32
      %add3A_886 = arith.constant 0 : i32
      %add3A_887 = arith.addi %mul3A_885, %add3A_886 : i32
      %get3A = arith.index_cast %add3A_887 : i32 to index
      %get3A_888 = tpu.vector_load %arg5[%get3A] {strides = array<i32>} : memref<16000xf32, #tpu.memory_space<vmem>>, vector<16xf32>,
      %get3A_889 = vector.shape_cast %get3A_888 : vector<16xf32> to vector<16xf32>
      %add3A_890 = arith.addf %scan3A_876, %get3A_889 : vector<16xf32>
      %add3A_891 = arith.constant 16 : i32
      %add3A_892 = arith.addi %mul3A_885, %add3A_891 : i32
      %get3A_893 = arith.index_cast %add3A_892 : i32 to index
      %get3A_894 = tpu.vector_load %arg5[%get3A_893] {strides = array<i32>} : memref<16000xf32, #tpu.memory_space<vmem>>, vector<16xf32>,
      %get3A_895 = vector.shape_cast %get3A_894 : vector<16xf32> to vector<16xf32>
      %add3A_896 = arith.addf %scan3A_877, %get3A_895 : vector<16xf32>
      %add3A_897 = arith.constant 32 : i32
      %add3A_898 = arith.addi %mul3A_885, %add3A_897 : i32
      %get3A_899 = arith.index_cast %add3A_898 : i32 to index
      %get3A_900 = tpu.vector_load %arg5[%get3A_899] {strides = array<i32>} : memref<16000xf32, #tpu.memory_space<vmem>>, vector<16xf32>,
      %get3A_901 = vector.shape_cast %get3A_900 : vector<16xf32> to vector<16xf32>
      %add3A_902 = arith.addf %scan3A_878, %get3A_901 : vector<16xf32>
      %add3A_903 = arith.constant 48 : i32
      %add3A_904 = arith.addi %mul3A_885, %add3A_903 : i32
      %get3A_905 = arith.index_cast %add3A_904 : i32 to index
      %get3A_906 = tpu.vector_load %arg5[%get3A_905] {strides = array<i32>} : memref<16000xf32, #tpu.memory_space<vmem>>, vector<16xf32>,
      %get3A_907 = vector.shape_cast %get3A_906 : vector<16xf32> to vector<16xf32>
      %add3A_908 = arith.addf %scan3A_879, %get3A_907 : vector<16xf32>
      %add3A_909 = arith.constant 64 : i32
      %add3A_910 = arith.addi %mul3A_885, %add3A_909 : i32
      %get3A_911 = arith.index_cast %add3A_910 : i32 to index
      %get3A_912 = tpu.vector_load %arg5[%get3A_911] {strides = array<i32>} : memref<16000xf32, #tpu.memory_space<vmem>>, vector<16xf32>,
      %get3A_913 = vector.shape_cast %get3A_912 : vector<16xf32> to vector<16xf32>
      %add3A_914 = arith.addf %scan3A_880, %get3A_913 : vector<16xf32>
      %add3A_915 = arith.constant 80 : i32
      %add3A_916 = arith.addi %mul3A_885, %add3A_915 : i32
      %get3A_917 = arith.index_cast %add3A_916 : i32 to index
      %get3A_918 = tpu.vector_load %arg5[%get3A_917] {strides = array<i32>} : memref<16000xf32, #tpu.memory_space<vmem>>, vector<16xf32>,
      %get3A_919 = vector.shape_cast %get3A_918 : vector<16xf32> to vector<16xf32>
      %add3A_920 = arith.addf %scan3A_881, %get3A_919 : vector<16xf32>
      %add3A_921 = arith.constant 96 : i32
      %add3A_922 = arith.addi %mul3A_885, %add3A_921 : i32
      %get3A_923 = arith.index_cast %add3A_922 : i32 to index
      %get3A_924 = tpu.vector_load %arg5[%get3A_923] {strides = array<i32>} : memref<16000xf32, #tpu.memory_space<vmem>>, vector<16xf32>,
      %get3A_925 = vector.shape_cast %get3A_924 : vector<16xf32> to vector<16xf32>
      %add3A_926 = arith.addf %scan3A_882, %get3A_925 : vector<16xf32>
      %add3A_927 = arith.constant 112 : i32
      %add3A_928 = arith.addi %mul3A_885, %add3A_927 : i32
      %get3A_929 = arith.index_cast %add3A_928 : i32 to index
      %get3A_930 = tpu.vector_load %arg5[%get3A_929] {strides = array<i32>} : memref<16000xf32, #tpu.memory_space<vmem>>, vector<16xf32>,
      %get3A_931 = vector.shape_cast %get3A_930 : vector<16xf32> to vector<16xf32>
      %add3A_932 = arith.addf %scan3A_883, %get3A_931 : vector<16xf32>
      scf.yield %add3A_890, %add3A_896, %add3A_902, %add3A_908, %add3A_914, %add3A_920, %add3A_926, %add3A_932 : vector<16xf32>, vector<16xf32>, vector<16xf32>, vector<16xf32>, vector<16xf32>, vector<16xf32>, vector<16xf32>, vector<16xf32>
    }
    %scan3A_796 = arith.constant 125 : i32
    %dma_start3A_797 = arith.constant 720000 : i32
    %dma_start3A_798 = tpu.memref_slice %arg2[%add3A, %dma_start3A_797] : memref<32x1600000xf32, #tpu.memory_space<hbm>> -> memref<1x16000xf32, #tpu.memory_space<hbm>>
    %dma_start3A_799 = tpu.memref_squeeze %dma_start3A_798 : memref<1x16000xf32, #tpu.memory_space<hbm>> -> memref<16000xf32, #tpu.memory_space<hbm>>
    %dma_start3A_800 = arith.constant 720000 : i32
    %dma_start3A_801 = tpu.memref_slice %arg2[%add3A, %dma_start3A_800] : memref<32x1600000xf32, #tpu.memory_space<hbm>> -> memref<1x16000xf32, #tpu.memory_space<hbm>>
    %dma_start3A_802 = tpu.memref_squeeze %dma_start3A_801 : memref<1x16000xf32, #tpu.memory_space<hbm>> -> memref<16000xf32, #tpu.memory_space<hbm>>
    tpu.enqueue_dma source(%dma_start3A_802 : memref<16000xf32, #tpu.memory_space<hbm>>) target(%arg5 : memref<16000xf32, #tpu.memory_space<vmem>>) target_semaphore(%arg8 : memref<!tpu.dma_semaphore, #tpu.memory_space<semaphore_mem>>)
    %dma_wait3A_803 = arith.constant 704000 : i32
    %dma_wait3A_804 = tpu.memref_slice %arg2[%add3A, %dma_wait3A_803] : memref<32x1600000xf32, #tpu.memory_space<hbm>> -> memref<1x16000xf32, #tpu.memory_space<hbm>>
    %dma_wait3A_805 = tpu.memref_squeeze %dma_wait3A_804 : memref<1x16000xf32, #tpu.memory_space<hbm>> -> memref<16000xf32, #tpu.memory_space<hbm>>
    %dma_wait3A_806 = arith.constant 704000 : i32
    %dma_wait3A_807 = tpu.memref_slice %arg2[%add3A, %dma_wait3A_806] : memref<32x1600000xf32, #tpu.memory_space<hbm>> -> memref<1x16000xf32, #tpu.memory_space<hbm>>
    %dma_wait3A_808 = tpu.memref_squeeze %dma_wait3A_807 : memref<1x16000xf32, #tpu.memory_space<hbm>> -> memref<16000xf32, #tpu.memory_space<hbm>>
    tpu.wait_dma2 semaphore(%arg7 : memref<!tpu.dma_semaphore, #tpu.memory_space<semaphore_mem>>) src(%dma_wait3A_808 : memref<16000xf32, #tpu.memory_space<hbm>>) dst(%arg4 : memref<16000xf32, #tpu.memory_space<vmem>>)
    %scan3A_809 = arith.constant 0 : i32
    %scan3A_810 = arith.constant 125 : i32
    %scan3A_811 = arith.addi %scan3A_809, %scan3A_810 : i32
    %scan3A_812 = arith.constant 1 : i32
    %scan3A_813:8 = scf.for %scan3A_875 = %scan3A_809 to %scan3A_811 step %scan3A_812 iter_args(%scan3A_876 = %scan3A_795#0, %scan3A_877 = %scan3A_795#1, %scan3A_878 = %scan3A_795#2, %scan3A_879 = %scan3A_795#3, %scan3A_880 = %scan3A_795#4, %scan3A_881 = %scan3A_795#5, %scan3A_882 = %scan3A_795#6, %scan3A_883 = %scan3A_795#7) -> (vector<16xf32>, vector<16xf32>, vector<16xf32>, vector<16xf32>, vector<16xf32>, vector<16xf32>, vector<16xf32>, vector<16xf32>)  : i32 {
      %mul3A_884 = arith.constant 128 : i32
      %mul3A_885 = arith.muli %scan3A_875, %mul3A_884 : i32
      %add3A_886 = arith.constant 0 : i32
      %add3A_887 = arith.addi %mul3A_885, %add3A_886 : i32
      %get3A = arith.index_cast %add3A_887 : i32 to index
      %get3A_888 = tpu.vector_load %arg4[%get3A] {strides = array<i32>} : memref<16000xf32, #tpu.memory_space<vmem>>, vector<16xf32>,
      %get3A_889 = vector.shape_cast %get3A_888 : vector<16xf32> to vector<16xf32>
      %add3A_890 = arith.addf %scan3A_876, %get3A_889 : vector<16xf32>
      %add3A_891 = arith.constant 16 : i32
      %add3A_892 = arith.addi %mul3A_885, %add3A_891 : i32
      %get3A_893 = arith.index_cast %add3A_892 : i32 to index
      %get3A_894 = tpu.vector_load %arg4[%get3A_893] {strides = array<i32>} : memref<16000xf32, #tpu.memory_space<vmem>>, vector<16xf32>,
      %get3A_895 = vector.shape_cast %get3A_894 : vector<16xf32> to vector<16xf32>
      %add3A_896 = arith.addf %scan3A_877, %get3A_895 : vector<16xf32>
      %add3A_897 = arith.constant 32 : i32
      %add3A_898 = arith.addi %mul3A_885, %add3A_897 : i32
      %get3A_899 = arith.index_cast %add3A_898 : i32 to index
      %get3A_900 = tpu.vector_load %arg4[%get3A_899] {strides = array<i32>} : memref<16000xf32, #tpu.memory_space<vmem>>, vector<16xf32>,
      %get3A_901 = vector.shape_cast %get3A_900 : vector<16xf32> to vector<16xf32>
      %add3A_902 = arith.addf %scan3A_878, %get3A_901 : vector<16xf32>
      %add3A_903 = arith.constant 48 : i32
      %add3A_904 = arith.addi %mul3A_885, %add3A_903 : i32
      %get3A_905 = arith.index_cast %add3A_904 : i32 to index
      %get3A_906 = tpu.vector_load %arg4[%get3A_905] {strides = array<i32>} : memref<16000xf32, #tpu.memory_space<vmem>>, vector<16xf32>,
      %get3A_907 = vector.shape_cast %get3A_906 : vector<16xf32> to vector<16xf32>
      %add3A_908 = arith.addf %scan3A_879, %get3A_907 : vector<16xf32>
      %add3A_909 = arith.constant 64 : i32
      %add3A_910 = arith.addi %mul3A_885, %add3A_909 : i32
      %get3A_911 = arith.index_cast %add3A_910 : i32 to index
      %get3A_912 = tpu.vector_load %arg4[%get3A_911] {strides = array<i32>} : memref<16000xf32, #tpu.memory_space<vmem>>, vector<16xf32>,
      %get3A_913 = vector.shape_cast %get3A_912 : vector<16xf32> to vector<16xf32>
      %add3A_914 = arith.addf %scan3A_880, %get3A_913 : vector<16xf32>
      %add3A_915 = arith.constant 80 : i32
      %add3A_916 = arith.addi %mul3A_885, %add3A_915 : i32
      %get3A_917 = arith.index_cast %add3A_916 : i32 to index
      %get3A_918 = tpu.vector_load %arg4[%get3A_917] {strides = array<i32>} : memref<16000xf32, #tpu.memory_space<vmem>>, vector<16xf32>,
      %get3A_919 = vector.shape_cast %get3A_918 : vector<16xf32> to vector<16xf32>
      %add3A_920 = arith.addf %scan3A_881, %get3A_919 : vector<16xf32>
      %add3A_921 = arith.constant 96 : i32
      %add3A_922 = arith.addi %mul3A_885, %add3A_921 : i32
      %get3A_923 = arith.index_cast %add3A_922 : i32 to index
      %get3A_924 = tpu.vector_load %arg4[%get3A_923] {strides = array<i32>} : memref<16000xf32, #tpu.memory_space<vmem>>, vector<16xf32>,
      %get3A_925 = vector.shape_cast %get3A_924 : vector<16xf32> to vector<16xf32>
      %add3A_926 = arith.addf %scan3A_882, %get3A_925 : vector<16xf32>
      %add3A_927 = arith.constant 112 : i32
      %add3A_928 = arith.addi %mul3A_885, %add3A_927 : i32
      %get3A_929 = arith.index_cast %add3A_928 : i32 to index
      %get3A_930 = tpu.vector_load %arg4[%get3A_929] {strides = array<i32>} : memref<16000xf32, #tpu.memory_space<vmem>>, vector<16xf32>,
      %get3A_931 = vector.shape_cast %get3A_930 : vector<16xf32> to vector<16xf32>
      %add3A_932 = arith.addf %scan3A_883, %get3A_931 : vector<16xf32>
      scf.yield %add3A_890, %add3A_896, %add3A_902, %add3A_908, %add3A_914, %add3A_920, %add3A_926, %add3A_932 : vector<16xf32>, vector<16xf32>, vector<16xf32>, vector<16xf32>, vector<16xf32>, vector<16xf32>, vector<16xf32>, vector<16xf32>
    }
    %scan3A_814 = arith.constant 125 : i32
    %dma_start3A_815 = arith.constant 736000 : i32
    %dma_start3A_816 = tpu.memref_slice %arg2[%add3A, %dma_start3A_815] : memref<32x1600000xf32, #tpu.memory_space<hbm>> -> memref<1x16000xf32, #tpu.memory_space<hbm>>
    %dma_start3A_817 = tpu.memref_squeeze %dma_start3A_816 : memref<1x16000xf32, #tpu.memory_space<hbm>> -> memref<16000xf32, #tpu.memory_space<hbm>>
    %dma_start3A_818 = arith.constant 736000 : i32
    %dma_start3A_819 = tpu.memref_slice %arg2[%add3A, %dma_start3A_818] : memref<32x1600000xf32, #tpu.memory_space<hbm>> -> memref<1x16000xf32, #tpu.memory_space<hbm>>
    %dma_start3A_820 = tpu.memref_squeeze %dma_start3A_819 : memref<1x16000xf32, #tpu.memory_space<hbm>> -> memref<16000xf32, #tpu.memory_space<hbm>>
    tpu.enqueue_dma source(%dma_start3A_820 : memref<16000xf32, #tpu.memory_space<hbm>>) target(%arg4 : memref<16000xf32, #tpu.memory_space<vmem>>) target_semaphore(%arg7 : memref<!tpu.dma_semaphore, #tpu.memory_space<semaphore_mem>>)
    %dma_wait3A_821 = arith.constant 720000 : i32
    %dma_wait3A_822 = tpu.memref_slice %arg2[%add3A, %dma_wait3A_821] : memref<32x1600000xf32, #tpu.memory_space<hbm>> -> memref<1x16000xf32, #tpu.memory_space<hbm>>
    %dma_wait3A_823 = tpu.memref_squeeze %dma_wait3A_822 : memref<1x16000xf32, #tpu.memory_space<hbm>> -> memref<16000xf32, #tpu.memory_space<hbm>>
    %dma_wait3A_824 = arith.constant 720000 : i32
    %dma_wait3A_825 = tpu.memref_slice %arg2[%add3A, %dma_wait3A_824] : memref<32x1600000xf32, #tpu.memory_space<hbm>> -> memref<1x16000xf32, #tpu.memory_space<hbm>>
    %dma_wait3A_826 = tpu.memref_squeeze %dma_wait3A_825 : memref<1x16000xf32, #tpu.memory_space<hbm>> -> memref<16000xf32, #tpu.memory_space<hbm>>
    tpu.wait_dma2 semaphore(%arg8 : memref<!tpu.dma_semaphore, #tpu.memory_space<semaphore_mem>>) src(%dma_wait3A_826 : memref<16000xf32, #tpu.memory_space<hbm>>) dst(%arg5 : memref<16000xf32, #tpu.memory_space<vmem>>)
    %scan3A_827 = arith.constant 0 : i32
    %scan3A_828 = arith.constant 125 : i32
    %scan3A_829 = arith.addi %scan3A_827, %scan3A_828 : i32
    %scan3A_830 = arith.constant 1 : i32
    %scan3A_831:8 = scf.for %scan3A_875 = %scan3A_827 to %scan3A_829 step %scan3A_830 iter_args(%scan3A_876 = %scan3A_813#0, %scan3A_877 = %scan3A_813#1, %scan3A_878 = %scan3A_813#2, %scan3A_879 = %scan3A_813#3, %scan3A_880 = %scan3A_813#4, %scan3A_881 = %scan3A_813#5, %scan3A_882 = %scan3A_813#6, %scan3A_883 = %scan3A_813#7) -> (vector<16xf32>, vector<16xf32>, vector<16xf32>, vector<16xf32>, vector<16xf32>, vector<16xf32>, vector<16xf32>, vector<16xf32>)  : i32 {
      %mul3A_884 = arith.constant 128 : i32
      %mul3A_885 = arith.muli %scan3A_875, %mul3A_884 : i32
      %add3A_886 = arith.constant 0 : i32
      %add3A_887 = arith.addi %mul3A_885, %add3A_886 : i32
      %get3A = arith.index_cast %add3A_887 : i32 to index
      %get3A_888 = tpu.vector_load %arg5[%get3A] {strides = array<i32>} : memref<16000xf32, #tpu.memory_space<vmem>>, vector<16xf32>,
      %get3A_889 = vector.shape_cast %get3A_888 : vector<16xf32> to vector<16xf32>
      %add3A_890 = arith.addf %scan3A_876, %get3A_889 : vector<16xf32>
      %add3A_891 = arith.constant 16 : i32
      %add3A_892 = arith.addi %mul3A_885, %add3A_891 : i32
      %get3A_893 = arith.index_cast %add3A_892 : i32 to index
      %get3A_894 = tpu.vector_load %arg5[%get3A_893] {strides = array<i32>} : memref<16000xf32, #tpu.memory_space<vmem>>, vector<16xf32>,
      %get3A_895 = vector.shape_cast %get3A_894 : vector<16xf32> to vector<16xf32>
      %add3A_896 = arith.addf %scan3A_877, %get3A_895 : vector<16xf32>
      %add3A_897 = arith.constant 32 : i32
      %add3A_898 = arith.addi %mul3A_885, %add3A_897 : i32
      %get3A_899 = arith.index_cast %add3A_898 : i32 to index
      %get3A_900 = tpu.vector_load %arg5[%get3A_899] {strides = array<i32>} : memref<16000xf32, #tpu.memory_space<vmem>>, vector<16xf32>,
      %get3A_901 = vector.shape_cast %get3A_900 : vector<16xf32> to vector<16xf32>
      %add3A_902 = arith.addf %scan3A_878, %get3A_901 : vector<16xf32>
      %add3A_903 = arith.constant 48 : i32
      %add3A_904 = arith.addi %mul3A_885, %add3A_903 : i32
      %get3A_905 = arith.index_cast %add3A_904 : i32 to index
      %get3A_906 = tpu.vector_load %arg5[%get3A_905] {strides = array<i32>} : memref<16000xf32, #tpu.memory_space<vmem>>, vector<16xf32>,
      %get3A_907 = vector.shape_cast %get3A_906 : vector<16xf32> to vector<16xf32>
      %add3A_908 = arith.addf %scan3A_879, %get3A_907 : vector<16xf32>
      %add3A_909 = arith.constant 64 : i32
      %add3A_910 = arith.addi %mul3A_885, %add3A_909 : i32
      %get3A_911 = arith.index_cast %add3A_910 : i32 to index
      %get3A_912 = tpu.vector_load %arg5[%get3A_911] {strides = array<i32>} : memref<16000xf32, #tpu.memory_space<vmem>>, vector<16xf32>,
      %get3A_913 = vector.shape_cast %get3A_912 : vector<16xf32> to vector<16xf32>
      %add3A_914 = arith.addf %scan3A_880, %get3A_913 : vector<16xf32>
      %add3A_915 = arith.constant 80 : i32
      %add3A_916 = arith.addi %mul3A_885, %add3A_915 : i32
      %get3A_917 = arith.index_cast %add3A_916 : i32 to index
      %get3A_918 = tpu.vector_load %arg5[%get3A_917] {strides = array<i32>} : memref<16000xf32, #tpu.memory_space<vmem>>, vector<16xf32>,
      %get3A_919 = vector.shape_cast %get3A_918 : vector<16xf32> to vector<16xf32>
      %add3A_920 = arith.addf %scan3A_881, %get3A_919 : vector<16xf32>
      %add3A_921 = arith.constant 96 : i32
      %add3A_922 = arith.addi %mul3A_885, %add3A_921 : i32
      %get3A_923 = arith.index_cast %add3A_922 : i32 to index
      %get3A_924 = tpu.vector_load %arg5[%get3A_923] {strides = array<i32>} : memref<16000xf32, #tpu.memory_space<vmem>>, vector<16xf32>,
      %get3A_925 = vector.shape_cast %get3A_924 : vector<16xf32> to vector<16xf32>
      %add3A_926 = arith.addf %scan3A_882, %get3A_925 : vector<16xf32>
      %add3A_927 = arith.constant 112 : i32
      %add3A_928 = arith.addi %mul3A_885, %add3A_927 : i32
      %get3A_929 = arith.index_cast %add3A_928 : i32 to index
      %get3A_930 = tpu.vector_load %arg5[%get3A_929] {strides = array<i32>} : memref<16000xf32, #tpu.memory_space<vmem>>, vector<16xf32>,
      %get3A_931 = vector.shape_cast %get3A_930 : vector<16xf32> to vector<16xf32>
      %add3A_932 = arith.addf %scan3A_883, %get3A_931 : vector<16xf32>
      scf.yield %add3A_890, %add3A_896, %add3A_902, %add3A_908, %add3A_914, %add3A_920, %add3A_926, %add3A_932 : vector<16xf32>, vector<16xf32>, vector<16xf32>, vector<16xf32>, vector<16xf32>, vector<16xf32>, vector<16xf32>, vector<16xf32>
    }
    %scan3A_832 = arith.constant 125 : i32
    %dma_start3A_833 = arith.constant 752000 : i32
    %dma_start3A_834 = tpu.memref_slice %arg2[%add3A, %dma_start3A_833] : memref<32x1600000xf32, #tpu.memory_space<hbm>> -> memref<1x16000xf32, #tpu.memory_space<hbm>>
    %dma_start3A_835 = tpu.memref_squeeze %dma_start3A_834 : memref<1x16000xf32, #tpu.memory_space<hbm>> -> memref<16000xf32, #tpu.memory_space<hbm>>
    %dma_start3A_836 = arith.constant 752000 : i32
    %dma_start3A_837 = tpu.memref_slice %arg2[%add3A, %dma_start3A_836] : memref<32x1600000xf32, #tpu.memory_space<hbm>> -> memref<1x16000xf32, #tpu.memory_space<hbm>>
    %dma_start3A_838 = tpu.memref_squeeze %dma_start3A_837 : memref<1x16000xf32, #tpu.memory_space<hbm>> -> memref<16000xf32, #tpu.memory_space<hbm>>
    tpu.enqueue_dma source(%dma_start3A_838 : memref<16000xf32, #tpu.memory_space<hbm>>) target(%arg5 : memref<16000xf32, #tpu.memory_space<vmem>>) target_semaphore(%arg8 : memref<!tpu.dma_semaphore, #tpu.memory_space<semaphore_mem>>)
    %dma_wait3A_839 = arith.constant 736000 : i32
    %dma_wait3A_840 = tpu.memref_slice %arg2[%add3A, %dma_wait3A_839] : memref<32x1600000xf32, #tpu.memory_space<hbm>> -> memref<1x16000xf32, #tpu.memory_space<hbm>>
    %dma_wait3A_841 = tpu.memref_squeeze %dma_wait3A_840 : memref<1x16000xf32, #tpu.memory_space<hbm>> -> memref<16000xf32, #tpu.memory_space<hbm>>
    %dma_wait3A_842 = arith.constant 736000 : i32
    %dma_wait3A_843 = tpu.memref_slice %arg2[%add3A, %dma_wait3A_842] : memref<32x1600000xf32, #tpu.memory_space<hbm>> -> memref<1x16000xf32, #tpu.memory_space<hbm>>
    %dma_wait3A_844 = tpu.memref_squeeze %dma_wait3A_843 : memref<1x16000xf32, #tpu.memory_space<hbm>> -> memref<16000xf32, #tpu.memory_space<hbm>>
    tpu.wait_dma2 semaphore(%arg7 : memref<!tpu.dma_semaphore, #tpu.memory_space<semaphore_mem>>) src(%dma_wait3A_844 : memref<16000xf32, #tpu.memory_space<hbm>>) dst(%arg4 : memref<16000xf32, #tpu.memory_space<vmem>>)
    %scan3A_845 = arith.constant 0 : i32
    %scan3A_846 = arith.constant 125 : i32
    %scan3A_847 = arith.addi %scan3A_845, %scan3A_846 : i32
    %scan3A_848 = arith.constant 1 : i32
    %scan3A_849:8 = scf.for %scan3A_875 = %scan3A_845 to %scan3A_847 step %scan3A_848 iter_args(%scan3A_876 = %scan3A_831#0, %scan3A_877 = %scan3A_831#1, %scan3A_878 = %scan3A_831#2, %scan3A_879 = %scan3A_831#3, %scan3A_880 = %scan3A_831#4, %scan3A_881 = %scan3A_831#5, %scan3A_882 = %scan3A_831#6, %scan3A_883 = %scan3A_831#7) -> (vector<16xf32>, vector<16xf32>, vector<16xf32>, vector<16xf32>, vector<16xf32>, vector<16xf32>, vector<16xf32>, vector<16xf32>)  : i32 {
      %mul3A_884 = arith.constant 128 : i32
      %mul3A_885 = arith.muli %scan3A_875, %mul3A_884 : i32
      %add3A_886 = arith.constant 0 : i32
      %add3A_887 = arith.addi %mul3A_885, %add3A_886 : i32
      %get3A = arith.index_cast %add3A_887 : i32 to index
      %get3A_888 = tpu.vector_load %arg4[%get3A] {strides = array<i32>} : memref<16000xf32, #tpu.memory_space<vmem>>, vector<16xf32>,
      %get3A_889 = vector.shape_cast %get3A_888 : vector<16xf32> to vector<16xf32>
      %add3A_890 = arith.addf %scan3A_876, %get3A_889 : vector<16xf32>
      %add3A_891 = arith.constant 16 : i32
      %add3A_892 = arith.addi %mul3A_885, %add3A_891 : i32
      %get3A_893 = arith.index_cast %add3A_892 : i32 to index
      %get3A_894 = tpu.vector_load %arg4[%get3A_893] {strides = array<i32>} : memref<16000xf32, #tpu.memory_space<vmem>>, vector<16xf32>,
      %get3A_895 = vector.shape_cast %get3A_894 : vector<16xf32> to vector<16xf32>
      %add3A_896 = arith.addf %scan3A_877, %get3A_895 : vector<16xf32>
      %add3A_897 = arith.constant 32 : i32
      %add3A_898 = arith.addi %mul3A_885, %add3A_897 : i32
      %get3A_899 = arith.index_cast %add3A_898 : i32 to index
      %get3A_900 = tpu.vector_load %arg4[%get3A_899] {strides = array<i32>} : memref<16000xf32, #tpu.memory_space<vmem>>, vector<16xf32>,
      %get3A_901 = vector.shape_cast %get3A_900 : vector<16xf32> to vector<16xf32>
      %add3A_902 = arith.addf %scan3A_878, %get3A_901 : vector<16xf32>
      %add3A_903 = arith.constant 48 : i32
      %add3A_904 = arith.addi %mul3A_885, %add3A_903 : i32
      %get3A_905 = arith.index_cast %add3A_904 : i32 to index
      %get3A_906 = tpu.vector_load %arg4[%get3A_905] {strides = array<i32>} : memref<16000xf32, #tpu.memory_space<vmem>>, vector<16xf32>,
      %get3A_907 = vector.shape_cast %get3A_906 : vector<16xf32> to vector<16xf32>
      %add3A_908 = arith.addf %scan3A_879, %get3A_907 : vector<16xf32>
      %add3A_909 = arith.constant 64 : i32
      %add3A_910 = arith.addi %mul3A_885, %add3A_909 : i32
      %get3A_911 = arith.index_cast %add3A_910 : i32 to index
      %get3A_912 = tpu.vector_load %arg4[%get3A_911] {strides = array<i32>} : memref<16000xf32, #tpu.memory_space<vmem>>, vector<16xf32>,
      %get3A_913 = vector.shape_cast %get3A_912 : vector<16xf32> to vector<16xf32>
      %add3A_914 = arith.addf %scan3A_880, %get3A_913 : vector<16xf32>
      %add3A_915 = arith.constant 80 : i32
      %add3A_916 = arith.addi %mul3A_885, %add3A_915 : i32
      %get3A_917 = arith.index_cast %add3A_916 : i32 to index
      %get3A_918 = tpu.vector_load %arg4[%get3A_917] {strides = array<i32>} : memref<16000xf32, #tpu.memory_space<vmem>>, vector<16xf32>,
      %get3A_919 = vector.shape_cast %get3A_918 : vector<16xf32> to vector<16xf32>
      %add3A_920 = arith.addf %scan3A_881, %get3A_919 : vector<16xf32>
      %add3A_921 = arith.constant 96 : i32
      %add3A_922 = arith.addi %mul3A_885, %add3A_921 : i32
      %get3A_923 = arith.index_cast %add3A_922 : i32 to index
      %get3A_924 = tpu.vector_load %arg4[%get3A_923] {strides = array<i32>} : memref<16000xf32, #tpu.memory_space<vmem>>, vector<16xf32>,
      %get3A_925 = vector.shape_cast %get3A_924 : vector<16xf32> to vector<16xf32>
      %add3A_926 = arith.addf %scan3A_882, %get3A_925 : vector<16xf32>
      %add3A_927 = arith.constant 112 : i32
      %add3A_928 = arith.addi %mul3A_885, %add3A_927 : i32
      %get3A_929 = arith.index_cast %add3A_928 : i32 to index
      %get3A_930 = tpu.vector_load %arg4[%get3A_929] {strides = array<i32>} : memref<16000xf32, #tpu.memory_space<vmem>>, vector<16xf32>,
      %get3A_931 = vector.shape_cast %get3A_930 : vector<16xf32> to vector<16xf32>
      %add3A_932 = arith.addf %scan3A_883, %get3A_931 : vector<16xf32>
      scf.yield %add3A_890, %add3A_896, %add3A_902, %add3A_908, %add3A_914, %add3A_920, %add3A_926, %add3A_932 : vector<16xf32>, vector<16xf32>, vector<16xf32>, vector<16xf32>, vector<16xf32>, vector<16xf32>, vector<16xf32>, vector<16xf32>
    }
    %scan3A_850 = arith.constant 125 : i32
    %dma_wait3A_851 = arith.constant 752000 : i32
    %dma_wait3A_852 = tpu.memref_slice %arg2[%add3A, %dma_wait3A_851] : memref<32x1600000xf32, #tpu.memory_space<hbm>> -> memref<1x16000xf32, #tpu.memory_space<hbm>>
    %dma_wait3A_853 = tpu.memref_squeeze %dma_wait3A_852 : memref<1x16000xf32, #tpu.memory_space<hbm>> -> memref<16000xf32, #tpu.memory_space<hbm>>
    %dma_wait3A_854 = arith.constant 752000 : i32
    %dma_wait3A_855 = tpu.memref_slice %arg2[%add3A, %dma_wait3A_854] : memref<32x1600000xf32, #tpu.memory_space<hbm>> -> memref<1x16000xf32, #tpu.memory_space<hbm>>
    %dma_wait3A_856 = tpu.memref_squeeze %dma_wait3A_855 : memref<1x16000xf32, #tpu.memory_space<hbm>> -> memref<16000xf32, #tpu.memory_space<hbm>>
    tpu.wait_dma2 semaphore(%arg8 : memref<!tpu.dma_semaphore, #tpu.memory_space<semaphore_mem>>) src(%dma_wait3A_856 : memref<16000xf32, #tpu.memory_space<hbm>>) dst(%arg5 : memref<16000xf32, #tpu.memory_space<vmem>>)
    %scan3A_857 = arith.constant 0 : i32
    %scan3A_858 = arith.constant 125 : i32
    %scan3A_859 = arith.addi %scan3A_857, %scan3A_858 : i32
    %scan3A_860 = arith.constant 1 : i32
    %scan3A_861:8 = scf.for %scan3A_875 = %scan3A_857 to %scan3A_859 step %scan3A_860 iter_args(%scan3A_876 = %scan3A_849#0, %scan3A_877 = %scan3A_849#1, %scan3A_878 = %scan3A_849#2, %scan3A_879 = %scan3A_849#3, %scan3A_880 = %scan3A_849#4, %scan3A_881 = %scan3A_849#5, %scan3A_882 = %scan3A_849#6, %scan3A_883 = %scan3A_849#7) -> (vector<16xf32>, vector<16xf32>, vector<16xf32>, vector<16xf32>, vector<16xf32>, vector<16xf32>, vector<16xf32>, vector<16xf32>)  : i32 {
      %mul3A_884 = arith.constant 128 : i32
      %mul3A_885 = arith.muli %scan3A_875, %mul3A_884 : i32
      %add3A_886 = arith.constant 0 : i32
      %add3A_887 = arith.addi %mul3A_885, %add3A_886 : i32
      %get3A = arith.index_cast %add3A_887 : i32 to index
      %get3A_888 = tpu.vector_load %arg5[%get3A] {strides = array<i32>} : memref<16000xf32, #tpu.memory_space<vmem>>, vector<16xf32>,
      %get3A_889 = vector.shape_cast %get3A_888 : vector<16xf32> to vector<16xf32>
      %add3A_890 = arith.addf %scan3A_876, %get3A_889 : vector<16xf32>
      %add3A_891 = arith.constant 16 : i32
      %add3A_892 = arith.addi %mul3A_885, %add3A_891 : i32
      %get3A_893 = arith.index_cast %add3A_892 : i32 to index
      %get3A_894 = tpu.vector_load %arg5[%get3A_893] {strides = array<i32>} : memref<16000xf32, #tpu.memory_space<vmem>>, vector<16xf32>,
      %get3A_895 = vector.shape_cast %get3A_894 : vector<16xf32> to vector<16xf32>
      %add3A_896 = arith.addf %scan3A_877, %get3A_895 : vector<16xf32>
      %add3A_897 = arith.constant 32 : i32
      %add3A_898 = arith.addi %mul3A_885, %add3A_897 : i32
      %get3A_899 = arith.index_cast %add3A_898 : i32 to index
      %get3A_900 = tpu.vector_load %arg5[%get3A_899] {strides = array<i32>} : memref<16000xf32, #tpu.memory_space<vmem>>, vector<16xf32>,
      %get3A_901 = vector.shape_cast %get3A_900 : vector<16xf32> to vector<16xf32>
      %add3A_902 = arith.addf %scan3A_878, %get3A_901 : vector<16xf32>
      %add3A_903 = arith.constant 48 : i32
      %add3A_904 = arith.addi %mul3A_885, %add3A_903 : i32
      %get3A_905 = arith.index_cast %add3A_904 : i32 to index
      %get3A_906 = tpu.vector_load %arg5[%get3A_905] {strides = array<i32>} : memref<16000xf32, #tpu.memory_space<vmem>>, vector<16xf32>,
      %get3A_907 = vector.shape_cast %get3A_906 : vector<16xf32> to vector<16xf32>
      %add3A_908 = arith.addf %scan3A_879, %get3A_907 : vector<16xf32>
      %add3A_909 = arith.constant 64 : i32
      %add3A_910 = arith.addi %mul3A_885, %add3A_909 : i32
      %get3A_911 = arith.index_cast %add3A_910 : i32 to index
      %get3A_912 = tpu.vector_load %arg5[%get3A_911] {strides = array<i32>} : memref<16000xf32, #tpu.memory_space<vmem>>, vector<16xf32>,
      %get3A_913 = vector.shape_cast %get3A_912 : vector<16xf32> to vector<16xf32>
      %add3A_914 = arith.addf %scan3A_880, %get3A_913 : vector<16xf32>
      %add3A_915 = arith.constant 80 : i32
      %add3A_916 = arith.addi %mul3A_885, %add3A_915 : i32
      %get3A_917 = arith.index_cast %add3A_916 : i32 to index
      %get3A_918 = tpu.vector_load %arg5[%get3A_917] {strides = array<i32>} : memref<16000xf32, #tpu.memory_space<vmem>>, vector<16xf32>,
      %get3A_919 = vector.shape_cast %get3A_918 : vector<16xf32> to vector<16xf32>
      %add3A_920 = arith.addf %scan3A_881, %get3A_919 : vector<16xf32>
      %add3A_921 = arith.constant 96 : i32
      %add3A_922 = arith.addi %mul3A_885, %add3A_921 : i32
      %get3A_923 = arith.index_cast %add3A_922 : i32 to index
      %get3A_924 = tpu.vector_load %arg5[%get3A_923] {strides = array<i32>} : memref<16000xf32, #tpu.memory_space<vmem>>, vector<16xf32>,
      %get3A_925 = vector.shape_cast %get3A_924 : vector<16xf32> to vector<16xf32>
      %add3A_926 = arith.addf %scan3A_882, %get3A_925 : vector<16xf32>
      %add3A_927 = arith.constant 112 : i32
      %add3A_928 = arith.addi %mul3A_885, %add3A_927 : i32
      %get3A_929 = arith.index_cast %add3A_928 : i32 to index
      %get3A_930 = tpu.vector_load %arg5[%get3A_929] {strides = array<i32>} : memref<16000xf32, #tpu.memory_space<vmem>>, vector<16xf32>,
      %get3A_931 = vector.shape_cast %get3A_930 : vector<16xf32> to vector<16xf32>
      %add3A_932 = arith.addf %scan3A_883, %get3A_931 : vector<16xf32>
      scf.yield %add3A_890, %add3A_896, %add3A_902, %add3A_908, %add3A_914, %add3A_920, %add3A_926, %add3A_932 : vector<16xf32>, vector<16xf32>, vector<16xf32>, vector<16xf32>, vector<16xf32>, vector<16xf32>, vector<16xf32>, vector<16xf32>
    }
    %scan3A_862 = arith.constant 125 : i32
    %add3A_863 = arith.addf %scan3A_861#0, %scan3A_861#1 : vector<16xf32>
    %add3A_864 = arith.addf %add3A_863, %scan3A_861#2 : vector<16xf32>
    %add3A_865 = arith.addf %add3A_864, %scan3A_861#3 : vector<16xf32>
    %add3A_866 = arith.addf %add3A_865, %scan3A_861#4 : vector<16xf32>
    %add3A_867 = arith.addf %add3A_866, %scan3A_861#5 : vector<16xf32>
    %add3A_868 = arith.addf %add3A_867, %scan3A_861#6 : vector<16xf32>
    %add3A_869 = arith.addf %add3A_868, %scan3A_861#7 : vector<16xf32>
    %swap3A = arith.constant 0 : index
    %swap3A_870 = tpu.vector_load %arg6[%swap3A] {strides = array<i32>} : memref<16xf32, #tpu.memory_space<vmem>>, vector<16xf32>,
    %swap3A_871 = vector.shape_cast %swap3A_870 : vector<16xf32> to vector<16xf32>
    %swap3A_872 = vector.shape_cast %add3A_869 : vector<16xf32> to vector<16xf32>
    tpu.vector_store %arg6[%swap3A], %swap3A_872 {strides = array<i32>} : memref<16xf32, #tpu.memory_space<vmem>>, vector<16xf32>,
    %mul3A_873 = arith.constant 16 : i32
    %mul3A_874 = arith.muli %add3A, %mul3A_873 : i32
    "tpu.region"() ({
      %run_scoped3A = tpu.sem_alloc : memref<!tpu.dma_semaphore, #tpu.memory_space<semaphore_mem>>
      %dma_start3A_875 = tpu.memref_slice %arg3[%mul3A_874] : memref<512xf32, #tpu.memory_space<hbm>> -> memref<16xf32, #tpu.memory_space<hbm>>
      %dma_start3A_876 = tpu.memref_slice %arg3[%mul3A_874] : memref<512xf32, #tpu.memory_space<hbm>> -> memref<16xf32, #tpu.memory_space<hbm>>
      tpu.enqueue_dma source(%arg6 : memref<16xf32, #tpu.memory_space<vmem>>) target(%dma_start3A_876 : memref<16xf32, #tpu.memory_space<hbm>>) target_semaphore(%run_scoped3A : memref<!tpu.dma_semaphore, #tpu.memory_space<semaphore_mem>>)
      %dma_wait3A_877 = tpu.memref_slice %arg3[%mul3A_874] : memref<512xf32, #tpu.memory_space<hbm>> -> memref<16xf32, #tpu.memory_space<hbm>>
      %dma_wait3A_878 = tpu.memref_slice %arg3[%mul3A_874] : memref<512xf32, #tpu.memory_space<hbm>> -> memref<16xf32, #tpu.memory_space<hbm>>
      tpu.wait_dma2 semaphore(%run_scoped3A : memref<!tpu.dma_semaphore, #tpu.memory_space<semaphore_mem>>) src(%arg6 : memref<16xf32, #tpu.memory_space<vmem>>) dst(%dma_wait3A_878 : memref<16xf32, #tpu.memory_space<hbm>>)
      tpu.yield
    }) : () -> ()
    return
  }
}

module attributes {stable_mosaic.version = 14 : i64} {
  func.func @_colsum_body(%arg0: i32, %arg1: memref<32x64000xf32, #tpu.memory_space<vmem>>, %arg2: memref<32x128xf32, #tpu.memory_space<vmem>>) attributes {dimension_semantics = [#tpu.dimension_semantics<arbitrary>], iteration_bounds = array<i64: 13>, scalar_prefetch = 0 : i64, scratch_operands = 0 : i64, tpu.core_type = #tpu.core_type<tc>, window_params = [{transform_indices = @transform_0, window_bounds = array<i64: 32, 64000>}, {pipeline_mode = #tpu.pipeline_mode<synchronous>, transform_indices = @transform_1, window_bounds = array<i64: 32, 128>}]} {
    %eq3A = arith.constant 0 : i32
    %eq3A_0 = arith.cmpi eq, %arg0, %eq3A : i32
    %convert_element_type3A = arith.extui %eq3A_0 : i1 to i32
    %cond3A = arith.constant 0 : i32
    %cond3A_1 = arith.cmpi ne, %convert_element_type3A, %cond3A : i32
    scf.if %cond3A_1 {
      %broadcast_in_dim3A = arith.constant 0.000000e+00 : f32
      %broadcast_in_dim3A_10 = vector.broadcast %broadcast_in_dim3A : f32 to vector<32x128xf32>
      %swap3A_11 = arith.constant 0 : index
      %swap3A_12 = arith.constant 0 : index
      %swap3A_13 = vector.load %arg2[%swap3A_11, %swap3A_12] : memref<32x128xf32, #tpu.memory_space<vmem>>, vector<32x128xf32>
      tpu.vector_store %arg2[%swap3A_11, %swap3A_12], %broadcast_in_dim3A_10 {strides = array<i32>} : memref<32x128xf32, #tpu.memory_space<vmem>>, vector<32x128xf32>,
    } else {
    }
    %get3A = arith.constant 0 : index
    %get3A_2 = arith.constant 0 : index
    %get3A_3 = vector.load %arg1[%get3A, %get3A_2] : memref<32x64000xf32, #tpu.memory_space<vmem>>, vector<32x64000xf32>
    %reshape3A = vector.shape_cast %get3A_3 : vector<32x64000xf32> to vector<32x500x128xf32>
    %get3A_4 = arith.constant 0 : index
    %get3A_5 = arith.constant 0 : index
    %get3A_6 = vector.load %arg2[%get3A_4, %get3A_5] : memref<32x128xf32, #tpu.memory_space<vmem>>, vector<32x128xf32>
    %reduce_sum3A = arith.constant dense<0.000000e+00> : vector<32x128xf32>
    %reduce_sum3A_7 = vector.multi_reduction <add>, %reshape3A, %reduce_sum3A [1] : vector<32x500x128xf32> to vector<32x128xf32>
    %add3A = arith.addf %get3A_6, %reduce_sum3A_7 : vector<32x128xf32>
    %swap3A = arith.constant 0 : index
    %swap3A_8 = arith.constant 0 : index
    %swap3A_9 = vector.load %arg2[%swap3A, %swap3A_8] : memref<32x128xf32, #tpu.memory_space<vmem>>, vector<32x128xf32>
    tpu.vector_store %arg2[%swap3A, %swap3A_8], %add3A {strides = array<i32>} : memref<32x128xf32, #tpu.memory_space<vmem>>, vector<32x128xf32>,
    return
  }
  func.func @transform_0(%arg0: i32) -> (i32, i32) {
    %add3A = arith.constant 12 : i32
    %add3A_0 = arith.addi %arg0, %add3A : i32
    %c0_i32 = arith.constant 0 : i32
    %c0_i32_1 = arith.constant 0 : i32
    return %c0_i32, %add3A_0 : i32, i32
  }
  func.func @transform_1(%arg0: i32) -> (i32, i32) {
    %c0_i32 = arith.constant 0 : i32
    %c0_i32_0 = arith.constant 0 : i32
    %c0_i32_1 = arith.constant 0 : i32
    return %c0_i32, %c0_i32_0 : i32, i32
  }
}

module attributes {stable_mosaic.version = 14 : i64} {
  func.func @_dense_body(%arg0: i32, %arg1: memref<32x128xf32, #tpu.memory_space<vmem>>, %arg2: memref<32x16xf32, #tpu.memory_space<vmem>>, %arg3: memref<4096x128xf32, #tpu.memory_space<vmem>>, %arg4: memref<64x128xf32, #tpu.memory_space<vmem>>, %arg5: memref<32x32xf32, #tpu.memory_space<vmem>>, %arg6: memref<32x32xf32, #tpu.memory_space<vmem>>, %arg7: memref<32x64xf32, #tpu.memory_space<vmem>>, %arg8: memref<32x1xf32, #tpu.memory_space<vmem>>, %arg9: memref<1x1xf32, #tpu.memory_space<vmem>>, %arg10: memref<64x32xf32, #tpu.memory_space<vmem>>, %arg11: memref<64x1xf32, #tpu.memory_space<vmem>>, %arg12: memref<1x1xf32, #tpu.memory_space<vmem>>, %arg13: memref<64x4096xf32, #tpu.memory_space<vmem>>, %arg14: memref<64x4096xf32, #tpu.memory_space<vmem>>, %arg15: memref<64x4096xf32, #tpu.memory_space<vmem>>) attributes {dimension_semantics = [#tpu.dimension_semantics<arbitrary>], iteration_bounds = array<i64: 13>, scalar_prefetch = 0 : i64, scratch_operands = 0 : i64, tpu.core_type = #tpu.core_type<tc>, window_params = [{pipeline_mode = #tpu.pipeline_mode<synchronous>, transform_indices = @transform_0, window_bounds = array<i64: 32, 128>}, {pipeline_mode = #tpu.pipeline_mode<synchronous>, transform_indices = @transform_1, window_bounds = array<i64: 32, 16>}, {transform_indices = @transform_2, window_bounds = array<i64: 4096, 128>}, {pipeline_mode = #tpu.pipeline_mode<synchronous>, transform_indices = @transform_3, window_bounds = array<i64: 64, 128>}, {pipeline_mode = #tpu.pipeline_mode<synchronous>, transform_indices = @transform_4, window_bounds = array<i64: 32, 32>}, {pipeline_mode = #tpu.pipeline_mode<synchronous>, transform_indices = @transform_5, window_bounds = array<i64: 32, 32>}, {pipeline_mode = #tpu.pipeline_mode<synchronous>, transform_indices = @transform_6, window_bounds = array<i64: 32, 64>}, {pipeline_mode = #tpu.pipeline_mode<synchronous>, transform_indices = @transform_7, window_bounds = array<i64: 32, 1>}, {pipeline_mode = #tpu.pipeline_mode<synchronous>, transform_indices = @transform_8, window_bounds = array<i64: 1, 1>}, {pipeline_mode = #tpu.pipeline_mode<synchronous>, transform_indices = @transform_9, window_bounds = array<i64: 64, 32>}, {pipeline_mode = #tpu.pipeline_mode<synchronous>, transform_indices = @transform_10, window_bounds = array<i64: 64, 1>}, {pipeline_mode = #tpu.pipeline_mode<synchronous>, transform_indices = @transform_11, window_bounds = array<i64: 1, 1>}, {transform_indices = @transform_12, window_bounds = array<i64: 64, 4096>}, {transform_indices = @transform_13, window_bounds = array<i64: 64, 4096>}, {transform_indices = @transform_14, window_bounds = array<i64: 64, 4096>}]} {
    %get3A = arith.constant 0 : index
    %get3A_0 = arith.constant 0 : index
    %get3A_1 = vector.load %arg1[%get3A, %get3A_0] : memref<32x128xf32, #tpu.memory_space<vmem>>, vector<32x128xf32>
    %reduce_sum3A = arith.constant dense<0.000000e+00> : vector<32xf32>
    %reduce_sum3A_2 = vector.multi_reduction <add>, %get3A_1, %reduce_sum3A [1] : vector<32x128xf32> to vector<32xf32>
    %broadcast_in_dim3A = vector.shape_cast %reduce_sum3A_2 : vector<32xf32> to vector<32x1xf32>
    %get3A_3 = arith.constant 0 : index
    %get3A_4 = arith.constant 0 : index
    %get3A_5 = vector.load %arg2[%get3A_3, %get3A_4] : memref<32x16xf32, #tpu.memory_space<vmem>>, vector<32x16xf32>
    %reduce_sum3A_6 = arith.constant dense<0.000000e+00> : vector<32xf32>
    %reduce_sum3A_7 = vector.multi_reduction <add>, %get3A_5, %reduce_sum3A_6 [1] : vector<32x16xf32> to vector<32xf32>
    %broadcast_in_dim3A_8 = vector.shape_cast %reduce_sum3A_7 : vector<32xf32> to vector<32x1xf32>
    %add3A = arith.addf %broadcast_in_dim3A, %broadcast_in_dim3A_8 : vector<32x1xf32>
    %get3A_9 = arith.constant 0 : index
    %get3A_10 = arith.constant 0 : index
    %get3A_11 = vector.load %arg12[%get3A_9, %get3A_10] : memref<1x1xf32, #tpu.memory_space<vmem>>, vector<1x1xf32>
    %get3A_12 = vector.extract %get3A_11[0, 0] : f32 from vector<1x1xf32>
    %mul3A = vector.broadcast %get3A_12 : f32 to vector<32x1xf32>
    %mul3A_13 = arith.mulf %add3A, %mul3A : vector<32x1xf32>
    %get3A_14 = arith.constant 0 : index
    %get3A_15 = arith.constant 0 : index
    %get3A_16 = vector.load %arg5[%get3A_14, %get3A_15] : memref<32x32xf32, #tpu.memory_space<vmem>>, vector<32x32xf32>
    %dot_general3A = arith.constant dense<0.000000e+00> : vector<32x1xf32>
    %dot_general3A_17 = tpu.matmul %get3A_16, %mul3A_13, %dot_general3A {dimension_numbers = #tpu.dot_dimension_numbers<[1], [0], [0], [1], [0, 0, 1, 1], [], []>, transpose_lhs_hint = false} : vector<32x32xf32>, vector<32x1xf32>, vector<32x1xf32> -> vector<32x1xf32>
    %get3A_18 = arith.constant 0 : index
    %get3A_19 = arith.constant 0 : index
    %get3A_20 = vector.load %arg6[%get3A_18, %get3A_19] : memref<32x32xf32, #tpu.memory_space<vmem>>, vector<32x32xf32>
    %dot_general3A_21 = arith.constant dense<0.000000e+00> : vector<32x1xf32>
    %dot_general3A_22 = tpu.matmul %get3A_20, %mul3A_13, %dot_general3A_21 {dimension_numbers = #tpu.dot_dimension_numbers<[1], [0], [0], [1], [0, 0, 1, 1], [], []>, transpose_lhs_hint = false} : vector<32x32xf32>, vector<32x1xf32>, vector<32x1xf32> -> vector<32x1xf32>
    %get3A_23 = arith.constant 0 : index
    %get3A_24 = arith.constant 0 : index
    %get3A_25 = vector.load %arg3[%get3A_23, %get3A_24] : memref<4096x128xf32, #tpu.memory_space<vmem>>, vector<4096x128xf32>
    %get3A_26 = arith.constant 0 : index
    %get3A_27 = arith.constant 0 : index
    %get3A_28 = vector.load %arg4[%get3A_26, %get3A_27] : memref<64x128xf32, #tpu.memory_space<vmem>>, vector<64x128xf32>
    %dot_general3A_29 = arith.constant dense<0.000000e+00> : vector<64x4096xf32>
    %dot_general3A_30 = tpu.matmul %get3A_28, %get3A_25, %dot_general3A_29 {dimension_numbers = #tpu.dot_dimension_numbers<[1], [1], [0], [0], [0, 0, 1, 0], [], []>, transpose_lhs_hint = false} : vector<64x128xf32>, vector<4096x128xf32>, vector<64x4096xf32> -> vector<64x4096xf32>
    %slice3A = vector.extract_strided_slice %dot_general3A_30 {offsets = [0, 0], sizes = [32, 4096], strides = [1, 1]} : vector<64x4096xf32> to vector<32x4096xf32>
    %broadcast_in_dim3A_31 = vector.shape_cast %dot_general3A_17 : vector<32x1xf32> to vector<32x1xf32>
    %broadcast_in_dim3A_32 = vector.broadcast %broadcast_in_dim3A_31 : vector<32x1xf32> to vector<32x4096xf32>
    %concatenate3A = tpu.concatenate %slice3A, %broadcast_in_dim3A_32 in 0 : vector<32x4096xf32>, vector<32x4096xf32> -> vector<64x4096xf32>
    %slice3A_33 = vector.extract_strided_slice %dot_general3A_30 {offsets = [32, 0], sizes = [32, 4096], strides = [1, 1]} : vector<64x4096xf32> to vector<32x4096xf32>
    %broadcast_in_dim3A_34 = vector.shape_cast %dot_general3A_22 : vector<32x1xf32> to vector<32x1xf32>
    %broadcast_in_dim3A_35 = vector.broadcast %broadcast_in_dim3A_34 : vector<32x1xf32> to vector<32x4096xf32>
    %concatenate3A_36 = tpu.concatenate %slice3A_33, %broadcast_in_dim3A_35 in 0 : vector<32x4096xf32>, vector<32x4096xf32> -> vector<64x4096xf32>
    %swap3A = arith.constant 0 : index
    %swap3A_37 = arith.constant 0 : index
    %swap3A_38 = vector.load %arg13[%swap3A, %swap3A_37] : memref<64x4096xf32, #tpu.memory_space<vmem>>, vector<64x4096xf32>
    tpu.vector_store %arg13[%swap3A, %swap3A_37], %concatenate3A {strides = array<i32>} : memref<64x4096xf32, #tpu.memory_space<vmem>>, vector<64x4096xf32>,
    %swap3A_39 = arith.constant 0 : index
    %swap3A_40 = arith.constant 0 : index
    %swap3A_41 = vector.load %arg15[%swap3A_39, %swap3A_40] : memref<64x4096xf32, #tpu.memory_space<vmem>>, vector<64x4096xf32>
    tpu.vector_store %arg15[%swap3A_39, %swap3A_40], %concatenate3A_36 {strides = array<i32>} : memref<64x4096xf32, #tpu.memory_space<vmem>>, vector<64x4096xf32>,
    %get3A_42 = arith.constant 0 : index
    %get3A_43 = arith.constant 0 : index
    %get3A_44 = vector.load %arg7[%get3A_42, %get3A_43] : memref<32x64xf32, #tpu.memory_space<vmem>>, vector<32x64xf32>
    %dot_general3A_45 = arith.constant dense<0.000000e+00> : vector<32x4096xf32>
    %dot_general3A_46 = tpu.matmul %get3A_44, %concatenate3A, %dot_general3A_45 {dimension_numbers = #tpu.dot_dimension_numbers<[1], [0], [0], [1], [0, 0, 1, 1], [], []>, transpose_lhs_hint = false} : vector<32x64xf32>, vector<64x4096xf32>, vector<32x4096xf32> -> vector<32x4096xf32>
    %get3A_47 = arith.constant 0 : index
    %get3A_48 = arith.constant 0 : index
    %get3A_49 = vector.load %arg8[%get3A_47, %get3A_48] : memref<32x1xf32, #tpu.memory_space<vmem>>, vector<32x1xf32>
    %add3A_50 = vector.broadcast %get3A_49 : vector<32x1xf32> to vector<32x4096xf32>
    %add3A_51 = arith.addf %dot_general3A_46, %add3A_50 : vector<32x4096xf32>
    %get3A_52 = arith.constant 0 : index
    %get3A_53 = arith.constant 0 : index
    %get3A_54 = vector.load %arg9[%get3A_52, %get3A_53] : memref<1x1xf32, #tpu.memory_space<vmem>>, vector<1x1xf32>
    %get3A_55 = vector.extract %get3A_54[0, 0] : f32 from vector<1x1xf32>
    %ge3A = arith.constant 0.000000e+00 : f32
    %ge3A_56 = vector.broadcast %ge3A : f32 to vector<32x4096xf32>
    %ge3A_57 = arith.cmpf oge, %add3A_51, %ge3A_56 : vector<32x4096xf32>
    %mul3A_58 = vector.broadcast %get3A_55 : f32 to vector<32x4096xf32>
    %mul3A_59 = arith.mulf %mul3A_58, %add3A_51 : vector<32x4096xf32>
    %select_n3A = arith.select %ge3A_57, %add3A_51, %mul3A_59 : vector<32x4096xi1>, vector<32x4096xf32>
    %get3A_60 = arith.constant 0 : index
    %get3A_61 = arith.constant 0 : index
    %get3A_62 = vector.load %arg10[%get3A_60, %get3A_61] : memref<64x32xf32, #tpu.memory_space<vmem>>, vector<64x32xf32>
    %dot_general3A_63 = arith.constant dense<0.000000e+00> : vector<64x4096xf32>
    %dot_general3A_64 = tpu.matmul %get3A_62, %select_n3A, %dot_general3A_63 {dimension_numbers = #tpu.dot_dimension_numbers<[1], [0], [0], [1], [0, 0, 1, 1], [], []>, transpose_lhs_hint = false} : vector<64x32xf32>, vector<32x4096xf32>, vector<64x4096xf32> -> vector<64x4096xf32>
    %get3A_65 = arith.constant 0 : index
    %get3A_66 = arith.constant 0 : index
    %get3A_67 = vector.load %arg11[%get3A_65, %get3A_66] : memref<64x1xf32, #tpu.memory_space<vmem>>, vector<64x1xf32>
    %add3A_68 = vector.broadcast %get3A_67 : vector<64x1xf32> to vector<64x4096xf32>
    %add3A_69 = arith.addf %dot_general3A_64, %add3A_68 : vector<64x4096xf32>
    %swap3A_70 = arith.constant 0 : index
    %swap3A_71 = arith.constant 0 : index
    %swap3A_72 = vector.load %arg14[%swap3A_70, %swap3A_71] : memref<64x4096xf32, #tpu.memory_space<vmem>>, vector<64x4096xf32>
    tpu.vector_store %arg14[%swap3A_70, %swap3A_71], %add3A_69 {strides = array<i32>} : memref<64x4096xf32, #tpu.memory_space<vmem>>, vector<64x4096xf32>,
    return
  }
  func.func @transform_0(%arg0: i32) -> (i32, i32) {
    %c0_i32 = arith.constant 0 : i32
    %c0_i32_0 = arith.constant 0 : i32
    %c0_i32_1 = arith.constant 0 : i32
    return %c0_i32, %c0_i32_0 : i32, i32
  }
  func.func @transform_1(%arg0: i32) -> (i32, i32) {
    %c0_i32 = arith.constant 0 : i32
    %c0_i32_0 = arith.constant 0 : i32
    %c0_i32_1 = arith.constant 0 : i32
    return %c0_i32, %c0_i32_0 : i32, i32
  }
  func.func @transform_2(%arg0: i32) -> (i32, i32) {
    %c0_i32 = arith.constant 0 : i32
    %c0_i32_0 = arith.constant 0 : i32
    return %arg0, %c0_i32 : i32, i32
  }
  func.func @transform_3(%arg0: i32) -> (i32, i32) {
    %c0_i32 = arith.constant 0 : i32
    %c0_i32_0 = arith.constant 0 : i32
    %c0_i32_1 = arith.constant 0 : i32
    return %c0_i32, %c0_i32_0 : i32, i32
  }
  func.func @transform_4(%arg0: i32) -> (i32, i32) {
    %c0_i32 = arith.constant 0 : i32
    %c0_i32_0 = arith.constant 0 : i32
    %c0_i32_1 = arith.constant 0 : i32
    return %c0_i32, %c0_i32_0 : i32, i32
  }
  func.func @transform_5(%arg0: i32) -> (i32, i32) {
    %c0_i32 = arith.constant 0 : i32
    %c0_i32_0 = arith.constant 0 : i32
    %c0_i32_1 = arith.constant 0 : i32
    return %c0_i32, %c0_i32_0 : i32, i32
  }
  func.func @transform_6(%arg0: i32) -> (i32, i32) {
    %c0_i32 = arith.constant 0 : i32
    %c0_i32_0 = arith.constant 0 : i32
    %c0_i32_1 = arith.constant 0 : i32
    return %c0_i32, %c0_i32_0 : i32, i32
  }
  func.func @transform_7(%arg0: i32) -> (i32, i32) {
    %c0_i32 = arith.constant 0 : i32
    %c0_i32_0 = arith.constant 0 : i32
    %c0_i32_1 = arith.constant 0 : i32
    return %c0_i32, %c0_i32_0 : i32, i32
  }
  func.func @transform_8(%arg0: i32) -> (i32, i32) {
    %c0_i32 = arith.constant 0 : i32
    %c0_i32_0 = arith.constant 0 : i32
    %c0_i32_1 = arith.constant 0 : i32
    return %c0_i32, %c0_i32_0 : i32, i32
  }
  func.func @transform_9(%arg0: i32) -> (i32, i32) {
    %c0_i32 = arith.constant 0 : i32
    %c0_i32_0 = arith.constant 0 : i32
    %c0_i32_1 = arith.constant 0 : i32
    return %c0_i32, %c0_i32_0 : i32, i32
  }
  func.func @transform_10(%arg0: i32) -> (i32, i32) {
    %c0_i32 = arith.constant 0 : i32
    %c0_i32_0 = arith.constant 0 : i32
    %c0_i32_1 = arith.constant 0 : i32
    return %c0_i32, %c0_i32_0 : i32, i32
  }
  func.func @transform_11(%arg0: i32) -> (i32, i32) {
    %c0_i32 = arith.constant 0 : i32
    %c0_i32_0 = arith.constant 0 : i32
    %c0_i32_1 = arith.constant 0 : i32
    return %c0_i32, %c0_i32_0 : i32, i32
  }
  func.func @transform_12(%arg0: i32) -> (i32, i32) {
    %c0_i32 = arith.constant 0 : i32
    %c0_i32_0 = arith.constant 0 : i32
    return %c0_i32, %arg0 : i32, i32
  }
  func.func @transform_13(%arg0: i32) -> (i32, i32) {
    %c0_i32 = arith.constant 0 : i32
    %c0_i32_0 = arith.constant 0 : i32
    return %c0_i32, %arg0 : i32, i32
  }
  func.func @transform_14(%arg0: i32) -> (i32, i32) {
    %c0_i32 = arith.constant 0 : i32
    %c0_i32_0 = arith.constant 0 : i32
    return %c0_i32, %arg0 : i32, i32
  }
}

</mosaic_0001>

<sc_bundles>
// kernel: kernel.5.cloned.1.call-start
scs
__scs_entry_jumppad:
0x0: {  	(pc) =	sbr.rel $0x88, $3  }
0x1: {  	(tag) =	ssettag $0x0;
	lr =	simm.s32 $0x1  }
0x2: {  	[smem:$0x3F96] =	sst lr;
	_ =	strace $0xD0000000  }
0x3: {  	_ = 	snop  }
0x4: {  	_ = 	snop  }
0x5: {  	_ = 	snop  }
0x6: {  	_ = 	snop  }
0x7: {  	_ = 	snop  }
__scs_overlays_trampoline_lowered:
0x8: {  	[smem:$0x3FA5] =	sst s0  }
0x9: {  	[smem:$0x3FA6] =	sst s1  }
0xa: {  	[smem:$0x3FA7] =	sst s2  }
0xb: {  	[smem:$0x3FA8] =	sst s3  }
0xc: {  	[smem:$0x3FA9] =	sst s4  }
0xd: {  	[smem:$0x3FAA] =	sst s5  }
0xe: {  	[smem:$0x3FAB] =	sst s6  }
0xf: {  	[smem:$0x3FAC] =	sst s7  }
0x10: {  	[smem:$0x3FAD] =	sst s8  }
0x11: {  	[smem:$0x3FAE] =	sst s9;
	s0 =	simm.s32 @!p0 $0x0  }
0x12: {  	s1 =	sld [smem:$0x3F94];
	s0 =	simm.s32 @p0 $0x1  }
0x13: {  	[smem:$0x3FAF] =	sst s0;
	s0 =	simm.s32 @!p1 $0x0  }
0x14: {  	s2 =	sld [smem:$0x3F93];
	s0 =	simm.s32 @p1 $0x1  }
0x15: {  	[smem:$0x3FB0] =	sst s0;
	s0 =	simm.s32 @!p2 $0x0  }
0x16: {  	s3 =	sld [smem:$0x3FDB];
	s0 =	simm.s32 @p2 $0x1  }
0x17: {  	s4 =	simm.s32 $0x1BF5;
	[smem:$0x3FB2] =	sst s0  }
0x18: {  	s0 =	sld [smem:$0x3F95];
	_ =	swait.ge [sflag:s4], $0x0  }
0x19: {  	s7 =	sld [smem:$0x3F96]  }
0x1a: {  	s8 =	sadd.s32 $0xFFFFE003, lr  }
0x1b: {  	s9 =	sadd.s32 $0xFFFFFEF7, lr;
	s5 =	simm.s32 $0xFFFFFFFF;
	p2 =	slt.u32 s8, $0xFFFFF086  }
0x1c: {  	p1 =	slt.u32 s9, $0xF7A;
	s5 =	simm.s32 @!p2 $0x0  }
0x1d: {  	s5 =	simm.s32 @p1 $0x1;
	p0 =	seq.s32 s7, s2  }
0x1e: {  	s7 =	smul.u32 @!p0 $0xF7A, s2;
	p2 =	seq.s32 @!p0 s5, $0x0  }
0x1f: {  	s9 =	smul.u32 $0xF7A, s1;
	s8 =	simm.s32 @!p0 $0x1BF5;
	p2 =	por !p2, p0  }
0x20: {  	[sflag:s8] =	ssyncset.s32 @!p0 $0xFFFFF086;
	s6 =	sadd.s32 @!p0 s3, s7;
	s7 =	simm.s32 @!p0 $0x108  }
0x21: {  	s3 =	sadd.s32 s3, s9;
	s6 =	sadd.s32 @!p0 $0x88, s6;
	s7 =	simm.s32 @p2 $0x1082  }
0x22: {  	[simem:s7], [sflag:s8] =	dma.local @!p0 [hbm:s6], $0xF7A  }
0x23: {  	s9 =	sor.u32 $0xD0000000, s2;
	s6 =	simm.s32 $0x108;
	_ =	swait.ge @!p0 [sflag:s8], $0x0  }
0x24: {  	s3 =	sadd.s32 $0x88, s3;
	s6 =	simm.s32 @!p1 $0x1082;
	[sflag:s4] =	ssyncset.s32 $0xFFFFF086  }
0x25: {  	[simem:s6], [sflag:s4] =	dma.local [hbm:s3], $0xF7A  }
0x26: {  	[smem:$0x3F96] =	sst s1;
	(tag) =	ssettag s2;
	_ =	strace s9  }
0x27: {  	s1 =	sld [smem:$0x3FA6]  }
0x28: {  	s2 =	sld [smem:$0x3FA7]  }
0x29: {  	s4 =	sld [smem:$0x3FA9]  }
0x2a: {  	p0 =	seq.s32 s5, $0x0;
	s5 =	sld [smem:$0x3FAA]  }
0x2b: {  	s6 =	sld [smem:$0x3FAB]  }
0x2c: {  	s7 =	sld [smem:$0x3FAC]  }
0x2d: {  	s3 =	simm.s32 $0x108;
	s8 =	sld [smem:$0x3FAD]  }
0x2e: {  	s3 =	simm.s32 @!p0 $0x1082;
	s9 =	sld [smem:$0x3FAE]  }
0x2f: {  	lr =	sadd.s32 s0, s3;
	s0 =	sld [smem:$0x3FA5]  }
0x30: {  	s3 =	sld [smem:$0x3FA8]  }
0x31: {  	[smem:$0x3FB1] =	sst s10  }
0x32: {  	s10 =	sld [smem:$0x3FAF];
	_ =	sdelay $0x3  }
0x33: {  	p0 =	seq.s32 s10, $0x1;
	s10 =	sld [smem:$0x3FB1];
	_ =	sdelay $0x3  }
0x34: {  	[smem:$0x3FB1] =	sst s10  }
0x35: {  	s10 =	sld [smem:$0x3FB0];
	_ =	sdelay $0x3  }
0x36: {  	p1 =	seq.s32 s10, $0x1;
	s10 =	sld [smem:$0x3FB1];
	_ =	sdelay $0x3  }
0x37: {  	[smem:$0x3FB1] =	sst s10  }
0x38: {  	s10 =	sld [smem:$0x3FB2]  }
0x39: {  	_ = 	snop;
	(pc) =	sbr.ind lr, $3  }
0x3a: {  	_ = 	snop  }
0x3b: {  	_ = 	snop  }
0x3c: {  	p2 =	seq.s32 s10, $0x1;
	s10 =	sld [smem:$0x3FB1]  }
0x3d: {  	_ =	shalt  }
0x3e: {  	_ =	shalt  }
0x3f: {  	_ =	shalt  }
0x40: {  	_ =	shalt  }
0x41: {  	_ =	shalt  }
0x42: {  	_ =	shalt  }
0x43: {  	_ =	shalt  }
0x44: {  	_ =	shalt  }
0x45: {  	_ =	shalt  }
0x46: {  	_ =	shalt  }
0x47: {  	_ =	shalt  }
0x48: {  	_ =	shalt  }
0x49: {  	_ =	shalt  }
0x4a: {  	_ =	shalt  }
0x4b: {  	_ =	shalt  }
0x4c: {  	_ =	shalt  }
0x4d: {  	_ =	shalt  }
0x4e: {  	_ =	shalt  }
0x4f: {  	_ =	shalt  }
0x50: {  	_ =	shalt  }
0x51: {  	_ =	shalt  }
0x52: {  	_ =	shalt  }
0x53: {  	_ =	shalt  }
0x54: {  	_ =	shalt  }
0x55: {  	_ =	shalt  }
0x56: {  	_ =	shalt  }
0x57: {  	_ =	shalt  }
0x58: {  	_ =	shalt  }
0x59: {  	_ =	shalt  }
0x5a: {  	_ =	shalt  }
0x5b: {  	_ =	shalt  }
0x5c: {  	_ =	shalt  }
0x5d: {  	_ =	shalt  }
0x5e: {  	_ =	shalt  }
0x5f: {  	_ =	shalt  }
0x60: {  	_ =	shalt  }
0x61: {  	_ =	shalt  }
0x62: {  	_ =	shalt  }
0x63: {  	_ =	shalt  }
0x64: {  	_ =	shalt  }
0x65: {  	_ =	shalt  }
0x66: {  	_ =	shalt  }
0x67: {  	_ =	shalt  }
0x68: {  	_ =	shalt  }
0x69: {  	_ =	shalt  }
0x6a: {  	_ =	shalt  }
0x6b: {  	_ =	shalt  }
0x6c: {  	_ =	shalt  }
0x6d: {  	_ =	shalt  }
0x6e: {  	_ =	shalt  }
0x6f: {  	_ =	shalt  }
0x70: {  	_ =	shalt  }
0x71: {  	_ =	shalt  }
0x72: {  	_ =	shalt  }
0x73: {  	_ =	shalt  }
0x74: {  	_ =	shalt  }
0x75: {  	_ =	shalt  }
0x76: {  	_ =	shalt  }
0x77: {  	_ =	shalt  }
0x78: {  	_ =	shalt  }
0x79: {  	_ =	shalt  }
0x7a: {  	_ =	shalt  }
0x7b: {  	_ =	shalt  }
0x7c: {  	_ =	shalt  }
0x7d: {  	_ =	shalt  }
0x7e: {  	_ =	shalt  }
0x7f: {  	_ =	shalt  }
0x80: {  	_ =	shalt  }
0x81: {  	_ =	shalt  }
0x82: {  	_ =	shalt  }
0x83: {  	_ =	shalt  }
0x84: {  	_ =	shalt  }
0x85: {  	_ =	shalt  }
0x86: {  	_ =	shalt  }
0x87: {  	_ =	shalt  }
.Lfunc_end0:
.L_simem_size_0:
called_computation_lowered:
.L_overlay_start_0:
0x88: {  	s2 =	sld [smem:$0x3FD9]  }
0x89: {  	s3 =	sld [smem:$0x3FFE];
	_ =	sdelay $0x1  }
0x8a: {  	s1 =	srdreg.scid  }
0x8b: {  	s0 =	sand.u32 $0x1, s1  }
0x8c: {  	s15 =	sshll.u32 s0, $0xA;
	s2 =	sadd.s32 s3, s2  }
0x8d: {  	s2 =	sadd.s32 s2, s15  }
0x8e: {  	[smem:$0x3FBD] =	sst s2  }
0x8f: {  	_ = 	snop  }
0x90: {  	s2 =	sld [smem:$0x3FD0];
	_ =	sdelay $0x2  }
0x91: {  	s4 =	simm.s32 $0xA;
	s5 =	simm.s32 $0x10;
	s16 =	sld [smem:$0x3FC8]  }
0x92: {  	[smem:s5], [sflag:s4] =	dma.local [hbm:s2], $0x1  }
0x93: {  	_ =	swait.eq [sflag:s4], $0x1  }
0x94: {  	[sflag:s4] =	ssyncset.done $0x0  }
0x95: {  	[sflag:s4] =	ssyncadd.s32 $0xFFFFFFFF  }
0x96: {  	s17 =	sld [smem:$0x12];
	(tm) =	ssettm $0x1  }
0x97: {  	s18 =	sld [smem:$0x3FFB];
	_ =	sdelay $0x3  }
0x98: {  	_ =	strace s18  }
0x99: {  	s4 =	sld [smem:$0x3FFC];
	_ =	sdelay $0x3  }
0x9a: {  	_ =	strace s4  }
0x9b: {  	s4 =	sld [smem:$0x3FFD];
	_ =	sdelay $0x3  }
0x9c: {  	_ =	strace s4  }
0x9d: {  	_ =	strace $0x8FFFFFFF  }
0x9e: {  	s19 =	sld [smem:$0x3FDB];
	_ =	sdelay $0x1  }
0x9f: {  	s20 =	simm.s32 $_scs_section_size  }
0xa0: {  	s6 =	simm.s32 $_size__tile_overlayer_lowered;
	s7 =	simm.s32 $_tile_overlayer_lowered  }
0xa1: {  	s23 =	simm.s32 $0x1BFF;
	s22 =	sshll.u32 s7, $0x1;
	s4 =	sadd.s32 s20, s19  }
0xa2: {  	s8 =	simm.s32 $0x0;
	s21 =	sshll.u32 s6, $0x1;
	s6 =	sadd.s32 s22, s4  }
0xa3: {  	[timem:s8], [sflag:s23] =	dma.local [hbm:s6], s21  }
0xa4: {  	_ =	swait.ge [sflag:s23], s21  }
0xa5: {  	s5 =	ssub.s32 $0x0, s21;
	[sflag:s23] =	ssyncset.done $0x0  }
0xa6: {  	[sflag:s23] =	ssyncadd.s32 s5;
	_ =	sdelay $0x1  }
0xa7: {  	s24 =	simm.s32 $0x1B8B  }
0xa8: {  	_ =	swait.ge [sflag:s24], $0x1  }
0xa9: {  	[sflag:s24] =	ssyncset.done $0x0  }
0xaa: {  	s25 =	simm.s32 $0x1B8E;
	[sflag:s24] =	ssyncadd.s32 $0xFFFFFFFF  }
0xab: {  	s26 =	simm.s32 $execute0_lowered;
	[smem:$0x3FD2] =	sst s25  }
0xac: {  	s5 =	sshll.u32 s26, $0x1;
	_ =	strace $0x80000046;
	[dreg:$0x1] =	wrdreg $0xFFFFFFFF  }
0xad: {  	s28 =	simm.s32 $_size_execute0_lowered;
	s4 =	sadd.s32 s4, s5;
	[dreg:$0x0] =	wrdreg $0x0  }
0xae: {  	s5 =	sshll.u32 s28, $0x1;
	[dreg:$0x2] =	wrdreg s4  }
0xaf: {  	[dreg:$0x3] =	wrdreg s5  }
0xb0: {  	[dreg:$0x4] =	wrdreg $0xC0  }
0xb1: {  	_ =	task [dreg:s8], $0x5FFFF  }
0xb2: {  	[dreg:$0x1] =	wrdreg $0xFFFFFFFF  }
0xb3: {  	[dreg:$0x0] =	wrdreg $0x60  }
0xb4: {  	[dreg:$0x2] =	wrdreg s16  }
0xb5: {  	[dreg:$0x3] =	wrdreg s17  }
0xb6: {  	[dreg:$0x4] =	wrdreg $0x9  }
0xb7: {  	_ =	task.clear_ibuf [dreg:s8], $0x5FFFF;
	_ =	strace $0x90000046  }
0xb8: {  	s29 =	simm.s32 $0x9;
	_ =	strace $0x80000048  }
0xb9: {  	_ =	swait.ge [sflag:s29], $0x1  }
0xba: {  	[sflag:s29] =	ssyncadd.s32 $0xFFFFFFFF  }
0xbb: {  	_ =	strace $0x90000048  }
0xbc: {  	_ =	sfence  }
0xbd: {  	s30 =	sld [smem:$0x0];
	_ =	sdelay $0x2  }
0xbe: {  	s31 =	sshll.u32 s1, $0xD;
	s1 =	sshrl.u32 s1, $0x2  }
0xbf: {  	s3 =	sand.u32 $0x4000, s31;
	s1 =	sadd.s32 s1, s30  }
0xc0: {  	s0 =	sor.u32 s3, s0;
	s1 =	sshll.u32 s1, $0x11  }
0xc1: {  	s0 =	sor.u32 s1, s0  }
0xc2: {  	s0 =	sadd.s32 $0x8F2B, s0  }
0xc3: {  	[sflag:s0] =	ssyncadd.remote.s32 $0x1  }
0xc4: {  	_ =	sfence.sel $0xFFFF  }
0xc5: {  	[dreg:$0x0] =	wrdreg $0xFFFFFFFF;
	(pc) =	sbr.abs _section_cstart, $3  }
0xc6: {  	[dreg:$0x1] =	wrdreg $0xFFFFFFFF  }
0xc7: {  	_ =	task.clear_ibuf [dreg:s8], $0x2FFFF;
	_ =	strace $0x9FFFFFFF  }
0xc8: {  	(tm) =	ssettm $0x7FFFFFFF  }
0xc9: {  	_ =	shalt  }
tec
execute0_lowered:
.L_overlay_start_1:
0x0: {  	(tag) =	ssettag $0x1  }
0x1: {  	s0 =	srdreg.scid;
	s2 =	stileid.u32  }
0x2: {  	s19 =	rddreg [dreg:$0x0];
	s29 =	simm.s32 $0x0;
	s28 =	simm.s32 $0x0  }
0x3: {  	s0 =	sand.u32 $0x1, s0;
	s1 =	sshll.u32 s2, $0x1;
	s21 =	sshrl.u32 s2, $0x2  }
0x4: {  	s18 =	sor.u32 s0, s1;
	s2 =	smul.u32 $0xC35000, s21;
	s0 =	ssub.s32 $0x2, s0  }
0x5: {  	[smem:$0x7FF] =	sst s29;
	s3 =	sshll.u32 s18, $0x7;
	s23 =	sshrl.u32 s0, $0x1  }
0x6: {  	s22 =	sand.u32 $0x380, s3;
	s30 =	sadd.s32 $0x5DC00, s2;
	s9 =	sadd.s32 $0xDAC00, s2  }
0x7: {  	s20 =	ssub.s32 s0, s23;
	s16 =	sadd.s32 $0x157C00, s2;
	s23 =	sadd.s32 $0x251C00, s2  }
0x8: {  	s15 =	sor.u32 s2, s22;
	s1 =	sor.u32 s30, s3;
	s11 =	sor.u32 s9, s3  }
0x9: {  	s17 =	sor.u32 s16, s3;
	s22 =	sadd.s32 $0x1D4C00, s2;
	s20 =	smax.u32 s20, $0x1  }
0xa: {  	s4 =	sshrl.u32 s15, $0x3;
	s5 =	sadd.s32 $0x1F400, s15;
	s26 =	sadd.s32 $0x3E800, s15  }
0xb: {  	s31 =	sadd.s32 $0x7D000, s15;
	s1 =	sshrl.u32 s1, $0x3;
	s7 =	sadd.s32 $0x9C400, s15  }
0xc: {  	s8 =	sadd.s32 $0xBB800, s15;
	s12 =	sshrl.u32 s11, $0x3;
	s11 =	sadd.s32 $0x53FC00, s2  }
0xd: {  	s13 =	sadd.s32 $0xFA000, s15;
	s30 =	sadd.s32 $0x119400, s15;
	s16 =	sadd.s32 $0x177000, s15  }
0xe: {  	s24 =	sadd.s32 s19, s4;
	s25 =	sshrl.u32 s5, $0x3;
	s5 =	sshrl.u32 s31, $0x3  }
0xf: {  	s10 =	sshrl.u32 s8, $0x3;
	s14 =	sshrl.u32 s13, $0x3;
	s13 =	sor.u32 s11, s3  }
0x10: {  	s31 =	sadd.s32 $0x138800, s15;
	[dreg:$0x3] =	wrdreg s24;
	s0 =	sadd.s32 s19, s25  }
0x11: {  	s6 =	sadd.s32 s19, s5;
	s5 =	sor.u32 s23, s3;
	s24 =	sadd.s32 $0x2CEC00, s2  }
0x12: {  	s25 =	sadd.s32 $0x34BC00, s2;
	s11 =	sshrl.u32 s31, $0x3;
	[dreg:$0x4] =	wrdreg s0  }
0x13: {  	s31 =	sadd.s32 $0x213400, s15;
	s0 =	sshrl.u32 s26, $0x3;
	[dreg:$0x7] =	wrdreg s6  }
0x14: {  	s8 =	sor.u32 s24, s3;
	s6 =	sadd.s32 $0x3C8C00, s2;
	s0 =	sadd.s32 s19, s0  }
0x15: {  	s9 =	sor.u32 s25, s3;
	s26 =	sadd.s32 $0x445C00, s2;
	[dreg:$0x5] =	wrdreg s0  }
0x16: {  	s0 =	sadd.s32 s19, s1;
	s1 =	sor.u32 s6, s3;
	s6 =	sor.u32 s26, s3  }
0x17: {  	s26 =	sadd.s32 $0x1F4000, s15;
	[dreg:$0x6] =	wrdreg s0;
	s0 =	sshrl.u32 s7, $0x3  }
0x18: {  	s7 =	sor.u32 s22, s3;
	s22 =	sadd.s32 $0x1B5800, s15;
	s6 =	sshrl.u32 s6, $0x3  }
0x19: {  	s0 =	sadd.s32 s19, s0;
	s24 =	sshrl.u32 s22, $0x3;
	s25 =	sshrl.u32 s7, $0x3  }
0x1a: {  	s7 =	sshrl.u32 s5, $0x3;
	s6 =	sadd.s32 s19, s6;
	[dreg:$0x8] =	wrdreg s0  }
0x1b: {  	s0 =	sadd.s32 s19, s10;
	s10 =	sadd.s32 $0x4C2C00, s2;
	s2 =	sadd.s32 $0x5BCC00, s2  }
0x1c: {  	[dreg:$0x9] =	wrdreg s0;
	s0 =	sadd.s32 s19, s12;
	s10 =	sor.u32 s10, s3  }
0x1d: {  	s21 =	sor.u32 s2, s3;
	s2 =	sshrl.u32 s30, $0x3;
	s12 =	sadd.s32 s19, s11  }
0x1e: {  	s30 =	sshrl.u32 s26, $0x3;
	s3 =	sadd.s32 $0x232800, s15;
	s11 =	sadd.s32 s19, s7  }
0x1f: {  	s26 =	sadd.s32 $0x30D400, s15;
	s7 =	sadd.s32 $0x38A400, s15;
	[dreg:$0xa] =	wrdreg s0  }
0x20: {  	s0 =	sadd.s32 s19, s14;
	[dreg:$0xd] =	wrdreg s12;
	s14 =	sshrl.u32 s17, $0x3  }
0x21: {  	s17 =	sadd.s32 $0x196400, s15;
	s4 =	sshrl.u32 s3, $0x3;
	[dreg:$0x16] =	wrdreg s11  }
0x22: {  	s12 =	sadd.s32 $0x271000, s15;
	s3 =	sshrl.u32 s9, $0x3;
	s9 =	sadd.s32 $0x3A9800, s15  }
0x23: {  	s11 =	sshrl.u32 s1, $0x3;
	s10 =	sshrl.u32 s10, $0x3;
	s21 =	sshrl.u32 s21, $0x3  }
0x24: {  	[dreg:$0xb] =	wrdreg s0;
	s0 =	sadd.s32 s19, s2;
	s2 =	sshrl.u32 s17, $0x3  }
0x25: {  	s10 =	sadd.s32 s19, s10;
	[dreg:$0xc] =	wrdreg s0;
	s0 =	sadd.s32 s19, s14  }
0x26: {  	s23 =	sadd.s32 s19, s2;
	s2 =	sshrl.u32 s31, $0x3;
	[dreg:$0xe] =	wrdreg s0  }
0x27: {  	s14 =	sadd.s32 $0x290400, s15;
	s0 =	sshrl.u32 s16, $0x3;
	[dreg:$0x10] =	wrdreg s23  }
0x28: {  	s16 =	sadd.s32 $0x2AF800, s15;
	s17 =	sshrl.u32 s14, $0x3;
	s14 =	sadd.s32 $0x407400, s15  }
0x29: {  	s0 =	sadd.s32 s19, s0;
	s22 =	sshrl.u32 s16, $0x3;
	s16 =	sadd.s32 $0x426800, s15  }
0x2a: {  	[dreg:$0xf] =	wrdreg s0;
	s0 =	sadd.s32 s19, s24;
	s23 =	sadd.s32 s19, s22  }
0x2b: {  	s24 =	sshrl.u32 s8, $0x3;
	s8 =	sshrl.u32 s7, $0x3;
	[dreg:$0x11] =	wrdreg s0  }
0x2c: {  	s22 =	sadd.s32 $0x484400, s15;
	s0 =	sadd.s32 s19, s25;
	[dreg:$0x19] =	wrdreg s23  }
0x2d: {  	s25 =	sadd.s32 $0x2EE000, s15;
	[dreg:$0x12] =	wrdreg s0;
	s0 =	sadd.s32 s19, s30  }
0x2e: {  	s23 =	sadd.s32 $0x4A3800, s15;
	[dreg:$0x13] =	wrdreg s0;
	s0 =	sadd.s32 s19, s2  }
0x2f: {  	s30 =	sadd.s32 $0x32C800, s15;
	s2 =	sshrl.u32 s26, $0x3;
	[dreg:$0x14] =	wrdreg s0  }
0x30: {  	s0 =	sadd.s32 s19, s4;
	s31 =	sadd.s32 s19, s2;
	s2 =	sshrl.u32 s30, $0x3  }
0x31: {  	s4 =	sadd.s32 $0x36B000, s15;
	[dreg:$0x15] =	wrdreg s0;
	s0 =	sshrl.u32 s12, $0x3  }
0x32: {  	[dreg:$0x1c] =	wrdreg s31;
	s5 =	sshrl.u32 s4, $0x3;
	s12 =	sadd.s32 $0x3E8000, s15  }
0x33: {  	s4 =	sshrl.u32 s14, $0x3;
	s14 =	sadd.s32 $0x520800, s15;
	s31 =	rddreg [dreg:$0x1]  }
0x34: {  	s0 =	sadd.s32 s19, s0;
	s4 =	sadd.s32 s19, s4;
	s14 =	sshrl.u32 s14, $0x3  }
0x35: {  	[dreg:$0x17] =	wrdreg s0;
	s0 =	sadd.s32 s19, s17;
	s17 =	sadd.s32 $0x465000, s15  }
0x36: {  	[dreg:$0x18] =	wrdreg s0;
	s0 =	sadd.s32 s19, s24;
	s7 =	sshrl.u32 s17, $0x3  }
0x37: {  	s24 =	sadd.s32 $0x4E2000, s15;
	[dreg:$0x1a] =	wrdreg s0;
	s0 =	sshrl.u32 s25, $0x3  }
0x38: {  	s17 =	sadd.s32 $0x57E400, s15;
	s7 =	sadd.s32 s19, s7;
	s0 =	sadd.s32 s19, s0  }
0x39: {  	s25 =	sadd.s32 $0x55F000, s15;
	s26 =	sshrl.u32 s17, $0x3;
	[dreg:$0x1b] =	wrdreg s0  }
0x3a: {  	s0 =	sadd.s32 s19, s2;
	s2 =	sshrl.u32 s9, $0x3;
	s9 =	sshrl.u32 s23, $0x3  }
0x3b: {  	s23 =	sshll.u32 s18, $0x1;
	s18 =	sadd.s32 s19, s21;
	s21 =	simm.s32 $0x80  }
0x3c: {  	[dreg:$0x1d] =	wrdreg s0;
	s0 =	sadd.s32 s19, s3;
	s1 =	sadd.s32 s19, s2  }
0x3d: {  	s2 =	sadd.s32 s19, s11;
	s3 =	sshrl.u32 s12, $0x3;
	s9 =	sadd.s32 s19, s9  }
0x3e: {  	s11 =	sshrl.u32 s24, $0x3;
	s12 =	sadd.s32 $0x501400, s15;
	s24 =	simm.s32 $0x1  }
0x3f: {  	[dreg:$0x1e] =	wrdreg s0;
	s0 =	sadd.s32 s19, s5;
	s3 =	sadd.s32 s19, s3  }
0x40: {  	s5 =	sshrl.u32 s16, $0x3;
	s11 =	sadd.s32 s19, s11;
	s12 =	sshrl.u32 s12, $0x3  }
0x41: {  	s16 =	sshrl.u32 s13, $0x3;
	s13 =	sadd.s32 s19, s14;
	[dreg:$0x1f] =	wrdreg s0  }
0x42: {  	s0 =	sadd.s32 s19, s8;
	s5 =	sadd.s32 s19, s5;
	s8 =	sshrl.u32 s22, $0x3  }
0x43: {  	s12 =	sadd.s32 s19, s12;
	s14 =	sadd.s32 s19, s16;
	s16 =	sshrl.u32 s25, $0x3  }
0x44: {  	s22 =	sadd.s32 $0x59D800, s15;
	s25 =	simm.s32 $0x2;
	s8 =	sadd.s32 s19, s8  }
0x45: {  	s15 =	sadd.s32 s19, s16;
	s30 =	sshrl.u32 s22, $0x3;
	s16 =	sadd.s32 s19, s26  }
0x46: {  	_ =	strace $0x80000047;
	s22 =	simm.s32 $0x400;
	s26 =	simm.s32 $0x3  }
0x47: {  	s17 =	sadd.s32 s19, s30;
	s19 =	sadd.s32 s31, s23;
	s23 =	simm.s32 $0x3E80  }
.LBB2_1:
0x48: {  	s30 =	rddreg [dreg:$0x3]  }
0x49: {  	[tilespmem:s29], [sflag:$0x1] =	stream.strided.gather [hbm4b:s30+s21], $0x3E80, s22, s21, $0x38;
	[tilespmem:$0x7D80] =	vst v63  }
0x4a: {  	s29 =	rddreg [dreg:$0x4]  }
0x4b: {  	[tilespmem:s23], [sflag:$0x2] =	stream.strided.gather [hbm4b:s29+s21], $0x3E80, s22, s21, $0x38;
	[tilespmem:$0x7D80] =	vst v63  }
0x4c: {  	_ =	swait.ge [sflag:s24], $0x3E80  }
0x4d: {  	[sflag:s24] =	ssyncset.done $0x0  }
0x4e: {  	s31 =	simm.s32 $0x0;
	[sflag:s24] =	ssyncadd.s32 $0xFFFFC180  }
0x4f: {  	v0 =	vld [tilespmem:s31+$0x70]  }
0x50: {  	v2 =	vld [tilespmem:s31+$0x0]  }
0x51: {  	v4 =	vld [tilespmem:s31+$0x10]  }
0x52: {  	v5 =	vld [tilespmem:s31+$0x20]  }
0x53: {  	v8 =	vld [tilespmem:s31+$0x30]  }
0x54: {  	v3 =	vimm.f32 $0.0e+00;
	v9 =	vimm.f32 $0.0e+00;
	v6 =	vld [tilespmem:s31+$0x40]  }
0x55: {  	v10 =	vimm.f32 $0.0e+00;
	v7 =	vimm.f32 $0.0e+00;
	v11 =	vld [tilespmem:s31+$0x50];
	v1 =	vadd.f32 v0, v3  }
0x56: {  	s30 =	simm.s32 $0x400;
	s29 =	simm.s32 $0x80;
	v12 =	vld [tilespmem:s31+$0x60];
	v0 =	vadd.f32 v2, v3;
	v2 =	vadd.f32 v4, v3;
	v4 =	vimm.f32 $0.0e+00  }
.LBB2_2:
0x57: {  	p0 =	sne.s32 s30, $0xF800;
	v13 =	vld [tilespmem:s29+$0x70];
	v3 =	vadd.f32 v5, v3  }
0x58: {  	v14 =	vld [tilespmem:s29+$0x0];
	v4 =	vadd.f32 v8, v4  }
0x59: {  	v15 =	vld [tilespmem:s29+$0x10];
	v9 =	vadd.f32 v6, v9  }
.Ltmp0:
0x5a: {  	v5 =	vld [tilespmem:s29+$0x20];
	v10 =	vadd.f32 v11, v10;
	(pc) =	sbr.rel @p0 .LBB2_2-.Ltmp0, $4  }
0x5b: {  	v8 =	vld [tilespmem:s29+$0x30];
	v7 =	vadd.f32 v12, v7  }
0x5c: {  	v6 =	vld [tilespmem:s29+$0x40];
	v1 =	vadd.f32 v13, v1  }
0x5d: {  	v0 =	vadd.f32 v14, v0;
	v11 =	vld [tilespmem:s29+$0x50]  }
0x5e: {  	v2 =	vadd.f32 v15, v2;
	v12 =	vld [tilespmem:s29+$0x60];
	s29 =	sshra.s32 s30, $0x2;
	s30 =	sadd.s32 $0x200, s30  }
0x5f: {  	v13 =	vld [tilespmem:s29+$0x70]  }
0x60: {  	v14 =	vld [tilespmem:s29+$0x0]  }
0x61: {  	v15 =	vld [tilespmem:s29+$0x10]  }
0x62: {  	v16 =	vld [tilespmem:s29+$0x20]  }
0x63: {  	v17 =	vld [tilespmem:s29+$0x30]  }
0x64: {  	v18 =	vld [tilespmem:s29+$0x40]  }
0x65: {  	v19 =	vld [tilespmem:s29+$0x50]  }
0x66: {  	v20 =	vld [tilespmem:s29+$0x60];
	s29 =	simm.s32 $0x0;
	s30 =	rddreg [dreg:$0x5]  }
0x67: {  	[tilespmem:s29], [sflag:$0x1] =	stream.strided.gather [hbm4b:s30+s21], $0x3E80, s22, s21, $0x38;
	[tilespmem:$0x7D80] =	vst v63  }
0x68: {  	_ =	swait.ge [sflag:s25], $0x3E80  }
0x69: {  	[sflag:s25] =	ssyncset.done $0x0  }
0x6a: {  	s31 =	simm.s32 $0x0;
	[sflag:s25] =	ssyncadd.s32 $0xFFFFC180  }
0x6b: {  	v3 =	vadd.f32 v5, v3;
	v4 =	vadd.f32 v8, v4;
	v5 =	vld [tilespmem:s31+$0x3EF0]  }
0x6c: {  	v6 =	vadd.f32 v6, v9;
	v10 =	vadd.f32 v11, v10;
	v21 =	vld [tilespmem:s31+$0x3E80]  }
0x6d: {  	v7 =	vadd.f32 v12, v7;
	v11 =	vadd.f32 v13, v1;
	v12 =	vld [tilespmem:s31+$0x3E90]  }
0x6e: {  	v13 =	vadd.f32 v14, v0;
	v14 =	vadd.f32 v15, v2;
	v8 =	vld [tilespmem:s31+$0x3EA0]  }
0x6f: {  	v0 =	vadd.f32 v16, v3;
	v1 =	vadd.f32 v17, v4;
	v9 =	vld [tilespmem:s31+$0x3EB0]  }
0x70: {  	v2 =	vadd.f32 v18, v6;
	v3 =	vadd.f32 v19, v10;
	v10 =	vld [tilespmem:s31+$0x3EC0]  }
0x71: {  	v4 =	vadd.f32 v20, v7;
	v5 =	vadd.f32 v5, v11;
	v11 =	vld [tilespmem:s31+$0x3ED0]  }
0x72: {  	s29 =	simm.s32 $0x80;
	s30 =	simm.s32 $0x400;
	v6 =	vadd.f32 v21, v13;
	v7 =	vadd.f32 v12, v14;
	v12 =	vld [tilespmem:s31+$0x3EE0]  }
.LBB2_4:
0x73: {  	p0 =	sne.s32 s30, $0xF800;
	v13 =	vld [tilespmem:s29+$0x3EF0];
	v0 =	vadd.f32 v8, v0  }
0x74: {  	v14 =	vld [tilespmem:s29+$0x3E80];
	v1 =	vadd.f32 v9, v1  }
0x75: {  	v15 =	vld [tilespmem:s29+$0x3E90];
	v2 =	vadd.f32 v10, v2  }
.Ltmp1:
0x76: {  	v8 =	vld [tilespmem:s29+$0x3EA0];
	v3 =	vadd.f32 v11, v3;
	(pc) =	sbr.rel @p0 .LBB2_4-.Ltmp1, $4  }
0x77: {  	v9 =	vld [tilespmem:s29+$0x3EB0];
	v4 =	vadd.f32 v12, v4  }
0x78: {  	v10 =	vld [tilespmem:s29+$0x3EC0];
	v5 =	vadd.f32 v13, v5  }
0x79: {  	v6 =	vadd.f32 v14, v6;
	v11 =	vld [tilespmem:s29+$0x3ED0]  }
0x7a: {  	v7 =	vadd.f32 v15, v7;
	v12 =	vld [tilespmem:s29+$0x3EE0];
	s29 =	sshra.s32 s30, $0x2;
	s30 =	sadd.s32 $0x200, s30  }
0x7b: {  	v13 =	vld [tilespmem:s29+$0x3EF0]  }
0x7c: {  	v14 =	vld [tilespmem:s29+$0x3E80]  }
0x7d: {  	v15 =	vld [tilespmem:s29+$0x3E90]  }
0x7e: {  	v16 =	vld [tilespmem:s29+$0x3EA0]  }
0x7f: {  	v17 =	vld [tilespmem:s29+$0x3EB0]  }
0x80: {  	v18 =	vld [tilespmem:s29+$0x3EC0]  }
0x81: {  	v19 =	vld [tilespmem:s29+$0x3ED0]  }
0x82: {  	v20 =	vld [tilespmem:s29+$0x3EE0];
	s29 =	rddreg [dreg:$0x6]  }
0x83: {  	[tilespmem:s23], [sflag:$0x2] =	stream.strided.gather [hbm4b:s29+s21], $0x3E80, s22, s21, $0x38;
	[tilespmem:$0x7D80] =	vst v63  }
0x84: {  	_ =	swait.ge [sflag:s24], $0x3E80  }
0x85: {  	[sflag:s24] =	ssyncset.done $0x0  }
0x86: {  	s31 =	simm.s32 $0x0;
	[sflag:s24] =	ssyncadd.s32 $0xFFFFC180  }
0x87: {  	v0 =	vadd.f32 v8, v0;
	v1 =	vadd.f32 v9, v1;
	v21 =	vld [tilespmem:s31+$0x70]  }
0x88: {  	v2 =	vadd.f32 v10, v2;
	v3 =	vadd.f32 v11, v3;
	v22 =	vld [tilespmem:s31+$0x0]  }
0x89: {  	v4 =	vadd.f32 v12, v4;
	v5 =	vadd.f32 v13, v5;
	v12 =	vld [tilespmem:s31+$0x10]  }
0x8a: {  	v6 =	vadd.f32 v14, v6;
	v7 =	vadd.f32 v15, v7;
	v8 =	vld [tilespmem:s31+$0x20]  }
0x8b: {  	v0 =	vadd.f32 v16, v0;
	v1 =	vadd.f32 v17, v1;
	v9 =	vld [tilespmem:s31+$0x30]  }
0x8c: {  	v2 =	vadd.f32 v18, v2;
	v3 =	vadd.f32 v19, v3;
	v10 =	vld [tilespmem:s31+$0x40]  }
0x8d: {  	v11 =	vld [tilespmem:s31+$0x50];
	v4 =	vadd.f32 v20, v4;
	v5 =	vadd.f32 v21, v5  }
0x8e: {  	s30 =	simm.s32 $0x400;
	s29 =	simm.s32 $0x80;
	v6 =	vadd.f32 v22, v6;
	v7 =	vadd.f32 v12, v7;
	v12 =	vld [tilespmem:s31+$0x60]  }
.LBB2_6:
0x8f: {  	p0 =	sne.s32 s30, $0xF800;
	v13 =	vld [tilespmem:s29+$0x70];
	v0 =	vadd.f32 v8, v0  }
0x90: {  	v14 =	vld [tilespmem:s29+$0x0];
	v1 =	vadd.f32 v9, v1  }
0x91: {  	v15 =	vld [tilespmem:s29+$0x10];
	v2 =	vadd.f32 v10, v2  }
.Ltmp2:
0x92: {  	v8 =	vld [tilespmem:s29+$0x20];
	v3 =	vadd.f32 v11, v3;
	(pc) =	sbr.rel @p0 .LBB2_6-.Ltmp2, $4  }
0x93: {  	v9 =	vld [tilespmem:s29+$0x30];
	v4 =	vadd.f32 v12, v4  }
0x94: {  	v10 =	vld [tilespmem:s29+$0x40];
	v5 =	vadd.f32 v13, v5  }
0x95: {  	v6 =	vadd.f32 v14, v6;
	v11 =	vld [tilespmem:s29+$0x50]  }
0x96: {  	v7 =	vadd.f32 v15, v7;
	v12 =	vld [tilespmem:s29+$0x60];
	s29 =	sshra.s32 s30, $0x2;
	s30 =	sadd.s32 $0x200, s30  }
0x97: {  	v13 =	vld [tilespmem:s29+$0x70]  }
0x98: {  	v14 =	vld [tilespmem:s29+$0x0]  }
0x99: {  	v15 =	vld [tilespmem:s29+$0x10]  }
0x9a: {  	v16 =	vld [tilespmem:s29+$0x20]  }
0x9b: {  	v17 =	vld [tilespmem:s29+$0x30]  }
0x9c: {  	v18 =	vld [tilespmem:s29+$0x40]  }
0x9d: {  	v19 =	vld [tilespmem:s29+$0x50]  }
0x9e: {  	v20 =	vld [tilespmem:s29+$0x60];
	s29 =	simm.s32 $0x0;
	s30 =	rddreg [dreg:$0x7]  }
0x9f: {  	[tilespmem:s29], [sflag:$0x1] =	stream.strided.gather [hbm4b:s30+s21], $0x3E80, s22, s21, $0x38;
	[tilespmem:$0x7D80] =	vst v63  }
0xa0: {  	_ =	swait.ge [sflag:s25], $0x3E80  }
0xa1: {  	[sflag:s25] =	ssyncset.done $0x0  }
0xa2: {  	s31 =	simm.s32 $0x0;
	[sflag:s25] =	ssyncadd.s32 $0xFFFFC180  }
0xa3: {  	v0 =	vadd.f32 v8, v0;
	v1 =	vadd.f32 v9, v1;
	v21 =	vld [tilespmem:s31+$0x3EF0]  }
0xa4: {  	v2 =	vadd.f32 v10, v2;
	v3 =	vadd.f32 v11, v3;
	v22 =	vld [tilespmem:s31+$0x3E80]  }
0xa5: {  	v4 =	vadd.f32 v12, v4;
	v5 =	vadd.f32 v13, v5;
	v12 =	vld [tilespmem:s31+$0x3E90]  }
0xa6: {  	v6 =	vadd.f32 v14, v6;
	v7 =	vadd.f32 v15, v7;
	v8 =	vld [tilespmem:s31+$0x3EA0]  }
0xa7: {  	v0 =	vadd.f32 v16, v0;
	v1 =	vadd.f32 v17, v1;
	v9 =	vld [tilespmem:s31+$0x3EB0]  }
0xa8: {  	v2 =	vadd.f32 v18, v2;
	v3 =	vadd.f32 v19, v3;
	v10 =	vld [tilespmem:s31+$0x3EC0]  }
0xa9: {  	v11 =	vld [tilespmem:s31+$0x3ED0];
	v4 =	vadd.f32 v20, v4;
	v5 =	vadd.f32 v21, v5  }
0xaa: {  	s29 =	simm.s32 $0x80;
	s30 =	simm.s32 $0x400;
	v6 =	vadd.f32 v22, v6;
	v7 =	vadd.f32 v12, v7;
	v12 =	vld [tilespmem:s31+$0x3EE0]  }
.LBB2_8:
0xab: {  	p0 =	sne.s32 s30, $0xF800;
	v13 =	vld [tilespmem:s29+$0x3EF0];
	v0 =	vadd.f32 v8, v0  }
0xac: {  	v14 =	vld [tilespmem:s29+$0x3E80];
	v1 =	vadd.f32 v9, v1  }
0xad: {  	v15 =	vld [tilespmem:s29+$0x3E90];
	v2 =	vadd.f32 v10, v2  }
.Ltmp3:
0xae: {  	v8 =	vld [tilespmem:s29+$0x3EA0];
	v3 =	vadd.f32 v11, v3;
	(pc) =	sbr.rel @p0 .LBB2_8-.Ltmp3, $4  }
0xaf: {  	v9 =	vld [tilespmem:s29+$0x3EB0];
	v4 =	vadd.f32 v12, v4  }
0xb0: {  	v10 =	vld [tilespmem:s29+$0x3EC0];
	v5 =	vadd.f32 v13, v5  }
0xb1: {  	v6 =	vadd.f32 v14, v6;
	v11 =	vld [tilespmem:s29+$0x3ED0]  }
0xb2: {  	v7 =	vadd.f32 v15, v7;
	v12 =	vld [tilespmem:s29+$0x3EE0];
	s29 =	sshra.s32 s30, $0x2;
	s30 =	sadd.s32 $0x200, s30  }
0xb3: {  	v13 =	vld [tilespmem:s29+$0x3EF0]  }
0xb4: {  	v14 =	vld [tilespmem:s29+$0x3E80]  }
0xb5: {  	v15 =	vld [tilespmem:s29+$0x3E90]  }
0xb6: {  	v16 =	vld [tilespmem:s29+$0x3EA0]  }
0xb7: {  	v17 =	vld [tilespmem:s29+$0x3EB0]  }
0xb8: {  	v18 =	vld [tilespmem:s29+$0x3EC0]  }
0xb9: {  	v19 =	vld [tilespmem:s29+$0x3ED0]  }
0xba: {  	v20 =	vld [tilespmem:s29+$0x3EE0];
	s29 =	rddreg [dreg:$0x8]  }
0xbb: {  	[tilespmem:s23], [sflag:$0x2] =	stream.strided.gather [hbm4b:s29+s21], $0x3E80, s22, s21, $0x38;
	[tilespmem:$0x7D80] =	vst v63  }
0xbc: {  	_ =	swait.ge [sflag:s24], $0x3E80  }
0xbd: {  	[sflag:s24] =	ssyncset.done $0x0  }
0xbe: {  	s31 =	simm.s32 $0x0;
	[sflag:s24] =	ssyncadd.s32 $0xFFFFC180  }
0xbf: {  	v0 =	vadd.f32 v8, v0;
	v1 =	vadd.f32 v9, v1;
	v21 =	vld [tilespmem:s31+$0x70]  }
0xc0: {  	v2 =	vadd.f32 v10, v2;
	v3 =	vadd.f32 v11, v3;
	v22 =	vld [tilespmem:s31+$0x0]  }
0xc1: {  	v4 =	vadd.f32 v12, v4;
	v5 =	vadd.f32 v13, v5;
	v12 =	vld [tilespmem:s31+$0x10]  }
0xc2: {  	v6 =	vadd.f32 v14, v6;
	v7 =	vadd.f32 v15, v7;
	v8 =	vld [tilespmem:s31+$0x20]  }
0xc3: {  	v0 =	vadd.f32 v16, v0;
	v1 =	vadd.f32 v17, v1;
	v9 =	vld [tilespmem:s31+$0x30]  }
0xc4: {  	v2 =	vadd.f32 v18, v2;
	v3 =	vadd.f32 v19, v3;
	v10 =	vld [tilespmem:s31+$0x40]  }
0xc5: {  	v11 =	vld [tilespmem:s31+$0x50];
	v4 =	vadd.f32 v20, v4;
	v5 =	vadd.f32 v21, v5  }
0xc6: {  	s30 =	simm.s32 $0x400;
	s29 =	simm.s32 $0x80;
	v6 =	vadd.f32 v22, v6;
	v7 =	vadd.f32 v12, v7;
	v12 =	vld [tilespmem:s31+$0x60]  }
.LBB2_10:
0xc7: {  	p0 =	sne.s32 s30, $0xF800;
	v13 =	vld [tilespmem:s29+$0x70];
	v0 =	vadd.f32 v8, v0  }
0xc8: {  	v14 =	vld [tilespmem:s29+$0x0];
	v1 =	vadd.f32 v9, v1  }
0xc9: {  	v15 =	vld [tilespmem:s29+$0x10];
	v2 =	vadd.f32 v10, v2  }
.Ltmp4:
0xca: {  	v8 =	vld [tilespmem:s29+$0x20];
	v3 =	vadd.f32 v11, v3;
	(pc) =	sbr.rel @p0 .LBB2_10-.Ltmp4, $4  }
0xcb: {  	v9 =	vld [tilespmem:s29+$0x30];
	v4 =	vadd.f32 v12, v4  }
0xcc: {  	v10 =	vld [tilespmem:s29+$0x40];
	v5 =	vadd.f32 v13, v5  }
0xcd: {  	v6 =	vadd.f32 v14, v6;
	v11 =	vld [tilespmem:s29+$0x50]  }
0xce: {  	v7 =	vadd.f32 v15, v7;
	v12 =	vld [tilespmem:s29+$0x60];
	s29 =	sshra.s32 s30, $0x2;
	s30 =	sadd.s32 $0x200, s30  }
0xcf: {  	v13 =	vld [tilespmem:s29+$0x70]  }
0xd0: {  	v14 =	vld [tilespmem:s29+$0x0]  }
0xd1: {  	v15 =	vld [tilespmem:s29+$0x10]  }
0xd2: {  	v16 =	vld [tilespmem:s29+$0x20]  }
0xd3: {  	v17 =	vld [tilespmem:s29+$0x30]  }
0xd4: {  	v18 =	vld [tilespmem:s29+$0x40]  }
0xd5: {  	v19 =	vld [tilespmem:s29+$0x50]  }
0xd6: {  	v20 =	vld [tilespmem:s29+$0x60];
	s29 =	simm.s32 $0x0;
	s30 =	rddreg [dreg:$0x9]  }
0xd7: {  	[tilespmem:s29], [sflag:$0x1] =	stream.strided.gather [hbm4b:s30+s21], $0x3E80, s22, s21, $0x38;
	[tilespmem:$0x7D80] =	vst v63  }
0xd8: {  	_ =	swait.ge [sflag:s25], $0x3E80  }
0xd9: {  	[sflag:s25] =	ssyncset.done $0x0  }
0xda: {  	s31 =	simm.s32 $0x0;
	[sflag:s25] =	ssyncadd.s32 $0xFFFFC180  }
0xdb: {  	v0 =	vadd.f32 v8, v0;
	v1 =	vadd.f32 v9, v1;
	v21 =	vld [tilespmem:s31+$0x3EF0]  }
0xdc: {  	v2 =	vadd.f32 v10, v2;
	v3 =	vadd.f32 v11, v3;
	v22 =	vld [tilespmem:s31+$0x3E80]  }
0xdd: {  	v4 =	vadd.f32 v12, v4;
	v5 =	vadd.f32 v13, v5;
	v12 =	vld [tilespmem:s31+$0x3E90]  }
0xde: {  	v6 =	vadd.f32 v14, v6;
	v7 =	vadd.f32 v15, v7;
	v8 =	vld [tilespmem:s31+$0x3EA0]  }
0xdf: {  	v0 =	vadd.f32 v16, v0;
	v1 =	vadd.f32 v17, v1;
	v9 =	vld [tilespmem:s31+$0x3EB0]  }
0xe0: {  	v2 =	vadd.f32 v18, v2;
	v3 =	vadd.f32 v19, v3;
	v10 =	vld [tilespmem:s31+$0x3EC0]  }
0xe1: {  	v11 =	vld [tilespmem:s31+$0x3ED0];
	v4 =	vadd.f32 v20, v4;
	v5 =	vadd.f32 v21, v5  }
0xe2: {  	s29 =	simm.s32 $0x80;
	s30 =	simm.s32 $0x400;
	v6 =	vadd.f32 v22, v6;
	v7 =	vadd.f32 v12, v7;
	v12 =	vld [tilespmem:s31+$0x3EE0]  }
.LBB2_12:
0xe3: {  	p0 =	sne.s32 s30, $0xF800;
	v13 =	vld [tilespmem:s29+$0x3EF0];
	v0 =	vadd.f32 v8, v0  }
0xe4: {  	v14 =	vld [tilespmem:s29+$0x3E80];
	v1 =	vadd.f32 v9, v1  }
0xe5: {  	v15 =	vld [tilespmem:s29+$0x3E90];
	v2 =	vadd.f32 v10, v2  }
.Ltmp5:
0xe6: {  	v8 =	vld [tilespmem:s29+$0x3EA0];
	v3 =	vadd.f32 v11, v3;
	(pc) =	sbr.rel @p0 .LBB2_12-.Ltmp5, $4  }
0xe7: {  	v9 =	vld [tilespmem:s29+$0x3EB0];
	v4 =	vadd.f32 v12, v4  }
0xe8: {  	v10 =	vld [tilespmem:s29+$0x3EC0];
	v5 =	vadd.f32 v13, v5  }
0xe9: {  	v6 =	vadd.f32 v14, v6;
	v11 =	vld [tilespmem:s29+$0x3ED0]  }
0xea: {  	v7 =	vadd.f32 v15, v7;
	v12 =	vld [tilespmem:s29+$0x3EE0];
	s29 =	sshra.s32 s30, $0x2;
	s30 =	sadd.s32 $0x200, s30  }
0xeb: {  	v13 =	vld [tilespmem:s29+$0x3EF0]  }
0xec: {  	v14 =	vld [tilespmem:s29+$0x3E80]  }
0xed: {  	v15 =	vld [tilespmem:s29+$0x3E90]  }
0xee: {  	v16 =	vld [tilespmem:s29+$0x3EA0]  }
0xef: {  	v17 =	vld [tilespmem:s29+$0x3EB0]  }
0xf0: {  	v18 =	vld [tilespmem:s29+$0x3EC0]  }
0xf1: {  	v19 =	vld [tilespmem:s29+$0x3ED0]  }
0xf2: {  	v20 =	vld [tilespmem:s29+$0x3EE0];
	s29 =	rddreg [dreg:$0xa]  }
0xf3: {  	[tilespmem:s23], [sflag:$0x2] =	stream.strided.gather [hbm4b:s29+s21], $0x3E80, s22, s21, $0x38;
	[tilespmem:$0x7D80] =	vst v63  }
0xf4: {  	_ =	swait.ge [sflag:s24], $0x3E80  }
0xf5: {  	[sflag:s24] =	ssyncset.done $0x0  }
0xf6: {  	s31 =	simm.s32 $0x0;
	[sflag:s24] =	ssyncadd.s32 $0xFFFFC180  }
0xf7: {  	v0 =	vadd.f32 v8, v0;
	v1 =	vadd.f32 v9, v1;
	v21 =	vld [tilespmem:s31+$0x70]  }
0xf8: {  	v2 =	vadd.f32 v10, v2;
	v3 =	vadd.f32 v11, v3;
	v22 =	vld [tilespmem:s31+$0x0]  }
0xf9: {  	v4 =	vadd.f32 v12, v4;
	v5 =	vadd.f32 v13, v5;
	v12 =	vld [tilespmem:s31+$0x10]  }
0xfa: {  	v6 =	vadd.f32 v14, v6;
	v7 =	vadd.f32 v15, v7;
	v8 =	vld [tilespmem:s31+$0x20]  }
0xfb: {  	v0 =	vadd.f32 v16, v0;
	v1 =	vadd.f32 v17, v1;
	v9 =	vld [tilespmem:s31+$0x30]  }
0xfc: {  	v2 =	vadd.f32 v18, v2;
	v3 =	vadd.f32 v19, v3;
	v10 =	vld [tilespmem:s31+$0x40]  }
0xfd: {  	v11 =	vld [tilespmem:s31+$0x50];
	v4 =	vadd.f32 v20, v4;
	v5 =	vadd.f32 v21, v5  }
0xfe: {  	s30 =	simm.s32 $0x400;
	s29 =	simm.s32 $0x80;
	v6 =	vadd.f32 v22, v6;
	v7 =	vadd.f32 v12, v7;
	v12 =	vld [tilespmem:s31+$0x60]  }
.LBB2_14:
0xff: {  	p0 =	sne.s32 s30, $0xF800;
	v13 =	vld [tilespmem:s29+$0x70];
	v0 =	vadd.f32 v8, v0  }
0x100: {  	v14 =	vld [tilespmem:s29+$0x0];
	v1 =	vadd.f32 v9, v1  }
0x101: {  	v15 =	vld [tilespmem:s29+$0x10];
	v2 =	vadd.f32 v10, v2  }
.Ltmp6:
0x102: {  	v8 =	vld [tilespmem:s29+$0x20];
	v3 =	vadd.f32 v11, v3;
	(pc) =	sbr.rel @p0 .LBB2_14-.Ltmp6, $4  }
0x103: {  	v9 =	vld [tilespmem:s29+$0x30];
	v4 =	vadd.f32 v12, v4  }
0x104: {  	v10 =	vld [tilespmem:s29+$0x40];
	v5 =	vadd.f32 v13, v5  }
0x105: {  	v6 =	vadd.f32 v14, v6;
	v11 =	vld [tilespmem:s29+$0x50]  }
0x106: {  	v7 =	vadd.f32 v15, v7;
	v12 =	vld [tilespmem:s29+$0x60];
	s29 =	sshra.s32 s30, $0x2;
	s30 =	sadd.s32 $0x200, s30  }
0x107: {  	v13 =	vld [tilespmem:s29+$0x70]  }
0x108: {  	v14 =	vld [tilespmem:s29+$0x0]  }
0x109: {  	v15 =	vld [tilespmem:s29+$0x10]  }
0x10a: {  	v16 =	vld [tilespmem:s29+$0x20]  }
0x10b: {  	v17 =	vld [tilespmem:s29+$0x30]  }
0x10c: {  	v18 =	vld [tilespmem:s29+$0x40]  }
0x10d: {  	v19 =	vld [tilespmem:s29+$0x50]  }
0x10e: {  	v20 =	vld [tilespmem:s29+$0x60];
	s29 =	simm.s32 $0x0;
	s30 =	rddreg [dreg:$0xb]  }
0x10f: {  	[tilespmem:s29], [sflag:$0x1] =	stream.strided.gather [hbm4b:s30+s21], $0x3E80, s22, s21, $0x38;
	[tilespmem:$0x7D80] =	vst v63  }
0x110: {  	_ =	swait.ge [sflag:s25], $0x3E80  }
0x111: {  	[sflag:s25] =	ssyncset.done $0x0  }
0x112: {  	s31 =	simm.s32 $0x0;
	[sflag:s25] =	ssyncadd.s32 $0xFFFFC180  }
0x113: {  	v0 =	vadd.f32 v8, v0;
	v1 =	vadd.f32 v9, v1;
	v21 =	vld [tilespmem:s31+$0x3EF0]  }
0x114: {  	v2 =	vadd.f32 v10, v2;
	v3 =	vadd.f32 v11, v3;
	v22 =	vld [tilespmem:s31+$0x3E80]  }
0x115: {  	v4 =	vadd.f32 v12, v4;
	v5 =	vadd.f32 v13, v5;
	v12 =	vld [tilespmem:s31+$0x3E90]  }
0x116: {  	v6 =	vadd.f32 v14, v6;
	v7 =	vadd.f32 v15, v7;
	v8 =	vld [tilespmem:s31+$0x3EA0]  }
0x117: {  	v0 =	vadd.f32 v16, v0;
	v1 =	vadd.f32 v17, v1;
	v9 =	vld [tilespmem:s31+$0x3EB0]  }
0x118: {  	v2 =	vadd.f32 v18, v2;
	v3 =	vadd.f32 v19, v3;
	v10 =	vld [tilespmem:s31+$0x3EC0]  }
0x119: {  	v11 =	vld [tilespmem:s31+$0x3ED0];
	v4 =	vadd.f32 v20, v4;
	v5 =	vadd.f32 v21, v5  }
0x11a: {  	s29 =	simm.s32 $0x80;
	s30 =	simm.s32 $0x400;
	v6 =	vadd.f32 v22, v6;
	v7 =	vadd.f32 v12, v7;
	v12 =	vld [tilespmem:s31+$0x3EE0]  }
.LBB2_16:
0x11b: {  	p0 =	sne.s32 s30, $0xF800;
	v13 =	vld [tilespmem:s29+$0x3EF0];
	v0 =	vadd.f32 v8, v0  }
0x11c: {  	v14 =	vld [tilespmem:s29+$0x3E80];
	v1 =	vadd.f32 v9, v1  }
0x11d: {  	v15 =	vld [tilespmem:s29+$0x3E90];
	v2 =	vadd.f32 v10, v2  }
.Ltmp7:
0x11e: {  	v8 =	vld [tilespmem:s29+$0x3EA0];
	v3 =	vadd.f32 v11, v3;
	(pc) =	sbr.rel @p0 .LBB2_16-.Ltmp7, $4  }
0x11f: {  	v9 =	vld [tilespmem:s29+$0x3EB0];
	v4 =	vadd.f32 v12, v4  }
0x120: {  	v10 =	vld [tilespmem:s29+$0x3EC0];
	v5 =	vadd.f32 v13, v5  }
0x121: {  	v6 =	vadd.f32 v14, v6;
	v11 =	vld [tilespmem:s29+$0x3ED0]  }
0x122: {  	v7 =	vadd.f32 v15, v7;
	v12 =	vld [tilespmem:s29+$0x3EE0];
	s29 =	sshra.s32 s30, $0x2;
	s30 =	sadd.s32 $0x200, s30  }
0x123: {  	v13 =	vld [tilespmem:s29+$0x3EF0]  }
0x124: {  	v14 =	vld [tilespmem:s29+$0x3E80]  }
0x125: {  	v15 =	vld [tilespmem:s29+$0x3E90]  }
0x126: {  	v16 =	vld [tilespmem:s29+$0x3EA0]  }
0x127: {  	v17 =	vld [tilespmem:s29+$0x3EB0]  }
0x128: {  	v18 =	vld [tilespmem:s29+$0x3EC0]  }
0x129: {  	v19 =	vld [tilespmem:s29+$0x3ED0]  }
0x12a: {  	v20 =	vld [tilespmem:s29+$0x3EE0];
	s29 =	rddreg [dreg:$0xc]  }
0x12b: {  	[tilespmem:s23], [sflag:$0x2] =	stream.strided.gather [hbm4b:s29+s21], $0x3E80, s22, s21, $0x38;
	[tilespmem:$0x7D80] =	vst v63  }
0x12c: {  	_ =	swait.ge [sflag:s24], $0x3E80  }
0x12d: {  	[sflag:s24] =	ssyncset.done $0x0  }
0x12e: {  	s31 =	simm.s32 $0x0;
	[sflag:s24] =	ssyncadd.s32 $0xFFFFC180  }
0x12f: {  	v0 =	vadd.f32 v8, v0;
	v1 =	vadd.f32 v9, v1;
	v21 =	vld [tilespmem:s31+$0x70]  }
0x130: {  	v2 =	vadd.f32 v10, v2;
	v3 =	vadd.f32 v11, v3;
	v22 =	vld [tilespmem:s31+$0x0]  }
0x131: {  	v4 =	vadd.f32 v12, v4;
	v5 =	vadd.f32 v13, v5;
	v12 =	vld [tilespmem:s31+$0x10]  }
0x132: {  	v6 =	vadd.f32 v14, v6;
	v7 =	vadd.f32 v15, v7;
	v8 =	vld [tilespmem:s31+$0x20]  }
0x133: {  	v0 =	vadd.f32 v16, v0;
	v1 =	vadd.f32 v17, v1;
	v9 =	vld [tilespmem:s31+$0x30]  }
0x134: {  	v2 =	vadd.f32 v18, v2;
	v3 =	vadd.f32 v19, v3;
	v10 =	vld [tilespmem:s31+$0x40]  }
0x135: {  	v11 =	vld [tilespmem:s31+$0x50];
	v4 =	vadd.f32 v20, v4;
	v5 =	vadd.f32 v21, v5  }
0x136: {  	s30 =	simm.s32 $0x400;
	s29 =	simm.s32 $0x80;
	v6 =	vadd.f32 v22, v6;
	v7 =	vadd.f32 v12, v7;
	v12 =	vld [tilespmem:s31+$0x60]  }
.LBB2_18:
0x137: {  	p0 =	sne.s32 s30, $0xF800;
	v13 =	vld [tilespmem:s29+$0x70];
	v0 =	vadd.f32 v8, v0  }
0x138: {  	v14 =	vld [tilespmem:s29+$0x0];
	v1 =	vadd.f32 v9, v1  }
0x139: {  	v15 =	vld [tilespmem:s29+$0x10];
	v2 =	vadd.f32 v10, v2  }
.Ltmp8:
0x13a: {  	v8 =	vld [tilespmem:s29+$0x20];
	v3 =	vadd.f32 v11, v3;
	(pc) =	sbr.rel @p0 .LBB2_18-.Ltmp8, $4  }
0x13b: {  	v9 =	vld [tilespmem:s29+$0x30];
	v4 =	vadd.f32 v12, v4  }
0x13c: {  	v10 =	vld [tilespmem:s29+$0x40];
	v5 =	vadd.f32 v13, v5  }
0x13d: {  	v6 =	vadd.f32 v14, v6;
	v11 =	vld [tilespmem:s29+$0x50]  }
0x13e: {  	v7 =	vadd.f32 v15, v7;
	v12 =	vld [tilespmem:s29+$0x60];
	s29 =	sshra.s32 s30, $0x2;
	s30 =	sadd.s32 $0x200, s30  }
0x13f: {  	v13 =	vld [tilespmem:s29+$0x70]  }
0x140: {  	v14 =	vld [tilespmem:s29+$0x0]  }
0x141: {  	v15 =	vld [tilespmem:s29+$0x10]  }
0x142: {  	v16 =	vld [tilespmem:s29+$0x20]  }
0x143: {  	v17 =	vld [tilespmem:s29+$0x30]  }
0x144: {  	v18 =	vld [tilespmem:s29+$0x40]  }
0x145: {  	v19 =	vld [tilespmem:s29+$0x50]  }
0x146: {  	v20 =	vld [tilespmem:s29+$0x60];
	s29 =	simm.s32 $0x0;
	s30 =	rddreg [dreg:$0xd]  }
0x147: {  	[tilespmem:s29], [sflag:$0x1] =	stream.strided.gather [hbm4b:s30+s21], $0x3E80, s22, s21, $0x38;
	[tilespmem:$0x7D80] =	vst v63  }
0x148: {  	_ =	swait.ge [sflag:s25], $0x3E80  }
0x149: {  	[sflag:s25] =	ssyncset.done $0x0  }
0x14a: {  	s31 =	simm.s32 $0x0;
	[sflag:s25] =	ssyncadd.s32 $0xFFFFC180  }
0x14b: {  	v0 =	vadd.f32 v8, v0;
	v1 =	vadd.f32 v9, v1;
	v21 =	vld [tilespmem:s31+$0x3EF0]  }
0x14c: {  	v2 =	vadd.f32 v10, v2;
	v3 =	vadd.f32 v11, v3;
	v22 =	vld [tilespmem:s31+$0x3E80]  }
0x14d: {  	v4 =	vadd.f32 v12, v4;
	v5 =	vadd.f32 v13, v5;
	v12 =	vld [tilespmem:s31+$0x3E90]  }
0x14e: {  	v6 =	vadd.f32 v14, v6;
	v7 =	vadd.f32 v15, v7;
	v8 =	vld [tilespmem:s31+$0x3EA0]  }
0x14f: {  	v0 =	vadd.f32 v16, v0;
	v1 =	vadd.f32 v17, v1;
	v9 =	vld [tilespmem:s31+$0x3EB0]  }
0x150: {  	v2 =	vadd.f32 v18, v2;
	v3 =	vadd.f32 v19, v3;
	v10 =	vld [tilespmem:s31+$0x3EC0]  }
0x151: {  	v11 =	vld [tilespmem:s31+$0x3ED0];
	v4 =	vadd.f32 v20, v4;
	v5 =	vadd.f32 v21, v5  }
0x152: {  	s29 =	simm.s32 $0x80;
	s30 =	simm.s32 $0x400;
	v6 =	vadd.f32 v22, v6;
	v7 =	vadd.f32 v12, v7;
	v12 =	vld [tilespmem:s31+$0x3EE0]  }
.LBB2_20:
0x153: {  	p0 =	sne.s32 s30, $0xF800;
	v13 =	vld [tilespmem:s29+$0x3EF0];
	v0 =	vadd.f32 v8, v0  }
0x154: {  	v14 =	vld [tilespmem:s29+$0x3E80];
	v1 =	vadd.f32 v9, v1  }
0x155: {  	v15 =	vld [tilespmem:s29+$0x3E90];
	v2 =	vadd.f32 v10, v2  }
.Ltmp9:
0x156: {  	v8 =	vld [tilespmem:s29+$0x3EA0];
	v3 =	vadd.f32 v11, v3;
	(pc) =	sbr.rel @p0 .LBB2_20-.Ltmp9, $4  }
0x157: {  	v9 =	vld [tilespmem:s29+$0x3EB0];
	v4 =	vadd.f32 v12, v4  }
0x158: {  	v10 =	vld [tilespmem:s29+$0x3EC0];
	v5 =	vadd.f32 v13, v5  }
0x159: {  	v6 =	vadd.f32 v14, v6;
	v11 =	vld [tilespmem:s29+$0x3ED0]  }
0x15a: {  	v7 =	vadd.f32 v15, v7;
	v12 =	vld [tilespmem:s29+$0x3EE0];
	s29 =	sshra.s32 s30, $0x2;
	s30 =	sadd.s32 $0x200, s30  }
0x15b: {  	v13 =	vld [tilespmem:s29+$0x3EF0]  }
0x15c: {  	v14 =	vld [tilespmem:s29+$0x3E80]  }
0x15d: {  	v15 =	vld [tilespmem:s29+$0x3E90]  }
0x15e: {  	v16 =	vld [tilespmem:s29+$0x3EA0]  }
0x15f: {  	v17 =	vld [tilespmem:s29+$0x3EB0]  }
0x160: {  	v18 =	vld [tilespmem:s29+$0x3EC0]  }
0x161: {  	v19 =	vld [tilespmem:s29+$0x3ED0]  }
0x162: {  	v20 =	vld [tilespmem:s29+$0x3EE0];
	s29 =	rddreg [dreg:$0xe]  }
0x163: {  	[tilespmem:s23], [sflag:$0x2] =	stream.strided.gather [hbm4b:s29+s21], $0x3E80, s22, s21, $0x38;
	[tilespmem:$0x7D80] =	vst v63  }
0x164: {  	_ =	swait.ge [sflag:s24], $0x3E80  }
0x165: {  	[sflag:s24] =	ssyncset.done $0x0  }
0x166: {  	s31 =	simm.s32 $0x0;
	[sflag:s24] =	ssyncadd.s32 $0xFFFFC180  }
0x167: {  	v0 =	vadd.f32 v8, v0;
	v1 =	vadd.f32 v9, v1;
	v21 =	vld [tilespmem:s31+$0x70]  }
0x168: {  	v2 =	vadd.f32 v10, v2;
	v3 =	vadd.f32 v11, v3;
	v22 =	vld [tilespmem:s31+$0x0]  }
0x169: {  	v4 =	vadd.f32 v12, v4;
	v5 =	vadd.f32 v13, v5;
	v12 =	vld [tilespmem:s31+$0x10]  }
0x16a: {  	v6 =	vadd.f32 v14, v6;
	v7 =	vadd.f32 v15, v7;
	v8 =	vld [tilespmem:s31+$0x20]  }
0x16b: {  	v0 =	vadd.f32 v16, v0;
	v1 =	vadd.f32 v17, v1;
	v9 =	vld [tilespmem:s31+$0x30]  }
0x16c: {  	v2 =	vadd.f32 v18, v2;
	v3 =	vadd.f32 v19, v3;
	v10 =	vld [tilespmem:s31+$0x40]  }
0x16d: {  	v11 =	vld [tilespmem:s31+$0x50];
	v4 =	vadd.f32 v20, v4;
	v5 =	vadd.f32 v21, v5  }
0x16e: {  	s30 =	simm.s32 $0x400;
	s29 =	simm.s32 $0x80;
	v6 =	vadd.f32 v22, v6;
	v7 =	vadd.f32 v12, v7;
	v12 =	vld [tilespmem:s31+$0x60]  }
.LBB2_22:
0x16f: {  	p0 =	sne.s32 s30, $0xF800;
	v13 =	vld [tilespmem:s29+$0x70];
	v0 =	vadd.f32 v8, v0  }
0x170: {  	v14 =	vld [tilespmem:s29+$0x0];
	v1 =	vadd.f32 v9, v1  }
0x171: {  	v15 =	vld [tilespmem:s29+$0x10];
	v2 =	vadd.f32 v10, v2  }
.Ltmp10:
0x172: {  	v8 =	vld [tilespmem:s29+$0x20];
	v3 =	vadd.f32 v11, v3;
	(pc) =	sbr.rel @p0 .LBB2_22-.Ltmp10, $4  }
0x173: {  	v9 =	vld [tilespmem:s29+$0x30];
	v4 =	vadd.f32 v12, v4  }
0x174: {  	v10 =	vld [tilespmem:s29+$0x40];
	v5 =	vadd.f32 v13, v5  }
0x175: {  	v6 =	vadd.f32 v14, v6;
	v11 =	vld [tilespmem:s29+$0x50]  }
0x176: {  	v7 =	vadd.f32 v15, v7;
	v12 =	vld [tilespmem:s29+$0x60];
	s29 =	sshra.s32 s30, $0x2;
	s30 =	sadd.s32 $0x200, s30  }
0x177: {  	v13 =	vld [tilespmem:s29+$0x70]  }
0x178: {  	v14 =	vld [tilespmem:s29+$0x0]  }
0x179: {  	v15 =	vld [tilespmem:s29+$0x10]  }
0x17a: {  	v16 =	vld [tilespmem:s29+$0x20]  }
0x17b: {  	v17 =	vld [tilespmem:s29+$0x30]  }
0x17c: {  	v18 =	vld [tilespmem:s29+$0x40]  }
0x17d: {  	v19 =	vld [tilespmem:s29+$0x50]  }
0x17e: {  	v20 =	vld [tilespmem:s29+$0x60];
	s29 =	simm.s32 $0x0;
	s30 =	rddreg [dreg:$0xf]  }
0x17f: {  	[tilespmem:s29], [sflag:$0x1] =	stream.strided.gather [hbm4b:s30+s21], $0x3E80, s22, s21, $0x38;
	[tilespmem:$0x7D80] =	vst v63  }
0x180: {  	_ =	swait.ge [sflag:s25], $0x3E80  }
0x181: {  	[sflag:s25] =	ssyncset.done $0x0  }
0x182: {  	s31 =	simm.s32 $0x0;
	[sflag:s25] =	ssyncadd.s32 $0xFFFFC180  }
0x183: {  	v0 =	vadd.f32 v8, v0;
	v1 =	vadd.f32 v9, v1;
	v21 =	vld [tilespmem:s31+$0x3EF0]  }
0x184: {  	v2 =	vadd.f32 v10, v2;
	v3 =	vadd.f32 v11, v3;
	v22 =	vld [tilespmem:s31+$0x3E80]  }
0x185: {  	v4 =	vadd.f32 v12, v4;
	v5 =	vadd.f32 v13, v5;
	v12 =	vld [tilespmem:s31+$0x3E90]  }
0x186: {  	v6 =	vadd.f32 v14, v6;
	v7 =	vadd.f32 v15, v7;
	v8 =	vld [tilespmem:s31+$0x3EA0]  }
0x187: {  	v0 =	vadd.f32 v16, v0;
	v1 =	vadd.f32 v17, v1;
	v9 =	vld [tilespmem:s31+$0x3EB0]  }
0x188: {  	v2 =	vadd.f32 v18, v2;
	v3 =	vadd.f32 v19, v3;
	v10 =	vld [tilespmem:s31+$0x3EC0]  }
0x189: {  	v11 =	vld [tilespmem:s31+$0x3ED0];
	v4 =	vadd.f32 v20, v4;
	v5 =	vadd.f32 v21, v5  }
0x18a: {  	s29 =	simm.s32 $0x80;
	s30 =	simm.s32 $0x400;
	v6 =	vadd.f32 v22, v6;
	v7 =	vadd.f32 v12, v7;
	v12 =	vld [tilespmem:s31+$0x3EE0]  }
.LBB2_24:
0x18b: {  	p0 =	sne.s32 s30, $0xF800;
	v13 =	vld [tilespmem:s29+$0x3EF0];
	v0 =	vadd.f32 v8, v0  }
0x18c: {  	v14 =	vld [tilespmem:s29+$0x3E80];
	v1 =	vadd.f32 v9, v1  }
0x18d: {  	v15 =	vld [tilespmem:s29+$0x3E90];
	v2 =	vadd.f32 v10, v2  }
.Ltmp11:
0x18e: {  	v8 =	vld [tilespmem:s29+$0x3EA0];
	v3 =	vadd.f32 v11, v3;
	(pc) =	sbr.rel @p0 .LBB2_24-.Ltmp11, $4  }
0x18f: {  	v9 =	vld [tilespmem:s29+$0x3EB0];
	v4 =	vadd.f32 v12, v4  }
0x190: {  	v10 =	vld [tilespmem:s29+$0x3EC0];
	v5 =	vadd.f32 v13, v5  }
0x191: {  	v6 =	vadd.f32 v14, v6;
	v11 =	vld [tilespmem:s29+$0x3ED0]  }
0x192: {  	v7 =	vadd.f32 v15, v7;
	v12 =	vld [tilespmem:s29+$0x3EE0];
	s29 =	sshra.s32 s30, $0x2;
	s30 =	sadd.s32 $0x200, s30  }
0x193: {  	v13 =	vld [tilespmem:s29+$0x3EF0]  }
0x194: {  	v14 =	vld [tilespmem:s29+$0x3E80]  }
0x195: {  	v15 =	vld [tilespmem:s29+$0x3E90]  }
0x196: {  	v16 =	vld [tilespmem:s29+$0x3EA0]  }
0x197: {  	v17 =	vld [tilespmem:s29+$0x3EB0]  }
0x198: {  	v18 =	vld [tilespmem:s29+$0x3EC0]  }
0x199: {  	v19 =	vld [tilespmem:s29+$0x3ED0]  }
0x19a: {  	v20 =	vld [tilespmem:s29+$0x3EE0];
	s29 =	rddreg [dreg:$0x10]  }
0x19b: {  	[tilespmem:s23], [sflag:$0x2] =	stream.strided.gather [hbm4b:s29+s21], $0x3E80, s22, s21, $0x38;
	[tilespmem:$0x7D80] =	vst v63  }
0x19c: {  	_ =	swait.ge [sflag:s24], $0x3E80  }
0x19d: {  	[sflag:s24] =	ssyncset.done $0x0  }
0x19e: {  	s31 =	simm.s32 $0x0;
	[sflag:s24] =	ssyncadd.s32 $0xFFFFC180  }
0x19f: {  	v0 =	vadd.f32 v8, v0;
	v1 =	vadd.f32 v9, v1;
	v21 =	vld [tilespmem:s31+$0x70]  }
0x1a0: {  	v2 =	vadd.f32 v10, v2;
	v3 =	vadd.f32 v11, v3;
	v22 =	vld [tilespmem:s31+$0x0]  }
0x1a1: {  	v4 =	vadd.f32 v12, v4;
	v5 =	vadd.f32 v13, v5;
	v12 =	vld [tilespmem:s31+$0x10]  }
0x1a2: {  	v6 =	vadd.f32 v14, v6;
	v7 =	vadd.f32 v15, v7;
	v8 =	vld [tilespmem:s31+$0x20]  }
0x1a3: {  	v0 =	vadd.f32 v16, v0;
	v1 =	vadd.f32 v17, v1;
	v9 =	vld [tilespmem:s31+$0x30]  }
0x1a4: {  	v2 =	vadd.f32 v18, v2;
	v3 =	vadd.f32 v19, v3;
	v10 =	vld [tilespmem:s31+$0x40]  }
0x1a5: {  	v11 =	vld [tilespmem:s31+$0x50];
	v4 =	vadd.f32 v20, v4;
	v5 =	vadd.f32 v21, v5  }
0x1a6: {  	s30 =	simm.s32 $0x400;
	s29 =	simm.s32 $0x80;
	v6 =	vadd.f32 v22, v6;
	v7 =	vadd.f32 v12, v7;
	v12 =	vld [tilespmem:s31+$0x60]  }
.LBB2_26:
0x1a7: {  	p0 =	sne.s32 s30, $0xF800;
	v13 =	vld [tilespmem:s29+$0x70];
	v0 =	vadd.f32 v8, v0  }
0x1a8: {  	v14 =	vld [tilespmem:s29+$0x0];
	v1 =	vadd.f32 v9, v1  }
0x1a9: {  	v15 =	vld [tilespmem:s29+$0x10];
	v2 =	vadd.f32 v10, v2  }
.Ltmp12:
0x1aa: {  	v8 =	vld [tilespmem:s29+$0x20];
	v3 =	vadd.f32 v11, v3;
	(pc) =	sbr.rel @p0 .LBB2_26-.Ltmp12, $4  }
0x1ab: {  	v9 =	vld [tilespmem:s29+$0x30];
	v4 =	vadd.f32 v12, v4  }
0x1ac: {  	v10 =	vld [tilespmem:s29+$0x40];
	v5 =	vadd.f32 v13, v5  }
0x1ad: {  	v6 =	vadd.f32 v14, v6;
	v11 =	vld [tilespmem:s29+$0x50]  }
0x1ae: {  	v7 =	vadd.f32 v15, v7;
	v12 =	vld [tilespmem:s29+$0x60];
	s29 =	sshra.s32 s30, $0x2;
	s30 =	sadd.s32 $0x200, s30  }
0x1af: {  	v13 =	vld [tilespmem:s29+$0x70]  }
0x1b0: {  	v14 =	vld [tilespmem:s29+$0x0]  }
0x1b1: {  	v15 =	vld [tilespmem:s29+$0x10]  }
0x1b2: {  	v16 =	vld [tilespmem:s29+$0x20]  }
0x1b3: {  	v17 =	vld [tilespmem:s29+$0x30]  }
0x1b4: {  	v18 =	vld [tilespmem:s29+$0x40]  }
0x1b5: {  	v19 =	vld [tilespmem:s29+$0x50]  }
0x1b6: {  	v20 =	vld [tilespmem:s29+$0x60];
	s29 =	simm.s32 $0x0;
	s30 =	rddreg [dreg:$0x11]  }
0x1b7: {  	[tilespmem:s29], [sflag:$0x1] =	stream.strided.gather [hbm4b:s30+s21], $0x3E80, s22, s21, $0x38;
	[tilespmem:$0x7D80] =	vst v63  }
0x1b8: {  	_ =	swait.ge [sflag:s25], $0x3E80  }
0x1b9: {  	[sflag:s25] =	ssyncset.done $0x0  }
0x1ba: {  	s31 =	simm.s32 $0x0;
	[sflag:s25] =	ssyncadd.s32 $0xFFFFC180  }
0x1bb: {  	v0 =	vadd.f32 v8, v0;
	v1 =	vadd.f32 v9, v1;
	v21 =	vld [tilespmem:s31+$0x3EF0]  }
0x1bc: {  	v2 =	vadd.f32 v10, v2;
	v3 =	vadd.f32 v11, v3;
	v22 =	vld [tilespmem:s31+$0x3E80]  }
0x1bd: {  	v4 =	vadd.f32 v12, v4;
	v5 =	vadd.f32 v13, v5;
	v12 =	vld [tilespmem:s31+$0x3E90]  }
0x1be: {  	v6 =	vadd.f32 v14, v6;
	v7 =	vadd.f32 v15, v7;
	v8 =	vld [tilespmem:s31+$0x3EA0]  }
0x1bf: {  	v0 =	vadd.f32 v16, v0;
	v1 =	vadd.f32 v17, v1;
	v9 =	vld [tilespmem:s31+$0x3EB0]  }
0x1c0: {  	v2 =	vadd.f32 v18, v2;
	v3 =	vadd.f32 v19, v3;
	v10 =	vld [tilespmem:s31+$0x3EC0]  }
0x1c1: {  	v11 =	vld [tilespmem:s31+$0x3ED0];
	v4 =	vadd.f32 v20, v4;
	v5 =	vadd.f32 v21, v5  }
0x1c2: {  	s29 =	simm.s32 $0x80;
	s30 =	simm.s32 $0x400;
	v6 =	vadd.f32 v22, v6;
	v7 =	vadd.f32 v12, v7;
	v12 =	vld [tilespmem:s31+$0x3EE0]  }
.LBB2_28:
0x1c3: {  	p0 =	sne.s32 s30, $0xF800;
	v13 =	vld [tilespmem:s29+$0x3EF0];
	v0 =	vadd.f32 v8, v0  }
0x1c4: {  	v14 =	vld [tilespmem:s29+$0x3E80];
	v1 =	vadd.f32 v9, v1  }
0x1c5: {  	v15 =	vld [tilespmem:s29+$0x3E90];
	v2 =	vadd.f32 v10, v2  }
.Ltmp13:
0x1c6: {  	v8 =	vld [tilespmem:s29+$0x3EA0];
	v3 =	vadd.f32 v11, v3;
	(pc) =	sbr.rel @p0 .LBB2_28-.Ltmp13, $4  }
0x1c7: {  	v9 =	vld [tilespmem:s29+$0x3EB0];
	v4 =	vadd.f32 v12, v4  }
0x1c8: {  	v10 =	vld [tilespmem:s29+$0x3EC0];
	v5 =	vadd.f32 v13, v5  }
0x1c9: {  	v6 =	vadd.f32 v14, v6;
	v11 =	vld [tilespmem:s29+$0x3ED0]  }
0x1ca: {  	v7 =	vadd.f32 v15, v7;
	v12 =	vld [tilespmem:s29+$0x3EE0];
	s29 =	sshra.s32 s30, $0x2;
	s30 =	sadd.s32 $0x200, s30  }
0x1cb: {  	v13 =	vld [tilespmem:s29+$0x3EF0]  }
0x1cc: {  	v14 =	vld [tilespmem:s29+$0x3E80]  }
0x1cd: {  	v15 =	vld [tilespmem:s29+$0x3E90]  }
0x1ce: {  	v16 =	vld [tilespmem:s29+$0x3EA0]  }
0x1cf: {  	v17 =	vld [tilespmem:s29+$0x3EB0]  }
0x1d0: {  	v18 =	vld [tilespmem:s29+$0x3EC0]  }
0x1d1: {  	v19 =	vld [tilespmem:s29+$0x3ED0]  }
0x1d2: {  	v20 =	vld [tilespmem:s29+$0x3EE0];
	s29 =	rddreg [dreg:$0x12]  }
0x1d3: {  	[tilespmem:s23], [sflag:$0x2] =	stream.strided.gather [hbm4b:s29+s21], $0x3E80, s22, s21, $0x38;
	[tilespmem:$0x7D80] =	vst v63  }
0x1d4: {  	_ =	swait.ge [sflag:s24], $0x3E80  }
0x1d5: {  	[sflag:s24] =	ssyncset.done $0x0  }
0x1d6: {  	s31 =	simm.s32 $0x0;
	[sflag:s24] =	ssyncadd.s32 $0xFFFFC180  }
0x1d7: {  	v0 =	vadd.f32 v8, v0;
	v1 =	vadd.f32 v9, v1;
	v21 =	vld [tilespmem:s31+$0x70]  }
0x1d8: {  	v2 =	vadd.f32 v10, v2;
	v3 =	vadd.f32 v11, v3;
	v22 =	vld [tilespmem:s31+$0x0]  }
0x1d9: {  	v4 =	vadd.f32 v12, v4;
	v5 =	vadd.f32 v13, v5;
	v12 =	vld [tilespmem:s31+$0x10]  }
0x1da: {  	v6 =	vadd.f32 v14, v6;
	v7 =	vadd.f32 v15, v7;
	v8 =	vld [tilespmem:s31+$0x20]  }
0x1db: {  	v0 =	vadd.f32 v16, v0;
	v1 =	vadd.f32 v17, v1;
	v9 =	vld [tilespmem:s31+$0x30]  }
0x1dc: {  	v2 =	vadd.f32 v18, v2;
	v3 =	vadd.f32 v19, v3;
	v10 =	vld [tilespmem:s31+$0x40]  }
0x1dd: {  	v11 =	vld [tilespmem:s31+$0x50];
	v4 =	vadd.f32 v20, v4;
	v5 =	vadd.f32 v21, v5  }
0x1de: {  	s30 =	simm.s32 $0x400;
	s29 =	simm.s32 $0x80;
	v6 =	vadd.f32 v22, v6;
	v7 =	vadd.f32 v12, v7;
	v12 =	vld [tilespmem:s31+$0x60]  }
.LBB2_30:
0x1df: {  	p0 =	sne.s32 s30, $0xF800;
	v13 =	vld [tilespmem:s29+$0x70];
	v0 =	vadd.f32 v8, v0  }
0x1e0: {  	v14 =	vld [tilespmem:s29+$0x0];
	v1 =	vadd.f32 v9, v1  }
0x1e1: {  	v15 =	vld [tilespmem:s29+$0x10];
	v2 =	vadd.f32 v10, v2  }
.Ltmp14:
0x1e2: {  	v8 =	vld [tilespmem:s29+$0x20];
	v3 =	vadd.f32 v11, v3;
	(pc) =	sbr.rel @p0 .LBB2_30-.Ltmp14, $4  }
0x1e3: {  	v9 =	vld [tilespmem:s29+$0x30];
	v4 =	vadd.f32 v12, v4  }
0x1e4: {  	v10 =	vld [tilespmem:s29+$0x40];
	v5 =	vadd.f32 v13, v5  }
0x1e5: {  	v6 =	vadd.f32 v14, v6;
	v11 =	vld [tilespmem:s29+$0x50]  }
0x1e6: {  	v7 =	vadd.f32 v15, v7;
	v12 =	vld [tilespmem:s29+$0x60];
	s29 =	sshra.s32 s30, $0x2;
	s30 =	sadd.s32 $0x200, s30  }
0x1e7: {  	v13 =	vld [tilespmem:s29+$0x70]  }
0x1e8: {  	v14 =	vld [tilespmem:s29+$0x0]  }
0x1e9: {  	v15 =	vld [tilespmem:s29+$0x10]  }
0x1ea: {  	v16 =	vld [tilespmem:s29+$0x20]  }
0x1eb: {  	v17 =	vld [tilespmem:s29+$0x30]  }
0x1ec: {  	v18 =	vld [tilespmem:s29+$0x40]  }
0x1ed: {  	v19 =	vld [tilespmem:s29+$0x50]  }
0x1ee: {  	v20 =	vld [tilespmem:s29+$0x60];
	s29 =	simm.s32 $0x0;
	s30 =	rddreg [dreg:$0x13]  }
0x1ef: {  	[tilespmem:s29], [sflag:$0x1] =	stream.strided.gather [hbm4b:s30+s21], $0x3E80, s22, s21, $0x38;
	[tilespmem:$0x7D80] =	vst v63  }
0x1f0: {  	_ =	swait.ge [sflag:s25], $0x3E80  }
0x1f1: {  	[sflag:s25] =	ssyncset.done $0x0  }
0x1f2: {  	s31 =	simm.s32 $0x0;
	[sflag:s25] =	ssyncadd.s32 $0xFFFFC180  }
0x1f3: {  	v0 =	vadd.f32 v8, v0;
	v1 =	vadd.f32 v9, v1;
	v21 =	vld [tilespmem:s31+$0x3EF0]  }
0x1f4: {  	v2 =	vadd.f32 v10, v2;
	v3 =	vadd.f32 v11, v3;
	v22 =	vld [tilespmem:s31+$0x3E80]  }
0x1f5: {  	v4 =	vadd.f32 v12, v4;
	v5 =	vadd.f32 v13, v5;
	v12 =	vld [tilespmem:s31+$0x3E90]  }
0x1f6: {  	v6 =	vadd.f32 v14, v6;
	v7 =	vadd.f32 v15, v7;
	v8 =	vld [tilespmem:s31+$0x3EA0]  }
0x1f7: {  	v0 =	vadd.f32 v16, v0;
	v1 =	vadd.f32 v17, v1;
	v9 =	vld [tilespmem:s31+$0x3EB0]  }
0x1f8: {  	v2 =	vadd.f32 v18, v2;
	v3 =	vadd.f32 v19, v3;
	v10 =	vld [tilespmem:s31+$0x3EC0]  }
0x1f9: {  	v11 =	vld [tilespmem:s31+$0x3ED0];
	v4 =	vadd.f32 v20, v4;
	v5 =	vadd.f32 v21, v5  }
0x1fa: {  	s29 =	simm.s32 $0x80;
	s30 =	simm.s32 $0x400;
	v6 =	vadd.f32 v22, v6;
	v7 =	vadd.f32 v12, v7;
	v12 =	vld [tilespmem:s31+$0x3EE0]  }
.LBB2_32:
0x1fb: {  	p0 =	sne.s32 s30, $0xF800;
	v13 =	vld [tilespmem:s29+$0x3EF0];
	v0 =	vadd.f32 v8, v0  }
0x1fc: {  	v14 =	vld [tilespmem:s29+$0x3E80];
	v1 =	vadd.f32 v9, v1  }
0x1fd: {  	v15 =	vld [tilespmem:s29+$0x3E90];
	v2 =	vadd.f32 v10, v2  }
.Ltmp15:
0x1fe: {  	v8 =	vld [tilespmem:s29+$0x3EA0];
	v3 =	vadd.f32 v11, v3;
	(pc) =	sbr.rel @p0 .LBB2_32-.Ltmp15, $4  }
0x1ff: {  	v9 =	vld [tilespmem:s29+$0x3EB0];
	v4 =	vadd.f32 v12, v4  }
0x200: {  	v10 =	vld [tilespmem:s29+$0x3EC0];
	v5 =	vadd.f32 v13, v5  }
0x201: {  	v6 =	vadd.f32 v14, v6;
	v11 =	vld [tilespmem:s29+$0x3ED0]  }
0x202: {  	v7 =	vadd.f32 v15, v7;
	v12 =	vld [tilespmem:s29+$0x3EE0];
	s29 =	sshra.s32 s30, $0x2;
	s30 =	sadd.s32 $0x200, s30  }
0x203: {  	v13 =	vld [tilespmem:s29+$0x3EF0]  }
0x204: {  	v14 =	vld [tilespmem:s29+$0x3E80]  }
0x205: {  	v15 =	vld [tilespmem:s29+$0x3E90]  }
0x206: {  	v16 =	vld [tilespmem:s29+$0x3EA0]  }
0x207: {  	v17 =	vld [tilespmem:s29+$0x3EB0]  }
0x208: {  	v18 =	vld [tilespmem:s29+$0x3EC0]  }
0x209: {  	v19 =	vld [tilespmem:s29+$0x3ED0]  }
0x20a: {  	v20 =	vld [tilespmem:s29+$0x3EE0];
	s29 =	rddreg [dreg:$0x14]  }
0x20b: {  	[tilespmem:s23], [sflag:$0x2] =	stream.strided.gather [hbm4b:s29+s21], $0x3E80, s22, s21, $0x38;
	[tilespmem:$0x7D80] =	vst v63  }
0x20c: {  	_ =	swait.ge [sflag:s24], $0x3E80  }
0x20d: {  	[sflag:s24] =	ssyncset.done $0x0  }
0x20e: {  	s31 =	simm.s32 $0x0;
	[sflag:s24] =	ssyncadd.s32 $0xFFFFC180  }
0x20f: {  	v0 =	vadd.f32 v8, v0;
	v1 =	vadd.f32 v9, v1;
	v21 =	vld [tilespmem:s31+$0x70]  }
0x210: {  	v2 =	vadd.f32 v10, v2;
	v3 =	vadd.f32 v11, v3;
	v22 =	vld [tilespmem:s31+$0x0]  }
0x211: {  	v4 =	vadd.f32 v12, v4;
	v5 =	vadd.f32 v13, v5;
	v12 =	vld [tilespmem:s31+$0x10]  }
0x212: {  	v6 =	vadd.f32 v14, v6;
	v7 =	vadd.f32 v15, v7;
	v8 =	vld [tilespmem:s31+$0x20]  }
0x213: {  	v0 =	vadd.f32 v16, v0;
	v1 =	vadd.f32 v17, v1;
	v9 =	vld [tilespmem:s31+$0x30]  }
0x214: {  	v2 =	vadd.f32 v18, v2;
	v3 =	vadd.f32 v19, v3;
	v10 =	vld [tilespmem:s31+$0x40]  }
0x215: {  	v11 =	vld [tilespmem:s31+$0x50];
	v4 =	vadd.f32 v20, v4;
	v5 =	vadd.f32 v21, v5  }
0x216: {  	s30 =	simm.s32 $0x400;
	s29 =	simm.s32 $0x80;
	v6 =	vadd.f32 v22, v6;
	v7 =	vadd.f32 v12, v7;
	v12 =	vld [tilespmem:s31+$0x60]  }
.LBB2_34:
0x217: {  	p0 =	sne.s32 s30, $0xF800;
	v13 =	vld [tilespmem:s29+$0x70];
	v0 =	vadd.f32 v8, v0  }
0x218: {  	v14 =	vld [tilespmem:s29+$0x0];
	v1 =	vadd.f32 v9, v1  }
0x219: {  	v15 =	vld [tilespmem:s29+$0x10];
	v2 =	vadd.f32 v10, v2  }
.Ltmp16:
0x21a: {  	v8 =	vld [tilespmem:s29+$0x20];
	v3 =	vadd.f32 v11, v3;
	(pc) =	sbr.rel @p0 .LBB2_34-.Ltmp16, $4  }
0x21b: {  	v9 =	vld [tilespmem:s29+$0x30];
	v4 =	vadd.f32 v12, v4  }
0x21c: {  	v10 =	vld [tilespmem:s29+$0x40];
	v5 =	vadd.f32 v13, v5  }
0x21d: {  	v6 =	vadd.f32 v14, v6;
	v11 =	vld [tilespmem:s29+$0x50]  }
0x21e: {  	v7 =	vadd.f32 v15, v7;
	v12 =	vld [tilespmem:s29+$0x60];
	s29 =	sshra.s32 s30, $0x2;
	s30 =	sadd.s32 $0x200, s30  }
0x21f: {  	v13 =	vld [tilespmem:s29+$0x70]  }
0x220: {  	v14 =	vld [tilespmem:s29+$0x0]  }
0x221: {  	v15 =	vld [tilespmem:s29+$0x10]  }
0x222: {  	v16 =	vld [tilespmem:s29+$0x20]  }
0x223: {  	v17 =	vld [tilespmem:s29+$0x30]  }
0x224: {  	v18 =	vld [tilespmem:s29+$0x40]  }
0x225: {  	v19 =	vld [tilespmem:s29+$0x50]  }
0x226: {  	v20 =	vld [tilespmem:s29+$0x60];
	s29 =	simm.s32 $0x0;
	s30 =	rddreg [dreg:$0x15]  }
0x227: {  	[tilespmem:s29], [sflag:$0x1] =	stream.strided.gather [hbm4b:s30+s21], $0x3E80, s22, s21, $0x38;
	[tilespmem:$0x7D80] =	vst v63  }
0x228: {  	_ =	swait.ge [sflag:s25], $0x3E80  }
0x229: {  	[sflag:s25] =	ssyncset.done $0x0  }
0x22a: {  	s31 =	simm.s32 $0x0;
	[sflag:s25] =	ssyncadd.s32 $0xFFFFC180  }
0x22b: {  	v0 =	vadd.f32 v8, v0;
	v1 =	vadd.f32 v9, v1;
	v21 =	vld [tilespmem:s31+$0x3EF0]  }
0x22c: {  	v2 =	vadd.f32 v10, v2;
	v3 =	vadd.f32 v11, v3;
	v22 =	vld [tilespmem:s31+$0x3E80]  }
0x22d: {  	v4 =	vadd.f32 v12, v4;
	v5 =	vadd.f32 v13, v5;
	v12 =	vld [tilespmem:s31+$0x3E90]  }
0x22e: {  	v6 =	vadd.f32 v14, v6;
	v7 =	vadd.f32 v15, v7;
	v8 =	vld [tilespmem:s31+$0x3EA0]  }
0x22f: {  	v0 =	vadd.f32 v16, v0;
	v1 =	vadd.f32 v17, v1;
	v9 =	vld [tilespmem:s31+$0x3EB0]  }
0x230: {  	v2 =	vadd.f32 v18, v2;
	v3 =	vadd.f32 v19, v3;
	v10 =	vld [tilespmem:s31+$0x3EC0]  }
0x231: {  	v11 =	vld [tilespmem:s31+$0x3ED0];
	v4 =	vadd.f32 v20, v4;
	v5 =	vadd.f32 v21, v5  }
0x232: {  	s29 =	simm.s32 $0x80;
	s30 =	simm.s32 $0x400;
	v6 =	vadd.f32 v22, v6;
	v7 =	vadd.f32 v12, v7;
	v12 =	vld [tilespmem:s31+$0x3EE0]  }
.LBB2_36:
0x233: {  	p0 =	sne.s32 s30, $0xF800;
	v13 =	vld [tilespmem:s29+$0x3EF0];
	v0 =	vadd.f32 v8, v0  }
0x234: {  	v14 =	vld [tilespmem:s29+$0x3E80];
	v1 =	vadd.f32 v9, v1  }
0x235: {  	v15 =	vld [tilespmem:s29+$0x3E90];
	v2 =	vadd.f32 v10, v2  }
.Ltmp17:
0x236: {  	v8 =	vld [tilespmem:s29+$0x3EA0];
	v3 =	vadd.f32 v11, v3;
	(pc) =	sbr.rel @p0 .LBB2_36-.Ltmp17, $4  }
0x237: {  	v9 =	vld [tilespmem:s29+$0x3EB0];
	v4 =	vadd.f32 v12, v4  }
0x238: {  	v10 =	vld [tilespmem:s29+$0x3EC0];
	v5 =	vadd.f32 v13, v5  }
0x239: {  	v6 =	vadd.f32 v14, v6;
	v11 =	vld [tilespmem:s29+$0x3ED0]  }
0x23a: {  	v7 =	vadd.f32 v15, v7;
	v12 =	vld [tilespmem:s29+$0x3EE0];
	s29 =	sshra.s32 s30, $0x2;
	s30 =	sadd.s32 $0x200, s30  }
0x23b: {  	v13 =	vld [tilespmem:s29+$0x3EF0]  }
0x23c: {  	v14 =	vld [tilespmem:s29+$0x3E80]  }
0x23d: {  	v15 =	vld [tilespmem:s29+$0x3E90]  }
0x23e: {  	v16 =	vld [tilespmem:s29+$0x3EA0]  }
0x23f: {  	v17 =	vld [tilespmem:s29+$0x3EB0]  }
0x240: {  	v18 =	vld [tilespmem:s29+$0x3EC0]  }
0x241: {  	v19 =	vld [tilespmem:s29+$0x3ED0]  }
0x242: {  	v20 =	vld [tilespmem:s29+$0x3EE0];
	s29 =	rddreg [dreg:$0x16]  }
0x243: {  	[tilespmem:s23], [sflag:$0x2] =	stream.strided.gather [hbm4b:s29+s21], $0x3E80, s22, s21, $0x38;
	[tilespmem:$0x7D80] =	vst v63  }
0x244: {  	_ =	swait.ge [sflag:s24], $0x3E80  }
0x245: {  	[sflag:s24] =	ssyncset.done $0x0  }
0x246: {  	s31 =	simm.s32 $0x0;
	[sflag:s24] =	ssyncadd.s32 $0xFFFFC180  }
0x247: {  	v0 =	vadd.f32 v8, v0;
	v1 =	vadd.f32 v9, v1;
	v21 =	vld [tilespmem:s31+$0x70]  }
0x248: {  	v2 =	vadd.f32 v10, v2;
	v3 =	vadd.f32 v11, v3;
	v22 =	vld [tilespmem:s31+$0x0]  }
0x249: {  	v4 =	vadd.f32 v12, v4;
	v5 =	vadd.f32 v13, v5;
	v12 =	vld [tilespmem:s31+$0x10]  }
0x24a: {  	v6 =	vadd.f32 v14, v6;
	v7 =	vadd.f32 v15, v7;
	v8 =	vld [tilespmem:s31+$0x20]  }
0x24b: {  	v0 =	vadd.f32 v16, v0;
	v1 =	vadd.f32 v17, v1;
	v9 =	vld [tilespmem:s31+$0x30]  }
0x24c: {  	v2 =	vadd.f32 v18, v2;
	v3 =	vadd.f32 v19, v3;
	v10 =	vld [tilespmem:s31+$0x40]  }
0x24d: {  	v11 =	vld [tilespmem:s31+$0x50];
	v4 =	vadd.f32 v20, v4;
	v5 =	vadd.f32 v21, v5  }
0x24e: {  	s30 =	simm.s32 $0x400;
	s29 =	simm.s32 $0x80;
	v6 =	vadd.f32 v22, v6;
	v7 =	vadd.f32 v12, v7;
	v12 =	vld [tilespmem:s31+$0x60]  }
.LBB2_38:
0x24f: {  	p0 =	sne.s32 s30, $0xF800;
	v13 =	vld [tilespmem:s29+$0x70];
	v0 =	vadd.f32 v8, v0  }
0x250: {  	v14 =	vld [tilespmem:s29+$0x0];
	v1 =	vadd.f32 v9, v1  }
0x251: {  	v15 =	vld [tilespmem:s29+$0x10];
	v2 =	vadd.f32 v10, v2  }
.Ltmp18:
0x252: {  	v8 =	vld [tilespmem:s29+$0x20];
	v3 =	vadd.f32 v11, v3;
	(pc) =	sbr.rel @p0 .LBB2_38-.Ltmp18, $4  }
0x253: {  	v9 =	vld [tilespmem:s29+$0x30];
	v4 =	vadd.f32 v12, v4  }
0x254: {  	v10 =	vld [tilespmem:s29+$0x40];
	v5 =	vadd.f32 v13, v5  }
0x255: {  	v6 =	vadd.f32 v14, v6;
	v11 =	vld [tilespmem:s29+$0x50]  }
0x256: {  	v7 =	vadd.f32 v15, v7;
	v12 =	vld [tilespmem:s29+$0x60];
	s29 =	sshra.s32 s30, $0x2;
	s30 =	sadd.s32 $0x200, s30  }
0x257: {  	v13 =	vld [tilespmem:s29+$0x70]  }
0x258: {  	v14 =	vld [tilespmem:s29+$0x0]  }
0x259: {  	v15 =	vld [tilespmem:s29+$0x10]  }
0x25a: {  	v16 =	vld [tilespmem:s29+$0x20]  }
0x25b: {  	v17 =	vld [tilespmem:s29+$0x30]  }
0x25c: {  	v18 =	vld [tilespmem:s29+$0x40]  }
0x25d: {  	v19 =	vld [tilespmem:s29+$0x50]  }
0x25e: {  	v20 =	vld [tilespmem:s29+$0x60];
	s29 =	simm.s32 $0x0;
	s30 =	rddreg [dreg:$0x17]  }
0x25f: {  	[tilespmem:s29], [sflag:$0x1] =	stream.strided.gather [hbm4b:s30+s21], $0x3E80, s22, s21, $0x38;
	[tilespmem:$0x7D80] =	vst v63  }
0x260: {  	_ =	swait.ge [sflag:s25], $0x3E80  }
0x261: {  	[sflag:s25] =	ssyncset.done $0x0  }
0x262: {  	s31 =	simm.s32 $0x0;
	[sflag:s25] =	ssyncadd.s32 $0xFFFFC180  }
0x263: {  	v0 =	vadd.f32 v8, v0;
	v1 =	vadd.f32 v9, v1;
	v21 =	vld [tilespmem:s31+$0x3EF0]  }
0x264: {  	v2 =	vadd.f32 v10, v2;
	v3 =	vadd.f32 v11, v3;
	v22 =	vld [tilespmem:s31+$0x3E80]  }
0x265: {  	v4 =	vadd.f32 v12, v4;
	v5 =	vadd.f32 v13, v5;
	v12 =	vld [tilespmem:s31+$0x3E90]  }
0x266: {  	v6 =	vadd.f32 v14, v6;
	v7 =	vadd.f32 v15, v7;
	v8 =	vld [tilespmem:s31+$0x3EA0]  }
0x267: {  	v0 =	vadd.f32 v16, v0;
	v1 =	vadd.f32 v17, v1;
	v9 =	vld [tilespmem:s31+$0x3EB0]  }
0x268: {  	v2 =	vadd.f32 v18, v2;
	v3 =	vadd.f32 v19, v3;
	v10 =	vld [tilespmem:s31+$0x3EC0]  }
0x269: {  	v11 =	vld [tilespmem:s31+$0x3ED0];
	v4 =	vadd.f32 v20, v4;
	v5 =	vadd.f32 v21, v5  }
0x26a: {  	s29 =	simm.s32 $0x80;
	s30 =	simm.s32 $0x400;
	v6 =	vadd.f32 v22, v6;
	v7 =	vadd.f32 v12, v7;
	v12 =	vld [tilespmem:s31+$0x3EE0]  }
.LBB2_40:
0x26b: {  	p0 =	sne.s32 s30, $0xF800;
	v13 =	vld [tilespmem:s29+$0x3EF0];
	v0 =	vadd.f32 v8, v0  }
0x26c: {  	v14 =	vld [tilespmem:s29+$0x3E80];
	v1 =	vadd.f32 v9, v1  }
0x26d: {  	v15 =	vld [tilespmem:s29+$0x3E90];
	v2 =	vadd.f32 v10, v2  }
.Ltmp19:
0x26e: {  	v8 =	vld [tilespmem:s29+$0x3EA0];
	v3 =	vadd.f32 v11, v3;
	(pc) =	sbr.rel @p0 .LBB2_40-.Ltmp19, $4  }
0x26f: {  	v9 =	vld [tilespmem:s29+$0x3EB0];
	v4 =	vadd.f32 v12, v4  }
0x270: {  	v10 =	vld [tilespmem:s29+$0x3EC0];
	v5 =	vadd.f32 v13, v5  }
0x271: {  	v6 =	vadd.f32 v14, v6;
	v11 =	vld [tilespmem:s29+$0x3ED0]  }
0x272: {  	v7 =	vadd.f32 v15, v7;
	v12 =	vld [tilespmem:s29+$0x3EE0];
	s29 =	sshra.s32 s30, $0x2;
	s30 =	sadd.s32 $0x200, s30  }
0x273: {  	v13 =	vld [tilespmem:s29+$0x3EF0]  }
0x274: {  	v14 =	vld [tilespmem:s29+$0x3E80]  }
0x275: {  	v15 =	vld [tilespmem:s29+$0x3E90]  }
0x276: {  	v16 =	vld [tilespmem:s29+$0x3EA0]  }
0x277: {  	v17 =	vld [tilespmem:s29+$0x3EB0]  }
0x278: {  	v18 =	vld [tilespmem:s29+$0x3EC0]  }
0x279: {  	v19 =	vld [tilespmem:s29+$0x3ED0]  }
0x27a: {  	v20 =	vld [tilespmem:s29+$0x3EE0];
	s29 =	rddreg [dreg:$0x18]  }
0x27b: {  	[tilespmem:s23], [sflag:$0x2] =	stream.strided.gather [hbm4b:s29+s21], $0x3E80, s22, s21, $0x38;
	[tilespmem:$0x7D80] =	vst v63  }
0x27c: {  	_ =	swait.ge [sflag:s24], $0x3E80  }
0x27d: {  	[sflag:s24] =	ssyncset.done $0x0  }
0x27e: {  	s31 =	simm.s32 $0x0;
	[sflag:s24] =	ssyncadd.s32 $0xFFFFC180  }
0x27f: {  	v0 =	vadd.f32 v8, v0;
	v1 =	vadd.f32 v9, v1;
	v21 =	vld [tilespmem:s31+$0x70]  }
0x280: {  	v2 =	vadd.f32 v10, v2;
	v3 =	vadd.f32 v11, v3;
	v22 =	vld [tilespmem:s31+$0x0]  }
0x281: {  	v4 =	vadd.f32 v12, v4;
	v5 =	vadd.f32 v13, v5;
	v12 =	vld [tilespmem:s31+$0x10]  }
0x282: {  	v6 =	vadd.f32 v14, v6;
	v7 =	vadd.f32 v15, v7;
	v8 =	vld [tilespmem:s31+$0x20]  }
0x283: {  	v0 =	vadd.f32 v16, v0;
	v1 =	vadd.f32 v17, v1;
	v9 =	vld [tilespmem:s31+$0x30]  }
0x284: {  	v2 =	vadd.f32 v18, v2;
	v3 =	vadd.f32 v19, v3;
	v10 =	vld [tilespmem:s31+$0x40]  }
0x285: {  	v11 =	vld [tilespmem:s31+$0x50];
	v4 =	vadd.f32 v20, v4;
	v5 =	vadd.f32 v21, v5  }
0x286: {  	s30 =	simm.s32 $0x400;
	s29 =	simm.s32 $0x80;
	v6 =	vadd.f32 v22, v6;
	v7 =	vadd.f32 v12, v7;
	v12 =	vld [tilespmem:s31+$0x60]  }
.LBB2_42:
0x287: {  	p0 =	sne.s32 s30, $0xF800;
	v13 =	vld [tilespmem:s29+$0x70];
	v0 =	vadd.f32 v8, v0  }
0x288: {  	v14 =	vld [tilespmem:s29+$0x0];
	v1 =	vadd.f32 v9, v1  }
0x289: {  	v15 =	vld [tilespmem:s29+$0x10];
	v2 =	vadd.f32 v10, v2  }
.Ltmp20:
0x28a: {  	v8 =	vld [tilespmem:s29+$0x20];
	v3 =	vadd.f32 v11, v3;
	(pc) =	sbr.rel @p0 .LBB2_42-.Ltmp20, $4  }
0x28b: {  	v9 =	vld [tilespmem:s29+$0x30];
	v4 =	vadd.f32 v12, v4  }
0x28c: {  	v10 =	vld [tilespmem:s29+$0x40];
	v5 =	vadd.f32 v13, v5  }
0x28d: {  	v6 =	vadd.f32 v14, v6;
	v11 =	vld [tilespmem:s29+$0x50]  }
0x28e: {  	v7 =	vadd.f32 v15, v7;
	v12 =	vld [tilespmem:s29+$0x60];
	s29 =	sshra.s32 s30, $0x2;
	s30 =	sadd.s32 $0x200, s30  }
0x28f: {  	v13 =	vld [tilespmem:s29+$0x70]  }
0x290: {  	v14 =	vld [tilespmem:s29+$0x0]  }
0x291: {  	v15 =	vld [tilespmem:s29+$0x10]  }
0x292: {  	v16 =	vld [tilespmem:s29+$0x20]  }
0x293: {  	v17 =	vld [tilespmem:s29+$0x30]  }
0x294: {  	v18 =	vld [tilespmem:s29+$0x40]  }
0x295: {  	v19 =	vld [tilespmem:s29+$0x50]  }
0x296: {  	v20 =	vld [tilespmem:s29+$0x60];
	s29 =	simm.s32 $0x0;
	s30 =	rddreg [dreg:$0x19]  }
0x297: {  	[tilespmem:s29], [sflag:$0x1] =	stream.strided.gather [hbm4b:s30+s21], $0x3E80, s22, s21, $0x38;
	[tilespmem:$0x7D80] =	vst v63  }
0x298: {  	_ =	swait.ge [sflag:s25], $0x3E80  }
0x299: {  	[sflag:s25] =	ssyncset.done $0x0  }
0x29a: {  	s31 =	simm.s32 $0x0;
	[sflag:s25] =	ssyncadd.s32 $0xFFFFC180  }
0x29b: {  	v0 =	vadd.f32 v8, v0;
	v1 =	vadd.f32 v9, v1;
	v21 =	vld [tilespmem:s31+$0x3EF0]  }
0x29c: {  	v2 =	vadd.f32 v10, v2;
	v3 =	vadd.f32 v11, v3;
	v22 =	vld [tilespmem:s31+$0x3E80]  }
0x29d: {  	v4 =	vadd.f32 v12, v4;
	v5 =	vadd.f32 v13, v5;
	v12 =	vld [tilespmem:s31+$0x3E90]  }
0x29e: {  	v6 =	vadd.f32 v14, v6;
	v7 =	vadd.f32 v15, v7;
	v8 =	vld [tilespmem:s31+$0x3EA0]  }
0x29f: {  	v0 =	vadd.f32 v16, v0;
	v1 =	vadd.f32 v17, v1;
	v9 =	vld [tilespmem:s31+$0x3EB0]  }
0x2a0: {  	v2 =	vadd.f32 v18, v2;
	v3 =	vadd.f32 v19, v3;
	v10 =	vld [tilespmem:s31+$0x3EC0]  }
0x2a1: {  	v11 =	vld [tilespmem:s31+$0x3ED0];
	v4 =	vadd.f32 v20, v4;
	v5 =	vadd.f32 v21, v5  }
0x2a2: {  	s29 =	simm.s32 $0x80;
	s30 =	simm.s32 $0x400;
	v6 =	vadd.f32 v22, v6;
	v7 =	vadd.f32 v12, v7;
	v12 =	vld [tilespmem:s31+$0x3EE0]  }
.LBB2_44:
0x2a3: {  	p0 =	sne.s32 s30, $0xF800;
	v13 =	vld [tilespmem:s29+$0x3EF0];
	v0 =	vadd.f32 v8, v0  }
0x2a4: {  	v14 =	vld [tilespmem:s29+$0x3E80];
	v1 =	vadd.f32 v9, v1  }
0x2a5: {  	v15 =	vld [tilespmem:s29+$0x3E90];
	v2 =	vadd.f32 v10, v2  }
.Ltmp21:
0x2a6: {  	v8 =	vld [tilespmem:s29+$0x3EA0];
	v3 =	vadd.f32 v11, v3;
	(pc) =	sbr.rel @p0 .LBB2_44-.Ltmp21, $4  }
0x2a7: {  	v9 =	vld [tilespmem:s29+$0x3EB0];
	v4 =	vadd.f32 v12, v4  }
0x2a8: {  	v10 =	vld [tilespmem:s29+$0x3EC0];
	v5 =	vadd.f32 v13, v5  }
0x2a9: {  	v6 =	vadd.f32 v14, v6;
	v11 =	vld [tilespmem:s29+$0x3ED0]  }
0x2aa: {  	v7 =	vadd.f32 v15, v7;
	v12 =	vld [tilespmem:s29+$0x3EE0];
	s29 =	sshra.s32 s30, $0x2;
	s30 =	sadd.s32 $0x200, s30  }
0x2ab: {  	v13 =	vld [tilespmem:s29+$0x3EF0]  }
0x2ac: {  	v14 =	vld [tilespmem:s29+$0x3E80]  }
0x2ad: {  	v15 =	vld [tilespmem:s29+$0x3E90]  }
0x2ae: {  	v16 =	vld [tilespmem:s29+$0x3EA0]  }
0x2af: {  	v17 =	vld [tilespmem:s29+$0x3EB0]  }
0x2b0: {  	v18 =	vld [tilespmem:s29+$0x3EC0]  }
0x2b1: {  	v19 =	vld [tilespmem:s29+$0x3ED0]  }
0x2b2: {  	v20 =	vld [tilespmem:s29+$0x3EE0];
	s29 =	rddreg [dreg:$0x1a]  }
0x2b3: {  	[tilespmem:s23], [sflag:$0x2] =	stream.strided.gather [hbm4b:s29+s21], $0x3E80, s22, s21, $0x38;
	[tilespmem:$0x7D80] =	vst v63  }
0x2b4: {  	_ =	swait.ge [sflag:s24], $0x3E80  }
0x2b5: {  	[sflag:s24] =	ssyncset.done $0x0  }
0x2b6: {  	s31 =	simm.s32 $0x0;
	[sflag:s24] =	ssyncadd.s32 $0xFFFFC180  }
0x2b7: {  	v0 =	vadd.f32 v8, v0;
	v1 =	vadd.f32 v9, v1;
	v21 =	vld [tilespmem:s31+$0x70]  }
0x2b8: {  	v2 =	vadd.f32 v10, v2;
	v3 =	vadd.f32 v11, v3;
	v22 =	vld [tilespmem:s31+$0x0]  }
0x2b9: {  	v4 =	vadd.f32 v12, v4;
	v5 =	vadd.f32 v13, v5;
	v12 =	vld [tilespmem:s31+$0x10]  }
0x2ba: {  	v6 =	vadd.f32 v14, v6;
	v7 =	vadd.f32 v15, v7;
	v8 =	vld [tilespmem:s31+$0x20]  }
0x2bb: {  	v0 =	vadd.f32 v16, v0;
	v1 =	vadd.f32 v17, v1;
	v9 =	vld [tilespmem:s31+$0x30]  }
0x2bc: {  	v2 =	vadd.f32 v18, v2;
	v3 =	vadd.f32 v19, v3;
	v10 =	vld [tilespmem:s31+$0x40]  }
0x2bd: {  	v11 =	vld [tilespmem:s31+$0x50];
	v4 =	vadd.f32 v20, v4;
	v5 =	vadd.f32 v21, v5  }
0x2be: {  	s30 =	simm.s32 $0x400;
	s29 =	simm.s32 $0x80;
	v6 =	vadd.f32 v22, v6;
	v7 =	vadd.f32 v12, v7;
	v12 =	vld [tilespmem:s31+$0x60]  }
.LBB2_46:
0x2bf: {  	p0 =	sne.s32 s30, $0xF800;
	v13 =	vld [tilespmem:s29+$0x70];
	v0 =	vadd.f32 v8, v0  }
0x2c0: {  	v14 =	vld [tilespmem:s29+$0x0];
	v1 =	vadd.f32 v9, v1  }
0x2c1: {  	v15 =	vld [tilespmem:s29+$0x10];
	v2 =	vadd.f32 v10, v2  }
.Ltmp22:
0x2c2: {  	v8 =	vld [tilespmem:s29+$0x20];
	v3 =	vadd.f32 v11, v3;
	(pc) =	sbr.rel @p0 .LBB2_46-.Ltmp22, $4  }
0x2c3: {  	v9 =	vld [tilespmem:s29+$0x30];
	v4 =	vadd.f32 v12, v4  }
0x2c4: {  	v10 =	vld [tilespmem:s29+$0x40];
	v5 =	vadd.f32 v13, v5  }
0x2c5: {  	v6 =	vadd.f32 v14, v6;
	v11 =	vld [tilespmem:s29+$0x50]  }
0x2c6: {  	v7 =	vadd.f32 v15, v7;
	v12 =	vld [tilespmem:s29+$0x60];
	s29 =	sshra.s32 s30, $0x2;
	s30 =	sadd.s32 $0x200, s30  }
0x2c7: {  	v13 =	vld [tilespmem:s29+$0x70]  }
0x2c8: {  	v14 =	vld [tilespmem:s29+$0x0]  }
0x2c9: {  	v15 =	vld [tilespmem:s29+$0x10]  }
0x2ca: {  	v16 =	vld [tilespmem:s29+$0x20]  }
0x2cb: {  	v17 =	vld [tilespmem:s29+$0x30]  }
0x2cc: {  	v18 =	vld [tilespmem:s29+$0x40]  }
0x2cd: {  	v19 =	vld [tilespmem:s29+$0x50]  }
0x2ce: {  	v20 =	vld [tilespmem:s29+$0x60];
	s29 =	simm.s32 $0x0;
	s30 =	rddreg [dreg:$0x1b]  }
0x2cf: {  	[tilespmem:s29], [sflag:$0x1] =	stream.strided.gather [hbm4b:s30+s21], $0x3E80, s22, s21, $0x38;
	[tilespmem:$0x7D80] =	vst v63  }
0x2d0: {  	_ =	swait.ge [sflag:s25], $0x3E80  }
0x2d1: {  	[sflag:s25] =	ssyncset.done $0x0  }
0x2d2: {  	s31 =	simm.s32 $0x0;
	[sflag:s25] =	ssyncadd.s32 $0xFFFFC180  }
0x2d3: {  	v0 =	vadd.f32 v8, v0;
	v1 =	vadd.f32 v9, v1;
	v21 =	vld [tilespmem:s31+$0x3EF0]  }
0x2d4: {  	v2 =	vadd.f32 v10, v2;
	v3 =	vadd.f32 v11, v3;
	v22 =	vld [tilespmem:s31+$0x3E80]  }
0x2d5: {  	v4 =	vadd.f32 v12, v4;
	v5 =	vadd.f32 v13, v5;
	v12 =	vld [tilespmem:s31+$0x3E90]  }
0x2d6: {  	v6 =	vadd.f32 v14, v6;
	v7 =	vadd.f32 v15, v7;
	v8 =	vld [tilespmem:s31+$0x3EA0]  }
0x2d7: {  	v0 =	vadd.f32 v16, v0;
	v1 =	vadd.f32 v17, v1;
	v9 =	vld [tilespmem:s31+$0x3EB0]  }
0x2d8: {  	v2 =	vadd.f32 v18, v2;
	v3 =	vadd.f32 v19, v3;
	v10 =	vld [tilespmem:s31+$0x3EC0]  }
0x2d9: {  	v11 =	vld [tilespmem:s31+$0x3ED0];
	v4 =	vadd.f32 v20, v4;
	v5 =	vadd.f32 v21, v5  }
0x2da: {  	s29 =	simm.s32 $0x80;
	s30 =	simm.s32 $0x400;
	v6 =	vadd.f32 v22, v6;
	v7 =	vadd.f32 v12, v7;
	v12 =	vld [tilespmem:s31+$0x3EE0]  }
.LBB2_48:
0x2db: {  	p0 =	sne.s32 s30, $0xF800;
	v13 =	vld [tilespmem:s29+$0x3EF0];
	v0 =	vadd.f32 v8, v0  }
0x2dc: {  	v14 =	vld [tilespmem:s29+$0x3E80];
	v1 =	vadd.f32 v9, v1  }
0x2dd: {  	v15 =	vld [tilespmem:s29+$0x3E90];
	v2 =	vadd.f32 v10, v2  }
.Ltmp23:
0x2de: {  	v8 =	vld [tilespmem:s29+$0x3EA0];
	v3 =	vadd.f32 v11, v3;
	(pc) =	sbr.rel @p0 .LBB2_48-.Ltmp23, $4  }
0x2df: {  	v9 =	vld [tilespmem:s29+$0x3EB0];
	v4 =	vadd.f32 v12, v4  }
0x2e0: {  	v10 =	vld [tilespmem:s29+$0x3EC0];
	v5 =	vadd.f32 v13, v5  }
0x2e1: {  	v6 =	vadd.f32 v14, v6;
	v11 =	vld [tilespmem:s29+$0x3ED0]  }
0x2e2: {  	v7 =	vadd.f32 v15, v7;
	v12 =	vld [tilespmem:s29+$0x3EE0];
	s29 =	sshra.s32 s30, $0x2;
	s30 =	sadd.s32 $0x200, s30  }
0x2e3: {  	v13 =	vld [tilespmem:s29+$0x3EF0]  }
0x2e4: {  	v14 =	vld [tilespmem:s29+$0x3E80]  }
0x2e5: {  	v15 =	vld [tilespmem:s29+$0x3E90]  }
0x2e6: {  	v16 =	vld [tilespmem:s29+$0x3EA0]  }
0x2e7: {  	v17 =	vld [tilespmem:s29+$0x3EB0]  }
0x2e8: {  	v18 =	vld [tilespmem:s29+$0x3EC0]  }
0x2e9: {  	v19 =	vld [tilespmem:s29+$0x3ED0]  }
0x2ea: {  	v20 =	vld [tilespmem:s29+$0x3EE0];
	s29 =	rddreg [dreg:$0x1c]  }
0x2eb: {  	[tilespmem:s23], [sflag:$0x2] =	stream.strided.gather [hbm4b:s29+s21], $0x3E80, s22, s21, $0x38;
	[tilespmem:$0x7D80] =	vst v63  }
0x2ec: {  	_ =	swait.ge [sflag:s24], $0x3E80  }
0x2ed: {  	[sflag:s24] =	ssyncset.done $0x0  }
0x2ee: {  	s31 =	simm.s32 $0x0;
	[sflag:s24] =	ssyncadd.s32 $0xFFFFC180  }
0x2ef: {  	v0 =	vadd.f32 v8, v0;
	v1 =	vadd.f32 v9, v1;
	v21 =	vld [tilespmem:s31+$0x70]  }
0x2f0: {  	v2 =	vadd.f32 v10, v2;
	v3 =	vadd.f32 v11, v3;
	v22 =	vld [tilespmem:s31+$0x0]  }
0x2f1: {  	v4 =	vadd.f32 v12, v4;
	v5 =	vadd.f32 v13, v5;
	v12 =	vld [tilespmem:s31+$0x10]  }
0x2f2: {  	v6 =	vadd.f32 v14, v6;
	v7 =	vadd.f32 v15, v7;
	v8 =	vld [tilespmem:s31+$0x20]  }
0x2f3: {  	v0 =	vadd.f32 v16, v0;
	v1 =	vadd.f32 v17, v1;
	v9 =	vld [tilespmem:s31+$0x30]  }
0x2f4: {  	v2 =	vadd.f32 v18, v2;
	v3 =	vadd.f32 v19, v3;
	v10 =	vld [tilespmem:s31+$0x40]  }
0x2f5: {  	v11 =	vld [tilespmem:s31+$0x50];
	v4 =	vadd.f32 v20, v4;
	v5 =	vadd.f32 v21, v5  }
0x2f6: {  	s30 =	simm.s32 $0x400;
	s29 =	simm.s32 $0x80;
	v6 =	vadd.f32 v22, v6;
	v7 =	vadd.f32 v12, v7;
	v12 =	vld [tilespmem:s31+$0x60]  }
.LBB2_50:
0x2f7: {  	p0 =	sne.s32 s30, $0xF800;
	v13 =	vld [tilespmem:s29+$0x70];
	v0 =	vadd.f32 v8, v0  }
0x2f8: {  	v14 =	vld [tilespmem:s29+$0x0];
	v1 =	vadd.f32 v9, v1  }
0x2f9: {  	v15 =	vld [tilespmem:s29+$0x10];
	v2 =	vadd.f32 v10, v2  }
.Ltmp24:
0x2fa: {  	v8 =	vld [tilespmem:s29+$0x20];
	v3 =	vadd.f32 v11, v3;
	(pc) =	sbr.rel @p0 .LBB2_50-.Ltmp24, $4  }
0x2fb: {  	v9 =	vld [tilespmem:s29+$0x30];
	v4 =	vadd.f32 v12, v4  }
0x2fc: {  	v10 =	vld [tilespmem:s29+$0x40];
	v5 =	vadd.f32 v13, v5  }
0x2fd: {  	v6 =	vadd.f32 v14, v6;
	v11 =	vld [tilespmem:s29+$0x50]  }
0x2fe: {  	v7 =	vadd.f32 v15, v7;
	v12 =	vld [tilespmem:s29+$0x60];
	s29 =	sshra.s32 s30, $0x2;
	s30 =	sadd.s32 $0x200, s30  }
0x2ff: {  	v13 =	vld [tilespmem:s29+$0x70]  }
0x300: {  	v14 =	vld [tilespmem:s29+$0x0]  }
0x301: {  	v15 =	vld [tilespmem:s29+$0x10]  }
0x302: {  	v16 =	vld [tilespmem:s29+$0x20]  }
0x303: {  	v17 =	vld [tilespmem:s29+$0x30]  }
0x304: {  	v18 =	vld [tilespmem:s29+$0x40]  }
0x305: {  	v19 =	vld [tilespmem:s29+$0x50]  }
0x306: {  	v20 =	vld [tilespmem:s29+$0x60];
	s29 =	simm.s32 $0x0;
	s30 =	rddreg [dreg:$0x1d]  }
0x307: {  	[tilespmem:s29], [sflag:$0x1] =	stream.strided.gather [hbm4b:s30+s21], $0x3E80, s22, s21, $0x38;
	[tilespmem:$0x7D80] =	vst v63  }
0x308: {  	_ =	swait.ge [sflag:s25], $0x3E80  }
0x309: {  	[sflag:s25] =	ssyncset.done $0x0  }
0x30a: {  	s31 =	simm.s32 $0x0;
	[sflag:s25] =	ssyncadd.s32 $0xFFFFC180  }
0x30b: {  	v0 =	vadd.f32 v8, v0;
	v1 =	vadd.f32 v9, v1;
	v21 =	vld [tilespmem:s31+$0x3EF0]  }
0x30c: {  	v2 =	vadd.f32 v10, v2;
	v3 =	vadd.f32 v11, v3;
	v22 =	vld [tilespmem:s31+$0x3E80]  }
0x30d: {  	v4 =	vadd.f32 v12, v4;
	v5 =	vadd.f32 v13, v5;
	v12 =	vld [tilespmem:s31+$0x3E90]  }
0x30e: {  	v6 =	vadd.f32 v14, v6;
	v7 =	vadd.f32 v15, v7;
	v8 =	vld [tilespmem:s31+$0x3EA0]  }
0x30f: {  	v0 =	vadd.f32 v16, v0;
	v1 =	vadd.f32 v17, v1;
	v9 =	vld [tilespmem:s31+$0x3EB0]  }
0x310: {  	v2 =	vadd.f32 v18, v2;
	v3 =	vadd.f32 v19, v3;
	v10 =	vld [tilespmem:s31+$0x3EC0]  }
0x311: {  	v11 =	vld [tilespmem:s31+$0x3ED0];
	v4 =	vadd.f32 v20, v4;
	v5 =	vadd.f32 v21, v5  }
0x312: {  	s29 =	simm.s32 $0x80;
	s30 =	simm.s32 $0x400;
	v6 =	vadd.f32 v22, v6;
	v7 =	vadd.f32 v12, v7;
	v12 =	vld [tilespmem:s31+$0x3EE0]  }
.LBB2_52:
0x313: {  	p0 =	sne.s32 s30, $0xF800;
	v13 =	vld [tilespmem:s29+$0x3EF0];
	v0 =	vadd.f32 v8, v0  }
0x314: {  	v14 =	vld [tilespmem:s29+$0x3E80];
	v1 =	vadd.f32 v9, v1  }
0x315: {  	v15 =	vld [tilespmem:s29+$0x3E90];
	v2 =	vadd.f32 v10, v2  }
.Ltmp25:
0x316: {  	v8 =	vld [tilespmem:s29+$0x3EA0];
	v3 =	vadd.f32 v11, v3;
	(pc) =	sbr.rel @p0 .LBB2_52-.Ltmp25, $4  }
0x317: {  	v9 =	vld [tilespmem:s29+$0x3EB0];
	v4 =	vadd.f32 v12, v4  }
0x318: {  	v10 =	vld [tilespmem:s29+$0x3EC0];
	v5 =	vadd.f32 v13, v5  }
0x319: {  	v6 =	vadd.f32 v14, v6;
	v11 =	vld [tilespmem:s29+$0x3ED0]  }
0x31a: {  	v7 =	vadd.f32 v15, v7;
	v12 =	vld [tilespmem:s29+$0x3EE0];
	s29 =	sshra.s32 s30, $0x2;
	s30 =	sadd.s32 $0x200, s30  }
0x31b: {  	v13 =	vld [tilespmem:s29+$0x3EF0]  }
0x31c: {  	v14 =	vld [tilespmem:s29+$0x3E80]  }
0x31d: {  	v15 =	vld [tilespmem:s29+$0x3E90]  }
0x31e: {  	v16 =	vld [tilespmem:s29+$0x3EA0]  }
0x31f: {  	v17 =	vld [tilespmem:s29+$0x3EB0]  }
0x320: {  	v18 =	vld [tilespmem:s29+$0x3EC0]  }
0x321: {  	v19 =	vld [tilespmem:s29+$0x3ED0]  }
0x322: {  	v20 =	vld [tilespmem:s29+$0x3EE0];
	s29 =	rddreg [dreg:$0x1e]  }
0x323: {  	[tilespmem:s23], [sflag:$0x2] =	stream.strided.gather [hbm4b:s29+s21], $0x3E80, s22, s21, $0x38;
	[tilespmem:$0x7D80] =	vst v63  }
0x324: {  	_ =	swait.ge [sflag:s24], $0x3E80  }
0x325: {  	[sflag:s24] =	ssyncset.done $0x0  }
0x326: {  	s31 =	simm.s32 $0x0;
	[sflag:s24] =	ssyncadd.s32 $0xFFFFC180  }
0x327: {  	v0 =	vadd.f32 v8, v0;
	v1 =	vadd.f32 v9, v1;
	v21 =	vld [tilespmem:s31+$0x70]  }
0x328: {  	v2 =	vadd.f32 v10, v2;
	v3 =	vadd.f32 v11, v3;
	v22 =	vld [tilespmem:s31+$0x0]  }
0x329: {  	v4 =	vadd.f32 v12, v4;
	v5 =	vadd.f32 v13, v5;
	v12 =	vld [tilespmem:s31+$0x10]  }
0x32a: {  	v6 =	vadd.f32 v14, v6;
	v7 =	vadd.f32 v15, v7;
	v8 =	vld [tilespmem:s31+$0x20]  }
0x32b: {  	v0 =	vadd.f32 v16, v0;
	v1 =	vadd.f32 v17, v1;
	v9 =	vld [tilespmem:s31+$0x30]  }
0x32c: {  	v2 =	vadd.f32 v18, v2;
	v3 =	vadd.f32 v19, v3;
	v10 =	vld [tilespmem:s31+$0x40]  }
0x32d: {  	v11 =	vld [tilespmem:s31+$0x50];
	v4 =	vadd.f32 v20, v4;
	v5 =	vadd.f32 v21, v5  }
0x32e: {  	s30 =	simm.s32 $0x400;
	s29 =	simm.s32 $0x80;
	v6 =	vadd.f32 v22, v6;
	v7 =	vadd.f32 v12, v7;
	v12 =	vld [tilespmem:s31+$0x60]  }
.LBB2_54:
0x32f: {  	p0 =	sne.s32 s30, $0xF800;
	v13 =	vld [tilespmem:s29+$0x70];
	v0 =	vadd.f32 v8, v0  }
0x330: {  	v14 =	vld [tilespmem:s29+$0x0];
	v1 =	vadd.f32 v9, v1  }
0x331: {  	v15 =	vld [tilespmem:s29+$0x10];
	v2 =	vadd.f32 v10, v2  }
.Ltmp26:
0x332: {  	v8 =	vld [tilespmem:s29+$0x20];
	v3 =	vadd.f32 v11, v3;
	(pc) =	sbr.rel @p0 .LBB2_54-.Ltmp26, $4  }
0x333: {  	v9 =	vld [tilespmem:s29+$0x30];
	v4 =	vadd.f32 v12, v4  }
0x334: {  	v10 =	vld [tilespmem:s29+$0x40];
	v5 =	vadd.f32 v13, v5  }
0x335: {  	v6 =	vadd.f32 v14, v6;
	v11 =	vld [tilespmem:s29+$0x50]  }
0x336: {  	v7 =	vadd.f32 v15, v7;
	v12 =	vld [tilespmem:s29+$0x60];
	s29 =	sshra.s32 s30, $0x2;
	s30 =	sadd.s32 $0x200, s30  }
0x337: {  	v13 =	vld [tilespmem:s29+$0x70]  }
0x338: {  	v14 =	vld [tilespmem:s29+$0x0]  }
0x339: {  	v15 =	vld [tilespmem:s29+$0x10]  }
0x33a: {  	v16 =	vld [tilespmem:s29+$0x20]  }
0x33b: {  	v17 =	vld [tilespmem:s29+$0x30]  }
0x33c: {  	v18 =	vld [tilespmem:s29+$0x40]  }
0x33d: {  	v19 =	vld [tilespmem:s29+$0x50]  }
0x33e: {  	v20 =	vld [tilespmem:s29+$0x60];
	s29 =	simm.s32 $0x0;
	s30 =	rddreg [dreg:$0x1f]  }
0x33f: {  	[tilespmem:s29], [sflag:$0x1] =	stream.strided.gather [hbm4b:s30+s21], $0x3E80, s22, s21, $0x38;
	[tilespmem:$0x7D80] =	vst v63  }
0x340: {  	_ =	swait.ge [sflag:s25], $0x3E80  }
0x341: {  	[sflag:s25] =	ssyncset.done $0x0  }
0x342: {  	s31 =	simm.s32 $0x0;
	[sflag:s25] =	ssyncadd.s32 $0xFFFFC180  }
0x343: {  	v0 =	vadd.f32 v8, v0;
	v1 =	vadd.f32 v9, v1;
	v21 =	vld [tilespmem:s31+$0x3EF0]  }
0x344: {  	v2 =	vadd.f32 v10, v2;
	v3 =	vadd.f32 v11, v3;
	v22 =	vld [tilespmem:s31+$0x3E80]  }
0x345: {  	v4 =	vadd.f32 v12, v4;
	v5 =	vadd.f32 v13, v5;
	v12 =	vld [tilespmem:s31+$0x3E90]  }
0x346: {  	v6 =	vadd.f32 v14, v6;
	v7 =	vadd.f32 v15, v7;
	v8 =	vld [tilespmem:s31+$0x3EA0]  }
0x347: {  	v0 =	vadd.f32 v16, v0;
	v1 =	vadd.f32 v17, v1;
	v9 =	vld [tilespmem:s31+$0x3EB0]  }
0x348: {  	v2 =	vadd.f32 v18, v2;
	v3 =	vadd.f32 v19, v3;
	v10 =	vld [tilespmem:s31+$0x3EC0]  }
0x349: {  	v11 =	vld [tilespmem:s31+$0x3ED0];
	v4 =	vadd.f32 v20, v4;
	v5 =	vadd.f32 v21, v5  }
0x34a: {  	s29 =	simm.s32 $0x80;
	s30 =	simm.s32 $0x400;
	v6 =	vadd.f32 v22, v6;
	v7 =	vadd.f32 v12, v7;
	v12 =	vld [tilespmem:s31+$0x3EE0]  }
.LBB2_56:
0x34b: {  	p0 =	sne.s32 s30, $0xF800;
	v13 =	vld [tilespmem:s29+$0x3EF0];
	v0 =	vadd.f32 v8, v0  }
0x34c: {  	v14 =	vld [tilespmem:s29+$0x3E80];
	v1 =	vadd.f32 v9, v1  }
0x34d: {  	v15 =	vld [tilespmem:s29+$0x3E90];
	v2 =	vadd.f32 v10, v2  }
.Ltmp27:
0x34e: {  	v8 =	vld [tilespmem:s29+$0x3EA0];
	v3 =	vadd.f32 v11, v3;
	(pc) =	sbr.rel @p0 .LBB2_56-.Ltmp27, $4  }
0x34f: {  	v9 =	vld [tilespmem:s29+$0x3EB0];
	v4 =	vadd.f32 v12, v4  }
0x350: {  	v10 =	vld [tilespmem:s29+$0x3EC0];
	v5 =	vadd.f32 v13, v5  }
0x351: {  	v6 =	vadd.f32 v14, v6;
	v11 =	vld [tilespmem:s29+$0x3ED0]  }
0x352: {  	v7 =	vadd.f32 v15, v7;
	v12 =	vld [tilespmem:s29+$0x3EE0];
	s29 =	sshra.s32 s30, $0x2;
	s30 =	sadd.s32 $0x200, s30  }
0x353: {  	v13 =	vld [tilespmem:s29+$0x3EF0]  }
0x354: {  	v14 =	vld [tilespmem:s29+$0x3E80]  }
0x355: {  	v15 =	vld [tilespmem:s29+$0x3E90]  }
0x356: {  	v16 =	vld [tilespmem:s29+$0x3EA0]  }
0x357: {  	v17 =	vld [tilespmem:s29+$0x3EB0]  }
0x358: {  	v18 =	vld [tilespmem:s29+$0x3EC0]  }
0x359: {  	v19 =	vld [tilespmem:s29+$0x3ED0]  }
0x35a: {  	v20 =	vld [tilespmem:s29+$0x3EE0];
	[tilespmem:s23], [sflag:$0x2] =	stream.strided.gather [hbm4b:s0+s21], $0x3E80, s22, s21, $0x38  }
0x35b: {  	_ =	swait.ge [sflag:s24], $0x3E80  }
0x35c: {  	[sflag:s24] =	ssyncset.done $0x0  }
0x35d: {  	s31 =	simm.s32 $0x0;
	[sflag:s24] =	ssyncadd.s32 $0xFFFFC180  }
0x35e: {  	v0 =	vadd.f32 v8, v0;
	v1 =	vadd.f32 v9, v1;
	v21 =	vld [tilespmem:s31+$0x70]  }
0x35f: {  	v2 =	vadd.f32 v10, v2;
	v3 =	vadd.f32 v11, v3;
	v22 =	vld [tilespmem:s31+$0x0]  }
0x360: {  	v4 =	vadd.f32 v12, v4;
	v12 =	vld [tilespmem:s31+$0x10];
	v5 =	vadd.f32 v13, v5  }
0x361: {  	v8 =	vld [tilespmem:s31+$0x20];
	v6 =	vadd.f32 v14, v6;
	v7 =	vadd.f32 v15, v7  }
0x362: {  	v9 =	vld [tilespmem:s31+$0x30];
	v0 =	vadd.f32 v16, v0;
	v1 =	vadd.f32 v17, v1  }
0x363: {  	v10 =	vld [tilespmem:s31+$0x40];
	v2 =	vadd.f32 v18, v2;
	v3 =	vadd.f32 v19, v3  }
0x364: {  	v11 =	vld [tilespmem:s31+$0x50];
	v4 =	vadd.f32 v20, v4;
	v5 =	vadd.f32 v21, v5  }
0x365: {  	s29 =	simm.s32 $0x80;
	s30 =	simm.s32 $0x400;
	v6 =	vadd.f32 v22, v6;
	v7 =	vadd.f32 v12, v7;
	v12 =	vld [tilespmem:s31+$0x60]  }
.LBB2_58:
0x366: {  	p0 =	sne.s32 s30, $0xF800;
	v13 =	vld [tilespmem:s29+$0x70];
	v0 =	vadd.f32 v8, v0  }
0x367: {  	v14 =	vld [tilespmem:s29+$0x0];
	v1 =	vadd.f32 v9, v1  }
0x368: {  	v15 =	vld [tilespmem:s29+$0x10];
	v2 =	vadd.f32 v10, v2  }
.Ltmp28:
0x369: {  	v8 =	vld [tilespmem:s29+$0x20];
	v3 =	vadd.f32 v11, v3;
	(pc) =	sbr.rel @p0 .LBB2_58-.Ltmp28, $4  }
0x36a: {  	v9 =	vld [tilespmem:s29+$0x30];
	v4 =	vadd.f32 v12, v4  }
0x36b: {  	v10 =	vld [tilespmem:s29+$0x40];
	v5 =	vadd.f32 v13, v5  }
0x36c: {  	v6 =	vadd.f32 v14, v6;
	v11 =	vld [tilespmem:s29+$0x50]  }
0x36d: {  	v7 =	vadd.f32 v15, v7;
	v12 =	vld [tilespmem:s29+$0x60];
	s29 =	sshra.s32 s30, $0x2;
	s30 =	sadd.s32 $0x200, s30  }
0x36e: {  	v13 =	vld [tilespmem:s29+$0x70]  }
0x36f: {  	v14 =	vld [tilespmem:s29+$0x0]  }
0x370: {  	v15 =	vld [tilespmem:s29+$0x10]  }
0x371: {  	v16 =	vld [tilespmem:s29+$0x20]  }
0x372: {  	v17 =	vld [tilespmem:s29+$0x30]  }
0x373: {  	v18 =	vld [tilespmem:s29+$0x40]  }
0x374: {  	v19 =	vld [tilespmem:s29+$0x50]  }
0x375: {  	v20 =	vld [tilespmem:s29+$0x60];
	s29 =	simm.s32 $0x0  }
0x376: {  	[tilespmem:s29], [sflag:$0x1] =	stream.strided.gather [hbm4b:s1+s21], $0x3E80, s22, s21, $0x38;
	[tilespmem:$0x7D80] =	vst v63  }
0x377: {  	_ =	swait.ge [sflag:s25], $0x3E80  }
0x378: {  	[sflag:s25] =	ssyncset.done $0x0  }
0x379: {  	s31 =	simm.s32 $0x0;
	[sflag:s25] =	ssyncadd.s32 $0xFFFFC180  }
0x37a: {  	v0 =	vadd.f32 v8, v0;
	v1 =	vadd.f32 v9, v1;
	v21 =	vld [tilespmem:s31+$0x3EF0]  }
0x37b: {  	v2 =	vadd.f32 v10, v2;
	v3 =	vadd.f32 v11, v3;
	v22 =	vld [tilespmem:s31+$0x3E80]  }
0x37c: {  	v4 =	vadd.f32 v12, v4;
	v5 =	vadd.f32 v13, v5;
	v12 =	vld [tilespmem:s31+$0x3E90]  }
0x37d: {  	v6 =	vadd.f32 v14, v6;
	v7 =	vadd.f32 v15, v7;
	v8 =	vld [tilespmem:s31+$0x3EA0]  }
0x37e: {  	v0 =	vadd.f32 v16, v0;
	v1 =	vadd.f32 v17, v1;
	v9 =	vld [tilespmem:s31+$0x3EB0]  }
0x37f: {  	v2 =	vadd.f32 v18, v2;
	v3 =	vadd.f32 v19, v3;
	v10 =	vld [tilespmem:s31+$0x3EC0]  }
0x380: {  	v11 =	vld [tilespmem:s31+$0x3ED0];
	v4 =	vadd.f32 v20, v4;
	v5 =	vadd.f32 v21, v5  }
0x381: {  	s30 =	simm.s32 $0x400;
	s29 =	simm.s32 $0x80;
	v6 =	vadd.f32 v22, v6;
	v7 =	vadd.f32 v12, v7;
	v12 =	vld [tilespmem:s31+$0x3EE0]  }
.LBB2_60:
0x382: {  	p0 =	sne.s32 s30, $0xF800;
	v13 =	vld [tilespmem:s29+$0x3EF0];
	v0 =	vadd.f32 v8, v0  }
0x383: {  	v14 =	vld [tilespmem:s29+$0x3E80];
	v1 =	vadd.f32 v9, v1  }
0x384: {  	v15 =	vld [tilespmem:s29+$0x3E90];
	v2 =	vadd.f32 v10, v2  }
.Ltmp29:
0x385: {  	v8 =	vld [tilespmem:s29+$0x3EA0];
	v3 =	vadd.f32 v11, v3;
	(pc) =	sbr.rel @p0 .LBB2_60-.Ltmp29, $4  }
0x386: {  	v9 =	vld [tilespmem:s29+$0x3EB0];
	v4 =	vadd.f32 v12, v4  }
0x387: {  	v10 =	vld [tilespmem:s29+$0x3EC0];
	v5 =	vadd.f32 v13, v5  }
0x388: {  	v6 =	vadd.f32 v14, v6;
	v11 =	vld [tilespmem:s29+$0x3ED0]  }
0x389: {  	v7 =	vadd.f32 v15, v7;
	v12 =	vld [tilespmem:s29+$0x3EE0];
	s29 =	sshra.s32 s30, $0x2;
	s30 =	sadd.s32 $0x200, s30  }
0x38a: {  	v13 =	vld [tilespmem:s29+$0x3EF0]  }
0x38b: {  	v14 =	vld [tilespmem:s29+$0x3E80]  }
0x38c: {  	v15 =	vld [tilespmem:s29+$0x3E90]  }
0x38d: {  	v16 =	vld [tilespmem:s29+$0x3EA0]  }
0x38e: {  	v17 =	vld [tilespmem:s29+$0x3EB0]  }
0x38f: {  	v18 =	vld [tilespmem:s29+$0x3EC0]  }
0x390: {  	v19 =	vld [tilespmem:s29+$0x3ED0]  }
0x391: {  	v20 =	vld [tilespmem:s29+$0x3EE0];
	[tilespmem:s23], [sflag:$0x2] =	stream.strided.gather [hbm4b:s2+s21], $0x3E80, s22, s21, $0x38  }
0x392: {  	_ =	swait.ge [sflag:s24], $0x3E80  }
0x393: {  	[sflag:s24] =	ssyncset.done $0x0  }
0x394: {  	s31 =	simm.s32 $0x0;
	[sflag:s24] =	ssyncadd.s32 $0xFFFFC180  }
0x395: {  	v0 =	vadd.f32 v8, v0;
	v1 =	vadd.f32 v9, v1;
	v21 =	vld [tilespmem:s31+$0x70]  }
0x396: {  	v2 =	vadd.f32 v10, v2;
	v3 =	vadd.f32 v11, v3;
	v22 =	vld [tilespmem:s31+$0x0]  }
0x397: {  	v4 =	vadd.f32 v12, v4;
	v12 =	vld [tilespmem:s31+$0x10];
	v5 =	vadd.f32 v13, v5  }
0x398: {  	v8 =	vld [tilespmem:s31+$0x20];
	v6 =	vadd.f32 v14, v6;
	v7 =	vadd.f32 v15, v7  }
0x399: {  	v9 =	vld [tilespmem:s31+$0x30];
	v0 =	vadd.f32 v16, v0;
	v1 =	vadd.f32 v17, v1  }
0x39a: {  	v10 =	vld [tilespmem:s31+$0x40];
	v2 =	vadd.f32 v18, v2;
	v3 =	vadd.f32 v19, v3  }
0x39b: {  	v11 =	vld [tilespmem:s31+$0x50];
	v4 =	vadd.f32 v20, v4;
	v5 =	vadd.f32 v21, v5  }
0x39c: {  	s29 =	simm.s32 $0x80;
	s30 =	simm.s32 $0x400;
	v6 =	vadd.f32 v22, v6;
	v7 =	vadd.f32 v12, v7;
	v12 =	vld [tilespmem:s31+$0x60]  }
.LBB2_62:
0x39d: {  	p0 =	sne.s32 s30, $0xF800;
	v13 =	vld [tilespmem:s29+$0x70];
	v0 =	vadd.f32 v8, v0  }
0x39e: {  	v14 =	vld [tilespmem:s29+$0x0];
	v1 =	vadd.f32 v9, v1  }
0x39f: {  	v15 =	vld [tilespmem:s29+$0x10];
	v2 =	vadd.f32 v10, v2  }
.Ltmp30:
0x3a0: {  	v8 =	vld [tilespmem:s29+$0x20];
	v3 =	vadd.f32 v11, v3;
	(pc) =	sbr.rel @p0 .LBB2_62-.Ltmp30, $4  }
0x3a1: {  	v9 =	vld [tilespmem:s29+$0x30];
	v4 =	vadd.f32 v12, v4  }
0x3a2: {  	v10 =	vld [tilespmem:s29+$0x40];
	v5 =	vadd.f32 v13, v5  }
0x3a3: {  	v6 =	vadd.f32 v14, v6;
	v11 =	vld [tilespmem:s29+$0x50]  }
0x3a4: {  	v7 =	vadd.f32 v15, v7;
	v12 =	vld [tilespmem:s29+$0x60];
	s29 =	sshra.s32 s30, $0x2;
	s30 =	sadd.s32 $0x200, s30  }
0x3a5: {  	v13 =	vld [tilespmem:s29+$0x70]  }
0x3a6: {  	v14 =	vld [tilespmem:s29+$0x0]  }
0x3a7: {  	v15 =	vld [tilespmem:s29+$0x10]  }
0x3a8: {  	v16 =	vld [tilespmem:s29+$0x20]  }
0x3a9: {  	v17 =	vld [tilespmem:s29+$0x30]  }
0x3aa: {  	v18 =	vld [tilespmem:s29+$0x40]  }
0x3ab: {  	v19 =	vld [tilespmem:s29+$0x50]  }
0x3ac: {  	v20 =	vld [tilespmem:s29+$0x60];
	s29 =	simm.s32 $0x0  }
0x3ad: {  	[tilespmem:s29], [sflag:$0x1] =	stream.strided.gather [hbm4b:s3+s21], $0x3E80, s22, s21, $0x38;
	[tilespmem:$0x7D80] =	vst v63  }
0x3ae: {  	_ =	swait.ge [sflag:s25], $0x3E80  }
0x3af: {  	[sflag:s25] =	ssyncset.done $0x0  }
0x3b0: {  	s31 =	simm.s32 $0x0;
	[sflag:s25] =	ssyncadd.s32 $0xFFFFC180  }
0x3b1: {  	v0 =	vadd.f32 v8, v0;
	v1 =	vadd.f32 v9, v1;
	v21 =	vld [tilespmem:s31+$0x3EF0]  }
0x3b2: {  	v2 =	vadd.f32 v10, v2;
	v3 =	vadd.f32 v11, v3;
	v22 =	vld [tilespmem:s31+$0x3E80]  }
0x3b3: {  	v4 =	vadd.f32 v12, v4;
	v5 =	vadd.f32 v13, v5;
	v12 =	vld [tilespmem:s31+$0x3E90]  }
0x3b4: {  	v6 =	vadd.f32 v14, v6;
	v7 =	vadd.f32 v15, v7;
	v8 =	vld [tilespmem:s31+$0x3EA0]  }
0x3b5: {  	v0 =	vadd.f32 v16, v0;
	v1 =	vadd.f32 v17, v1;
	v9 =	vld [tilespmem:s31+$0x3EB0]  }
0x3b6: {  	v2 =	vadd.f32 v18, v2;
	v3 =	vadd.f32 v19, v3;
	v10 =	vld [tilespmem:s31+$0x3EC0]  }
0x3b7: {  	v11 =	vld [tilespmem:s31+$0x3ED0];
	v4 =	vadd.f32 v20, v4;
	v5 =	vadd.f32 v21, v5  }
0x3b8: {  	s30 =	simm.s32 $0x400;
	s29 =	simm.s32 $0x80;
	v6 =	vadd.f32 v22, v6;
	v7 =	vadd.f32 v12, v7;
	v12 =	vld [tilespmem:s31+$0x3EE0]  }
.LBB2_64:
0x3b9: {  	p0 =	sne.s32 s30, $0xF800;
	v13 =	vld [tilespmem:s29+$0x3EF0];
	v0 =	vadd.f32 v8, v0  }
0x3ba: {  	v14 =	vld [tilespmem:s29+$0x3E80];
	v1 =	vadd.f32 v9, v1  }
0x3bb: {  	v15 =	vld [tilespmem:s29+$0x3E90];
	v2 =	vadd.f32 v10, v2  }
.Ltmp31:
0x3bc: {  	v8 =	vld [tilespmem:s29+$0x3EA0];
	v3 =	vadd.f32 v11, v3;
	(pc) =	sbr.rel @p0 .LBB2_64-.Ltmp31, $4  }
0x3bd: {  	v9 =	vld [tilespmem:s29+$0x3EB0];
	v4 =	vadd.f32 v12, v4  }
0x3be: {  	v10 =	vld [tilespmem:s29+$0x3EC0];
	v5 =	vadd.f32 v13, v5  }
0x3bf: {  	v6 =	vadd.f32 v14, v6;
	v11 =	vld [tilespmem:s29+$0x3ED0]  }
0x3c0: {  	v7 =	vadd.f32 v15, v7;
	v12 =	vld [tilespmem:s29+$0x3EE0];
	s29 =	sshra.s32 s30, $0x2;
	s30 =	sadd.s32 $0x200, s30  }
0x3c1: {  	v13 =	vld [tilespmem:s29+$0x3EF0]  }
0x3c2: {  	v14 =	vld [tilespmem:s29+$0x3E80]  }
0x3c3: {  	v15 =	vld [tilespmem:s29+$0x3E90]  }
0x3c4: {  	v16 =	vld [tilespmem:s29+$0x3EA0]  }
0x3c5: {  	v17 =	vld [tilespmem:s29+$0x3EB0]  }
0x3c6: {  	v18 =	vld [tilespmem:s29+$0x3EC0]  }
0x3c7: {  	v19 =	vld [tilespmem:s29+$0x3ED0]  }
0x3c8: {  	v20 =	vld [tilespmem:s29+$0x3EE0];
	[tilespmem:s23], [sflag:$0x2] =	stream.strided.gather [hbm4b:s4+s21], $0x3E80, s22, s21, $0x38  }
0x3c9: {  	_ =	swait.ge [sflag:s24], $0x3E80  }
0x3ca: {  	[sflag:s24] =	ssyncset.done $0x0  }
0x3cb: {  	s31 =	simm.s32 $0x0;
	[sflag:s24] =	ssyncadd.s32 $0xFFFFC180  }
0x3cc: {  	v0 =	vadd.f32 v8, v0;
	v1 =	vadd.f32 v9, v1;
	v21 =	vld [tilespmem:s31+$0x70]  }
0x3cd: {  	v2 =	vadd.f32 v10, v2;
	v3 =	vadd.f32 v11, v3;
	v22 =	vld [tilespmem:s31+$0x0]  }
0x3ce: {  	v4 =	vadd.f32 v12, v4;
	v12 =	vld [tilespmem:s31+$0x10];
	v5 =	vadd.f32 v13, v5  }
0x3cf: {  	v8 =	vld [tilespmem:s31+$0x20];
	v6 =	vadd.f32 v14, v6;
	v7 =	vadd.f32 v15, v7  }
0x3d0: {  	v9 =	vld [tilespmem:s31+$0x30];
	v0 =	vadd.f32 v16, v0;
	v1 =	vadd.f32 v17, v1  }
0x3d1: {  	v10 =	vld [tilespmem:s31+$0x40];
	v2 =	vadd.f32 v18, v2;
	v3 =	vadd.f32 v19, v3  }
0x3d2: {  	v11 =	vld [tilespmem:s31+$0x50];
	v4 =	vadd.f32 v20, v4;
	v5 =	vadd.f32 v21, v5  }
0x3d3: {  	s29 =	simm.s32 $0x80;
	s30 =	simm.s32 $0x400;
	v6 =	vadd.f32 v22, v6;
	v7 =	vadd.f32 v12, v7;
	v12 =	vld [tilespmem:s31+$0x60]  }
.LBB2_66:
0x3d4: {  	p0 =	sne.s32 s30, $0xF800;
	v13 =	vld [tilespmem:s29+$0x70];
	v0 =	vadd.f32 v8, v0  }
0x3d5: {  	v14 =	vld [tilespmem:s29+$0x0];
	v1 =	vadd.f32 v9, v1  }
0x3d6: {  	v15 =	vld [tilespmem:s29+$0x10];
	v2 =	vadd.f32 v10, v2  }
.Ltmp32:
0x3d7: {  	v8 =	vld [tilespmem:s29+$0x20];
	v3 =	vadd.f32 v11, v3;
	(pc) =	sbr.rel @p0 .LBB2_66-.Ltmp32, $4  }
0x3d8: {  	v9 =	vld [tilespmem:s29+$0x30];
	v4 =	vadd.f32 v12, v4  }
0x3d9: {  	v10 =	vld [tilespmem:s29+$0x40];
	v5 =	vadd.f32 v13, v5  }
0x3da: {  	v6 =	vadd.f32 v14, v6;
	v11 =	vld [tilespmem:s29+$0x50]  }
0x3db: {  	v7 =	vadd.f32 v15, v7;
	v12 =	vld [tilespmem:s29+$0x60];
	s29 =	sshra.s32 s30, $0x2;
	s30 =	sadd.s32 $0x200, s30  }
0x3dc: {  	v13 =	vld [tilespmem:s29+$0x70]  }
0x3dd: {  	v14 =	vld [tilespmem:s29+$0x0]  }
0x3de: {  	v15 =	vld [tilespmem:s29+$0x10]  }
0x3df: {  	v16 =	vld [tilespmem:s29+$0x20]  }
0x3e0: {  	v17 =	vld [tilespmem:s29+$0x30]  }
0x3e1: {  	v18 =	vld [tilespmem:s29+$0x40]  }
0x3e2: {  	v19 =	vld [tilespmem:s29+$0x50]  }
0x3e3: {  	v20 =	vld [tilespmem:s29+$0x60];
	s29 =	simm.s32 $0x0  }
0x3e4: {  	[tilespmem:s29], [sflag:$0x1] =	stream.strided.gather [hbm4b:s5+s21], $0x3E80, s22, s21, $0x38;
	[tilespmem:$0x7D80] =	vst v63  }
0x3e5: {  	_ =	swait.ge [sflag:s25], $0x3E80  }
0x3e6: {  	[sflag:s25] =	ssyncset.done $0x0  }
0x3e7: {  	s31 =	simm.s32 $0x0;
	[sflag:s25] =	ssyncadd.s32 $0xFFFFC180  }
0x3e8: {  	v0 =	vadd.f32 v8, v0;
	v1 =	vadd.f32 v9, v1;
	v21 =	vld [tilespmem:s31+$0x3EF0]  }
0x3e9: {  	v2 =	vadd.f32 v10, v2;
	v3 =	vadd.f32 v11, v3;
	v22 =	vld [tilespmem:s31+$0x3E80]  }
0x3ea: {  	v4 =	vadd.f32 v12, v4;
	v5 =	vadd.f32 v13, v5;
	v12 =	vld [tilespmem:s31+$0x3E90]  }
0x3eb: {  	v6 =	vadd.f32 v14, v6;
	v7 =	vadd.f32 v15, v7;
	v8 =	vld [tilespmem:s31+$0x3EA0]  }
0x3ec: {  	v0 =	vadd.f32 v16, v0;
	v1 =	vadd.f32 v17, v1;
	v9 =	vld [tilespmem:s31+$0x3EB0]  }
0x3ed: {  	v2 =	vadd.f32 v18, v2;
	v3 =	vadd.f32 v19, v3;
	v10 =	vld [tilespmem:s31+$0x3EC0]  }
0x3ee: {  	v11 =	vld [tilespmem:s31+$0x3ED0];
	v4 =	vadd.f32 v20, v4;
	v5 =	vadd.f32 v21, v5  }
0x3ef: {  	s30 =	simm.s32 $0x400;
	s29 =	simm.s32 $0x80;
	v6 =	vadd.f32 v22, v6;
	v7 =	vadd.f32 v12, v7;
	v12 =	vld [tilespmem:s31+$0x3EE0]  }
.LBB2_68:
0x3f0: {  	p0 =	sne.s32 s30, $0xF800;
	v13 =	vld [tilespmem:s29+$0x3EF0];
	v0 =	vadd.f32 v8, v0  }
0x3f1: {  	v14 =	vld [tilespmem:s29+$0x3E80];
	v1 =	vadd.f32 v9, v1  }
0x3f2: {  	v15 =	vld [tilespmem:s29+$0x3E90];
	v2 =	vadd.f32 v10, v2  }
.Ltmp33:
0x3f3: {  	v8 =	vld [tilespmem:s29+$0x3EA0];
	v3 =	vadd.f32 v11, v3;
	(pc) =	sbr.rel @p0 .LBB2_68-.Ltmp33, $4  }
0x3f4: {  	v9 =	vld [tilespmem:s29+$0x3EB0];
	v4 =	vadd.f32 v12, v4  }
0x3f5: {  	v10 =	vld [tilespmem:s29+$0x3EC0];
	v5 =	vadd.f32 v13, v5  }
0x3f6: {  	v6 =	vadd.f32 v14, v6;
	v11 =	vld [tilespmem:s29+$0x3ED0]  }
0x3f7: {  	v7 =	vadd.f32 v15, v7;
	v12 =	vld [tilespmem:s29+$0x3EE0];
	s29 =	sshra.s32 s30, $0x2;
	s30 =	sadd.s32 $0x200, s30  }
0x3f8: {  	v13 =	vld [tilespmem:s29+$0x3EF0]  }
0x3f9: {  	v14 =	vld [tilespmem:s29+$0x3E80]  }
0x3fa: {  	v15 =	vld [tilespmem:s29+$0x3E90]  }
0x3fb: {  	v16 =	vld [tilespmem:s29+$0x3EA0]  }
0x3fc: {  	v17 =	vld [tilespmem:s29+$0x3EB0]  }
0x3fd: {  	v18 =	vld [tilespmem:s29+$0x3EC0]  }
0x3fe: {  	v19 =	vld [tilespmem:s29+$0x3ED0]  }
0x3ff: {  	v20 =	vld [tilespmem:s29+$0x3EE0];
	[tilespmem:s23], [sflag:$0x2] =	stream.strided.gather [hbm4b:s6+s21], $0x3E80, s22, s21, $0x38  }
0x400: {  	_ =	swait.ge [sflag:s24], $0x3E80  }
0x401: {  	[sflag:s24] =	ssyncset.done $0x0  }
0x402: {  	s31 =	simm.s32 $0x0;
	[sflag:s24] =	ssyncadd.s32 $0xFFFFC180  }
0x403: {  	v0 =	vadd.f32 v8, v0;
	v1 =	vadd.f32 v9, v1;
	v21 =	vld [tilespmem:s31+$0x70]  }
0x404: {  	v2 =	vadd.f32 v10, v2;
	v3 =	vadd.f32 v11, v3;
	v22 =	vld [tilespmem:s31+$0x0]  }
0x405: {  	v4 =	vadd.f32 v12, v4;
	v12 =	vld [tilespmem:s31+$0x10];
	v5 =	vadd.f32 v13, v5  }
0x406: {  	v8 =	vld [tilespmem:s31+$0x20];
	v6 =	vadd.f32 v14, v6;
	v7 =	vadd.f32 v15, v7  }
0x407: {  	v9 =	vld [tilespmem:s31+$0x30];
	v0 =	vadd.f32 v16, v0;
	v1 =	vadd.f32 v17, v1  }
0x408: {  	v10 =	vld [tilespmem:s31+$0x40];
	v2 =	vadd.f32 v18, v2;
	v3 =	vadd.f32 v19, v3  }
0x409: {  	v11 =	vld [tilespmem:s31+$0x50];
	v4 =	vadd.f32 v20, v4;
	v5 =	vadd.f32 v21, v5  }
0x40a: {  	s29 =	simm.s32 $0x80;
	s30 =	simm.s32 $0x400;
	v6 =	vadd.f32 v22, v6;
	v7 =	vadd.f32 v12, v7;
	v12 =	vld [tilespmem:s31+$0x60]  }
.LBB2_70:
0x40b: {  	p0 =	sne.s32 s30, $0xF800;
	v13 =	vld [tilespmem:s29+$0x70];
	v0 =	vadd.f32 v8, v0  }
0x40c: {  	v14 =	vld [tilespmem:s29+$0x0];
	v1 =	vadd.f32 v9, v1  }
0x40d: {  	v15 =	vld [tilespmem:s29+$0x10];
	v2 =	vadd.f32 v10, v2  }
.Ltmp34:
0x40e: {  	v8 =	vld [tilespmem:s29+$0x20];
	v3 =	vadd.f32 v11, v3;
	(pc) =	sbr.rel @p0 .LBB2_70-.Ltmp34, $4  }
0x40f: {  	v9 =	vld [tilespmem:s29+$0x30];
	v4 =	vadd.f32 v12, v4  }
0x410: {  	v10 =	vld [tilespmem:s29+$0x40];
	v5 =	vadd.f32 v13, v5  }
0x411: {  	v6 =	vadd.f32 v14, v6;
	v11 =	vld [tilespmem:s29+$0x50]  }
0x412: {  	v7 =	vadd.f32 v15, v7;
	v12 =	vld [tilespmem:s29+$0x60];
	s29 =	sshra.s32 s30, $0x2;
	s30 =	sadd.s32 $0x200, s30  }
0x413: {  	v13 =	vld [tilespmem:s29+$0x70]  }
0x414: {  	v14 =	vld [tilespmem:s29+$0x0]  }
0x415: {  	v15 =	vld [tilespmem:s29+$0x10]  }
0x416: {  	v16 =	vld [tilespmem:s29+$0x20]  }
0x417: {  	v17 =	vld [tilespmem:s29+$0x30]  }
0x418: {  	v18 =	vld [tilespmem:s29+$0x40]  }
0x419: {  	v19 =	vld [tilespmem:s29+$0x50]  }
0x41a: {  	v20 =	vld [tilespmem:s29+$0x60];
	s29 =	simm.s32 $0x0  }
0x41b: {  	[tilespmem:s29], [sflag:$0x1] =	stream.strided.gather [hbm4b:s7+s21], $0x3E80, s22, s21, $0x38;
	[tilespmem:$0x7D80] =	vst v63  }
0x41c: {  	_ =	swait.ge [sflag:s25], $0x3E80  }
0x41d: {  	[sflag:s25] =	ssyncset.done $0x0  }
0x41e: {  	s31 =	simm.s32 $0x0;
	[sflag:s25] =	ssyncadd.s32 $0xFFFFC180  }
0x41f: {  	v0 =	vadd.f32 v8, v0;
	v1 =	vadd.f32 v9, v1;
	v21 =	vld [tilespmem:s31+$0x3EF0]  }
0x420: {  	v2 =	vadd.f32 v10, v2;
	v3 =	vadd.f32 v11, v3;
	v22 =	vld [tilespmem:s31+$0x3E80]  }
0x421: {  	v4 =	vadd.f32 v12, v4;
	v5 =	vadd.f32 v13, v5;
	v12 =	vld [tilespmem:s31+$0x3E90]  }
0x422: {  	v6 =	vadd.f32 v14, v6;
	v7 =	vadd.f32 v15, v7;
	v8 =	vld [tilespmem:s31+$0x3EA0]  }
0x423: {  	v0 =	vadd.f32 v16, v0;
	v1 =	vadd.f32 v17, v1;
	v9 =	vld [tilespmem:s31+$0x3EB0]  }
0x424: {  	v2 =	vadd.f32 v18, v2;
	v3 =	vadd.f32 v19, v3;
	v10 =	vld [tilespmem:s31+$0x3EC0]  }
0x425: {  	v11 =	vld [tilespmem:s31+$0x3ED0];
	v4 =	vadd.f32 v20, v4;
	v5 =	vadd.f32 v21, v5  }
0x426: {  	s30 =	simm.s32 $0x400;
	s29 =	simm.s32 $0x80;
	v6 =	vadd.f32 v22, v6;
	v7 =	vadd.f32 v12, v7;
	v12 =	vld [tilespmem:s31+$0x3EE0]  }
.LBB2_72:
0x427: {  	p0 =	sne.s32 s30, $0xF800;
	v13 =	vld [tilespmem:s29+$0x3EF0];
	v0 =	vadd.f32 v8, v0  }
0x428: {  	v14 =	vld [tilespmem:s29+$0x3E80];
	v1 =	vadd.f32 v9, v1  }
0x429: {  	v15 =	vld [tilespmem:s29+$0x3E90];
	v2 =	vadd.f32 v10, v2  }
.Ltmp35:
0x42a: {  	v8 =	vld [tilespmem:s29+$0x3EA0];
	v3 =	vadd.f32 v11, v3;
	(pc) =	sbr.rel @p0 .LBB2_72-.Ltmp35, $4  }
0x42b: {  	v9 =	vld [tilespmem:s29+$0x3EB0];
	v4 =	vadd.f32 v12, v4  }
0x42c: {  	v10 =	vld [tilespmem:s29+$0x3EC0];
	v5 =	vadd.f32 v13, v5  }
0x42d: {  	v6 =	vadd.f32 v14, v6;
	v11 =	vld [tilespmem:s29+$0x3ED0]  }
0x42e: {  	v7 =	vadd.f32 v15, v7;
	v12 =	vld [tilespmem:s29+$0x3EE0];
	s29 =	sshra.s32 s30, $0x2;
	s30 =	sadd.s32 $0x200, s30  }
0x42f: {  	v13 =	vld [tilespmem:s29+$0x3EF0]  }
0x430: {  	v14 =	vld [tilespmem:s29+$0x3E80]  }
0x431: {  	v15 =	vld [tilespmem:s29+$0x3E90]  }
0x432: {  	v16 =	vld [tilespmem:s29+$0x3EA0]  }
0x433: {  	v17 =	vld [tilespmem:s29+$0x3EB0]  }
0x434: {  	v18 =	vld [tilespmem:s29+$0x3EC0]  }
0x435: {  	v19 =	vld [tilespmem:s29+$0x3ED0]  }
0x436: {  	v20 =	vld [tilespmem:s29+$0x3EE0];
	[tilespmem:s23], [sflag:$0x2] =	stream.strided.gather [hbm4b:s8+s21], $0x3E80, s22, s21, $0x38  }
0x437: {  	_ =	swait.ge [sflag:s24], $0x3E80  }
0x438: {  	[sflag:s24] =	ssyncset.done $0x0  }
0x439: {  	s31 =	simm.s32 $0x0;
	[sflag:s24] =	ssyncadd.s32 $0xFFFFC180  }
0x43a: {  	v0 =	vadd.f32 v8, v0;
	v1 =	vadd.f32 v9, v1;
	v21 =	vld [tilespmem:s31+$0x70]  }
0x43b: {  	v2 =	vadd.f32 v10, v2;
	v3 =	vadd.f32 v11, v3;
	v22 =	vld [tilespmem:s31+$0x0]  }
0x43c: {  	v4 =	vadd.f32 v12, v4;
	v12 =	vld [tilespmem:s31+$0x10];
	v5 =	vadd.f32 v13, v5  }
0x43d: {  	v8 =	vld [tilespmem:s31+$0x20];
	v6 =	vadd.f32 v14, v6;
	v7 =	vadd.f32 v15, v7  }
0x43e: {  	v9 =	vld [tilespmem:s31+$0x30];
	v0 =	vadd.f32 v16, v0;
	v1 =	vadd.f32 v17, v1  }
0x43f: {  	v10 =	vld [tilespmem:s31+$0x40];
	v2 =	vadd.f32 v18, v2;
	v3 =	vadd.f32 v19, v3  }
0x440: {  	v11 =	vld [tilespmem:s31+$0x50];
	v4 =	vadd.f32 v20, v4;
	v5 =	vadd.f32 v21, v5  }
0x441: {  	s29 =	simm.s32 $0x80;
	s30 =	simm.s32 $0x400;
	v6 =	vadd.f32 v22, v6;
	v7 =	vadd.f32 v12, v7;
	v12 =	vld [tilespmem:s31+$0x60]  }
.LBB2_74:
0x442: {  	p0 =	sne.s32 s30, $0xF800;
	v13 =	vld [tilespmem:s29+$0x70];
	v0 =	vadd.f32 v8, v0  }
0x443: {  	v14 =	vld [tilespmem:s29+$0x0];
	v1 =	vadd.f32 v9, v1  }
0x444: {  	v15 =	vld [tilespmem:s29+$0x10];
	v2 =	vadd.f32 v10, v2  }
.Ltmp36:
0x445: {  	v8 =	vld [tilespmem:s29+$0x20];
	v3 =	vadd.f32 v11, v3;
	(pc) =	sbr.rel @p0 .LBB2_74-.Ltmp36, $4  }
0x446: {  	v9 =	vld [tilespmem:s29+$0x30];
	v4 =	vadd.f32 v12, v4  }
0x447: {  	v10 =	vld [tilespmem:s29+$0x40];
	v5 =	vadd.f32 v13, v5  }
0x448: {  	v6 =	vadd.f32 v14, v6;
	v11 =	vld [tilespmem:s29+$0x50]  }
0x449: {  	v7 =	vadd.f32 v15, v7;
	v12 =	vld [tilespmem:s29+$0x60];
	s29 =	sshra.s32 s30, $0x2;
	s30 =	sadd.s32 $0x200, s30  }
0x44a: {  	v13 =	vld [tilespmem:s29+$0x70]  }
0x44b: {  	v14 =	vld [tilespmem:s29+$0x0]  }
0x44c: {  	v15 =	vld [tilespmem:s29+$0x10]  }
0x44d: {  	v16 =	vld [tilespmem:s29+$0x20]  }
0x44e: {  	v17 =	vld [tilespmem:s29+$0x30]  }
0x44f: {  	v18 =	vld [tilespmem:s29+$0x40]  }
0x450: {  	v19 =	vld [tilespmem:s29+$0x50]  }
0x451: {  	v20 =	vld [tilespmem:s29+$0x60];
	s29 =	simm.s32 $0x0  }
0x452: {  	[tilespmem:s29], [sflag:$0x1] =	stream.strided.gather [hbm4b:s9+s21], $0x3E80, s22, s21, $0x38;
	[tilespmem:$0x7D80] =	vst v63  }
0x453: {  	_ =	swait.ge [sflag:s25], $0x3E80  }
0x454: {  	[sflag:s25] =	ssyncset.done $0x0  }
0x455: {  	s31 =	simm.s32 $0x0;
	[sflag:s25] =	ssyncadd.s32 $0xFFFFC180  }
0x456: {  	v0 =	vadd.f32 v8, v0;
	v1 =	vadd.f32 v9, v1;
	v21 =	vld [tilespmem:s31+$0x3EF0]  }
0x457: {  	v2 =	vadd.f32 v10, v2;
	v3 =	vadd.f32 v11, v3;
	v22 =	vld [tilespmem:s31+$0x3E80]  }
0x458: {  	v4 =	vadd.f32 v12, v4;
	v5 =	vadd.f32 v13, v5;
	v12 =	vld [tilespmem:s31+$0x3E90]  }
0x459: {  	v6 =	vadd.f32 v14, v6;
	v7 =	vadd.f32 v15, v7;
	v8 =	vld [tilespmem:s31+$0x3EA0]  }
0x45a: {  	v0 =	vadd.f32 v16, v0;
	v1 =	vadd.f32 v17, v1;
	v9 =	vld [tilespmem:s31+$0x3EB0]  }
0x45b: {  	v2 =	vadd.f32 v18, v2;
	v3 =	vadd.f32 v19, v3;
	v10 =	vld [tilespmem:s31+$0x3EC0]  }
0x45c: {  	v11 =	vld [tilespmem:s31+$0x3ED0];
	v4 =	vadd.f32 v20, v4;
	v5 =	vadd.f32 v21, v5  }
0x45d: {  	s30 =	simm.s32 $0x400;
	s29 =	simm.s32 $0x80;
	v6 =	vadd.f32 v22, v6;
	v7 =	vadd.f32 v12, v7;
	v12 =	vld [tilespmem:s31+$0x3EE0]  }
.LBB2_76:
0x45e: {  	p0 =	sne.s32 s30, $0xF800;
	v13 =	vld [tilespmem:s29+$0x3EF0];
	v0 =	vadd.f32 v8, v0  }
0x45f: {  	v14 =	vld [tilespmem:s29+$0x3E80];
	v1 =	vadd.f32 v9, v1  }
0x460: {  	v15 =	vld [tilespmem:s29+$0x3E90];
	v2 =	vadd.f32 v10, v2  }
.Ltmp37:
0x461: {  	v8 =	vld [tilespmem:s29+$0x3EA0];
	v3 =	vadd.f32 v11, v3;
	(pc) =	sbr.rel @p0 .LBB2_76-.Ltmp37, $4  }
0x462: {  	v9 =	vld [tilespmem:s29+$0x3EB0];
	v4 =	vadd.f32 v12, v4  }
0x463: {  	v10 =	vld [tilespmem:s29+$0x3EC0];
	v5 =	vadd.f32 v13, v5  }
0x464: {  	v6 =	vadd.f32 v14, v6;
	v11 =	vld [tilespmem:s29+$0x3ED0]  }
0x465: {  	v7 =	vadd.f32 v15, v7;
	v12 =	vld [tilespmem:s29+$0x3EE0];
	s29 =	sshra.s32 s30, $0x2;
	s30 =	sadd.s32 $0x200, s30  }
0x466: {  	v13 =	vld [tilespmem:s29+$0x3EF0]  }
0x467: {  	v14 =	vld [tilespmem:s29+$0x3E80]  }
0x468: {  	v15 =	vld [tilespmem:s29+$0x3E90]  }
0x469: {  	v16 =	vld [tilespmem:s29+$0x3EA0]  }
0x46a: {  	v17 =	vld [tilespmem:s29+$0x3EB0]  }
0x46b: {  	v18 =	vld [tilespmem:s29+$0x3EC0]  }
0x46c: {  	v19 =	vld [tilespmem:s29+$0x3ED0]  }
0x46d: {  	v20 =	vld [tilespmem:s29+$0x3EE0];
	[tilespmem:s23], [sflag:$0x2] =	stream.strided.gather [hbm4b:s10+s21], $0x3E80, s22, s21, $0x38  }
0x46e: {  	_ =	swait.ge [sflag:s24], $0x3E80  }
0x46f: {  	[sflag:s24] =	ssyncset.done $0x0  }
0x470: {  	s31 =	simm.s32 $0x0;
	[sflag:s24] =	ssyncadd.s32 $0xFFFFC180  }
0x471: {  	v0 =	vadd.f32 v8, v0;
	v1 =	vadd.f32 v9, v1;
	v21 =	vld [tilespmem:s31+$0x70]  }
0x472: {  	v2 =	vadd.f32 v10, v2;
	v3 =	vadd.f32 v11, v3;
	v22 =	vld [tilespmem:s31+$0x0]  }
0x473: {  	v4 =	vadd.f32 v12, v4;
	v12 =	vld [tilespmem:s31+$0x10];
	v5 =	vadd.f32 v13, v5  }
0x474: {  	v8 =	vld [tilespmem:s31+$0x20];
	v6 =	vadd.f32 v14, v6;
	v7 =	vadd.f32 v15, v7  }
0x475: {  	v9 =	vld [tilespmem:s31+$0x30];
	v0 =	vadd.f32 v16, v0;
	v1 =	vadd.f32 v17, v1  }
0x476: {  	v10 =	vld [tilespmem:s31+$0x40];
	v2 =	vadd.f32 v18, v2;
	v3 =	vadd.f32 v19, v3  }
0x477: {  	v11 =	vld [tilespmem:s31+$0x50];
	v4 =	vadd.f32 v20, v4;
	v5 =	vadd.f32 v21, v5  }
0x478: {  	s29 =	simm.s32 $0x80;
	s30 =	simm.s32 $0x400;
	v6 =	vadd.f32 v22, v6;
	v7 =	vadd.f32 v12, v7;
	v12 =	vld [tilespmem:s31+$0x60]  }
.LBB2_78:
0x479: {  	p0 =	sne.s32 s30, $0xF800;
	v13 =	vld [tilespmem:s29+$0x70];
	v0 =	vadd.f32 v8, v0  }
0x47a: {  	v14 =	vld [tilespmem:s29+$0x0];
	v1 =	vadd.f32 v9, v1  }
0x47b: {  	v15 =	vld [tilespmem:s29+$0x10];
	v2 =	vadd.f32 v10, v2  }
.Ltmp38:
0x47c: {  	v8 =	vld [tilespmem:s29+$0x20];
	v3 =	vadd.f32 v11, v3;
	(pc) =	sbr.rel @p0 .LBB2_78-.Ltmp38, $4  }
0x47d: {  	v9 =	vld [tilespmem:s29+$0x30];
	v4 =	vadd.f32 v12, v4  }
0x47e: {  	v10 =	vld [tilespmem:s29+$0x40];
	v5 =	vadd.f32 v13, v5  }
0x47f: {  	v6 =	vadd.f32 v14, v6;
	v11 =	vld [tilespmem:s29+$0x50]  }
0x480: {  	v7 =	vadd.f32 v15, v7;
	v12 =	vld [tilespmem:s29+$0x60];
	s29 =	sshra.s32 s30, $0x2;
	s30 =	sadd.s32 $0x200, s30  }
0x481: {  	v13 =	vld [tilespmem:s29+$0x70]  }
0x482: {  	v14 =	vld [tilespmem:s29+$0x0]  }
0x483: {  	v15 =	vld [tilespmem:s29+$0x10]  }
0x484: {  	v16 =	vld [tilespmem:s29+$0x20]  }
0x485: {  	v17 =	vld [tilespmem:s29+$0x30]  }
0x486: {  	v18 =	vld [tilespmem:s29+$0x40]  }
0x487: {  	v19 =	vld [tilespmem:s29+$0x50]  }
0x488: {  	v20 =	vld [tilespmem:s29+$0x60];
	s29 =	simm.s32 $0x0  }
0x489: {  	[tilespmem:s29], [sflag:$0x1] =	stream.strided.gather [hbm4b:s11+s21], $0x3E80, s22, s21, $0x38;
	[tilespmem:$0x7D80] =	vst v63  }
0x48a: {  	_ =	swait.ge [sflag:s25], $0x3E80  }
0x48b: {  	[sflag:s25] =	ssyncset.done $0x0  }
0x48c: {  	s31 =	simm.s32 $0x0;
	[sflag:s25] =	ssyncadd.s32 $0xFFFFC180  }
0x48d: {  	v0 =	vadd.f32 v8, v0;
	v1 =	vadd.f32 v9, v1;
	v21 =	vld [tilespmem:s31+$0x3EF0]  }
0x48e: {  	v2 =	vadd.f32 v10, v2;
	v3 =	vadd.f32 v11, v3;
	v22 =	vld [tilespmem:s31+$0x3E80]  }
0x48f: {  	v4 =	vadd.f32 v12, v4;
	v5 =	vadd.f32 v13, v5;
	v12 =	vld [tilespmem:s31+$0x3E90]  }
0x490: {  	v6 =	vadd.f32 v14, v6;
	v7 =	vadd.f32 v15, v7;
	v8 =	vld [tilespmem:s31+$0x3EA0]  }
0x491: {  	v0 =	vadd.f32 v16, v0;
	v1 =	vadd.f32 v17, v1;
	v9 =	vld [tilespmem:s31+$0x3EB0]  }
0x492: {  	v2 =	vadd.f32 v18, v2;
	v3 =	vadd.f32 v19, v3;
	v10 =	vld [tilespmem:s31+$0x3EC0]  }
0x493: {  	v11 =	vld [tilespmem:s31+$0x3ED0];
	v4 =	vadd.f32 v20, v4;
	v5 =	vadd.f32 v21, v5  }
0x494: {  	s30 =	simm.s32 $0x400;
	s29 =	simm.s32 $0x80;
	v6 =	vadd.f32 v22, v6;
	v7 =	vadd.f32 v12, v7;
	v12 =	vld [tilespmem:s31+$0x3EE0]  }
.LBB2_80:
0x495: {  	p0 =	sne.s32 s30, $0xF800;
	v13 =	vld [tilespmem:s29+$0x3EF0];
	v0 =	vadd.f32 v8, v0  }
0x496: {  	v14 =	vld [tilespmem:s29+$0x3E80];
	v1 =	vadd.f32 v9, v1  }
0x497: {  	v15 =	vld [tilespmem:s29+$0x3E90];
	v2 =	vadd.f32 v10, v2  }
.Ltmp39:
0x498: {  	v8 =	vld [tilespmem:s29+$0x3EA0];
	v3 =	vadd.f32 v11, v3;
	(pc) =	sbr.rel @p0 .LBB2_80-.Ltmp39, $4  }
0x499: {  	v9 =	vld [tilespmem:s29+$0x3EB0];
	v4 =	vadd.f32 v12, v4  }
0x49a: {  	v10 =	vld [tilespmem:s29+$0x3EC0];
	v5 =	vadd.f32 v13, v5  }
0x49b: {  	v6 =	vadd.f32 v14, v6;
	v11 =	vld [tilespmem:s29+$0x3ED0]  }
0x49c: {  	v7 =	vadd.f32 v15, v7;
	v12 =	vld [tilespmem:s29+$0x3EE0];
	s29 =	sshra.s32 s30, $0x2;
	s30 =	sadd.s32 $0x200, s30  }
0x49d: {  	v13 =	vld [tilespmem:s29+$0x3EF0]  }
0x49e: {  	v14 =	vld [tilespmem:s29+$0x3E80]  }
0x49f: {  	v15 =	vld [tilespmem:s29+$0x3E90]  }
0x4a0: {  	v16 =	vld [tilespmem:s29+$0x3EA0]  }
0x4a1: {  	v17 =	vld [tilespmem:s29+$0x3EB0]  }
0x4a2: {  	v18 =	vld [tilespmem:s29+$0x3EC0]  }
0x4a3: {  	v19 =	vld [tilespmem:s29+$0x3ED0]  }
0x4a4: {  	v20 =	vld [tilespmem:s29+$0x3EE0];
	[tilespmem:s23], [sflag:$0x2] =	stream.strided.gather [hbm4b:s12+s21], $0x3E80, s22, s21, $0x38  }
0x4a5: {  	_ =	swait.ge [sflag:s24], $0x3E80  }
0x4a6: {  	[sflag:s24] =	ssyncset.done $0x0  }
0x4a7: {  	s31 =	simm.s32 $0x0;
	[sflag:s24] =	ssyncadd.s32 $0xFFFFC180  }
0x4a8: {  	v0 =	vadd.f32 v8, v0;
	v1 =	vadd.f32 v9, v1;
	v21 =	vld [tilespmem:s31+$0x70]  }
0x4a9: {  	v2 =	vadd.f32 v10, v2;
	v3 =	vadd.f32 v11, v3;
	v22 =	vld [tilespmem:s31+$0x0]  }
0x4aa: {  	v4 =	vadd.f32 v12, v4;
	v12 =	vld [tilespmem:s31+$0x10];
	v5 =	vadd.f32 v13, v5  }
0x4ab: {  	v8 =	vld [tilespmem:s31+$0x20];
	v6 =	vadd.f32 v14, v6;
	v7 =	vadd.f32 v15, v7  }
0x4ac: {  	v9 =	vld [tilespmem:s31+$0x30];
	v0 =	vadd.f32 v16, v0;
	v1 =	vadd.f32 v17, v1  }
0x4ad: {  	v10 =	vld [tilespmem:s31+$0x40];
	v2 =	vadd.f32 v18, v2;
	v3 =	vadd.f32 v19, v3  }
0x4ae: {  	v11 =	vld [tilespmem:s31+$0x50];
	v4 =	vadd.f32 v20, v4;
	v5 =	vadd.f32 v21, v5  }
0x4af: {  	s29 =	simm.s32 $0x80;
	s30 =	simm.s32 $0x400;
	v6 =	vadd.f32 v22, v6;
	v7 =	vadd.f32 v12, v7;
	v12 =	vld [tilespmem:s31+$0x60]  }
.LBB2_82:
0x4b0: {  	p0 =	sne.s32 s30, $0xF800;
	v13 =	vld [tilespmem:s29+$0x70];
	v0 =	vadd.f32 v8, v0  }
0x4b1: {  	v14 =	vld [tilespmem:s29+$0x0];
	v1 =	vadd.f32 v9, v1  }
0x4b2: {  	v15 =	vld [tilespmem:s29+$0x10];
	v2 =	vadd.f32 v10, v2  }
.Ltmp40:
0x4b3: {  	v8 =	vld [tilespmem:s29+$0x20];
	v3 =	vadd.f32 v11, v3;
	(pc) =	sbr.rel @p0 .LBB2_82-.Ltmp40, $4  }
0x4b4: {  	v9 =	vld [tilespmem:s29+$0x30];
	v4 =	vadd.f32 v12, v4  }
0x4b5: {  	v10 =	vld [tilespmem:s29+$0x40];
	v5 =	vadd.f32 v13, v5  }
0x4b6: {  	v6 =	vadd.f32 v14, v6;
	v11 =	vld [tilespmem:s29+$0x50]  }
0x4b7: {  	v7 =	vadd.f32 v15, v7;
	v12 =	vld [tilespmem:s29+$0x60];
	s29 =	sshra.s32 s30, $0x2;
	s30 =	sadd.s32 $0x200, s30  }
0x4b8: {  	v13 =	vld [tilespmem:s29+$0x70]  }
0x4b9: {  	v14 =	vld [tilespmem:s29+$0x0]  }
0x4ba: {  	v15 =	vld [tilespmem:s29+$0x10]  }
0x4bb: {  	v16 =	vld [tilespmem:s29+$0x20]  }
0x4bc: {  	v17 =	vld [tilespmem:s29+$0x30]  }
0x4bd: {  	v18 =	vld [tilespmem:s29+$0x40]  }
0x4be: {  	v19 =	vld [tilespmem:s29+$0x50]  }
0x4bf: {  	v20 =	vld [tilespmem:s29+$0x60];
	s29 =	simm.s32 $0x0  }
0x4c0: {  	[tilespmem:s29], [sflag:$0x1] =	stream.strided.gather [hbm4b:s13+s21], $0x3E80, s22, s21, $0x38;
	[tilespmem:$0x7D80] =	vst v63  }
0x4c1: {  	_ =	swait.ge [sflag:s25], $0x3E80  }
0x4c2: {  	[sflag:s25] =	ssyncset.done $0x0  }
0x4c3: {  	s31 =	simm.s32 $0x0;
	[sflag:s25] =	ssyncadd.s32 $0xFFFFC180  }
0x4c4: {  	v0 =	vadd.f32 v8, v0;
	v1 =	vadd.f32 v9, v1;
	v21 =	vld [tilespmem:s31+$0x3EF0]  }
0x4c5: {  	v2 =	vadd.f32 v10, v2;
	v3 =	vadd.f32 v11, v3;
	v22 =	vld [tilespmem:s31+$0x3E80]  }
0x4c6: {  	v4 =	vadd.f32 v12, v4;
	v5 =	vadd.f32 v13, v5;
	v12 =	vld [tilespmem:s31+$0x3E90]  }
0x4c7: {  	v6 =	vadd.f32 v14, v6;
	v7 =	vadd.f32 v15, v7;
	v8 =	vld [tilespmem:s31+$0x3EA0]  }
0x4c8: {  	v0 =	vadd.f32 v16, v0;
	v1 =	vadd.f32 v17, v1;
	v9 =	vld [tilespmem:s31+$0x3EB0]  }
0x4c9: {  	v2 =	vadd.f32 v18, v2;
	v3 =	vadd.f32 v19, v3;
	v10 =	vld [tilespmem:s31+$0x3EC0]  }
0x4ca: {  	v11 =	vld [tilespmem:s31+$0x3ED0];
	v4 =	vadd.f32 v20, v4;
	v5 =	vadd.f32 v21, v5  }
0x4cb: {  	s30 =	simm.s32 $0x400;
	s29 =	simm.s32 $0x80;
	v6 =	vadd.f32 v22, v6;
	v7 =	vadd.f32 v12, v7;
	v12 =	vld [tilespmem:s31+$0x3EE0]  }
.LBB2_84:
0x4cc: {  	p0 =	sne.s32 s30, $0xF800;
	v13 =	vld [tilespmem:s29+$0x3EF0];
	v0 =	vadd.f32 v8, v0  }
0x4cd: {  	v14 =	vld [tilespmem:s29+$0x3E80];
	v1 =	vadd.f32 v9, v1  }
0x4ce: {  	v15 =	vld [tilespmem:s29+$0x3E90];
	v2 =	vadd.f32 v10, v2  }
.Ltmp41:
0x4cf: {  	v8 =	vld [tilespmem:s29+$0x3EA0];
	v3 =	vadd.f32 v11, v3;
	(pc) =	sbr.rel @p0 .LBB2_84-.Ltmp41, $4  }
0x4d0: {  	v9 =	vld [tilespmem:s29+$0x3EB0];
	v4 =	vadd.f32 v12, v4  }
0x4d1: {  	v10 =	vld [tilespmem:s29+$0x3EC0];
	v5 =	vadd.f32 v13, v5  }
0x4d2: {  	v6 =	vadd.f32 v14, v6;
	v11 =	vld [tilespmem:s29+$0x3ED0]  }
0x4d3: {  	v7 =	vadd.f32 v15, v7;
	v12 =	vld [tilespmem:s29+$0x3EE0];
	s29 =	sshra.s32 s30, $0x2;
	s30 =	sadd.s32 $0x200, s30  }
0x4d4: {  	v13 =	vld [tilespmem:s29+$0x3EF0]  }
0x4d5: {  	v14 =	vld [tilespmem:s29+$0x3E80]  }
0x4d6: {  	v15 =	vld [tilespmem:s29+$0x3E90]  }
0x4d7: {  	v16 =	vld [tilespmem:s29+$0x3EA0]  }
0x4d8: {  	v17 =	vld [tilespmem:s29+$0x3EB0]  }
0x4d9: {  	v18 =	vld [tilespmem:s29+$0x3EC0]  }
0x4da: {  	v19 =	vld [tilespmem:s29+$0x3ED0]  }
0x4db: {  	v20 =	vld [tilespmem:s29+$0x3EE0];
	[tilespmem:s23], [sflag:$0x2] =	stream.strided.gather [hbm4b:s14+s21], $0x3E80, s22, s21, $0x38  }
0x4dc: {  	_ =	swait.ge [sflag:s24], $0x3E80  }
0x4dd: {  	[sflag:s24] =	ssyncset.done $0x0  }
0x4de: {  	s31 =	simm.s32 $0x0;
	[sflag:s24] =	ssyncadd.s32 $0xFFFFC180  }
0x4df: {  	v0 =	vadd.f32 v8, v0;
	v1 =	vadd.f32 v9, v1;
	v21 =	vld [tilespmem:s31+$0x70]  }
0x4e0: {  	v2 =	vadd.f32 v10, v2;
	v3 =	vadd.f32 v11, v3;
	v22 =	vld [tilespmem:s31+$0x0]  }
0x4e1: {  	v4 =	vadd.f32 v12, v4;
	v12 =	vld [tilespmem:s31+$0x10];
	v5 =	vadd.f32 v13, v5  }
0x4e2: {  	v8 =	vld [tilespmem:s31+$0x20];
	v6 =	vadd.f32 v14, v6;
	v7 =	vadd.f32 v15, v7  }
0x4e3: {  	v9 =	vld [tilespmem:s31+$0x30];
	v0 =	vadd.f32 v16, v0;
	v1 =	vadd.f32 v17, v1  }
0x4e4: {  	v10 =	vld [tilespmem:s31+$0x40];
	v2 =	vadd.f32 v18, v2;
	v3 =	vadd.f32 v19, v3  }
0x4e5: {  	v11 =	vld [tilespmem:s31+$0x50];
	v4 =	vadd.f32 v20, v4;
	v5 =	vadd.f32 v21, v5  }
0x4e6: {  	s29 =	simm.s32 $0x80;
	s30 =	simm.s32 $0x400;
	v6 =	vadd.f32 v22, v6;
	v7 =	vadd.f32 v12, v7;
	v12 =	vld [tilespmem:s31+$0x60]  }
.LBB2_86:
0x4e7: {  	p0 =	sne.s32 s30, $0xF800;
	v13 =	vld [tilespmem:s29+$0x70];
	v0 =	vadd.f32 v8, v0  }
0x4e8: {  	v14 =	vld [tilespmem:s29+$0x0];
	v1 =	vadd.f32 v9, v1  }
0x4e9: {  	v15 =	vld [tilespmem:s29+$0x10];
	v2 =	vadd.f32 v10, v2  }
.Ltmp42:
0x4ea: {  	v8 =	vld [tilespmem:s29+$0x20];
	v3 =	vadd.f32 v11, v3;
	(pc) =	sbr.rel @p0 .LBB2_86-.Ltmp42, $4  }
0x4eb: {  	v9 =	vld [tilespmem:s29+$0x30];
	v4 =	vadd.f32 v12, v4  }
0x4ec: {  	v10 =	vld [tilespmem:s29+$0x40];
	v5 =	vadd.f32 v13, v5  }
0x4ed: {  	v6 =	vadd.f32 v14, v6;
	v11 =	vld [tilespmem:s29+$0x50]  }
0x4ee: {  	v7 =	vadd.f32 v15, v7;
	v12 =	vld [tilespmem:s29+$0x60];
	s29 =	sshra.s32 s30, $0x2;
	s30 =	sadd.s32 $0x200, s30  }
0x4ef: {  	v13 =	vld [tilespmem:s29+$0x70]  }
0x4f0: {  	v14 =	vld [tilespmem:s29+$0x0]  }
0x4f1: {  	v15 =	vld [tilespmem:s29+$0x10]  }
0x4f2: {  	v16 =	vld [tilespmem:s29+$0x20]  }
0x4f3: {  	v17 =	vld [tilespmem:s29+$0x30]  }
0x4f4: {  	v18 =	vld [tilespmem:s29+$0x40]  }
0x4f5: {  	v19 =	vld [tilespmem:s29+$0x50]  }
0x4f6: {  	v20 =	vld [tilespmem:s29+$0x60];
	s29 =	simm.s32 $0x0  }
0x4f7: {  	[tilespmem:s29], [sflag:$0x1] =	stream.strided.gather [hbm4b:s15+s21], $0x3E80, s22, s21, $0x38;
	[tilespmem:$0x7D80] =	vst v63  }
0x4f8: {  	_ =	swait.ge [sflag:s25], $0x3E80  }
0x4f9: {  	[sflag:s25] =	ssyncset.done $0x0  }
0x4fa: {  	s31 =	simm.s32 $0x0;
	[sflag:s25] =	ssyncadd.s32 $0xFFFFC180  }
0x4fb: {  	v0 =	vadd.f32 v8, v0;
	v1 =	vadd.f32 v9, v1;
	v21 =	vld [tilespmem:s31+$0x3EF0]  }
0x4fc: {  	v2 =	vadd.f32 v10, v2;
	v3 =	vadd.f32 v11, v3;
	v22 =	vld [tilespmem:s31+$0x3E80]  }
0x4fd: {  	v4 =	vadd.f32 v12, v4;
	v5 =	vadd.f32 v13, v5;
	v12 =	vld [tilespmem:s31+$0x3E90]  }
0x4fe: {  	v6 =	vadd.f32 v14, v6;
	v7 =	vadd.f32 v15, v7;
	v8 =	vld [tilespmem:s31+$0x3EA0]  }
0x4ff: {  	v0 =	vadd.f32 v16, v0;
	v1 =	vadd.f32 v17, v1;
	v9 =	vld [tilespmem:s31+$0x3EB0]  }
0x500: {  	v2 =	vadd.f32 v18, v2;
	v3 =	vadd.f32 v19, v3;
	v10 =	vld [tilespmem:s31+$0x3EC0]  }
0x501: {  	v11 =	vld [tilespmem:s31+$0x3ED0];
	v4 =	vadd.f32 v20, v4;
	v5 =	vadd.f32 v21, v5  }
0x502: {  	s30 =	simm.s32 $0x400;
	s29 =	simm.s32 $0x80;
	v6 =	vadd.f32 v22, v6;
	v7 =	vadd.f32 v12, v7;
	v12 =	vld [tilespmem:s31+$0x3EE0]  }
.LBB2_88:
0x503: {  	p0 =	sne.s32 s30, $0xF800;
	v13 =	vld [tilespmem:s29+$0x3EF0];
	v0 =	vadd.f32 v8, v0  }
0x504: {  	v14 =	vld [tilespmem:s29+$0x3E80];
	v1 =	vadd.f32 v9, v1  }
0x505: {  	v15 =	vld [tilespmem:s29+$0x3E90];
	v2 =	vadd.f32 v10, v2  }
.Ltmp43:
0x506: {  	v8 =	vld [tilespmem:s29+$0x3EA0];
	v3 =	vadd.f32 v11, v3;
	(pc) =	sbr.rel @p0 .LBB2_88-.Ltmp43, $4  }
0x507: {  	v9 =	vld [tilespmem:s29+$0x3EB0];
	v4 =	vadd.f32 v12, v4  }
0x508: {  	v10 =	vld [tilespmem:s29+$0x3EC0];
	v5 =	vadd.f32 v13, v5  }
0x509: {  	v6 =	vadd.f32 v14, v6;
	v11 =	vld [tilespmem:s29+$0x3ED0]  }
0x50a: {  	v7 =	vadd.f32 v15, v7;
	v12 =	vld [tilespmem:s29+$0x3EE0];
	s29 =	sshra.s32 s30, $0x2;
	s30 =	sadd.s32 $0x200, s30  }
0x50b: {  	v13 =	vld [tilespmem:s29+$0x3EF0]  }
0x50c: {  	v14 =	vld [tilespmem:s29+$0x3E80]  }
0x50d: {  	v15 =	vld [tilespmem:s29+$0x3E90]  }
0x50e: {  	v16 =	vld [tilespmem:s29+$0x3EA0]  }
0x50f: {  	v17 =	vld [tilespmem:s29+$0x3EB0]  }
0x510: {  	v18 =	vld [tilespmem:s29+$0x3EC0]  }
0x511: {  	v19 =	vld [tilespmem:s29+$0x3ED0]  }
0x512: {  	v20 =	vld [tilespmem:s29+$0x3EE0];
	[tilespmem:s23], [sflag:$0x2] =	stream.strided.gather [hbm4b:s16+s21], $0x3E80, s22, s21, $0x38  }
0x513: {  	_ =	swait.ge [sflag:s24], $0x3E80  }
0x514: {  	[sflag:s24] =	ssyncset.done $0x0  }
0x515: {  	s31 =	simm.s32 $0x0;
	[sflag:s24] =	ssyncadd.s32 $0xFFFFC180  }
0x516: {  	v0 =	vadd.f32 v8, v0;
	v1 =	vadd.f32 v9, v1;
	v21 =	vld [tilespmem:s31+$0x70]  }
0x517: {  	v2 =	vadd.f32 v10, v2;
	v3 =	vadd.f32 v11, v3;
	v22 =	vld [tilespmem:s31+$0x0]  }
0x518: {  	v4 =	vadd.f32 v12, v4;
	v12 =	vld [tilespmem:s31+$0x10];
	v5 =	vadd.f32 v13, v5  }
0x519: {  	v8 =	vld [tilespmem:s31+$0x20];
	v6 =	vadd.f32 v14, v6;
	v7 =	vadd.f32 v15, v7  }
0x51a: {  	v9 =	vld [tilespmem:s31+$0x30];
	v0 =	vadd.f32 v16, v0;
	v1 =	vadd.f32 v17, v1  }
0x51b: {  	v10 =	vld [tilespmem:s31+$0x40];
	v2 =	vadd.f32 v18, v2;
	v3 =	vadd.f32 v19, v3  }
0x51c: {  	v11 =	vld [tilespmem:s31+$0x50];
	v4 =	vadd.f32 v20, v4;
	v5 =	vadd.f32 v21, v5  }
0x51d: {  	s29 =	simm.s32 $0x80;
	s30 =	simm.s32 $0x400;
	v6 =	vadd.f32 v22, v6;
	v7 =	vadd.f32 v12, v7;
	v12 =	vld [tilespmem:s31+$0x60]  }
.LBB2_90:
0x51e: {  	p0 =	sne.s32 s30, $0xF800;
	v13 =	vld [tilespmem:s29+$0x70];
	v0 =	vadd.f32 v8, v0  }
0x51f: {  	v14 =	vld [tilespmem:s29+$0x0];
	v1 =	vadd.f32 v9, v1  }
0x520: {  	v15 =	vld [tilespmem:s29+$0x10];
	v2 =	vadd.f32 v10, v2  }
.Ltmp44:
0x521: {  	v8 =	vld [tilespmem:s29+$0x20];
	v3 =	vadd.f32 v11, v3;
	(pc) =	sbr.rel @p0 .LBB2_90-.Ltmp44, $4  }
0x522: {  	v9 =	vld [tilespmem:s29+$0x30];
	v4 =	vadd.f32 v12, v4  }
0x523: {  	v10 =	vld [tilespmem:s29+$0x40];
	v5 =	vadd.f32 v13, v5  }
0x524: {  	v6 =	vadd.f32 v14, v6;
	v11 =	vld [tilespmem:s29+$0x50]  }
0x525: {  	v7 =	vadd.f32 v15, v7;
	v12 =	vld [tilespmem:s29+$0x60];
	s29 =	sshra.s32 s30, $0x2;
	s30 =	sadd.s32 $0x200, s30  }
0x526: {  	v13 =	vld [tilespmem:s29+$0x70]  }
0x527: {  	v14 =	vld [tilespmem:s29+$0x0]  }
0x528: {  	v15 =	vld [tilespmem:s29+$0x10]  }
0x529: {  	v16 =	vld [tilespmem:s29+$0x20]  }
0x52a: {  	v17 =	vld [tilespmem:s29+$0x30]  }
0x52b: {  	v18 =	vld [tilespmem:s29+$0x40]  }
0x52c: {  	v19 =	vld [tilespmem:s29+$0x50]  }
0x52d: {  	v20 =	vld [tilespmem:s29+$0x60];
	s29 =	simm.s32 $0x0  }
0x52e: {  	[tilespmem:s29], [sflag:$0x1] =	stream.strided.gather [hbm4b:s17+s21], $0x3E80, s22, s21, $0x38;
	[tilespmem:$0x7D80] =	vst v63  }
0x52f: {  	_ =	swait.ge [sflag:s25], $0x3E80  }
0x530: {  	[sflag:s25] =	ssyncset.done $0x0  }
0x531: {  	s31 =	simm.s32 $0x0;
	[sflag:s25] =	ssyncadd.s32 $0xFFFFC180  }
0x532: {  	v0 =	vadd.f32 v8, v0;
	v1 =	vadd.f32 v9, v1;
	v21 =	vld [tilespmem:s31+$0x3EF0]  }
0x533: {  	v2 =	vadd.f32 v10, v2;
	v3 =	vadd.f32 v11, v3;
	v22 =	vld [tilespmem:s31+$0x3E80]  }
0x534: {  	v4 =	vadd.f32 v12, v4;
	v5 =	vadd.f32 v13, v5;
	v12 =	vld [tilespmem:s31+$0x3E90]  }
0x535: {  	v6 =	vadd.f32 v14, v6;
	v7 =	vadd.f32 v15, v7;
	v8 =	vld [tilespmem:s31+$0x3EA0]  }
0x536: {  	v0 =	vadd.f32 v16, v0;
	v1 =	vadd.f32 v17, v1;
	v9 =	vld [tilespmem:s31+$0x3EB0]  }
0x537: {  	v2 =	vadd.f32 v18, v2;
	v3 =	vadd.f32 v19, v3;
	v10 =	vld [tilespmem:s31+$0x3EC0]  }
0x538: {  	v11 =	vld [tilespmem:s31+$0x3ED0];
	v4 =	vadd.f32 v20, v4;
	v5 =	vadd.f32 v21, v5  }
0x539: {  	s30 =	simm.s32 $0x400;
	s29 =	simm.s32 $0x80;
	v6 =	vadd.f32 v22, v6;
	v7 =	vadd.f32 v12, v7;
	v12 =	vld [tilespmem:s31+$0x3EE0]  }
.LBB2_92:
0x53a: {  	p0 =	sne.s32 s30, $0xF800;
	v13 =	vld [tilespmem:s29+$0x3EF0];
	v0 =	vadd.f32 v8, v0  }
0x53b: {  	v14 =	vld [tilespmem:s29+$0x3E80];
	v1 =	vadd.f32 v9, v1  }
0x53c: {  	v15 =	vld [tilespmem:s29+$0x3E90];
	v2 =	vadd.f32 v10, v2  }
.Ltmp45:
0x53d: {  	v8 =	vld [tilespmem:s29+$0x3EA0];
	v3 =	vadd.f32 v11, v3;
	(pc) =	sbr.rel @p0 .LBB2_92-.Ltmp45, $4  }
0x53e: {  	v9 =	vld [tilespmem:s29+$0x3EB0];
	v4 =	vadd.f32 v12, v4  }
0x53f: {  	v10 =	vld [tilespmem:s29+$0x3EC0];
	v5 =	vadd.f32 v13, v5  }
0x540: {  	v6 =	vadd.f32 v14, v6;
	v11 =	vld [tilespmem:s29+$0x3ED0]  }
0x541: {  	v7 =	vadd.f32 v15, v7;
	v12 =	vld [tilespmem:s29+$0x3EE0];
	s29 =	sshra.s32 s30, $0x2;
	s30 =	sadd.s32 $0x200, s30  }
0x542: {  	v13 =	vld [tilespmem:s29+$0x3EF0]  }
0x543: {  	v14 =	vld [tilespmem:s29+$0x3E80]  }
0x544: {  	v15 =	vld [tilespmem:s29+$0x3E90]  }
0x545: {  	v16 =	vld [tilespmem:s29+$0x3EA0]  }
0x546: {  	v17 =	vld [tilespmem:s29+$0x3EB0]  }
0x547: {  	v18 =	vld [tilespmem:s29+$0x3EC0]  }
0x548: {  	v19 =	vld [tilespmem:s29+$0x3ED0]  }
0x549: {  	v20 =	vld [tilespmem:s29+$0x3EE0];
	[tilespmem:s23], [sflag:$0x2] =	stream.strided.gather [hbm4b:s18+s21], $0x3E80, s22, s21, $0x38  }
0x54a: {  	_ =	swait.ge [sflag:s24], $0x3E80  }
0x54b: {  	[sflag:s24] =	ssyncset.done $0x0  }
0x54c: {  	s31 =	simm.s32 $0x0;
	[sflag:s24] =	ssyncadd.s32 $0xFFFFC180  }
0x54d: {  	v0 =	vadd.f32 v8, v0;
	v1 =	vadd.f32 v9, v1;
	v21 =	vld [tilespmem:s31+$0x70]  }
0x54e: {  	v2 =	vadd.f32 v10, v2;
	v3 =	vadd.f32 v11, v3;
	v22 =	vld [tilespmem:s31+$0x0]  }
0x54f: {  	v4 =	vadd.f32 v12, v4;
	v12 =	vld [tilespmem:s31+$0x10];
	v5 =	vadd.f32 v13, v5  }
0x550: {  	v8 =	vld [tilespmem:s31+$0x20];
	v6 =	vadd.f32 v14, v6;
	v7 =	vadd.f32 v15, v7  }
0x551: {  	v9 =	vld [tilespmem:s31+$0x30];
	v0 =	vadd.f32 v16, v0;
	v1 =	vadd.f32 v17, v1  }
0x552: {  	v10 =	vld [tilespmem:s31+$0x40];
	v2 =	vadd.f32 v18, v2;
	v3 =	vadd.f32 v19, v3  }
0x553: {  	v11 =	vld [tilespmem:s31+$0x50];
	v4 =	vadd.f32 v20, v4;
	v5 =	vadd.f32 v21, v5  }
0x554: {  	s29 =	simm.s32 $0x80;
	s30 =	simm.s32 $0x400;
	v6 =	vadd.f32 v22, v6;
	v7 =	vadd.f32 v12, v7;
	v12 =	vld [tilespmem:s31+$0x60]  }
.LBB2_94:
0x555: {  	p0 =	sne.s32 s30, $0xF800;
	v13 =	vld [tilespmem:s29+$0x70];
	v0 =	vadd.f32 v8, v0  }
0x556: {  	v14 =	vld [tilespmem:s29+$0x0];
	v1 =	vadd.f32 v9, v1  }
0x557: {  	v15 =	vld [tilespmem:s29+$0x10];
	v2 =	vadd.f32 v10, v2  }
.Ltmp46:
0x558: {  	v8 =	vld [tilespmem:s29+$0x20];
	v3 =	vadd.f32 v11, v3;
	(pc) =	sbr.rel @p0 .LBB2_94-.Ltmp46, $4  }
0x559: {  	v9 =	vld [tilespmem:s29+$0x30];
	v4 =	vadd.f32 v12, v4  }
0x55a: {  	v10 =	vld [tilespmem:s29+$0x40];
	v5 =	vadd.f32 v13, v5  }
0x55b: {  	v6 =	vadd.f32 v14, v6;
	v11 =	vld [tilespmem:s29+$0x50]  }
0x55c: {  	v7 =	vadd.f32 v15, v7;
	v12 =	vld [tilespmem:s29+$0x60];
	s29 =	sshra.s32 s30, $0x2;
	s30 =	sadd.s32 $0x200, s30  }
0x55d: {  	v13 =	vld [tilespmem:s29+$0x70]  }
0x55e: {  	v14 =	vld [tilespmem:s29+$0x0]  }
0x55f: {  	v15 =	vld [tilespmem:s29+$0x10]  }
0x560: {  	v16 =	vld [tilespmem:s29+$0x20]  }
0x561: {  	v17 =	vld [tilespmem:s29+$0x30]  }
0x562: {  	v18 =	vld [tilespmem:s29+$0x40]  }
0x563: {  	v19 =	vld [tilespmem:s29+$0x50]  }
0x564: {  	v20 =	vld [tilespmem:s29+$0x60];
	_ =	swait.ge [sflag:s25], $0x3E80  }
0x565: {  	[sflag:s25] =	ssyncset.done $0x0  }
0x566: {  	s31 =	simm.s32 $0x0;
	[sflag:s25] =	ssyncadd.s32 $0xFFFFC180  }
0x567: {  	v0 =	vadd.f32 v8, v0;
	v1 =	vadd.f32 v9, v1;
	v8 =	vld [tilespmem:s31+$0x3EF0]  }
0x568: {  	v2 =	vadd.f32 v10, v2;
	v11 =	vadd.f32 v11, v3;
	v21 =	vld [tilespmem:s31+$0x3E80]  }
0x569: {  	v22 =	vld [tilespmem:s31+$0x3E90];
	v12 =	vadd.f32 v12, v4;
	v13 =	vadd.f32 v13, v5  }
0x56a: {  	v10 =	vld [tilespmem:s31+$0x3EA0];
	v14 =	vadd.f32 v14, v6;
	v15 =	vadd.f32 v15, v7  }
0x56b: {  	v9 =	vld [tilespmem:s31+$0x3EB0];
	v5 =	vadd.f32 v16, v0;
	v4 =	vadd.f32 v17, v1  }
0x56c: {  	v3 =	vadd.f32 v18, v2;
	v2 =	vadd.f32 v19, v11;
	v6 =	vld [tilespmem:s31+$0x3EC0]  }
0x56d: {  	v7 =	vld [tilespmem:s31+$0x3ED0];
	v1 =	vadd.f32 v20, v12;
	v0 =	vadd.f32 v8, v13  }
0x56e: {  	s29 =	simm.s32 $0x80;
	s30 =	simm.s32 $0x400;
	v11 =	vadd.f32 v21, v14;
	v12 =	vadd.f32 v22, v15;
	v8 =	vld [tilespmem:s31+$0x3EE0]  }
.LBB2_96:
0x56f: {  	p0 =	sne.s32 s30, $0xF800;
	v13 =	vld [tilespmem:s29+$0x3EF0];
	v5 =	vadd.f32 v10, v5  }
0x570: {  	v14 =	vld [tilespmem:s29+$0x3E80];
	v4 =	vadd.f32 v9, v4  }
0x571: {  	v15 =	vld [tilespmem:s29+$0x3E90];
	v3 =	vadd.f32 v6, v3  }
.Ltmp47:
0x572: {  	v10 =	vld [tilespmem:s29+$0x3EA0];
	v2 =	vadd.f32 v7, v2;
	(pc) =	sbr.rel @p0 .LBB2_96-.Ltmp47, $4  }
0x573: {  	v9 =	vld [tilespmem:s29+$0x3EB0];
	v1 =	vadd.f32 v8, v1  }
0x574: {  	v6 =	vld [tilespmem:s29+$0x3EC0];
	v0 =	vadd.f32 v13, v0  }
0x575: {  	v11 =	vadd.f32 v14, v11;
	v7 =	vld [tilespmem:s29+$0x3ED0]  }
0x576: {  	v12 =	vadd.f32 v15, v12;
	v8 =	vld [tilespmem:s29+$0x3EE0];
	s29 =	sshra.s32 s30, $0x2;
	s30 =	sadd.s32 $0x200, s30  }
0x577: {  	v13 =	vld [tilespmem:s29+$0x3E80]  }
0x578: {  	v14 =	vld [tilespmem:s29+$0x3E90];
	_ =	sdelay $0x1  }
0x579: {  	v15 =	vld [tilespmem:s29+$0x3EA0];
	_ =	sdelay $0x1  }
0x57a: {  	v5 =	vadd.f32 v10, v5;
	v59 =	vld [tilespmem:s29+$0x3EB0]  }
0x57b: {  	v11 =	vadd.f32 v13, v11;
	v12 =	vadd.f32 v14, v12  }
0x57c: {  	v60 =	vld [tilespmem:s29+$0x3EC0];
	v4 =	vadd.f32 v9, v4  }
0x57d: {  	v5 =	vadd.f32 v15, v5;
	v11 =	vadd.f32 v12, v11  }
0x57e: {  	v61 =	vld [tilespmem:s29+$0x3ED0];
	v3 =	vadd.f32 v6, v3  }
0x57f: {  	v4 =	vadd.f32 v59, v4;
	v5 =	vadd.f32 v5, v11  }
0x580: {  	v62 =	vld [tilespmem:s29+$0x3EE0];
	v2 =	vadd.f32 v7, v2  }
0x581: {  	v3 =	vadd.f32 v60, v3;
	v4 =	vadd.f32 v4, v5  }
0x582: {  	v63 =	vld [tilespmem:s29+$0x3EF0];
	v1 =	vadd.f32 v8, v1  }
0x583: {  	v2 =	vadd.f32 v61, v2;
	v3 =	vadd.f32 v3, v4;
	_ =	sdelay $0x1  }
0x584: {  	v1 =	vadd.f32 v62, v1;
	v2 =	vadd.f32 v2, v3;
	_ =	sdelay $0x1  }
0x585: {  	v0 =	vadd.f32 v63, v0;
	v1 =	vadd.f32 v1, v2;
	_ =	sdelay $0x1  }
0x586: {  	s28 =	sadd.s32 $0x1, s28;
	v0 =	vadd.f32 v0, v1  }
0x587: {  	p0 =	sne.s32 s28, s20  }
.Ltmp48:
0x588: {  	s29 =	simm.s32 $0x0;
	s30 =	simm.s32 $0x7D00;
	[tilespmem:$0x7D00] =	vst v0;
	(pc) =	sbr.rel @p0 .LBB2_1-.Ltmp48, $4  }
0x589: {  	[hbm4b:s19+s29] =	stream.linear.scatter [tilespmem:s30], [sflag:$0x3], $0x10, $0x38;
	[tilespmem:$0x7D80] =	vst v63  }
0x58a: {  	_ =	swait.ge [sflag:s26], $0x10  }
0x58b: {  	[sflag:s26] =	ssyncset.done $0x0  }
0x58c: {  	[sflag:s26] =	ssyncadd.s32 $0xFFFFFFF0  }
0x58d: {  	_ =	sfence.sel $0x180000  }
0x58e: {  	[bflag:$0x0] =	sbarrier.arrive $0xFFFF  }
0x58f: {  	_ =	strace $0x90000047  }
0x590: {  	s0 =	stileid.u32;
	[bflag:$0x2] =	sbarrier.arrive $0xFFFF  }
0x591: {  	p0 =	sne.s32 s0, $0x0;
	s0 =	rddreg [dreg:$0x2]  }
0x592: {  	s0 =	sadd.s32 @!p0 $0x100000, s0  }
0x593: {  	[sflag:s0] =	ssyncadd.tile.s32 @!p0 $0x1;
	_ =	shalt  }
.Lfunc_end2:
_tile_overlayer_lowered:
.L_overlay_start_2:
0x594: {  	(tag) =	ssettag $0x2  }
0x595: {  	s0 =	rddreg [dreg:$0x0];
	s2 =	stileid.u32  }
0x596: {  	s1 =	rddreg [dreg:$0x1];
	p0 =	sne.s32 s2, $0x0  }
0x597: {  	s3 =	rddreg [dreg:$0x2];
	[bflag:$0x3] =	sbarrier.arrive $0xFFFF;
	s2 =	simm.s32 @!p0 $0x1C03  }
0x598: {  	[timem:s3], [sflag:s2] =	dma.local @!p0 [hbm:s0], s1  }
0x599: {  	s0 =	simm.s32 @!p0 $0x3  }
0x59a: {  	_ =	swait.ge @!p0 [sflag:s0], s1  }
0x59b: {  	s1 =	ssub.s32 @!p0 $0x0, s1;
	[sflag:s0] =	ssyncset.done @!p0 $0x0  }
0x59c: {  	[sflag:s0] =	ssyncadd.s32 @!p0 s1  }
0x59d: {  	[bflag:$0x3] =	sbarrier.arrive $0xFFFF  }
0x59e: {  	_ =	shalt  }

</sc_bundles>
